<compile_context>
chip_gen: v7x
topology: tpu7x:2x2x1
jax: 0.10.2.dev20260603
libtpu: 0.0.44.dev20260713+nightly
codegen_flags: <defaults>
</compile_context>

<pallas_src>
import functools

import jax
import jax.numpy as jnp
from jax import lax
from jax.experimental import pallas as pl
from jax.experimental.pallas import tpu as pltpu
from jax.experimental.pallas import tpu_sc as plsc

TOPK = 8
BT = 256


def _pack_bf16_pair(a_f32, b_f32):
    ai = lax.bitcast_convert_type(a_f32, jnp.int32)
    bi = lax.bitcast_convert_type(b_f32, jnp.int32)
    ar = ai + jnp.int32(0x7FFF) + ((ai >> 16) & 1)
    br = bi + jnp.int32(0x7FFF) + ((bi >> 16) & 1)
    return (ar & jnp.int32(-65536)) | lax.shift_right_logical(br, 16)


def _unpack_bf16_pair(p_i32):
    hi = lax.bitcast_convert_type(p_i32 & jnp.int32(-65536), jnp.float32)
    lo = lax.bitcast_convert_type(p_i32 << 16, jnp.float32)
    return hi, lo


def _router_body(x_ref, gw_ref, logits_ref, p2_ref, wn_ref, be_ref, x32_ref,
                 *, nblk):
    t, d = x_ref.shape
    e = gw_ref.shape[0]
    x = x_ref[...]
    x32_ref[...] = _pack_bf16_pair(x[:, :d // 2], x[:, d // 2:])
    logits = lax.dot_general(x, gw_ref[...], (((1,), (1,)), ((), ())),
                             preferred_element_type=jnp.float32)
    logits_ref[...] = logits
    m = jnp.max(logits, axis=1, keepdims=True)
    p = jnp.exp(logits - m)
    p = p / jnp.sum(p, axis=1, keepdims=True)
    lane = lax.broadcasted_iota(jnp.int32, p.shape, 1)
    work = p
    ohs, mxs = [], []
    for _ in range(TOPK):
        mx = jnp.max(work, axis=1, keepdims=True)
        eq = work == mx
        first = jnp.min(jnp.where(eq, lane, e), axis=1, keepdims=True)
        oh = lane == first
        ohs.append(oh)
        mxs.append(mx)
        work = jnp.where(oh, -1.0, work)
    mask = sum(jnp.where(oh, 1.0, 0.0) for oh in ohs)
    wsum = sum(mxs)
    ri = lax.broadcasted_iota(jnp.int32, (t, t), 0)
    ci = lax.broadcasted_iota(jnp.int32, (t, t), 1)
    tril = jnp.where(ri > ci, 1.0, 0.0)
    rank = jnp.dot(tril, mask, preferred_element_type=jnp.float32)
    counts_row = jnp.dot(jnp.ones((1, t), jnp.float32), mask,
                         preferred_element_type=jnp.float32)
    cpad_row = jnp.floor((counts_row + (BT - 1)) * (1.0 / BT)) * BT
    ui = lax.broadcasted_iota(jnp.int32, (e, e), 0)
    uj = lax.broadcasted_iota(jnp.int32, (e, e), 1)
    strict_u = jnp.where(ui < uj, 1.0, 0.0)
    offs_row = jnp.dot(cpad_row, strict_u,
                       preferred_element_type=jnp.float32)
    base = offs_row + rank
    p2_cols, wn_cols = [], []
    for k in range(TOPK):
        p2_cols.append(jnp.sum(jnp.where(ohs[k], base, 0.0), axis=1,
                               keepdims=True))
        wn_cols.append(mxs[k] / wsum)
    p2_ref[...] = jnp.concatenate(p2_cols, axis=1).astype(jnp.int32)
    wn_ref[...] = jnp.concatenate(wn_cols, axis=1)
    counts_col = lax.dot_general(mask, jnp.ones((t, 1), jnp.float32),
                                 (((0,), (0,)), ((), ())))
    cpad_col = jnp.floor((counts_col + (BT - 1)) * (1.0 / BT)) * BT
    li = lax.broadcasted_iota(jnp.int32, (e, e), 0)
    lj = lax.broadcasted_iota(jnp.int32, (e, e), 1)
    strict_l = jnp.where(li > lj, 1.0, 0.0)
    offs_col = jnp.dot(strict_l, cpad_col,
                       preferred_element_type=jnp.float32)
    bi = lax.broadcasted_iota(jnp.int32, (e, nblk), 1).astype(jnp.float32)
    ge = jnp.where(offs_col <= bi * BT, 1.0, 0.0)
    be_row = jnp.dot(jnp.ones((1, e), jnp.float32), ge,
                     preferred_element_type=jnp.float32) - 1.0
    be_ref[...] = be_row.astype(jnp.int32)


def _run_router(x, gate_w, nblk):
    t, d = x.shape
    e = gate_w.shape[0]
    return pl.pallas_call(
        functools.partial(_router_body, nblk=nblk),
        out_shape=(
            jax.ShapeDtypeStruct((t, e), jnp.float32),
            jax.ShapeDtypeStruct((t, TOPK), jnp.int32),
            jax.ShapeDtypeStruct((t, TOPK), jnp.float32),
            jax.ShapeDtypeStruct((1, nblk), jnp.int32),
            jax.ShapeDtypeStruct((t, d // 2), jnp.int32),
        ),
    )(x, gate_w)




def _sc_scatter_rows(x, p2m, tik, ppad):
    nr, rw = p2m.shape
    d = x.shape[1]
    rpw = nr // 32
    mesh = plsc.VectorSubcoreMesh(core_axis_name="c", subcore_axis_name="s")

    @functools.partial(
        pl.kernel,
        out_type=jax.ShapeDtypeStruct((ppad, d), x.dtype),
        mesh=mesh,
        scratch_types=[
            pltpu.VMEM((rpw, rw), jnp.int32),
            pltpu.VMEM((rpw, rw), jnp.int32),
            pltpu.VMEM((rw, d), x.dtype),
            pltpu.VMEM((rw, d), x.dtype),
            pltpu.SemaphoreType.DMA,
            pltpu.SemaphoreType.DMA,
            pltpu.SemaphoreType.DMA,
            pltpu.SemaphoreType.DMA,
        ],
    )
    def k(x_hbm, p2_hbm, tik_hbm, xs_hbm, idx_v, tik_v, rows0, rows1, gs0,
          gs1, ss0, ss1):
        w = lax.axis_index("s") * 2 + lax.axis_index("c")
        pltpu.sync_copy(p2_hbm.at[pl.ds(w * rpw, rpw)], idx_v)
        pltpu.sync_copy(tik_hbm.at[pl.ds(w * rpw, rpw)], tik_v)
        bufs = (rows0, rows1)
        gsems = (gs0, gs1)
        ssems = (ss0, ss1)
        gc = [None] * rpw
        sc = [None] * rpw
        gc[0] = pltpu.async_copy(x_hbm.at[tik_v.at[0]], bufs[0], gsems[0])
        for r in range(rpw):
            b = r % 2
            if r + 1 < rpw:
                if r >= 1:
                    sc[r - 1].wait()
                gc[r + 1] = pltpu.async_copy(x_hbm.at[tik_v.at[r + 1]],
                                             bufs[1 - b], gsems[1 - b])
            gc[r].wait()
            sc[r] = pltpu.async_copy(bufs[b], xs_hbm.at[idx_v.at[r]],
                                     ssems[b])
        if rpw >= 2:
            sc[rpw - 2].wait()
        sc[rpw - 1].wait()

    return k(x, p2m, tik)


def _sc_gather_back(ys_l, ys_r, p2m):
    nr, rw = p2m.shape
    dh = ys_l.shape[1]
    dt = ys_l.dtype
    rpw = nr // 32
    mesh = plsc.VectorSubcoreMesh(core_axis_name="c", subcore_axis_name="s")

    @functools.partial(
        pl.kernel,
        out_type=(
            jax.ShapeDtypeStruct((nr * rw, dh), dt),
            jax.ShapeDtypeStruct((nr * rw, dh), dt),
        ),
        mesh=mesh,
        scratch_types=[
            pltpu.VMEM((rpw, rw), jnp.int32),
            pltpu.VMEM((rw, dh), dt),
            pltpu.VMEM((rw, dh), dt),
            pltpu.VMEM((rw, dh), dt),
            pltpu.VMEM((rw, dh), dt),
            pltpu.SemaphoreType.DMA,
            pltpu.SemaphoreType.DMA,
            pltpu.SemaphoreType.DMA,
            pltpu.SemaphoreType.DMA,
            pltpu.SemaphoreType.DMA,
            pltpu.SemaphoreType.DMA,
            pltpu.SemaphoreType.DMA,
            pltpu.SemaphoreType.DMA,
        ],
    )
    def k(ysl_hbm, ysr_hbm, p2_hbm, ygl_hbm, ygr_hbm, idx_v, rl0, rl1, rr0,
          rr1, gl0, gl1, gr0, gr1, wl0, wl1, wr0, wr1):
        w = lax.axis_index("s") * 2 + lax.axis_index("c")
        pltpu.sync_copy(p2_hbm.at[pl.ds(w * rpw, rpw)], idx_v)
        lbuf = (rl0, rl1)
        rbuf = (rr0, rr1)
        glsem = (gl0, gl1)
        grsem = (gr0, gr1)
        wlsem = (wl0, wl1)
        wrsem = (wr0, wr1)
        glc = [None] * rpw
        grc = [None] * rpw
        wlc = [None] * rpw
        wrc = [None] * rpw
        glc[0] = pltpu.async_copy(ysl_hbm.at[idx_v.at[0]], lbuf[0], glsem[0])
        grc[0] = pltpu.async_copy(ysr_hbm.at[idx_v.at[0]], rbuf[0], grsem[0])
        for r in range(rpw):
            b = r % 2
            if r + 1 < rpw:
                if r >= 1:
                    wlc[r - 1].wait()
                    wrc[r - 1].wait()
                glc[r + 1] = pltpu.async_copy(ysl_hbm.at[idx_v.at[r + 1]],
                                              lbuf[1 - b], glsem[1 - b])
                grc[r + 1] = pltpu.async_copy(ysr_hbm.at[idx_v.at[r + 1]],
                                              rbuf[1 - b], grsem[1 - b])
            glc[r].wait()
            grc[r].wait()
            dst = pl.ds((w * rpw + r) * rw, rw)
            wlc[r] = pltpu.async_copy(lbuf[b], ygl_hbm.at[dst], wlsem[b])
            wrc[r] = pltpu.async_copy(rbuf[b], ygr_hbm.at[dst], wrsem[b])
        if rpw >= 2:
            wlc[rpw - 2].wait()
            wrc[rpw - 2].wait()
        wlc[rpw - 1].wait()
        wrc[rpw - 1].wait()

    return k(ys_l, ys_r, p2m)




def _ffn_body(be_ref, xs_ref, wg_ref, wu_ref, wd_ref, ysl_ref, ysr_ref):
    xhi, xlo = _unpack_bf16_pair(xs_ref[...])
    xb = jnp.concatenate([xhi, xlo], axis=1).astype(jnp.bfloat16)
    h = jnp.dot(xb, wg_ref[0], preferred_element_type=jnp.float32)
    u = jnp.dot(xb, wu_ref[0], preferred_element_type=jnp.float32)
    act = h * jax.nn.sigmoid(h) * u
    y = jnp.dot(act.astype(jnp.bfloat16), wd_ref[0],
                preferred_element_type=jnp.float32)
    d = y.shape[1]
    dh = d // 2
    dq = d // 4
    yl = y[:, :dh]
    yr = y[:, dh:]
    ysl_ref[...] = _pack_bf16_pair(yl[:, :dq], yl[:, dq:])
    ysr_ref[...] = _pack_bf16_pair(yr[:, :dq], yr[:, dq:])


def _run_ffn(be1d, xs32, wg, wu, wd):
    nblk = be1d.shape[0]
    _, d, f = wg.shape
    ppad = xs32.shape[0]
    dq = d // 4
    grid_spec = pltpu.PrefetchScalarGridSpec(
        num_scalar_prefetch=1,
        grid=(nblk,),
        in_specs=[
            pl.BlockSpec((BT, d // 2), lambda i, be: (i, 0)),
            pl.BlockSpec((1, d, f), lambda i, be: (be[i], 0, 0)),
            pl.BlockSpec((1, d, f), lambda i, be: (be[i], 0, 0)),
            pl.BlockSpec((1, f, d), lambda i, be: (be[i], 0, 0)),
        ],
        out_specs=(
            pl.BlockSpec((BT, dq), lambda i, be: (i, 0)),
            pl.BlockSpec((BT, dq), lambda i, be: (i, 0)),
        ),
    )
    return pl.pallas_call(
        _ffn_body,
        grid_spec=grid_spec,
        out_shape=(
            jax.ShapeDtypeStruct((ppad, dq), jnp.int32),
            jax.ShapeDtypeStruct((ppad, dq), jnp.int32),
        ),
    )(be1d, xs32, wg, wu, wd)


def _shared_body(x_ref, shg_ref, shu_ref, shd_ref, segw_ref, out_ref, *,
                 nchunk):
    j = pl.program_id(1)
    x = x_ref[...]
    xb = x.astype(jnp.bfloat16)
    g = jnp.dot(xb, shg_ref[...], preferred_element_type=jnp.float32)
    u = jnp.dot(xb, shu_ref[...], preferred_element_type=jnp.float32)
    s = jnp.dot((g * jax.nn.sigmoid(g) * u).astype(jnp.bfloat16),
                shd_ref[...], preferred_element_type=jnp.float32)

    @pl.when(j == 0)
    def _():
        out_ref[...] = s

    @pl.when(j != 0)
    def _():
        out_ref[...] += s

    @pl.when(j == nchunk - 1)
    def _():
        gate = jax.nn.sigmoid(jnp.dot(x, segw_ref[...],
                                      preferred_element_type=jnp.float32))
        out_ref[...] = gate * out_ref[...]


def _run_shared(x, sh_gate_w, sh_up_w, sh_down_w, seg_w):
    t, d = x.shape
    sf = sh_gate_w.shape[1]
    nchunk = 1
    cf = sf // nchunk
    bt = 512 if t % 512 == 0 else t
    return pl.pallas_call(
        functools.partial(_shared_body, nchunk=nchunk),
        grid=(t // bt, nchunk),
        in_specs=[
            pl.BlockSpec((bt, d), lambda i, j: (i, 0)),
            pl.BlockSpec((d, cf), lambda i, j: (0, j)),
            pl.BlockSpec((d, cf), lambda i, j: (0, j)),
            pl.BlockSpec((cf, d), lambda i, j: (j, 0)),
            pl.BlockSpec((d, 1), lambda i, j: (0, 0)),
        ],
        out_specs=pl.BlockSpec((bt, d), lambda i, j: (i, 0)),
        out_shape=jax.ShapeDtypeStruct((t, d), jnp.float32),
    )(x, sh_gate_w, sh_up_w, sh_down_w, seg_w)


def _combine_body(ygl_ref, ygr_ref, wn_ref, sh_ref, out_ref):
    dq = ygl_ref.shape[1] // TOPK
    dh = 2 * dq
    wn = wn_ref[...]
    acc = [sh_ref[:, i * dq:(i + 1) * dq] for i in range(4)]
    for k in range(TOPK):
        wk = wn[:, k:k + 1]
        lhi, llo = _unpack_bf16_pair(ygl_ref[:, k * dq:(k + 1) * dq])
        rhi, rlo = _unpack_bf16_pair(ygr_ref[:, k * dq:(k + 1) * dq])
        acc[0] = acc[0] + wk * lhi
        acc[1] = acc[1] + wk * llo
        acc[2] = acc[2] + wk * rhi
        acc[3] = acc[3] + wk * rlo
    for i in range(4):
        out_ref[:, i * dq:(i + 1) * dq] = acc[i]


def _run_combine(yg_l2, yg_r2, wn, shared):
    t, d = shared.shape
    btok = 256 if t % 256 == 0 else t
    grid = (t // btok,)
    kd = yg_l2.shape[1]
    return pl.pallas_call(
        _combine_body,
        grid=grid,
        in_specs=[
            pl.BlockSpec((btok, kd), lambda i: (i, 0)),
            pl.BlockSpec((btok, kd), lambda i: (i, 0)),
            pl.BlockSpec((btok, TOPK), lambda i: (i, 0)),
            pl.BlockSpec((btok, d), lambda i: (i, 0)),
        ],
        out_specs=pl.BlockSpec((btok, d), lambda i: (i, 0)),
        out_shape=jax.ShapeDtypeStruct((t, d), jnp.float32),
    )(yg_l2, yg_r2, wn, shared)


def kernel(hidden_states, gate_w, W_gate, W_up, W_down, sh_gate_w, sh_up_w,
           sh_down_w, shared_expert_gate_w):
    b, s, d = hidden_states.shape
    t = b * s
    e, _, f = W_gate.shape
    x = hidden_states.reshape(t, d)
    nblk = (t * TOPK) // BT + e
    ppad = nblk * BT

    logits, p2, wn, be2, x32 = _run_router(x, gate_w, nblk)
    p2m = p2.reshape(-1, 64)
    tik = (jnp.arange(t * TOPK, dtype=jnp.int32) // TOPK).reshape(-1, 64)

    shared = _run_shared(x, sh_gate_w.astype(jnp.bfloat16),
                         sh_up_w.astype(jnp.bfloat16),
                         sh_down_w.astype(jnp.bfloat16),
                         shared_expert_gate_w)

    xs32 = _sc_scatter_rows(x32, p2m, tik, ppad)

    ys_l, ys_r = _run_ffn(be2.reshape(nblk), xs32,
                          W_gate.astype(jnp.bfloat16),
                          W_up.astype(jnp.bfloat16),
                          W_down.astype(jnp.bfloat16))

    dq = d // 4
    yg_l, yg_r = _sc_gather_back(ys_l, ys_r, p2m)

    out = _run_combine(yg_l.reshape(t, TOPK * dq),
                       yg_r.reshape(t, TOPK * dq), wn, shared)
    return (out.reshape(b, s, d), logits)

# --- scband reference (transcript-rebuilt; emitter-appended) ---
"""Pipeline reference for scband-qwen2-moe-sparse-moe-block-9234179686725 (READ-ONLY COPY).

The authoritative reference and input builder live on the scoring server;
editing this copy changes nothing except your own understanding.
"""

import jax, jax.numpy as jnp
import numpy as np

B, S, D = 1, 2048, 1024
E, TOPK, F = 64, 8, 512
SF = 2816


def silu(x):
    return x * jax.nn.sigmoid(x)


def setup_inputs(seed: int = 0) -> dict:
    key = jax.random.key(seed)
    ks = jax.random.split(key, 9)
    hidden_states = jax.random.normal(ks[0], (B, S, D), dtype=jnp.float32)
    gate_w = jax.random.normal(ks[1], (E, D), dtype=jnp.float32) * 0.02
    W_gate = jax.random.normal(ks[2], (E, D, F), dtype=jnp.float32) * 0.02
    W_up = jax.random.normal(ks[3], (E, D, F), dtype=jnp.float32) * 0.02
    W_down = jax.random.normal(ks[4], (E, F, D), dtype=jnp.float32) * 0.02
    sh_gate_w = jax.random.normal(ks[5], (D, SF), dtype=jnp.float32) * 0.02
    sh_up_w = jax.random.normal(ks[6], (D, SF), dtype=jnp.float32) * 0.02
    sh_down_w = jax.random.normal(ks[7], (SF, D), dtype=jnp.float32) * 0.02
    shared_expert_gate_w = jax.random.normal(ks[8], (D, 1), dtype=jnp.float32) * 0.02
    return {
        "hidden_states": hidden_states,
        "gate_w": gate_w,
        "W_gate": W_gate,
        "W_up": W_up,
        "W_down": W_down,
        "sh_gate_w": sh_gate_w,
        "sh_up_w": sh_up_w,
        "sh_down_w": sh_down_w,
        "shared_expert_gate_w": shared_expert_gate_w,
    }


def reference(hidden_states, gate_w, W_gate, W_up, W_down, sh_gate_w, sh_up_w, sh_down_w, shared_expert_gate_w):
    b, s, d = hidden_states.shape
    x = hidden_states.reshape(-1, d)  # [T, D]
    # router
    router_logits = x @ gate_w.T  # [T, E]
    routing_weights = jax.nn.softmax(router_logits.astype(jnp.float32), axis=-1)
    topk_w, topk_idx = jax.lax.top_k(routing_weights, TOPK)  # [T, k]
    # norm_topk_prob = True
    topk_w = topk_w / jnp.sum(topk_w, axis=-1, keepdims=True)
    # combine weights [T, E] (zero for unselected experts)
    combine = jnp.sum(jax.nn.one_hot(topk_idx, E, dtype=topk_w.dtype) * topk_w[..., None], axis=1)
    # dense expert compute (mathematically identical to naive per-expert dispatch)
    h = jnp.einsum('td,edf->etf', x, W_gate)
    u = jnp.einsum('td,edf->etf', x, W_up)
    act = silu(h) * u
    y = jnp.einsum('etf,efd->etd', act, W_down)  # [E, T, D]
    moe_out = jnp.einsum('te,etd->td', combine, y)  # [T, D]
    # shared expert
    shared = (silu(x @ sh_gate_w) * (x @ sh_up_w)) @ sh_down_w  # [T, D]
    shared = jax.nn.sigmoid(x @ shared_expert_gate_w) * shared
    out = (moe_out + shared).reshape(b, s, d)
    return (out, router_logits)

if __name__ == "__main__":
    import jax
    _d = setup_inputs()
    print(jax.jit(kernel)(*tuple(_d.values())))

</pallas_src>

<mosaic_0001>
#map = affine_map<(d0, d1) -> (0, 0)>
module attributes {stable_mosaic.version = 14 : i64} {
  func.func @k(%arg0: i32, %arg1: i32, %arg2: memref<2048x512xi32, #tpu.memory_space<hbm>>, %arg3: memref<256x64xi32, #tpu.memory_space<hbm>>, %arg4: memref<256x64xi32, #tpu.memory_space<hbm>>, %arg5: memref<32768x512xi32, #tpu.memory_space<hbm>>, %arg6: memref<8x64xi32, #tpu.memory_space<vmem>>, %arg7: memref<8x64xi32, #tpu.memory_space<vmem>>, %arg8: memref<64x512xi32, #tpu.memory_space<vmem>>, %arg9: memref<64x512xi32, #tpu.memory_space<vmem>>, %arg10: memref<!tpu.dma_semaphore, #tpu.memory_space<semaphore_mem>>, %arg11: memref<!tpu.dma_semaphore, #tpu.memory_space<semaphore_mem>>, %arg12: memref<!tpu.dma_semaphore, #tpu.memory_space<semaphore_mem>>, %arg13: memref<!tpu.dma_semaphore, #tpu.memory_space<semaphore_mem>>) attributes {dimension_semantics = [#tpu.dimension_semantics<core_parallel>, #tpu.dimension_semantics<subcore_parallel>], iteration_bounds = array<i64: 2, 16>, scalar_prefetch = 0 : i64, scratch_operands = 8 : i64, tpu.core_type = #tpu.core_type<sc_vector_subcore>, window_params = [{transform_indices = #map}, {transform_indices = #map}, {transform_indices = #map}, {transform_indices = #map}]} {
    %mul3A = arith.constant 2 : i32
    %mul3A_0 = arith.muli %arg1, %mul3A : i32
    %add3A = arith.addi %mul3A_0, %arg0 : i32
    %mul3A_1 = arith.constant 8 : i32
    %mul3A_2 = arith.muli %add3A, %mul3A_1 : i32
    "tpu.region"() ({
      %run_scoped3A = tpu.sem_alloc : memref<!tpu.dma_semaphore, #tpu.memory_space<semaphore_mem>>
      %dma_start3A_227 = arith.constant 0 : i32
      %dma_start3A_228 = tpu.memref_slice %arg3[%mul3A_2, %dma_start3A_227] : memref<256x64xi32, #tpu.memory_space<hbm>> -> memref<8x64xi32, #tpu.memory_space<hbm>>
      %dma_start3A_229 = arith.constant 0 : i32
      %dma_start3A_230 = tpu.memref_slice %arg3[%mul3A_2, %dma_start3A_229] : memref<256x64xi32, #tpu.memory_space<hbm>> -> memref<8x64xi32, #tpu.memory_space<hbm>>
      tpu.enqueue_dma source(%dma_start3A_230 : memref<8x64xi32, #tpu.memory_space<hbm>>) target(%arg6 : memref<8x64xi32, #tpu.memory_space<vmem>>) target_semaphore(%run_scoped3A : memref<!tpu.dma_semaphore, #tpu.memory_space<semaphore_mem>>)
      %dma_wait3A_231 = arith.constant 0 : i32
      %dma_wait3A_232 = tpu.memref_slice %arg3[%mul3A_2, %dma_wait3A_231] : memref<256x64xi32, #tpu.memory_space<hbm>> -> memref<8x64xi32, #tpu.memory_space<hbm>>
      %dma_wait3A_233 = arith.constant 0 : i32
      %dma_wait3A_234 = tpu.memref_slice %arg3[%mul3A_2, %dma_wait3A_233] : memref<256x64xi32, #tpu.memory_space<hbm>> -> memref<8x64xi32, #tpu.memory_space<hbm>>
      tpu.wait_dma2 semaphore(%run_scoped3A : memref<!tpu.dma_semaphore, #tpu.memory_space<semaphore_mem>>) src(%dma_wait3A_234 : memref<8x64xi32, #tpu.memory_space<hbm>>) dst(%arg6 : memref<8x64xi32, #tpu.memory_space<vmem>>)
      tpu.yield
    }) : () -> ()
    %mul3A_3 = arith.constant 8 : i32
    %mul3A_4 = arith.muli %add3A, %mul3A_3 : i32
    "tpu.region"() ({
      %run_scoped3A = tpu.sem_alloc : memref<!tpu.dma_semaphore, #tpu.memory_space<semaphore_mem>>
      %dma_start3A_227 = arith.constant 0 : i32
      %dma_start3A_228 = tpu.memref_slice %arg4[%mul3A_4, %dma_start3A_227] : memref<256x64xi32, #tpu.memory_space<hbm>> -> memref<8x64xi32, #tpu.memory_space<hbm>>
      %dma_start3A_229 = arith.constant 0 : i32
      %dma_start3A_230 = tpu.memref_slice %arg4[%mul3A_4, %dma_start3A_229] : memref<256x64xi32, #tpu.memory_space<hbm>> -> memref<8x64xi32, #tpu.memory_space<hbm>>
      tpu.enqueue_dma source(%dma_start3A_230 : memref<8x64xi32, #tpu.memory_space<hbm>>) target(%arg7 : memref<8x64xi32, #tpu.memory_space<vmem>>) target_semaphore(%run_scoped3A : memref<!tpu.dma_semaphore, #tpu.memory_space<semaphore_mem>>)
      %dma_wait3A_231 = arith.constant 0 : i32
      %dma_wait3A_232 = tpu.memref_slice %arg4[%mul3A_4, %dma_wait3A_231] : memref<256x64xi32, #tpu.memory_space<hbm>> -> memref<8x64xi32, #tpu.memory_space<hbm>>
      %dma_wait3A_233 = arith.constant 0 : i32
      %dma_wait3A_234 = tpu.memref_slice %arg4[%mul3A_4, %dma_wait3A_233] : memref<256x64xi32, #tpu.memory_space<hbm>> -> memref<8x64xi32, #tpu.memory_space<hbm>>
      tpu.wait_dma2 semaphore(%run_scoped3A : memref<!tpu.dma_semaphore, #tpu.memory_space<semaphore_mem>>) src(%dma_wait3A_234 : memref<8x64xi32, #tpu.memory_space<hbm>>) dst(%arg7 : memref<8x64xi32, #tpu.memory_space<vmem>>)
      tpu.yield
    }) : () -> ()
    %dma_start3A = arith.constant 0 : i32
    %dma_start3A_5 = arith.constant 0 : i32
    %dma_start3A_6 = tpu.memref_slice %arg7[%dma_start3A, %dma_start3A_5] : memref<8x64xi32, #tpu.memory_space<vmem>> -> memref<1x64xi32, #tpu.memory_space<vmem>>
    %dma_start3A_7 = tpu.memref_squeeze %dma_start3A_6 : memref<1x64xi32, #tpu.memory_space<vmem>> -> memref<64xi32, #tpu.memory_space<vmem>>
    %dma_start3A_8 = arith.constant 0 : i32
    %dma_start3A_9 = arith.constant 0 : i32
    %dma_start3A_10 = tpu.memref_slice %arg2[%dma_start3A_8, %dma_start3A_9] : memref<2048x512xi32, #tpu.memory_space<hbm>> -> memref<2048x512xi32, #tpu.memory_space<hbm>>
    tpu.enqueue_indirect_dma source(%dma_start3A_10 : memref<2048x512xi32, #tpu.memory_space<hbm>>) target(%arg8 : memref<64x512xi32, #tpu.memory_space<vmem>>) offsets(%dma_start3A_7 : memref<64xi32, #tpu.memory_space<vmem>>) semaphore(%arg10 : memref<!tpu.dma_semaphore, #tpu.memory_space<semaphore_mem>>)
    %dma_start3A_11 = arith.constant 1 : i32
    %dma_start3A_12 = arith.constant 0 : i32
    %dma_start3A_13 = tpu.memref_slice %arg7[%dma_start3A_11, %dma_start3A_12] : memref<8x64xi32, #tpu.memory_space<vmem>> -> memref<1x64xi32, #tpu.memory_space<vmem>>
    %dma_start3A_14 = tpu.memref_squeeze %dma_start3A_13 : memref<1x64xi32, #tpu.memory_space<vmem>> -> memref<64xi32, #tpu.memory_space<vmem>>
    %dma_start3A_15 = arith.constant 0 : i32
    %dma_start3A_16 = arith.constant 0 : i32
    %dma_start3A_17 = tpu.memref_slice %arg2[%dma_start3A_15, %dma_start3A_16] : memref<2048x512xi32, #tpu.memory_space<hbm>> -> memref<2048x512xi32, #tpu.memory_space<hbm>>
    tpu.enqueue_indirect_dma source(%dma_start3A_17 : memref<2048x512xi32, #tpu.memory_space<hbm>>) target(%arg9 : memref<64x512xi32, #tpu.memory_space<vmem>>) offsets(%dma_start3A_14 : memref<64xi32, #tpu.memory_space<vmem>>) semaphore(%arg11 : memref<!tpu.dma_semaphore, #tpu.memory_space<semaphore_mem>>)
    %dma_wait3A = arith.constant 0 : i32
    %dma_wait3A_18 = arith.constant 0 : i32
    %dma_wait3A_19 = tpu.memref_slice %arg7[%dma_wait3A, %dma_wait3A_18] : memref<8x64xi32, #tpu.memory_space<vmem>> -> memref<1x64xi32, #tpu.memory_space<vmem>>
    %dma_wait3A_20 = tpu.memref_squeeze %dma_wait3A_19 : memref<1x64xi32, #tpu.memory_space<vmem>> -> memref<64xi32, #tpu.memory_space<vmem>>
    %dma_wait3A_21 = arith.constant 0 : i32
    %dma_wait3A_22 = arith.constant 0 : i32
    %dma_wait3A_23 = tpu.memref_slice %arg2[%dma_wait3A_21, %dma_wait3A_22] : memref<2048x512xi32, #tpu.memory_space<hbm>> -> memref<2048x512xi32, #tpu.memory_space<hbm>>
    tpu.wait_indirect_dma semaphore(%arg10 : memref<!tpu.dma_semaphore, #tpu.memory_space<semaphore_mem>>) src(%dma_wait3A_23 : memref<2048x512xi32, #tpu.memory_space<hbm>>) dst(%arg8 : memref<64x512xi32, #tpu.memory_space<vmem>>)
    %dma_start3A_24 = arith.constant 0 : i32
    %dma_start3A_25 = arith.constant 0 : i32
    %dma_start3A_26 = tpu.memref_slice %arg6[%dma_start3A_24, %dma_start3A_25] : memref<8x64xi32, #tpu.memory_space<vmem>> -> memref<1x64xi32, #tpu.memory_space<vmem>>
    %dma_start3A_27 = tpu.memref_squeeze %dma_start3A_26 : memref<1x64xi32, #tpu.memory_space<vmem>> -> memref<64xi32, #tpu.memory_space<vmem>>
    %dma_start3A_28 = arith.constant 0 : i32
    %dma_start3A_29 = arith.constant 0 : i32
    %dma_start3A_30 = tpu.memref_slice %arg5[%dma_start3A_28, %dma_start3A_29] : memref<32768x512xi32, #tpu.memory_space<hbm>> -> memref<32768x512xi32, #tpu.memory_space<hbm>>
    tpu.enqueue_indirect_dma source(%arg8 : memref<64x512xi32, #tpu.memory_space<vmem>>) target(%dma_start3A_30 : memref<32768x512xi32, #tpu.memory_space<hbm>>) offsets(%dma_start3A_27 : memref<64xi32, #tpu.memory_space<vmem>>) semaphore(%arg12 : memref<!tpu.dma_semaphore, #tpu.memory_space<semaphore_mem>>)
    %dma_wait3A_31 = arith.constant 0 : i32
    %dma_wait3A_32 = arith.constant 0 : i32
    %dma_wait3A_33 = tpu.memref_slice %arg6[%dma_wait3A_31, %dma_wait3A_32] : memref<8x64xi32, #tpu.memory_space<vmem>> -> memref<1x64xi32, #tpu.memory_space<vmem>>
    %dma_wait3A_34 = tpu.memref_squeeze %dma_wait3A_33 : memref<1x64xi32, #tpu.memory_space<vmem>> -> memref<64xi32, #tpu.memory_space<vmem>>
    %dma_wait3A_35 = arith.constant 0 : i32
    %dma_wait3A_36 = arith.constant 0 : i32
    %dma_wait3A_37 = tpu.memref_slice %arg5[%dma_wait3A_35, %dma_wait3A_36] : memref<32768x512xi32, #tpu.memory_space<hbm>> -> memref<32768x512xi32, #tpu.memory_space<hbm>>
    tpu.wait_indirect_dma semaphore(%arg12 : memref<!tpu.dma_semaphore, #tpu.memory_space<semaphore_mem>>) src(%arg8 : memref<64x512xi32, #tpu.memory_space<vmem>>) dst(%dma_wait3A_37 : memref<32768x512xi32, #tpu.memory_space<hbm>>)
    %dma_start3A_38 = arith.constant 2 : i32
    %dma_start3A_39 = arith.constant 0 : i32
    %dma_start3A_40 = tpu.memref_slice %arg7[%dma_start3A_38, %dma_start3A_39] : memref<8x64xi32, #tpu.memory_space<vmem>> -> memref<1x64xi32, #tpu.memory_space<vmem>>
    %dma_start3A_41 = tpu.memref_squeeze %dma_start3A_40 : memref<1x64xi32, #tpu.memory_space<vmem>> -> memref<64xi32, #tpu.memory_space<vmem>>
    %dma_start3A_42 = arith.constant 0 : i32
    %dma_start3A_43 = arith.constant 0 : i32
    %dma_start3A_44 = tpu.memref_slice %arg2[%dma_start3A_42, %dma_start3A_43] : memref<2048x512xi32, #tpu.memory_space<hbm>> -> memref<2048x512xi32, #tpu.memory_space<hbm>>
    tpu.enqueue_indirect_dma source(%dma_start3A_44 : memref<2048x512xi32, #tpu.memory_space<hbm>>) target(%arg8 : memref<64x512xi32, #tpu.memory_space<vmem>>) offsets(%dma_start3A_41 : memref<64xi32, #tpu.memory_space<vmem>>) semaphore(%arg10 : memref<!tpu.dma_semaphore, #tpu.memory_space<semaphore_mem>>)
    %dma_wait3A_45 = arith.constant 1 : i32
    %dma_wait3A_46 = arith.constant 0 : i32
    %dma_wait3A_47 = tpu.memref_slice %arg7[%dma_wait3A_45, %dma_wait3A_46] : memref<8x64xi32, #tpu.memory_space<vmem>> -> memref<1x64xi32, #tpu.memory_space<vmem>>
    %dma_wait3A_48 = tpu.memref_squeeze %dma_wait3A_47 : memref<1x64xi32, #tpu.memory_space<vmem>> -> memref<64xi32, #tpu.memory_space<vmem>>
    %dma_wait3A_49 = arith.constant 0 : i32
    %dma_wait3A_50 = arith.constant 0 : i32
    %dma_wait3A_51 = tpu.memref_slice %arg2[%dma_wait3A_49, %dma_wait3A_50] : memref<2048x512xi32, #tpu.memory_space<hbm>> -> memref<2048x512xi32, #tpu.memory_space<hbm>>
    tpu.wait_indirect_dma semaphore(%arg11 : memref<!tpu.dma_semaphore, #tpu.memory_space<semaphore_mem>>) src(%dma_wait3A_51 : memref<2048x512xi32, #tpu.memory_space<hbm>>) dst(%arg9 : memref<64x512xi32, #tpu.memory_space<vmem>>)
    %dma_start3A_52 = arith.constant 1 : i32
    %dma_start3A_53 = arith.constant 0 : i32
    %dma_start3A_54 = tpu.memref_slice %arg6[%dma_start3A_52, %dma_start3A_53] : memref<8x64xi32, #tpu.memory_space<vmem>> -> memref<1x64xi32, #tpu.memory_space<vmem>>
    %dma_start3A_55 = tpu.memref_squeeze %dma_start3A_54 : memref<1x64xi32, #tpu.memory_space<vmem>> -> memref<64xi32, #tpu.memory_space<vmem>>
    %dma_start3A_56 = arith.constant 0 : i32
    %dma_start3A_57 = arith.constant 0 : i32
    %dma_start3A_58 = tpu.memref_slice %arg5[%dma_start3A_56, %dma_start3A_57] : memref<32768x512xi32, #tpu.memory_space<hbm>> -> memref<32768x512xi32, #tpu.memory_space<hbm>>
    tpu.enqueue_indirect_dma source(%arg9 : memref<64x512xi32, #tpu.memory_space<vmem>>) target(%dma_start3A_58 : memref<32768x512xi32, #tpu.memory_space<hbm>>) offsets(%dma_start3A_55 : memref<64xi32, #tpu.memory_space<vmem>>) semaphore(%arg13 : memref<!tpu.dma_semaphore, #tpu.memory_space<semaphore_mem>>)
    %dma_wait3A_59 = arith.constant 1 : i32
    %dma_wait3A_60 = arith.constant 0 : i32
    %dma_wait3A_61 = tpu.memref_slice %arg6[%dma_wait3A_59, %dma_wait3A_60] : memref<8x64xi32, #tpu.memory_space<vmem>> -> memref<1x64xi32, #tpu.memory_space<vmem>>
    %dma_wait3A_62 = tpu.memref_squeeze %dma_wait3A_61 : memref<1x64xi32, #tpu.memory_space<vmem>> -> memref<64xi32, #tpu.memory_space<vmem>>
    %dma_wait3A_63 = arith.constant 0 : i32
    %dma_wait3A_64 = arith.constant 0 : i32
    %dma_wait3A_65 = tpu.memref_slice %arg5[%dma_wait3A_63, %dma_wait3A_64] : memref<32768x512xi32, #tpu.memory_space<hbm>> -> memref<32768x512xi32, #tpu.memory_space<hbm>>
    tpu.wait_indirect_dma semaphore(%arg13 : memref<!tpu.dma_semaphore, #tpu.memory_space<semaphore_mem>>) src(%arg9 : memref<64x512xi32, #tpu.memory_space<vmem>>) dst(%dma_wait3A_65 : memref<32768x512xi32, #tpu.memory_space<hbm>>)
    %dma_start3A_66 = arith.constant 3 : i32
    %dma_start3A_67 = arith.constant 0 : i32
    %dma_start3A_68 = tpu.memref_slice %arg7[%dma_start3A_66, %dma_start3A_67] : memref<8x64xi32, #tpu.memory_space<vmem>> -> memref<1x64xi32, #tpu.memory_space<vmem>>
    %dma_start3A_69 = tpu.memref_squeeze %dma_start3A_68 : memref<1x64xi32, #tpu.memory_space<vmem>> -> memref<64xi32, #tpu.memory_space<vmem>>
    %dma_start3A_70 = arith.constant 0 : i32
    %dma_start3A_71 = arith.constant 0 : i32
    %dma_start3A_72 = tpu.memref_slice %arg2[%dma_start3A_70, %dma_start3A_71] : memref<2048x512xi32, #tpu.memory_space<hbm>> -> memref<2048x512xi32, #tpu.memory_space<hbm>>
    tpu.enqueue_indirect_dma source(%dma_start3A_72 : memref<2048x512xi32, #tpu.memory_space<hbm>>) target(%arg9 : memref<64x512xi32, #tpu.memory_space<vmem>>) offsets(%dma_start3A_69 : memref<64xi32, #tpu.memory_space<vmem>>) semaphore(%arg11 : memref<!tpu.dma_semaphore, #tpu.memory_space<semaphore_mem>>)
    %dma_wait3A_73 = arith.constant 2 : i32
    %dma_wait3A_74 = arith.constant 0 : i32
    %dma_wait3A_75 = tpu.memref_slice %arg7[%dma_wait3A_73, %dma_wait3A_74] : memref<8x64xi32, #tpu.memory_space<vmem>> -> memref<1x64xi32, #tpu.memory_space<vmem>>
    %dma_wait3A_76 = tpu.memref_squeeze %dma_wait3A_75 : memref<1x64xi32, #tpu.memory_space<vmem>> -> memref<64xi32, #tpu.memory_space<vmem>>
    %dma_wait3A_77 = arith.constant 0 : i32
    %dma_wait3A_78 = arith.constant 0 : i32
    %dma_wait3A_79 = tpu.memref_slice %arg2[%dma_wait3A_77, %dma_wait3A_78] : memref<2048x512xi32, #tpu.memory_space<hbm>> -> memref<2048x512xi32, #tpu.memory_space<hbm>>
    tpu.wait_indirect_dma semaphore(%arg10 : memref<!tpu.dma_semaphore, #tpu.memory_space<semaphore_mem>>) src(%dma_wait3A_79 : memref<2048x512xi32, #tpu.memory_space<hbm>>) dst(%arg8 : memref<64x512xi32, #tpu.memory_space<vmem>>)
    %dma_start3A_80 = arith.constant 2 : i32
    %dma_start3A_81 = arith.constant 0 : i32
    %dma_start3A_82 = tpu.memref_slice %arg6[%dma_start3A_80, %dma_start3A_81] : memref<8x64xi32, #tpu.memory_space<vmem>> -> memref<1x64xi32, #tpu.memory_space<vmem>>
    %dma_start3A_83 = tpu.memref_squeeze %dma_start3A_82 : memref<1x64xi32, #tpu.memory_space<vmem>> -> memref<64xi32, #tpu.memory_space<vmem>>
    %dma_start3A_84 = arith.constant 0 : i32
    %dma_start3A_85 = arith.constant 0 : i32
    %dma_start3A_86 = tpu.memref_slice %arg5[%dma_start3A_84, %dma_start3A_85] : memref<32768x512xi32, #tpu.memory_space<hbm>> -> memref<32768x512xi32, #tpu.memory_space<hbm>>
    tpu.enqueue_indirect_dma source(%arg8 : memref<64x512xi32, #tpu.memory_space<vmem>>) target(%dma_start3A_86 : memref<32768x512xi32, #tpu.memory_space<hbm>>) offsets(%dma_start3A_83 : memref<64xi32, #tpu.memory_space<vmem>>) semaphore(%arg12 : memref<!tpu.dma_semaphore, #tpu.memory_space<semaphore_mem>>)
    %dma_wait3A_87 = arith.constant 2 : i32
    %dma_wait3A_88 = arith.constant 0 : i32
    %dma_wait3A_89 = tpu.memref_slice %arg6[%dma_wait3A_87, %dma_wait3A_88] : memref<8x64xi32, #tpu.memory_space<vmem>> -> memref<1x64xi32, #tpu.memory_space<vmem>>
    %dma_wait3A_90 = tpu.memref_squeeze %dma_wait3A_89 : memref<1x64xi32, #tpu.memory_space<vmem>> -> memref<64xi32, #tpu.memory_space<vmem>>
    %dma_wait3A_91 = arith.constant 0 : i32
    %dma_wait3A_92 = arith.constant 0 : i32
    %dma_wait3A_93 = tpu.memref_slice %arg5[%dma_wait3A_91, %dma_wait3A_92] : memref<32768x512xi32, #tpu.memory_space<hbm>> -> memref<32768x512xi32, #tpu.memory_space<hbm>>
    tpu.wait_indirect_dma semaphore(%arg12 : memref<!tpu.dma_semaphore, #tpu.memory_space<semaphore_mem>>) src(%arg8 : memref<64x512xi32, #tpu.memory_space<vmem>>) dst(%dma_wait3A_93 : memref<32768x512xi32, #tpu.memory_space<hbm>>)
    %dma_start3A_94 = arith.constant 4 : i32
    %dma_start3A_95 = arith.constant 0 : i32
    %dma_start3A_96 = tpu.memref_slice %arg7[%dma_start3A_94, %dma_start3A_95] : memref<8x64xi32, #tpu.memory_space<vmem>> -> memref<1x64xi32, #tpu.memory_space<vmem>>
    %dma_start3A_97 = tpu.memref_squeeze %dma_start3A_96 : memref<1x64xi32, #tpu.memory_space<vmem>> -> memref<64xi32, #tpu.memory_space<vmem>>
    %dma_start3A_98 = arith.constant 0 : i32
    %dma_start3A_99 = arith.constant 0 : i32
    %dma_start3A_100 = tpu.memref_slice %arg2[%dma_start3A_98, %dma_start3A_99] : memref<2048x512xi32, #tpu.memory_space<hbm>> -> memref<2048x512xi32, #tpu.memory_space<hbm>>
    tpu.enqueue_indirect_dma source(%dma_start3A_100 : memref<2048x512xi32, #tpu.memory_space<hbm>>) target(%arg8 : memref<64x512xi32, #tpu.memory_space<vmem>>) offsets(%dma_start3A_97 : memref<64xi32, #tpu.memory_space<vmem>>) semaphore(%arg10 : memref<!tpu.dma_semaphore, #tpu.memory_space<semaphore_mem>>)
    %dma_wait3A_101 = arith.constant 3 : i32
    %dma_wait3A_102 = arith.constant 0 : i32
    %dma_wait3A_103 = tpu.memref_slice %arg7[%dma_wait3A_101, %dma_wait3A_102] : memref<8x64xi32, #tpu.memory_space<vmem>> -> memref<1x64xi32, #tpu.memory_space<vmem>>
    %dma_wait3A_104 = tpu.memref_squeeze %dma_wait3A_103 : memref<1x64xi32, #tpu.memory_space<vmem>> -> memref<64xi32, #tpu.memory_space<vmem>>
    %dma_wait3A_105 = arith.constant 0 : i32
    %dma_wait3A_106 = arith.constant 0 : i32
    %dma_wait3A_107 = tpu.memref_slice %arg2[%dma_wait3A_105, %dma_wait3A_106] : memref<2048x512xi32, #tpu.memory_space<hbm>> -> memref<2048x512xi32, #tpu.memory_space<hbm>>
    tpu.wait_indirect_dma semaphore(%arg11 : memref<!tpu.dma_semaphore, #tpu.memory_space<semaphore_mem>>) src(%dma_wait3A_107 : memref<2048x512xi32, #tpu.memory_space<hbm>>) dst(%arg9 : memref<64x512xi32, #tpu.memory_space<vmem>>)
    %dma_start3A_108 = arith.constant 3 : i32
    %dma_start3A_109 = arith.constant 0 : i32
    %dma_start3A_110 = tpu.memref_slice %arg6[%dma_start3A_108, %dma_start3A_109] : memref<8x64xi32, #tpu.memory_space<vmem>> -> memref<1x64xi32, #tpu.memory_space<vmem>>
    %dma_start3A_111 = tpu.memref_squeeze %dma_start3A_110 : memref<1x64xi32, #tpu.memory_space<vmem>> -> memref<64xi32, #tpu.memory_space<vmem>>
    %dma_start3A_112 = arith.constant 0 : i32
    %dma_start3A_113 = arith.constant 0 : i32
    %dma_start3A_114 = tpu.memref_slice %arg5[%dma_start3A_112, %dma_start3A_113] : memref<32768x512xi32, #tpu.memory_space<hbm>> -> memref<32768x512xi32, #tpu.memory_space<hbm>>
    tpu.enqueue_indirect_dma source(%arg9 : memref<64x512xi32, #tpu.memory_space<vmem>>) target(%dma_start3A_114 : memref<32768x512xi32, #tpu.memory_space<hbm>>) offsets(%dma_start3A_111 : memref<64xi32, #tpu.memory_space<vmem>>) semaphore(%arg13 : memref<!tpu.dma_semaphore, #tpu.memory_space<semaphore_mem>>)
    %dma_wait3A_115 = arith.constant 3 : i32
    %dma_wait3A_116 = arith.constant 0 : i32
    %dma_wait3A_117 = tpu.memref_slice %arg6[%dma_wait3A_115, %dma_wait3A_116] : memref<8x64xi32, #tpu.memory_space<vmem>> -> memref<1x64xi32, #tpu.memory_space<vmem>>
    %dma_wait3A_118 = tpu.memref_squeeze %dma_wait3A_117 : memref<1x64xi32, #tpu.memory_space<vmem>> -> memref<64xi32, #tpu.memory_space<vmem>>
    %dma_wait3A_119 = arith.constant 0 : i32
    %dma_wait3A_120 = arith.constant 0 : i32
    %dma_wait3A_121 = tpu.memref_slice %arg5[%dma_wait3A_119, %dma_wait3A_120] : memref<32768x512xi32, #tpu.memory_space<hbm>> -> memref<32768x512xi32, #tpu.memory_space<hbm>>
    tpu.wait_indirect_dma semaphore(%arg13 : memref<!tpu.dma_semaphore, #tpu.memory_space<semaphore_mem>>) src(%arg9 : memref<64x512xi32, #tpu.memory_space<vmem>>) dst(%dma_wait3A_121 : memref<32768x512xi32, #tpu.memory_space<hbm>>)
    %dma_start3A_122 = arith.constant 5 : i32
    %dma_start3A_123 = arith.constant 0 : i32
    %dma_start3A_124 = tpu.memref_slice %arg7[%dma_start3A_122, %dma_start3A_123] : memref<8x64xi32, #tpu.memory_space<vmem>> -> memref<1x64xi32, #tpu.memory_space<vmem>>
    %dma_start3A_125 = tpu.memref_squeeze %dma_start3A_124 : memref<1x64xi32, #tpu.memory_space<vmem>> -> memref<64xi32, #tpu.memory_space<vmem>>
    %dma_start3A_126 = arith.constant 0 : i32
    %dma_start3A_127 = arith.constant 0 : i32
    %dma_start3A_128 = tpu.memref_slice %arg2[%dma_start3A_126, %dma_start3A_127] : memref<2048x512xi32, #tpu.memory_space<hbm>> -> memref<2048x512xi32, #tpu.memory_space<hbm>>
    tpu.enqueue_indirect_dma source(%dma_start3A_128 : memref<2048x512xi32, #tpu.memory_space<hbm>>) target(%arg9 : memref<64x512xi32, #tpu.memory_space<vmem>>) offsets(%dma_start3A_125 : memref<64xi32, #tpu.memory_space<vmem>>) semaphore(%arg11 : memref<!tpu.dma_semaphore, #tpu.memory_space<semaphore_mem>>)
    %dma_wait3A_129 = arith.constant 4 : i32
    %dma_wait3A_130 = arith.constant 0 : i32
    %dma_wait3A_131 = tpu.memref_slice %arg7[%dma_wait3A_129, %dma_wait3A_130] : memref<8x64xi32, #tpu.memory_space<vmem>> -> memref<1x64xi32, #tpu.memory_space<vmem>>
    %dma_wait3A_132 = tpu.memref_squeeze %dma_wait3A_131 : memref<1x64xi32, #tpu.memory_space<vmem>> -> memref<64xi32, #tpu.memory_space<vmem>>
    %dma_wait3A_133 = arith.constant 0 : i32
    %dma_wait3A_134 = arith.constant 0 : i32
    %dma_wait3A_135 = tpu.memref_slice %arg2[%dma_wait3A_133, %dma_wait3A_134] : memref<2048x512xi32, #tpu.memory_space<hbm>> -> memref<2048x512xi32, #tpu.memory_space<hbm>>
    tpu.wait_indirect_dma semaphore(%arg10 : memref<!tpu.dma_semaphore, #tpu.memory_space<semaphore_mem>>) src(%dma_wait3A_135 : memref<2048x512xi32, #tpu.memory_space<hbm>>) dst(%arg8 : memref<64x512xi32, #tpu.memory_space<vmem>>)
    %dma_start3A_136 = arith.constant 4 : i32
    %dma_start3A_137 = arith.constant 0 : i32
    %dma_start3A_138 = tpu.memref_slice %arg6[%dma_start3A_136, %dma_start3A_137] : memref<8x64xi32, #tpu.memory_space<vmem>> -> memref<1x64xi32, #tpu.memory_space<vmem>>
    %dma_start3A_139 = tpu.memref_squeeze %dma_start3A_138 : memref<1x64xi32, #tpu.memory_space<vmem>> -> memref<64xi32, #tpu.memory_space<vmem>>
    %dma_start3A_140 = arith.constant 0 : i32
    %dma_start3A_141 = arith.constant 0 : i32
    %dma_start3A_142 = tpu.memref_slice %arg5[%dma_start3A_140, %dma_start3A_141] : memref<32768x512xi32, #tpu.memory_space<hbm>> -> memref<32768x512xi32, #tpu.memory_space<hbm>>
    tpu.enqueue_indirect_dma source(%arg8 : memref<64x512xi32, #tpu.memory_space<vmem>>) target(%dma_start3A_142 : memref<32768x512xi32, #tpu.memory_space<hbm>>) offsets(%dma_start3A_139 : memref<64xi32, #tpu.memory_space<vmem>>) semaphore(%arg12 : memref<!tpu.dma_semaphore, #tpu.memory_space<semaphore_mem>>)
    %dma_wait3A_143 = arith.constant 4 : i32
    %dma_wait3A_144 = arith.constant 0 : i32
    %dma_wait3A_145 = tpu.memref_slice %arg6[%dma_wait3A_143, %dma_wait3A_144] : memref<8x64xi32, #tpu.memory_space<vmem>> -> memref<1x64xi32, #tpu.memory_space<vmem>>
    %dma_wait3A_146 = tpu.memref_squeeze %dma_wait3A_145 : memref<1x64xi32, #tpu.memory_space<vmem>> -> memref<64xi32, #tpu.memory_space<vmem>>
    %dma_wait3A_147 = arith.constant 0 : i32
    %dma_wait3A_148 = arith.constant 0 : i32
    %dma_wait3A_149 = tpu.memref_slice %arg5[%dma_wait3A_147, %dma_wait3A_148] : memref<32768x512xi32, #tpu.memory_space<hbm>> -> memref<32768x512xi32, #tpu.memory_space<hbm>>
    tpu.wait_indirect_dma semaphore(%arg12 : memref<!tpu.dma_semaphore, #tpu.memory_space<semaphore_mem>>) src(%arg8 : memref<64x512xi32, #tpu.memory_space<vmem>>) dst(%dma_wait3A_149 : memref<32768x512xi32, #tpu.memory_space<hbm>>)
    %dma_start3A_150 = arith.constant 6 : i32
    %dma_start3A_151 = arith.constant 0 : i32
    %dma_start3A_152 = tpu.memref_slice %arg7[%dma_start3A_150, %dma_start3A_151] : memref<8x64xi32, #tpu.memory_space<vmem>> -> memref<1x64xi32, #tpu.memory_space<vmem>>
    %dma_start3A_153 = tpu.memref_squeeze %dma_start3A_152 : memref<1x64xi32, #tpu.memory_space<vmem>> -> memref<64xi32, #tpu.memory_space<vmem>>
    %dma_start3A_154 = arith.constant 0 : i32
    %dma_start3A_155 = arith.constant 0 : i32
    %dma_start3A_156 = tpu.memref_slice %arg2[%dma_start3A_154, %dma_start3A_155] : memref<2048x512xi32, #tpu.memory_space<hbm>> -> memref<2048x512xi32, #tpu.memory_space<hbm>>
    tpu.enqueue_indirect_dma source(%dma_start3A_156 : memref<2048x512xi32, #tpu.memory_space<hbm>>) target(%arg8 : memref<64x512xi32, #tpu.memory_space<vmem>>) offsets(%dma_start3A_153 : memref<64xi32, #tpu.memory_space<vmem>>) semaphore(%arg10 : memref<!tpu.dma_semaphore, #tpu.memory_space<semaphore_mem>>)
    %dma_wait3A_157 = arith.constant 5 : i32
    %dma_wait3A_158 = arith.constant 0 : i32
    %dma_wait3A_159 = tpu.memref_slice %arg7[%dma_wait3A_157, %dma_wait3A_158] : memref<8x64xi32, #tpu.memory_space<vmem>> -> memref<1x64xi32, #tpu.memory_space<vmem>>
    %dma_wait3A_160 = tpu.memref_squeeze %dma_wait3A_159 : memref<1x64xi32, #tpu.memory_space<vmem>> -> memref<64xi32, #tpu.memory_space<vmem>>
    %dma_wait3A_161 = arith.constant 0 : i32
    %dma_wait3A_162 = arith.constant 0 : i32
    %dma_wait3A_163 = tpu.memref_slice %arg2[%dma_wait3A_161, %dma_wait3A_162] : memref<2048x512xi32, #tpu.memory_space<hbm>> -> memref<2048x512xi32, #tpu.memory_space<hbm>>
    tpu.wait_indirect_dma semaphore(%arg11 : memref<!tpu.dma_semaphore, #tpu.memory_space<semaphore_mem>>) src(%dma_wait3A_163 : memref<2048x512xi32, #tpu.memory_space<hbm>>) dst(%arg9 : memref<64x512xi32, #tpu.memory_space<vmem>>)
    %dma_start3A_164 = arith.constant 5 : i32
    %dma_start3A_165 = arith.constant 0 : i32
    %dma_start3A_166 = tpu.memref_slice %arg6[%dma_start3A_164, %dma_start3A_165] : memref<8x64xi32, #tpu.memory_space<vmem>> -> memref<1x64xi32, #tpu.memory_space<vmem>>
    %dma_start3A_167 = tpu.memref_squeeze %dma_start3A_166 : memref<1x64xi32, #tpu.memory_space<vmem>> -> memref<64xi32, #tpu.memory_space<vmem>>
    %dma_start3A_168 = arith.constant 0 : i32
    %dma_start3A_169 = arith.constant 0 : i32
    %dma_start3A_170 = tpu.memref_slice %arg5[%dma_start3A_168, %dma_start3A_169] : memref<32768x512xi32, #tpu.memory_space<hbm>> -> memref<32768x512xi32, #tpu.memory_space<hbm>>
    tpu.enqueue_indirect_dma source(%arg9 : memref<64x512xi32, #tpu.memory_space<vmem>>) target(%dma_start3A_170 : memref<32768x512xi32, #tpu.memory_space<hbm>>) offsets(%dma_start3A_167 : memref<64xi32, #tpu.memory_space<vmem>>) semaphore(%arg13 : memref<!tpu.dma_semaphore, #tpu.memory_space<semaphore_mem>>)
    %dma_wait3A_171 = arith.constant 5 : i32
    %dma_wait3A_172 = arith.constant 0 : i32
    %dma_wait3A_173 = tpu.memref_slice %arg6[%dma_wait3A_171, %dma_wait3A_172] : memref<8x64xi32, #tpu.memory_space<vmem>> -> memref<1x64xi32, #tpu.memory_space<vmem>>
    %dma_wait3A_174 = tpu.memref_squeeze %dma_wait3A_173 : memref<1x64xi32, #tpu.memory_space<vmem>> -> memref<64xi32, #tpu.memory_space<vmem>>
    %dma_wait3A_175 = arith.constant 0 : i32
    %dma_wait3A_176 = arith.constant 0 : i32
    %dma_wait3A_177 = tpu.memref_slice %arg5[%dma_wait3A_175, %dma_wait3A_176] : memref<32768x512xi32, #tpu.memory_space<hbm>> -> memref<32768x512xi32, #tpu.memory_space<hbm>>
    tpu.wait_indirect_dma semaphore(%arg13 : memref<!tpu.dma_semaphore, #tpu.memory_space<semaphore_mem>>) src(%arg9 : memref<64x512xi32, #tpu.memory_space<vmem>>) dst(%dma_wait3A_177 : memref<32768x512xi32, #tpu.memory_space<hbm>>)
    %dma_start3A_178 = arith.constant 7 : i32
    %dma_start3A_179 = arith.constant 0 : i32
    %dma_start3A_180 = tpu.memref_slice %arg7[%dma_start3A_178, %dma_start3A_179] : memref<8x64xi32, #tpu.memory_space<vmem>> -> memref<1x64xi32, #tpu.memory_space<vmem>>
    %dma_start3A_181 = tpu.memref_squeeze %dma_start3A_180 : memref<1x64xi32, #tpu.memory_space<vmem>> -> memref<64xi32, #tpu.memory_space<vmem>>
    %dma_start3A_182 = arith.constant 0 : i32
    %dma_start3A_183 = arith.constant 0 : i32
    %dma_start3A_184 = tpu.memref_slice %arg2[%dma_start3A_182, %dma_start3A_183] : memref<2048x512xi32, #tpu.memory_space<hbm>> -> memref<2048x512xi32, #tpu.memory_space<hbm>>
    tpu.enqueue_indirect_dma source(%dma_start3A_184 : memref<2048x512xi32, #tpu.memory_space<hbm>>) target(%arg9 : memref<64x512xi32, #tpu.memory_space<vmem>>) offsets(%dma_start3A_181 : memref<64xi32, #tpu.memory_space<vmem>>) semaphore(%arg11 : memref<!tpu.dma_semaphore, #tpu.memory_space<semaphore_mem>>)
    %dma_wait3A_185 = arith.constant 6 : i32
    %dma_wait3A_186 = arith.constant 0 : i32
    %dma_wait3A_187 = tpu.memref_slice %arg7[%dma_wait3A_185, %dma_wait3A_186] : memref<8x64xi32, #tpu.memory_space<vmem>> -> memref<1x64xi32, #tpu.memory_space<vmem>>
    %dma_wait3A_188 = tpu.memref_squeeze %dma_wait3A_187 : memref<1x64xi32, #tpu.memory_space<vmem>> -> memref<64xi32, #tpu.memory_space<vmem>>
    %dma_wait3A_189 = arith.constant 0 : i32
    %dma_wait3A_190 = arith.constant 0 : i32
    %dma_wait3A_191 = tpu.memref_slice %arg2[%dma_wait3A_189, %dma_wait3A_190] : memref<2048x512xi32, #tpu.memory_space<hbm>> -> memref<2048x512xi32, #tpu.memory_space<hbm>>
    tpu.wait_indirect_dma semaphore(%arg10 : memref<!tpu.dma_semaphore, #tpu.memory_space<semaphore_mem>>) src(%dma_wait3A_191 : memref<2048x512xi32, #tpu.memory_space<hbm>>) dst(%arg8 : memref<64x512xi32, #tpu.memory_space<vmem>>)
    %dma_start3A_192 = arith.constant 6 : i32
    %dma_start3A_193 = arith.constant 0 : i32
    %dma_start3A_194 = tpu.memref_slice %arg6[%dma_start3A_192, %dma_start3A_193] : memref<8x64xi32, #tpu.memory_space<vmem>> -> memref<1x64xi32, #tpu.memory_space<vmem>>
    %dma_start3A_195 = tpu.memref_squeeze %dma_start3A_194 : memref<1x64xi32, #tpu.memory_space<vmem>> -> memref<64xi32, #tpu.memory_space<vmem>>
    %dma_start3A_196 = arith.constant 0 : i32
    %dma_start3A_197 = arith.constant 0 : i32
    %dma_start3A_198 = tpu.memref_slice %arg5[%dma_start3A_196, %dma_start3A_197] : memref<32768x512xi32, #tpu.memory_space<hbm>> -> memref<32768x512xi32, #tpu.memory_space<hbm>>
    tpu.enqueue_indirect_dma source(%arg8 : memref<64x512xi32, #tpu.memory_space<vmem>>) target(%dma_start3A_198 : memref<32768x512xi32, #tpu.memory_space<hbm>>) offsets(%dma_start3A_195 : memref<64xi32, #tpu.memory_space<vmem>>) semaphore(%arg12 : memref<!tpu.dma_semaphore, #tpu.memory_space<semaphore_mem>>)
    %dma_wait3A_199 = arith.constant 7 : i32
    %dma_wait3A_200 = arith.constant 0 : i32
    %dma_wait3A_201 = tpu.memref_slice %arg7[%dma_wait3A_199, %dma_wait3A_200] : memref<8x64xi32, #tpu.memory_space<vmem>> -> memref<1x64xi32, #tpu.memory_space<vmem>>
    %dma_wait3A_202 = tpu.memref_squeeze %dma_wait3A_201 : memref<1x64xi32, #tpu.memory_space<vmem>> -> memref<64xi32, #tpu.memory_space<vmem>>
    %dma_wait3A_203 = arith.constant 0 : i32
    %dma_wait3A_204 = arith.constant 0 : i32
    %dma_wait3A_205 = tpu.memref_slice %arg2[%dma_wait3A_203, %dma_wait3A_204] : memref<2048x512xi32, #tpu.memory_space<hbm>> -> memref<2048x512xi32, #tpu.memory_space<hbm>>
    tpu.wait_indirect_dma semaphore(%arg11 : memref<!tpu.dma_semaphore, #tpu.memory_space<semaphore_mem>>) src(%dma_wait3A_205 : memref<2048x512xi32, #tpu.memory_space<hbm>>) dst(%arg9 : memref<64x512xi32, #tpu.memory_space<vmem>>)
    %dma_start3A_206 = arith.constant 7 : i32
    %dma_start3A_207 = arith.constant 0 : i32
    %dma_start3A_208 = tpu.memref_slice %arg6[%dma_start3A_206, %dma_start3A_207] : memref<8x64xi32, #tpu.memory_space<vmem>> -> memref<1x64xi32, #tpu.memory_space<vmem>>
    %dma_start3A_209 = tpu.memref_squeeze %dma_start3A_208 : memref<1x64xi32, #tpu.memory_space<vmem>> -> memref<64xi32, #tpu.memory_space<vmem>>
    %dma_start3A_210 = arith.constant 0 : i32
    %dma_start3A_211 = arith.constant 0 : i32
    %dma_start3A_212 = tpu.memref_slice %arg5[%dma_start3A_210, %dma_start3A_211] : memref<32768x512xi32, #tpu.memory_space<hbm>> -> memref<32768x512xi32, #tpu.memory_space<hbm>>
    tpu.enqueue_indirect_dma source(%arg9 : memref<64x512xi32, #tpu.memory_space<vmem>>) target(%dma_start3A_212 : memref<32768x512xi32, #tpu.memory_space<hbm>>) offsets(%dma_start3A_209 : memref<64xi32, #tpu.memory_space<vmem>>) semaphore(%arg13 : memref<!tpu.dma_semaphore, #tpu.memory_space<semaphore_mem>>)
    %dma_wait3A_213 = arith.constant 6 : i32
    %dma_wait3A_214 = arith.constant 0 : i32
    %dma_wait3A_215 = tpu.memref_slice %arg6[%dma_wait3A_213, %dma_wait3A_214] : memref<8x64xi32, #tpu.memory_space<vmem>> -> memref<1x64xi32, #tpu.memory_space<vmem>>
    %dma_wait3A_216 = tpu.memref_squeeze %dma_wait3A_215 : memref<1x64xi32, #tpu.memory_space<vmem>> -> memref<64xi32, #tpu.memory_space<vmem>>
    %dma_wait3A_217 = arith.constant 0 : i32
    %dma_wait3A_218 = arith.constant 0 : i32
    %dma_wait3A_219 = tpu.memref_slice %arg5[%dma_wait3A_217, %dma_wait3A_218] : memref<32768x512xi32, #tpu.memory_space<hbm>> -> memref<32768x512xi32, #tpu.memory_space<hbm>>
    tpu.wait_indirect_dma semaphore(%arg12 : memref<!tpu.dma_semaphore, #tpu.memory_space<semaphore_mem>>) src(%arg8 : memref<64x512xi32, #tpu.memory_space<vmem>>) dst(%dma_wait3A_219 : memref<32768x512xi32, #tpu.memory_space<hbm>>)
    %dma_wait3A_220 = arith.constant 7 : i32
    %dma_wait3A_221 = arith.constant 0 : i32
    %dma_wait3A_222 = tpu.memref_slice %arg6[%dma_wait3A_220, %dma_wait3A_221] : memref<8x64xi32, #tpu.memory_space<vmem>> -> memref<1x64xi32, #tpu.memory_space<vmem>>
    %dma_wait3A_223 = tpu.memref_squeeze %dma_wait3A_222 : memref<1x64xi32, #tpu.memory_space<vmem>> -> memref<64xi32, #tpu.memory_space<vmem>>
    %dma_wait3A_224 = arith.constant 0 : i32
    %dma_wait3A_225 = arith.constant 0 : i32
    %dma_wait3A_226 = tpu.memref_slice %arg5[%dma_wait3A_224, %dma_wait3A_225] : memref<32768x512xi32, #tpu.memory_space<hbm>> -> memref<32768x512xi32, #tpu.memory_space<hbm>>
    tpu.wait_indirect_dma semaphore(%arg13 : memref<!tpu.dma_semaphore, #tpu.memory_space<semaphore_mem>>) src(%arg9 : memref<64x512xi32, #tpu.memory_space<vmem>>) dst(%dma_wait3A_226 : memref<32768x512xi32, #tpu.memory_space<hbm>>)
    return
  }
}

#map = affine_map<(d0, d1) -> (0, 0)>
module attributes {stable_mosaic.version = 14 : i64} {
  func.func @k(%arg0: i32, %arg1: i32, %arg2: memref<32768x256xi32, #tpu.memory_space<hbm>>, %arg3: memref<32768x256xi32, #tpu.memory_space<hbm>>, %arg4: memref<256x64xi32, #tpu.memory_space<hbm>>, %arg5: memref<16384x256xi32, #tpu.memory_space<hbm>>, %arg6: memref<16384x256xi32, #tpu.memory_space<hbm>>, %arg7: memref<8x64xi32, #tpu.memory_space<vmem>>, %arg8: memref<64x256xi32, #tpu.memory_space<vmem>>, %arg9: memref<64x256xi32, #tpu.memory_space<vmem>>, %arg10: memref<64x256xi32, #tpu.memory_space<vmem>>, %arg11: memref<64x256xi32, #tpu.memory_space<vmem>>, %arg12: memref<!tpu.dma_semaphore, #tpu.memory_space<semaphore_mem>>, %arg13: memref<!tpu.dma_semaphore, #tpu.memory_space<semaphore_mem>>, %arg14: memref<!tpu.dma_semaphore, #tpu.memory_space<semaphore_mem>>, %arg15: memref<!tpu.dma_semaphore, #tpu.memory_space<semaphore_mem>>, %arg16: memref<!tpu.dma_semaphore, #tpu.memory_space<semaphore_mem>>, %arg17: memref<!tpu.dma_semaphore, #tpu.memory_space<semaphore_mem>>, %arg18: memref<!tpu.dma_semaphore, #tpu.memory_space<semaphore_mem>>, %arg19: memref<!tpu.dma_semaphore, #tpu.memory_space<semaphore_mem>>) attributes {dimension_semantics = [#tpu.dimension_semantics<core_parallel>, #tpu.dimension_semantics<subcore_parallel>], iteration_bounds = array<i64: 2, 16>, scalar_prefetch = 0 : i64, scratch_operands = 13 : i64, tpu.core_type = #tpu.core_type<sc_vector_subcore>, window_params = [{transform_indices = #map}, {transform_indices = #map}, {transform_indices = #map}, {transform_indices = #map}, {transform_indices = #map}]} {
    %mul3A = arith.constant 2 : i32
    %mul3A_0 = arith.muli %arg1, %mul3A : i32
    %add3A = arith.addi %mul3A_0, %arg0 : i32
    %mul3A_1 = arith.constant 8 : i32
    %mul3A_2 = arith.muli %add3A, %mul3A_1 : i32
    "tpu.region"() ({
      %run_scoped3A = tpu.sem_alloc : memref<!tpu.dma_semaphore, #tpu.memory_space<semaphore_mem>>
      %dma_start3A_401 = arith.constant 0 : i32
      %dma_start3A_402 = tpu.memref_slice %arg4[%mul3A_2, %dma_start3A_401] : memref<256x64xi32, #tpu.memory_space<hbm>> -> memref<8x64xi32, #tpu.memory_space<hbm>>
      %dma_start3A_403 = arith.constant 0 : i32
      %dma_start3A_404 = tpu.memref_slice %arg4[%mul3A_2, %dma_start3A_403] : memref<256x64xi32, #tpu.memory_space<hbm>> -> memref<8x64xi32, #tpu.memory_space<hbm>>
      tpu.enqueue_dma source(%dma_start3A_404 : memref<8x64xi32, #tpu.memory_space<hbm>>) target(%arg7 : memref<8x64xi32, #tpu.memory_space<vmem>>) target_semaphore(%run_scoped3A : memref<!tpu.dma_semaphore, #tpu.memory_space<semaphore_mem>>)
      %dma_wait3A_405 = arith.constant 0 : i32
      %dma_wait3A_406 = tpu.memref_slice %arg4[%mul3A_2, %dma_wait3A_405] : memref<256x64xi32, #tpu.memory_space<hbm>> -> memref<8x64xi32, #tpu.memory_space<hbm>>
      %dma_wait3A_407 = arith.constant 0 : i32
      %dma_wait3A_408 = tpu.memref_slice %arg4[%mul3A_2, %dma_wait3A_407] : memref<256x64xi32, #tpu.memory_space<hbm>> -> memref<8x64xi32, #tpu.memory_space<hbm>>
      tpu.wait_dma2 semaphore(%run_scoped3A : memref<!tpu.dma_semaphore, #tpu.memory_space<semaphore_mem>>) src(%dma_wait3A_408 : memref<8x64xi32, #tpu.memory_space<hbm>>) dst(%arg7 : memref<8x64xi32, #tpu.memory_space<vmem>>)
      tpu.yield
    }) : () -> ()
    %dma_start3A = arith.constant 0 : i32
    %dma_start3A_3 = arith.constant 0 : i32
    %dma_start3A_4 = tpu.memref_slice %arg7[%dma_start3A, %dma_start3A_3] : memref<8x64xi32, #tpu.memory_space<vmem>> -> memref<1x64xi32, #tpu.memory_space<vmem>>
    %dma_start3A_5 = tpu.memref_squeeze %dma_start3A_4 : memref<1x64xi32, #tpu.memory_space<vmem>> -> memref<64xi32, #tpu.memory_space<vmem>>
    %dma_start3A_6 = arith.constant 0 : i32
    %dma_start3A_7 = arith.constant 0 : i32
    %dma_start3A_8 = tpu.memref_slice %arg2[%dma_start3A_6, %dma_start3A_7] : memref<32768x256xi32, #tpu.memory_space<hbm>> -> memref<32768x256xi32, #tpu.memory_space<hbm>>
    tpu.enqueue_indirect_dma source(%dma_start3A_8 : memref<32768x256xi32, #tpu.memory_space<hbm>>) target(%arg8 : memref<64x256xi32, #tpu.memory_space<vmem>>) offsets(%dma_start3A_5 : memref<64xi32, #tpu.memory_space<vmem>>) semaphore(%arg12 : memref<!tpu.dma_semaphore, #tpu.memory_space<semaphore_mem>>)
    %dma_start3A_9 = arith.constant 0 : i32
    %dma_start3A_10 = arith.constant 0 : i32
    %dma_start3A_11 = tpu.memref_slice %arg7[%dma_start3A_9, %dma_start3A_10] : memref<8x64xi32, #tpu.memory_space<vmem>> -> memref<1x64xi32, #tpu.memory_space<vmem>>
    %dma_start3A_12 = tpu.memref_squeeze %dma_start3A_11 : memref<1x64xi32, #tpu.memory_space<vmem>> -> memref<64xi32, #tpu.memory_space<vmem>>
    %dma_start3A_13 = arith.constant 0 : i32
    %dma_start3A_14 = arith.constant 0 : i32
    %dma_start3A_15 = tpu.memref_slice %arg3[%dma_start3A_13, %dma_start3A_14] : memref<32768x256xi32, #tpu.memory_space<hbm>> -> memref<32768x256xi32, #tpu.memory_space<hbm>>
    tpu.enqueue_indirect_dma source(%dma_start3A_15 : memref<32768x256xi32, #tpu.memory_space<hbm>>) target(%arg10 : memref<64x256xi32, #tpu.memory_space<vmem>>) offsets(%dma_start3A_12 : memref<64xi32, #tpu.memory_space<vmem>>) semaphore(%arg14 : memref<!tpu.dma_semaphore, #tpu.memory_space<semaphore_mem>>)
    %dma_start3A_16 = arith.constant 1 : i32
    %dma_start3A_17 = arith.constant 0 : i32
    %dma_start3A_18 = tpu.memref_slice %arg7[%dma_start3A_16, %dma_start3A_17] : memref<8x64xi32, #tpu.memory_space<vmem>> -> memref<1x64xi32, #tpu.memory_space<vmem>>
    %dma_start3A_19 = tpu.memref_squeeze %dma_start3A_18 : memref<1x64xi32, #tpu.memory_space<vmem>> -> memref<64xi32, #tpu.memory_space<vmem>>
    %dma_start3A_20 = arith.constant 0 : i32
    %dma_start3A_21 = arith.constant 0 : i32
    %dma_start3A_22 = tpu.memref_slice %arg2[%dma_start3A_20, %dma_start3A_21] : memref<32768x256xi32, #tpu.memory_space<hbm>> -> memref<32768x256xi32, #tpu.memory_space<hbm>>
    tpu.enqueue_indirect_dma source(%dma_start3A_22 : memref<32768x256xi32, #tpu.memory_space<hbm>>) target(%arg9 : memref<64x256xi32, #tpu.memory_space<vmem>>) offsets(%dma_start3A_19 : memref<64xi32, #tpu.memory_space<vmem>>) semaphore(%arg13 : memref<!tpu.dma_semaphore, #tpu.memory_space<semaphore_mem>>)
    %dma_start3A_23 = arith.constant 1 : i32
    %dma_start3A_24 = arith.constant 0 : i32
    %dma_start3A_25 = tpu.memref_slice %arg7[%dma_start3A_23, %dma_start3A_24] : memref<8x64xi32, #tpu.memory_space<vmem>> -> memref<1x64xi32, #tpu.memory_space<vmem>>
    %dma_start3A_26 = tpu.memref_squeeze %dma_start3A_25 : memref<1x64xi32, #tpu.memory_space<vmem>> -> memref<64xi32, #tpu.memory_space<vmem>>
    %dma_start3A_27 = arith.constant 0 : i32
    %dma_start3A_28 = arith.constant 0 : i32
    %dma_start3A_29 = tpu.memref_slice %arg3[%dma_start3A_27, %dma_start3A_28] : memref<32768x256xi32, #tpu.memory_space<hbm>> -> memref<32768x256xi32, #tpu.memory_space<hbm>>
    tpu.enqueue_indirect_dma source(%dma_start3A_29 : memref<32768x256xi32, #tpu.memory_space<hbm>>) target(%arg11 : memref<64x256xi32, #tpu.memory_space<vmem>>) offsets(%dma_start3A_26 : memref<64xi32, #tpu.memory_space<vmem>>) semaphore(%arg15 : memref<!tpu.dma_semaphore, #tpu.memory_space<semaphore_mem>>)
    %dma_wait3A = arith.constant 0 : i32
    %dma_wait3A_30 = arith.constant 0 : i32
    %dma_wait3A_31 = tpu.memref_slice %arg7[%dma_wait3A, %dma_wait3A_30] : memref<8x64xi32, #tpu.memory_space<vmem>> -> memref<1x64xi32, #tpu.memory_space<vmem>>
    %dma_wait3A_32 = tpu.memref_squeeze %dma_wait3A_31 : memref<1x64xi32, #tpu.memory_space<vmem>> -> memref<64xi32, #tpu.memory_space<vmem>>
    %dma_wait3A_33 = arith.constant 0 : i32
    %dma_wait3A_34 = arith.constant 0 : i32
    %dma_wait3A_35 = tpu.memref_slice %arg2[%dma_wait3A_33, %dma_wait3A_34] : memref<32768x256xi32, #tpu.memory_space<hbm>> -> memref<32768x256xi32, #tpu.memory_space<hbm>>
    tpu.wait_indirect_dma semaphore(%arg12 : memref<!tpu.dma_semaphore, #tpu.memory_space<semaphore_mem>>) src(%dma_wait3A_35 : memref<32768x256xi32, #tpu.memory_space<hbm>>) dst(%arg8 : memref<64x256xi32, #tpu.memory_space<vmem>>)
    %dma_wait3A_36 = arith.constant 0 : i32
    %dma_wait3A_37 = arith.constant 0 : i32
    %dma_wait3A_38 = tpu.memref_slice %arg7[%dma_wait3A_36, %dma_wait3A_37] : memref<8x64xi32, #tpu.memory_space<vmem>> -> memref<1x64xi32, #tpu.memory_space<vmem>>
    %dma_wait3A_39 = tpu.memref_squeeze %dma_wait3A_38 : memref<1x64xi32, #tpu.memory_space<vmem>> -> memref<64xi32, #tpu.memory_space<vmem>>
    %dma_wait3A_40 = arith.constant 0 : i32
    %dma_wait3A_41 = arith.constant 0 : i32
    %dma_wait3A_42 = tpu.memref_slice %arg3[%dma_wait3A_40, %dma_wait3A_41] : memref<32768x256xi32, #tpu.memory_space<hbm>> -> memref<32768x256xi32, #tpu.memory_space<hbm>>
    tpu.wait_indirect_dma semaphore(%arg14 : memref<!tpu.dma_semaphore, #tpu.memory_space<semaphore_mem>>) src(%dma_wait3A_42 : memref<32768x256xi32, #tpu.memory_space<hbm>>) dst(%arg10 : memref<64x256xi32, #tpu.memory_space<vmem>>)
    %mul3A_43 = arith.constant 8 : i32
    %mul3A_44 = arith.muli %add3A, %mul3A_43 : i32
    %add3A_45 = arith.constant 0 : i32
    %add3A_46 = arith.addi %mul3A_44, %add3A_45 : i32
    %mul3A_47 = arith.constant 64 : i32
    %mul3A_48 = arith.muli %add3A_46, %mul3A_47 : i32
    %dma_start3A_49 = arith.constant 0 : i32
    %dma_start3A_50 = tpu.memref_slice %arg5[%mul3A_48, %dma_start3A_49] : memref<16384x256xi32, #tpu.memory_space<hbm>> -> memref<64x256xi32, #tpu.memory_space<hbm>>
    %dma_start3A_51 = arith.constant 0 : i32
    %dma_start3A_52 = tpu.memref_slice %arg5[%mul3A_48, %dma_start3A_51] : memref<16384x256xi32, #tpu.memory_space<hbm>> -> memref<64x256xi32, #tpu.memory_space<hbm>>
    tpu.enqueue_dma source(%arg8 : memref<64x256xi32, #tpu.memory_space<vmem>>) target(%dma_start3A_52 : memref<64x256xi32, #tpu.memory_space<hbm>>) target_semaphore(%arg16 : memref<!tpu.dma_semaphore, #tpu.memory_space<semaphore_mem>>)
    %dma_start3A_53 = arith.constant 0 : i32
    %dma_start3A_54 = tpu.memref_slice %arg6[%mul3A_48, %dma_start3A_53] : memref<16384x256xi32, #tpu.memory_space<hbm>> -> memref<64x256xi32, #tpu.memory_space<hbm>>
    %dma_start3A_55 = arith.constant 0 : i32
    %dma_start3A_56 = tpu.memref_slice %arg6[%mul3A_48, %dma_start3A_55] : memref<16384x256xi32, #tpu.memory_space<hbm>> -> memref<64x256xi32, #tpu.memory_space<hbm>>
    tpu.enqueue_dma source(%arg10 : memref<64x256xi32, #tpu.memory_space<vmem>>) target(%dma_start3A_56 : memref<64x256xi32, #tpu.memory_space<hbm>>) target_semaphore(%arg18 : memref<!tpu.dma_semaphore, #tpu.memory_space<semaphore_mem>>)
    %dma_wait3A_57 = arith.constant 0 : i32
    %dma_wait3A_58 = tpu.memref_slice %arg5[%mul3A_48, %dma_wait3A_57] : memref<16384x256xi32, #tpu.memory_space<hbm>> -> memref<64x256xi32, #tpu.memory_space<hbm>>
    %dma_wait3A_59 = arith.constant 0 : i32
    %dma_wait3A_60 = tpu.memref_slice %arg5[%mul3A_48, %dma_wait3A_59] : memref<16384x256xi32, #tpu.memory_space<hbm>> -> memref<64x256xi32, #tpu.memory_space<hbm>>
    tpu.wait_dma2 semaphore(%arg16 : memref<!tpu.dma_semaphore, #tpu.memory_space<semaphore_mem>>) src(%arg8 : memref<64x256xi32, #tpu.memory_space<vmem>>) dst(%dma_wait3A_60 : memref<64x256xi32, #tpu.memory_space<hbm>>)
    %dma_wait3A_61 = arith.constant 0 : i32
    %dma_wait3A_62 = tpu.memref_slice %arg6[%mul3A_48, %dma_wait3A_61] : memref<16384x256xi32, #tpu.memory_space<hbm>> -> memref<64x256xi32, #tpu.memory_space<hbm>>
    %dma_wait3A_63 = arith.constant 0 : i32
    %dma_wait3A_64 = tpu.memref_slice %arg6[%mul3A_48, %dma_wait3A_63] : memref<16384x256xi32, #tpu.memory_space<hbm>> -> memref<64x256xi32, #tpu.memory_space<hbm>>
    tpu.wait_dma2 semaphore(%arg18 : memref<!tpu.dma_semaphore, #tpu.memory_space<semaphore_mem>>) src(%arg10 : memref<64x256xi32, #tpu.memory_space<vmem>>) dst(%dma_wait3A_64 : memref<64x256xi32, #tpu.memory_space<hbm>>)
    %dma_start3A_65 = arith.constant 2 : i32
    %dma_start3A_66 = arith.constant 0 : i32
    %dma_start3A_67 = tpu.memref_slice %arg7[%dma_start3A_65, %dma_start3A_66] : memref<8x64xi32, #tpu.memory_space<vmem>> -> memref<1x64xi32, #tpu.memory_space<vmem>>
    %dma_start3A_68 = tpu.memref_squeeze %dma_start3A_67 : memref<1x64xi32, #tpu.memory_space<vmem>> -> memref<64xi32, #tpu.memory_space<vmem>>
    %dma_start3A_69 = arith.constant 0 : i32
    %dma_start3A_70 = arith.constant 0 : i32
    %dma_start3A_71 = tpu.memref_slice %arg2[%dma_start3A_69, %dma_start3A_70] : memref<32768x256xi32, #tpu.memory_space<hbm>> -> memref<32768x256xi32, #tpu.memory_space<hbm>>
    tpu.enqueue_indirect_dma source(%dma_start3A_71 : memref<32768x256xi32, #tpu.memory_space<hbm>>) target(%arg8 : memref<64x256xi32, #tpu.memory_space<vmem>>) offsets(%dma_start3A_68 : memref<64xi32, #tpu.memory_space<vmem>>) semaphore(%arg12 : memref<!tpu.dma_semaphore, #tpu.memory_space<semaphore_mem>>)
    %dma_start3A_72 = arith.constant 2 : i32
    %dma_start3A_73 = arith.constant 0 : i32
    %dma_start3A_74 = tpu.memref_slice %arg7[%dma_start3A_72, %dma_start3A_73] : memref<8x64xi32, #tpu.memory_space<vmem>> -> memref<1x64xi32, #tpu.memory_space<vmem>>
    %dma_start3A_75 = tpu.memref_squeeze %dma_start3A_74 : memref<1x64xi32, #tpu.memory_space<vmem>> -> memref<64xi32, #tpu.memory_space<vmem>>
    %dma_start3A_76 = arith.constant 0 : i32
    %dma_start3A_77 = arith.constant 0 : i32
    %dma_start3A_78 = tpu.memref_slice %arg3[%dma_start3A_76, %dma_start3A_77] : memref<32768x256xi32, #tpu.memory_space<hbm>> -> memref<32768x256xi32, #tpu.memory_space<hbm>>
    tpu.enqueue_indirect_dma source(%dma_start3A_78 : memref<32768x256xi32, #tpu.memory_space<hbm>>) target(%arg10 : memref<64x256xi32, #tpu.memory_space<vmem>>) offsets(%dma_start3A_75 : memref<64xi32, #tpu.memory_space<vmem>>) semaphore(%arg14 : memref<!tpu.dma_semaphore, #tpu.memory_space<semaphore_mem>>)
    %dma_wait3A_79 = arith.constant 1 : i32
    %dma_wait3A_80 = arith.constant 0 : i32
    %dma_wait3A_81 = tpu.memref_slice %arg7[%dma_wait3A_79, %dma_wait3A_80] : memref<8x64xi32, #tpu.memory_space<vmem>> -> memref<1x64xi32, #tpu.memory_space<vmem>>
    %dma_wait3A_82 = tpu.memref_squeeze %dma_wait3A_81 : memref<1x64xi32, #tpu.memory_space<vmem>> -> memref<64xi32, #tpu.memory_space<vmem>>
    %dma_wait3A_83 = arith.constant 0 : i32
    %dma_wait3A_84 = arith.constant 0 : i32
    %dma_wait3A_85 = tpu.memref_slice %arg2[%dma_wait3A_83, %dma_wait3A_84] : memref<32768x256xi32, #tpu.memory_space<hbm>> -> memref<32768x256xi32, #tpu.memory_space<hbm>>
    tpu.wait_indirect_dma semaphore(%arg13 : memref<!tpu.dma_semaphore, #tpu.memory_space<semaphore_mem>>) src(%dma_wait3A_85 : memref<32768x256xi32, #tpu.memory_space<hbm>>) dst(%arg9 : memref<64x256xi32, #tpu.memory_space<vmem>>)
    %dma_wait3A_86 = arith.constant 1 : i32
    %dma_wait3A_87 = arith.constant 0 : i32
    %dma_wait3A_88 = tpu.memref_slice %arg7[%dma_wait3A_86, %dma_wait3A_87] : memref<8x64xi32, #tpu.memory_space<vmem>> -> memref<1x64xi32, #tpu.memory_space<vmem>>
    %dma_wait3A_89 = tpu.memref_squeeze %dma_wait3A_88 : memref<1x64xi32, #tpu.memory_space<vmem>> -> memref<64xi32, #tpu.memory_space<vmem>>
    %dma_wait3A_90 = arith.constant 0 : i32
    %dma_wait3A_91 = arith.constant 0 : i32
    %dma_wait3A_92 = tpu.memref_slice %arg3[%dma_wait3A_90, %dma_wait3A_91] : memref<32768x256xi32, #tpu.memory_space<hbm>> -> memref<32768x256xi32, #tpu.memory_space<hbm>>
    tpu.wait_indirect_dma semaphore(%arg15 : memref<!tpu.dma_semaphore, #tpu.memory_space<semaphore_mem>>) src(%dma_wait3A_92 : memref<32768x256xi32, #tpu.memory_space<hbm>>) dst(%arg11 : memref<64x256xi32, #tpu.memory_space<vmem>>)
    %mul3A_93 = arith.constant 8 : i32
    %mul3A_94 = arith.muli %add3A, %mul3A_93 : i32
    %add3A_95 = arith.constant 1 : i32
    %add3A_96 = arith.addi %mul3A_94, %add3A_95 : i32
    %mul3A_97 = arith.constant 64 : i32
    %mul3A_98 = arith.muli %add3A_96, %mul3A_97 : i32
    %dma_start3A_99 = arith.constant 0 : i32
    %dma_start3A_100 = tpu.memref_slice %arg5[%mul3A_98, %dma_start3A_99] : memref<16384x256xi32, #tpu.memory_space<hbm>> -> memref<64x256xi32, #tpu.memory_space<hbm>>
    %dma_start3A_101 = arith.constant 0 : i32
    %dma_start3A_102 = tpu.memref_slice %arg5[%mul3A_98, %dma_start3A_101] : memref<16384x256xi32, #tpu.memory_space<hbm>> -> memref<64x256xi32, #tpu.memory_space<hbm>>
    tpu.enqueue_dma source(%arg9 : memref<64x256xi32, #tpu.memory_space<vmem>>) target(%dma_start3A_102 : memref<64x256xi32, #tpu.memory_space<hbm>>) target_semaphore(%arg17 : memref<!tpu.dma_semaphore, #tpu.memory_space<semaphore_mem>>)
    %dma_start3A_103 = arith.constant 0 : i32
    %dma_start3A_104 = tpu.memref_slice %arg6[%mul3A_98, %dma_start3A_103] : memref<16384x256xi32, #tpu.memory_space<hbm>> -> memref<64x256xi32, #tpu.memory_space<hbm>>
    %dma_start3A_105 = arith.constant 0 : i32
    %dma_start3A_106 = tpu.memref_slice %arg6[%mul3A_98, %dma_start3A_105] : memref<16384x256xi32, #tpu.memory_space<hbm>> -> memref<64x256xi32, #tpu.memory_space<hbm>>
    tpu.enqueue_dma source(%arg11 : memref<64x256xi32, #tpu.memory_space<vmem>>) target(%dma_start3A_106 : memref<64x256xi32, #tpu.memory_space<hbm>>) target_semaphore(%arg19 : memref<!tpu.dma_semaphore, #tpu.memory_space<semaphore_mem>>)
    %dma_wait3A_107 = arith.constant 0 : i32
    %dma_wait3A_108 = tpu.memref_slice %arg5[%mul3A_98, %dma_wait3A_107] : memref<16384x256xi32, #tpu.memory_space<hbm>> -> memref<64x256xi32, #tpu.memory_space<hbm>>
    %dma_wait3A_109 = arith.constant 0 : i32
    %dma_wait3A_110 = tpu.memref_slice %arg5[%mul3A_98, %dma_wait3A_109] : memref<16384x256xi32, #tpu.memory_space<hbm>> -> memref<64x256xi32, #tpu.memory_space<hbm>>
    tpu.wait_dma2 semaphore(%arg17 : memref<!tpu.dma_semaphore, #tpu.memory_space<semaphore_mem>>) src(%arg9 : memref<64x256xi32, #tpu.memory_space<vmem>>) dst(%dma_wait3A_110 : memref<64x256xi32, #tpu.memory_space<hbm>>)
    %dma_wait3A_111 = arith.constant 0 : i32
    %dma_wait3A_112 = tpu.memref_slice %arg6[%mul3A_98, %dma_wait3A_111] : memref<16384x256xi32, #tpu.memory_space<hbm>> -> memref<64x256xi32, #tpu.memory_space<hbm>>
    %dma_wait3A_113 = arith.constant 0 : i32
    %dma_wait3A_114 = tpu.memref_slice %arg6[%mul3A_98, %dma_wait3A_113] : memref<16384x256xi32, #tpu.memory_space<hbm>> -> memref<64x256xi32, #tpu.memory_space<hbm>>
    tpu.wait_dma2 semaphore(%arg19 : memref<!tpu.dma_semaphore, #tpu.memory_space<semaphore_mem>>) src(%arg11 : memref<64x256xi32, #tpu.memory_space<vmem>>) dst(%dma_wait3A_114 : memref<64x256xi32, #tpu.memory_space<hbm>>)
    %dma_start3A_115 = arith.constant 3 : i32
    %dma_start3A_116 = arith.constant 0 : i32
    %dma_start3A_117 = tpu.memref_slice %arg7[%dma_start3A_115, %dma_start3A_116] : memref<8x64xi32, #tpu.memory_space<vmem>> -> memref<1x64xi32, #tpu.memory_space<vmem>>
    %dma_start3A_118 = tpu.memref_squeeze %dma_start3A_117 : memref<1x64xi32, #tpu.memory_space<vmem>> -> memref<64xi32, #tpu.memory_space<vmem>>
    %dma_start3A_119 = arith.constant 0 : i32
    %dma_start3A_120 = arith.constant 0 : i32
    %dma_start3A_121 = tpu.memref_slice %arg2[%dma_start3A_119, %dma_start3A_120] : memref<32768x256xi32, #tpu.memory_space<hbm>> -> memref<32768x256xi32, #tpu.memory_space<hbm>>
    tpu.enqueue_indirect_dma source(%dma_start3A_121 : memref<32768x256xi32, #tpu.memory_space<hbm>>) target(%arg9 : memref<64x256xi32, #tpu.memory_space<vmem>>) offsets(%dma_start3A_118 : memref<64xi32, #tpu.memory_space<vmem>>) semaphore(%arg13 : memref<!tpu.dma_semaphore, #tpu.memory_space<semaphore_mem>>)
    %dma_start3A_122 = arith.constant 3 : i32
    %dma_start3A_123 = arith.constant 0 : i32
    %dma_start3A_124 = tpu.memref_slice %arg7[%dma_start3A_122, %dma_start3A_123] : memref<8x64xi32, #tpu.memory_space<vmem>> -> memref<1x64xi32, #tpu.memory_space<vmem>>
    %dma_start3A_125 = tpu.memref_squeeze %dma_start3A_124 : memref<1x64xi32, #tpu.memory_space<vmem>> -> memref<64xi32, #tpu.memory_space<vmem>>
    %dma_start3A_126 = arith.constant 0 : i32
    %dma_start3A_127 = arith.constant 0 : i32
    %dma_start3A_128 = tpu.memref_slice %arg3[%dma_start3A_126, %dma_start3A_127] : memref<32768x256xi32, #tpu.memory_space<hbm>> -> memref<32768x256xi32, #tpu.memory_space<hbm>>
    tpu.enqueue_indirect_dma source(%dma_start3A_128 : memref<32768x256xi32, #tpu.memory_space<hbm>>) target(%arg11 : memref<64x256xi32, #tpu.memory_space<vmem>>) offsets(%dma_start3A_125 : memref<64xi32, #tpu.memory_space<vmem>>) semaphore(%arg15 : memref<!tpu.dma_semaphore, #tpu.memory_space<semaphore_mem>>)
    %dma_wait3A_129 = arith.constant 2 : i32
    %dma_wait3A_130 = arith.constant 0 : i32
    %dma_wait3A_131 = tpu.memref_slice %arg7[%dma_wait3A_129, %dma_wait3A_130] : memref<8x64xi32, #tpu.memory_space<vmem>> -> memref<1x64xi32, #tpu.memory_space<vmem>>
    %dma_wait3A_132 = tpu.memref_squeeze %dma_wait3A_131 : memref<1x64xi32, #tpu.memory_space<vmem>> -> memref<64xi32, #tpu.memory_space<vmem>>
    %dma_wait3A_133 = arith.constant 0 : i32
    %dma_wait3A_134 = arith.constant 0 : i32
    %dma_wait3A_135 = tpu.memref_slice %arg2[%dma_wait3A_133, %dma_wait3A_134] : memref<32768x256xi32, #tpu.memory_space<hbm>> -> memref<32768x256xi32, #tpu.memory_space<hbm>>
    tpu.wait_indirect_dma semaphore(%arg12 : memref<!tpu.dma_semaphore, #tpu.memory_space<semaphore_mem>>) src(%dma_wait3A_135 : memref<32768x256xi32, #tpu.memory_space<hbm>>) dst(%arg8 : memref<64x256xi32, #tpu.memory_space<vmem>>)
    %dma_wait3A_136 = arith.constant 2 : i32
    %dma_wait3A_137 = arith.constant 0 : i32
    %dma_wait3A_138 = tpu.memref_slice %arg7[%dma_wait3A_136, %dma_wait3A_137] : memref<8x64xi32, #tpu.memory_space<vmem>> -> memref<1x64xi32, #tpu.memory_space<vmem>>
    %dma_wait3A_139 = tpu.memref_squeeze %dma_wait3A_138 : memref<1x64xi32, #tpu.memory_space<vmem>> -> memref<64xi32, #tpu.memory_space<vmem>>
    %dma_wait3A_140 = arith.constant 0 : i32
    %dma_wait3A_141 = arith.constant 0 : i32
    %dma_wait3A_142 = tpu.memref_slice %arg3[%dma_wait3A_140, %dma_wait3A_141] : memref<32768x256xi32, #tpu.memory_space<hbm>> -> memref<32768x256xi32, #tpu.memory_space<hbm>>
    tpu.wait_indirect_dma semaphore(%arg14 : memref<!tpu.dma_semaphore, #tpu.memory_space<semaphore_mem>>) src(%dma_wait3A_142 : memref<32768x256xi32, #tpu.memory_space<hbm>>) dst(%arg10 : memref<64x256xi32, #tpu.memory_space<vmem>>)
    %mul3A_143 = arith.constant 8 : i32
    %mul3A_144 = arith.muli %add3A, %mul3A_143 : i32
    %add3A_145 = arith.constant 2 : i32
    %add3A_146 = arith.addi %mul3A_144, %add3A_145 : i32
    %mul3A_147 = arith.constant 64 : i32
    %mul3A_148 = arith.muli %add3A_146, %mul3A_147 : i32
    %dma_start3A_149 = arith.constant 0 : i32
    %dma_start3A_150 = tpu.memref_slice %arg5[%mul3A_148, %dma_start3A_149] : memref<16384x256xi32, #tpu.memory_space<hbm>> -> memref<64x256xi32, #tpu.memory_space<hbm>>
    %dma_start3A_151 = arith.constant 0 : i32
    %dma_start3A_152 = tpu.memref_slice %arg5[%mul3A_148, %dma_start3A_151] : memref<16384x256xi32, #tpu.memory_space<hbm>> -> memref<64x256xi32, #tpu.memory_space<hbm>>
    tpu.enqueue_dma source(%arg8 : memref<64x256xi32, #tpu.memory_space<vmem>>) target(%dma_start3A_152 : memref<64x256xi32, #tpu.memory_space<hbm>>) target_semaphore(%arg16 : memref<!tpu.dma_semaphore, #tpu.memory_space<semaphore_mem>>)
    %dma_start3A_153 = arith.constant 0 : i32
    %dma_start3A_154 = tpu.memref_slice %arg6[%mul3A_148, %dma_start3A_153] : memref<16384x256xi32, #tpu.memory_space<hbm>> -> memref<64x256xi32, #tpu.memory_space<hbm>>
    %dma_start3A_155 = arith.constant 0 : i32
    %dma_start3A_156 = tpu.memref_slice %arg6[%mul3A_148, %dma_start3A_155] : memref<16384x256xi32, #tpu.memory_space<hbm>> -> memref<64x256xi32, #tpu.memory_space<hbm>>
    tpu.enqueue_dma source(%arg10 : memref<64x256xi32, #tpu.memory_space<vmem>>) target(%dma_start3A_156 : memref<64x256xi32, #tpu.memory_space<hbm>>) target_semaphore(%arg18 : memref<!tpu.dma_semaphore, #tpu.memory_space<semaphore_mem>>)
    %dma_wait3A_157 = arith.constant 0 : i32
    %dma_wait3A_158 = tpu.memref_slice %arg5[%mul3A_148, %dma_wait3A_157] : memref<16384x256xi32, #tpu.memory_space<hbm>> -> memref<64x256xi32, #tpu.memory_space<hbm>>
    %dma_wait3A_159 = arith.constant 0 : i32
    %dma_wait3A_160 = tpu.memref_slice %arg5[%mul3A_148, %dma_wait3A_159] : memref<16384x256xi32, #tpu.memory_space<hbm>> -> memref<64x256xi32, #tpu.memory_space<hbm>>
    tpu.wait_dma2 semaphore(%arg16 : memref<!tpu.dma_semaphore, #tpu.memory_space<semaphore_mem>>) src(%arg8 : memref<64x256xi32, #tpu.memory_space<vmem>>) dst(%dma_wait3A_160 : memref<64x256xi32, #tpu.memory_space<hbm>>)
    %dma_wait3A_161 = arith.constant 0 : i32
    %dma_wait3A_162 = tpu.memref_slice %arg6[%mul3A_148, %dma_wait3A_161] : memref<16384x256xi32, #tpu.memory_space<hbm>> -> memref<64x256xi32, #tpu.memory_space<hbm>>
    %dma_wait3A_163 = arith.constant 0 : i32
    %dma_wait3A_164 = tpu.memref_slice %arg6[%mul3A_148, %dma_wait3A_163] : memref<16384x256xi32, #tpu.memory_space<hbm>> -> memref<64x256xi32, #tpu.memory_space<hbm>>
    tpu.wait_dma2 semaphore(%arg18 : memref<!tpu.dma_semaphore, #tpu.memory_space<semaphore_mem>>) src(%arg10 : memref<64x256xi32, #tpu.memory_space<vmem>>) dst(%dma_wait3A_164 : memref<64x256xi32, #tpu.memory_space<hbm>>)
    %dma_start3A_165 = arith.constant 4 : i32
    %dma_start3A_166 = arith.constant 0 : i32
    %dma_start3A_167 = tpu.memref_slice %arg7[%dma_start3A_165, %dma_start3A_166] : memref<8x64xi32, #tpu.memory_space<vmem>> -> memref<1x64xi32, #tpu.memory_space<vmem>>
    %dma_start3A_168 = tpu.memref_squeeze %dma_start3A_167 : memref<1x64xi32, #tpu.memory_space<vmem>> -> memref<64xi32, #tpu.memory_space<vmem>>
    %dma_start3A_169 = arith.constant 0 : i32
    %dma_start3A_170 = arith.constant 0 : i32
    %dma_start3A_171 = tpu.memref_slice %arg2[%dma_start3A_169, %dma_start3A_170] : memref<32768x256xi32, #tpu.memory_space<hbm>> -> memref<32768x256xi32, #tpu.memory_space<hbm>>
    tpu.enqueue_indirect_dma source(%dma_start3A_171 : memref<32768x256xi32, #tpu.memory_space<hbm>>) target(%arg8 : memref<64x256xi32, #tpu.memory_space<vmem>>) offsets(%dma_start3A_168 : memref<64xi32, #tpu.memory_space<vmem>>) semaphore(%arg12 : memref<!tpu.dma_semaphore, #tpu.memory_space<semaphore_mem>>)
    %dma_start3A_172 = arith.constant 4 : i32
    %dma_start3A_173 = arith.constant 0 : i32
    %dma_start3A_174 = tpu.memref_slice %arg7[%dma_start3A_172, %dma_start3A_173] : memref<8x64xi32, #tpu.memory_space<vmem>> -> memref<1x64xi32, #tpu.memory_space<vmem>>
    %dma_start3A_175 = tpu.memref_squeeze %dma_start3A_174 : memref<1x64xi32, #tpu.memory_space<vmem>> -> memref<64xi32, #tpu.memory_space<vmem>>
    %dma_start3A_176 = arith.constant 0 : i32
    %dma_start3A_177 = arith.constant 0 : i32
    %dma_start3A_178 = tpu.memref_slice %arg3[%dma_start3A_176, %dma_start3A_177] : memref<32768x256xi32, #tpu.memory_space<hbm>> -> memref<32768x256xi32, #tpu.memory_space<hbm>>
    tpu.enqueue_indirect_dma source(%dma_start3A_178 : memref<32768x256xi32, #tpu.memory_space<hbm>>) target(%arg10 : memref<64x256xi32, #tpu.memory_space<vmem>>) offsets(%dma_start3A_175 : memref<64xi32, #tpu.memory_space<vmem>>) semaphore(%arg14 : memref<!tpu.dma_semaphore, #tpu.memory_space<semaphore_mem>>)
    %dma_wait3A_179 = arith.constant 3 : i32
    %dma_wait3A_180 = arith.constant 0 : i32
    %dma_wait3A_181 = tpu.memref_slice %arg7[%dma_wait3A_179, %dma_wait3A_180] : memref<8x64xi32, #tpu.memory_space<vmem>> -> memref<1x64xi32, #tpu.memory_space<vmem>>
    %dma_wait3A_182 = tpu.memref_squeeze %dma_wait3A_181 : memref<1x64xi32, #tpu.memory_space<vmem>> -> memref<64xi32, #tpu.memory_space<vmem>>
    %dma_wait3A_183 = arith.constant 0 : i32
    %dma_wait3A_184 = arith.constant 0 : i32
    %dma_wait3A_185 = tpu.memref_slice %arg2[%dma_wait3A_183, %dma_wait3A_184] : memref<32768x256xi32, #tpu.memory_space<hbm>> -> memref<32768x256xi32, #tpu.memory_space<hbm>>
    tpu.wait_indirect_dma semaphore(%arg13 : memref<!tpu.dma_semaphore, #tpu.memory_space<semaphore_mem>>) src(%dma_wait3A_185 : memref<32768x256xi32, #tpu.memory_space<hbm>>) dst(%arg9 : memref<64x256xi32, #tpu.memory_space<vmem>>)
    %dma_wait3A_186 = arith.constant 3 : i32
    %dma_wait3A_187 = arith.constant 0 : i32
    %dma_wait3A_188 = tpu.memref_slice %arg7[%dma_wait3A_186, %dma_wait3A_187] : memref<8x64xi32, #tpu.memory_space<vmem>> -> memref<1x64xi32, #tpu.memory_space<vmem>>
    %dma_wait3A_189 = tpu.memref_squeeze %dma_wait3A_188 : memref<1x64xi32, #tpu.memory_space<vmem>> -> memref<64xi32, #tpu.memory_space<vmem>>
    %dma_wait3A_190 = arith.constant 0 : i32
    %dma_wait3A_191 = arith.constant 0 : i32
    %dma_wait3A_192 = tpu.memref_slice %arg3[%dma_wait3A_190, %dma_wait3A_191] : memref<32768x256xi32, #tpu.memory_space<hbm>> -> memref<32768x256xi32, #tpu.memory_space<hbm>>
    tpu.wait_indirect_dma semaphore(%arg15 : memref<!tpu.dma_semaphore, #tpu.memory_space<semaphore_mem>>) src(%dma_wait3A_192 : memref<32768x256xi32, #tpu.memory_space<hbm>>) dst(%arg11 : memref<64x256xi32, #tpu.memory_space<vmem>>)
    %mul3A_193 = arith.constant 8 : i32
    %mul3A_194 = arith.muli %add3A, %mul3A_193 : i32
    %add3A_195 = arith.constant 3 : i32
    %add3A_196 = arith.addi %mul3A_194, %add3A_195 : i32
    %mul3A_197 = arith.constant 64 : i32
    %mul3A_198 = arith.muli %add3A_196, %mul3A_197 : i32
    %dma_start3A_199 = arith.constant 0 : i32
    %dma_start3A_200 = tpu.memref_slice %arg5[%mul3A_198, %dma_start3A_199] : memref<16384x256xi32, #tpu.memory_space<hbm>> -> memref<64x256xi32, #tpu.memory_space<hbm>>
    %dma_start3A_201 = arith.constant 0 : i32
    %dma_start3A_202 = tpu.memref_slice %arg5[%mul3A_198, %dma_start3A_201] : memref<16384x256xi32, #tpu.memory_space<hbm>> -> memref<64x256xi32, #tpu.memory_space<hbm>>
    tpu.enqueue_dma source(%arg9 : memref<64x256xi32, #tpu.memory_space<vmem>>) target(%dma_start3A_202 : memref<64x256xi32, #tpu.memory_space<hbm>>) target_semaphore(%arg17 : memref<!tpu.dma_semaphore, #tpu.memory_space<semaphore_mem>>)
    %dma_start3A_203 = arith.constant 0 : i32
    %dma_start3A_204 = tpu.memref_slice %arg6[%mul3A_198, %dma_start3A_203] : memref<16384x256xi32, #tpu.memory_space<hbm>> -> memref<64x256xi32, #tpu.memory_space<hbm>>
    %dma_start3A_205 = arith.constant 0 : i32
    %dma_start3A_206 = tpu.memref_slice %arg6[%mul3A_198, %dma_start3A_205] : memref<16384x256xi32, #tpu.memory_space<hbm>> -> memref<64x256xi32, #tpu.memory_space<hbm>>
    tpu.enqueue_dma source(%arg11 : memref<64x256xi32, #tpu.memory_space<vmem>>) target(%dma_start3A_206 : memref<64x256xi32, #tpu.memory_space<hbm>>) target_semaphore(%arg19 : memref<!tpu.dma_semaphore, #tpu.memory_space<semaphore_mem>>)
    %dma_wait3A_207 = arith.constant 0 : i32
    %dma_wait3A_208 = tpu.memref_slice %arg5[%mul3A_198, %dma_wait3A_207] : memref<16384x256xi32, #tpu.memory_space<hbm>> -> memref<64x256xi32, #tpu.memory_space<hbm>>
    %dma_wait3A_209 = arith.constant 0 : i32
    %dma_wait3A_210 = tpu.memref_slice %arg5[%mul3A_198, %dma_wait3A_209] : memref<16384x256xi32, #tpu.memory_space<hbm>> -> memref<64x256xi32, #tpu.memory_space<hbm>>
    tpu.wait_dma2 semaphore(%arg17 : memref<!tpu.dma_semaphore, #tpu.memory_space<semaphore_mem>>) src(%arg9 : memref<64x256xi32, #tpu.memory_space<vmem>>) dst(%dma_wait3A_210 : memref<64x256xi32, #tpu.memory_space<hbm>>)
    %dma_wait3A_211 = arith.constant 0 : i32
    %dma_wait3A_212 = tpu.memref_slice %arg6[%mul3A_198, %dma_wait3A_211] : memref<16384x256xi32, #tpu.memory_space<hbm>> -> memref<64x256xi32, #tpu.memory_space<hbm>>
    %dma_wait3A_213 = arith.constant 0 : i32
    %dma_wait3A_214 = tpu.memref_slice %arg6[%mul3A_198, %dma_wait3A_213] : memref<16384x256xi32, #tpu.memory_space<hbm>> -> memref<64x256xi32, #tpu.memory_space<hbm>>
    tpu.wait_dma2 semaphore(%arg19 : memref<!tpu.dma_semaphore, #tpu.memory_space<semaphore_mem>>) src(%arg11 : memref<64x256xi32, #tpu.memory_space<vmem>>) dst(%dma_wait3A_214 : memref<64x256xi32, #tpu.memory_space<hbm>>)
    %dma_start3A_215 = arith.constant 5 : i32
    %dma_start3A_216 = arith.constant 0 : i32
    %dma_start3A_217 = tpu.memref_slice %arg7[%dma_start3A_215, %dma_start3A_216] : memref<8x64xi32, #tpu.memory_space<vmem>> -> memref<1x64xi32, #tpu.memory_space<vmem>>
    %dma_start3A_218 = tpu.memref_squeeze %dma_start3A_217 : memref<1x64xi32, #tpu.memory_space<vmem>> -> memref<64xi32, #tpu.memory_space<vmem>>
    %dma_start3A_219 = arith.constant 0 : i32
    %dma_start3A_220 = arith.constant 0 : i32
    %dma_start3A_221 = tpu.memref_slice %arg2[%dma_start3A_219, %dma_start3A_220] : memref<32768x256xi32, #tpu.memory_space<hbm>> -> memref<32768x256xi32, #tpu.memory_space<hbm>>
    tpu.enqueue_indirect_dma source(%dma_start3A_221 : memref<32768x256xi32, #tpu.memory_space<hbm>>) target(%arg9 : memref<64x256xi32, #tpu.memory_space<vmem>>) offsets(%dma_start3A_218 : memref<64xi32, #tpu.memory_space<vmem>>) semaphore(%arg13 : memref<!tpu.dma_semaphore, #tpu.memory_space<semaphore_mem>>)
    %dma_start3A_222 = arith.constant 5 : i32
    %dma_start3A_223 = arith.constant 0 : i32
    %dma_start3A_224 = tpu.memref_slice %arg7[%dma_start3A_222, %dma_start3A_223] : memref<8x64xi32, #tpu.memory_space<vmem>> -> memref<1x64xi32, #tpu.memory_space<vmem>>
    %dma_start3A_225 = tpu.memref_squeeze %dma_start3A_224 : memref<1x64xi32, #tpu.memory_space<vmem>> -> memref<64xi32, #tpu.memory_space<vmem>>
    %dma_start3A_226 = arith.constant 0 : i32
    %dma_start3A_227 = arith.constant 0 : i32
    %dma_start3A_228 = tpu.memref_slice %arg3[%dma_start3A_226, %dma_start3A_227] : memref<32768x256xi32, #tpu.memory_space<hbm>> -> memref<32768x256xi32, #tpu.memory_space<hbm>>
    tpu.enqueue_indirect_dma source(%dma_start3A_228 : memref<32768x256xi32, #tpu.memory_space<hbm>>) target(%arg11 : memref<64x256xi32, #tpu.memory_space<vmem>>) offsets(%dma_start3A_225 : memref<64xi32, #tpu.memory_space<vmem>>) semaphore(%arg15 : memref<!tpu.dma_semaphore, #tpu.memory_space<semaphore_mem>>)
    %dma_wait3A_229 = arith.constant 4 : i32
    %dma_wait3A_230 = arith.constant 0 : i32
    %dma_wait3A_231 = tpu.memref_slice %arg7[%dma_wait3A_229, %dma_wait3A_230] : memref<8x64xi32, #tpu.memory_space<vmem>> -> memref<1x64xi32, #tpu.memory_space<vmem>>
    %dma_wait3A_232 = tpu.memref_squeeze %dma_wait3A_231 : memref<1x64xi32, #tpu.memory_space<vmem>> -> memref<64xi32, #tpu.memory_space<vmem>>
    %dma_wait3A_233 = arith.constant 0 : i32
    %dma_wait3A_234 = arith.constant 0 : i32
    %dma_wait3A_235 = tpu.memref_slice %arg2[%dma_wait3A_233, %dma_wait3A_234] : memref<32768x256xi32, #tpu.memory_space<hbm>> -> memref<32768x256xi32, #tpu.memory_space<hbm>>
    tpu.wait_indirect_dma semaphore(%arg12 : memref<!tpu.dma_semaphore, #tpu.memory_space<semaphore_mem>>) src(%dma_wait3A_235 : memref<32768x256xi32, #tpu.memory_space<hbm>>) dst(%arg8 : memref<64x256xi32, #tpu.memory_space<vmem>>)
    %dma_wait3A_236 = arith.constant 4 : i32
    %dma_wait3A_237 = arith.constant 0 : i32
    %dma_wait3A_238 = tpu.memref_slice %arg7[%dma_wait3A_236, %dma_wait3A_237] : memref<8x64xi32, #tpu.memory_space<vmem>> -> memref<1x64xi32, #tpu.memory_space<vmem>>
    %dma_wait3A_239 = tpu.memref_squeeze %dma_wait3A_238 : memref<1x64xi32, #tpu.memory_space<vmem>> -> memref<64xi32, #tpu.memory_space<vmem>>
    %dma_wait3A_240 = arith.constant 0 : i32
    %dma_wait3A_241 = arith.constant 0 : i32
    %dma_wait3A_242 = tpu.memref_slice %arg3[%dma_wait3A_240, %dma_wait3A_241] : memref<32768x256xi32, #tpu.memory_space<hbm>> -> memref<32768x256xi32, #tpu.memory_space<hbm>>
    tpu.wait_indirect_dma semaphore(%arg14 : memref<!tpu.dma_semaphore, #tpu.memory_space<semaphore_mem>>) src(%dma_wait3A_242 : memref<32768x256xi32, #tpu.memory_space<hbm>>) dst(%arg10 : memref<64x256xi32, #tpu.memory_space<vmem>>)
    %mul3A_243 = arith.constant 8 : i32
    %mul3A_244 = arith.muli %add3A, %mul3A_243 : i32
    %add3A_245 = arith.constant 4 : i32
    %add3A_246 = arith.addi %mul3A_244, %add3A_245 : i32
    %mul3A_247 = arith.constant 64 : i32
    %mul3A_248 = arith.muli %add3A_246, %mul3A_247 : i32
    %dma_start3A_249 = arith.constant 0 : i32
    %dma_start3A_250 = tpu.memref_slice %arg5[%mul3A_248, %dma_start3A_249] : memref<16384x256xi32, #tpu.memory_space<hbm>> -> memref<64x256xi32, #tpu.memory_space<hbm>>
    %dma_start3A_251 = arith.constant 0 : i32
    %dma_start3A_252 = tpu.memref_slice %arg5[%mul3A_248, %dma_start3A_251] : memref<16384x256xi32, #tpu.memory_space<hbm>> -> memref<64x256xi32, #tpu.memory_space<hbm>>
    tpu.enqueue_dma source(%arg8 : memref<64x256xi32, #tpu.memory_space<vmem>>) target(%dma_start3A_252 : memref<64x256xi32, #tpu.memory_space<hbm>>) target_semaphore(%arg16 : memref<!tpu.dma_semaphore, #tpu.memory_space<semaphore_mem>>)
    %dma_start3A_253 = arith.constant 0 : i32
    %dma_start3A_254 = tpu.memref_slice %arg6[%mul3A_248, %dma_start3A_253] : memref<16384x256xi32, #tpu.memory_space<hbm>> -> memref<64x256xi32, #tpu.memory_space<hbm>>
    %dma_start3A_255 = arith.constant 0 : i32
    %dma_start3A_256 = tpu.memref_slice %arg6[%mul3A_248, %dma_start3A_255] : memref<16384x256xi32, #tpu.memory_space<hbm>> -> memref<64x256xi32, #tpu.memory_space<hbm>>
    tpu.enqueue_dma source(%arg10 : memref<64x256xi32, #tpu.memory_space<vmem>>) target(%dma_start3A_256 : memref<64x256xi32, #tpu.memory_space<hbm>>) target_semaphore(%arg18 : memref<!tpu.dma_semaphore, #tpu.memory_space<semaphore_mem>>)
    %dma_wait3A_257 = arith.constant 0 : i32
    %dma_wait3A_258 = tpu.memref_slice %arg5[%mul3A_248, %dma_wait3A_257] : memref<16384x256xi32, #tpu.memory_space<hbm>> -> memref<64x256xi32, #tpu.memory_space<hbm>>
    %dma_wait3A_259 = arith.constant 0 : i32
    %dma_wait3A_260 = tpu.memref_slice %arg5[%mul3A_248, %dma_wait3A_259] : memref<16384x256xi32, #tpu.memory_space<hbm>> -> memref<64x256xi32, #tpu.memory_space<hbm>>
    tpu.wait_dma2 semaphore(%arg16 : memref<!tpu.dma_semaphore, #tpu.memory_space<semaphore_mem>>) src(%arg8 : memref<64x256xi32, #tpu.memory_space<vmem>>) dst(%dma_wait3A_260 : memref<64x256xi32, #tpu.memory_space<hbm>>)
    %dma_wait3A_261 = arith.constant 0 : i32
    %dma_wait3A_262 = tpu.memref_slice %arg6[%mul3A_248, %dma_wait3A_261] : memref<16384x256xi32, #tpu.memory_space<hbm>> -> memref<64x256xi32, #tpu.memory_space<hbm>>
    %dma_wait3A_263 = arith.constant 0 : i32
    %dma_wait3A_264 = tpu.memref_slice %arg6[%mul3A_248, %dma_wait3A_263] : memref<16384x256xi32, #tpu.memory_space<hbm>> -> memref<64x256xi32, #tpu.memory_space<hbm>>
    tpu.wait_dma2 semaphore(%arg18 : memref<!tpu.dma_semaphore, #tpu.memory_space<semaphore_mem>>) src(%arg10 : memref<64x256xi32, #tpu.memory_space<vmem>>) dst(%dma_wait3A_264 : memref<64x256xi32, #tpu.memory_space<hbm>>)
    %dma_start3A_265 = arith.constant 6 : i32
    %dma_start3A_266 = arith.constant 0 : i32
    %dma_start3A_267 = tpu.memref_slice %arg7[%dma_start3A_265, %dma_start3A_266] : memref<8x64xi32, #tpu.memory_space<vmem>> -> memref<1x64xi32, #tpu.memory_space<vmem>>
    %dma_start3A_268 = tpu.memref_squeeze %dma_start3A_267 : memref<1x64xi32, #tpu.memory_space<vmem>> -> memref<64xi32, #tpu.memory_space<vmem>>
    %dma_start3A_269 = arith.constant 0 : i32
    %dma_start3A_270 = arith.constant 0 : i32
    %dma_start3A_271 = tpu.memref_slice %arg2[%dma_start3A_269, %dma_start3A_270] : memref<32768x256xi32, #tpu.memory_space<hbm>> -> memref<32768x256xi32, #tpu.memory_space<hbm>>
    tpu.enqueue_indirect_dma source(%dma_start3A_271 : memref<32768x256xi32, #tpu.memory_space<hbm>>) target(%arg8 : memref<64x256xi32, #tpu.memory_space<vmem>>) offsets(%dma_start3A_268 : memref<64xi32, #tpu.memory_space<vmem>>) semaphore(%arg12 : memref<!tpu.dma_semaphore, #tpu.memory_space<semaphore_mem>>)
    %dma_start3A_272 = arith.constant 6 : i32
    %dma_start3A_273 = arith.constant 0 : i32
    %dma_start3A_274 = tpu.memref_slice %arg7[%dma_start3A_272, %dma_start3A_273] : memref<8x64xi32, #tpu.memory_space<vmem>> -> memref<1x64xi32, #tpu.memory_space<vmem>>
    %dma_start3A_275 = tpu.memref_squeeze %dma_start3A_274 : memref<1x64xi32, #tpu.memory_space<vmem>> -> memref<64xi32, #tpu.memory_space<vmem>>
    %dma_start3A_276 = arith.constant 0 : i32
    %dma_start3A_277 = arith.constant 0 : i32
    %dma_start3A_278 = tpu.memref_slice %arg3[%dma_start3A_276, %dma_start3A_277] : memref<32768x256xi32, #tpu.memory_space<hbm>> -> memref<32768x256xi32, #tpu.memory_space<hbm>>
    tpu.enqueue_indirect_dma source(%dma_start3A_278 : memref<32768x256xi32, #tpu.memory_space<hbm>>) target(%arg10 : memref<64x256xi32, #tpu.memory_space<vmem>>) offsets(%dma_start3A_275 : memref<64xi32, #tpu.memory_space<vmem>>) semaphore(%arg14 : memref<!tpu.dma_semaphore, #tpu.memory_space<semaphore_mem>>)
    %dma_wait3A_279 = arith.constant 5 : i32
    %dma_wait3A_280 = arith.constant 0 : i32
    %dma_wait3A_281 = tpu.memref_slice %arg7[%dma_wait3A_279, %dma_wait3A_280] : memref<8x64xi32, #tpu.memory_space<vmem>> -> memref<1x64xi32, #tpu.memory_space<vmem>>
    %dma_wait3A_282 = tpu.memref_squeeze %dma_wait3A_281 : memref<1x64xi32, #tpu.memory_space<vmem>> -> memref<64xi32, #tpu.memory_space<vmem>>
    %dma_wait3A_283 = arith.constant 0 : i32
    %dma_wait3A_284 = arith.constant 0 : i32
    %dma_wait3A_285 = tpu.memref_slice %arg2[%dma_wait3A_283, %dma_wait3A_284] : memref<32768x256xi32, #tpu.memory_space<hbm>> -> memref<32768x256xi32, #tpu.memory_space<hbm>>
    tpu.wait_indirect_dma semaphore(%arg13 : memref<!tpu.dma_semaphore, #tpu.memory_space<semaphore_mem>>) src(%dma_wait3A_285 : memref<32768x256xi32, #tpu.memory_space<hbm>>) dst(%arg9 : memref<64x256xi32, #tpu.memory_space<vmem>>)
    %dma_wait3A_286 = arith.constant 5 : i32
    %dma_wait3A_287 = arith.constant 0 : i32
    %dma_wait3A_288 = tpu.memref_slice %arg7[%dma_wait3A_286, %dma_wait3A_287] : memref<8x64xi32, #tpu.memory_space<vmem>> -> memref<1x64xi32, #tpu.memory_space<vmem>>
    %dma_wait3A_289 = tpu.memref_squeeze %dma_wait3A_288 : memref<1x64xi32, #tpu.memory_space<vmem>> -> memref<64xi32, #tpu.memory_space<vmem>>
    %dma_wait3A_290 = arith.constant 0 : i32
    %dma_wait3A_291 = arith.constant 0 : i32
    %dma_wait3A_292 = tpu.memref_slice %arg3[%dma_wait3A_290, %dma_wait3A_291] : memref<32768x256xi32, #tpu.memory_space<hbm>> -> memref<32768x256xi32, #tpu.memory_space<hbm>>
    tpu.wait_indirect_dma semaphore(%arg15 : memref<!tpu.dma_semaphore, #tpu.memory_space<semaphore_mem>>) src(%dma_wait3A_292 : memref<32768x256xi32, #tpu.memory_space<hbm>>) dst(%arg11 : memref<64x256xi32, #tpu.memory_space<vmem>>)
    %mul3A_293 = arith.constant 8 : i32
    %mul3A_294 = arith.muli %add3A, %mul3A_293 : i32
    %add3A_295 = arith.constant 5 : i32
    %add3A_296 = arith.addi %mul3A_294, %add3A_295 : i32
    %mul3A_297 = arith.constant 64 : i32
    %mul3A_298 = arith.muli %add3A_296, %mul3A_297 : i32
    %dma_start3A_299 = arith.constant 0 : i32
    %dma_start3A_300 = tpu.memref_slice %arg5[%mul3A_298, %dma_start3A_299] : memref<16384x256xi32, #tpu.memory_space<hbm>> -> memref<64x256xi32, #tpu.memory_space<hbm>>
    %dma_start3A_301 = arith.constant 0 : i32
    %dma_start3A_302 = tpu.memref_slice %arg5[%mul3A_298, %dma_start3A_301] : memref<16384x256xi32, #tpu.memory_space<hbm>> -> memref<64x256xi32, #tpu.memory_space<hbm>>
    tpu.enqueue_dma source(%arg9 : memref<64x256xi32, #tpu.memory_space<vmem>>) target(%dma_start3A_302 : memref<64x256xi32, #tpu.memory_space<hbm>>) target_semaphore(%arg17 : memref<!tpu.dma_semaphore, #tpu.memory_space<semaphore_mem>>)
    %dma_start3A_303 = arith.constant 0 : i32
    %dma_start3A_304 = tpu.memref_slice %arg6[%mul3A_298, %dma_start3A_303] : memref<16384x256xi32, #tpu.memory_space<hbm>> -> memref<64x256xi32, #tpu.memory_space<hbm>>
    %dma_start3A_305 = arith.constant 0 : i32
    %dma_start3A_306 = tpu.memref_slice %arg6[%mul3A_298, %dma_start3A_305] : memref<16384x256xi32, #tpu.memory_space<hbm>> -> memref<64x256xi32, #tpu.memory_space<hbm>>
    tpu.enqueue_dma source(%arg11 : memref<64x256xi32, #tpu.memory_space<vmem>>) target(%dma_start3A_306 : memref<64x256xi32, #tpu.memory_space<hbm>>) target_semaphore(%arg19 : memref<!tpu.dma_semaphore, #tpu.memory_space<semaphore_mem>>)
    %dma_wait3A_307 = arith.constant 0 : i32
    %dma_wait3A_308 = tpu.memref_slice %arg5[%mul3A_298, %dma_wait3A_307] : memref<16384x256xi32, #tpu.memory_space<hbm>> -> memref<64x256xi32, #tpu.memory_space<hbm>>
    %dma_wait3A_309 = arith.constant 0 : i32
    %dma_wait3A_310 = tpu.memref_slice %arg5[%mul3A_298, %dma_wait3A_309] : memref<16384x256xi32, #tpu.memory_space<hbm>> -> memref<64x256xi32, #tpu.memory_space<hbm>>
    tpu.wait_dma2 semaphore(%arg17 : memref<!tpu.dma_semaphore, #tpu.memory_space<semaphore_mem>>) src(%arg9 : memref<64x256xi32, #tpu.memory_space<vmem>>) dst(%dma_wait3A_310 : memref<64x256xi32, #tpu.memory_space<hbm>>)
    %dma_wait3A_311 = arith.constant 0 : i32
    %dma_wait3A_312 = tpu.memref_slice %arg6[%mul3A_298, %dma_wait3A_311] : memref<16384x256xi32, #tpu.memory_space<hbm>> -> memref<64x256xi32, #tpu.memory_space<hbm>>
    %dma_wait3A_313 = arith.constant 0 : i32
    %dma_wait3A_314 = tpu.memref_slice %arg6[%mul3A_298, %dma_wait3A_313] : memref<16384x256xi32, #tpu.memory_space<hbm>> -> memref<64x256xi32, #tpu.memory_space<hbm>>
    tpu.wait_dma2 semaphore(%arg19 : memref<!tpu.dma_semaphore, #tpu.memory_space<semaphore_mem>>) src(%arg11 : memref<64x256xi32, #tpu.memory_space<vmem>>) dst(%dma_wait3A_314 : memref<64x256xi32, #tpu.memory_space<hbm>>)
    %dma_start3A_315 = arith.constant 7 : i32
    %dma_start3A_316 = arith.constant 0 : i32
    %dma_start3A_317 = tpu.memref_slice %arg7[%dma_start3A_315, %dma_start3A_316] : memref<8x64xi32, #tpu.memory_space<vmem>> -> memref<1x64xi32, #tpu.memory_space<vmem>>
    %dma_start3A_318 = tpu.memref_squeeze %dma_start3A_317 : memref<1x64xi32, #tpu.memory_space<vmem>> -> memref<64xi32, #tpu.memory_space<vmem>>
    %dma_start3A_319 = arith.constant 0 : i32
    %dma_start3A_320 = arith.constant 0 : i32
    %dma_start3A_321 = tpu.memref_slice %arg2[%dma_start3A_319, %dma_start3A_320] : memref<32768x256xi32, #tpu.memory_space<hbm>> -> memref<32768x256xi32, #tpu.memory_space<hbm>>
    tpu.enqueue_indirect_dma source(%dma_start3A_321 : memref<32768x256xi32, #tpu.memory_space<hbm>>) target(%arg9 : memref<64x256xi32, #tpu.memory_space<vmem>>) offsets(%dma_start3A_318 : memref<64xi32, #tpu.memory_space<vmem>>) semaphore(%arg13 : memref<!tpu.dma_semaphore, #tpu.memory_space<semaphore_mem>>)
    %dma_start3A_322 = arith.constant 7 : i32
    %dma_start3A_323 = arith.constant 0 : i32
    %dma_start3A_324 = tpu.memref_slice %arg7[%dma_start3A_322, %dma_start3A_323] : memref<8x64xi32, #tpu.memory_space<vmem>> -> memref<1x64xi32, #tpu.memory_space<vmem>>
    %dma_start3A_325 = tpu.memref_squeeze %dma_start3A_324 : memref<1x64xi32, #tpu.memory_space<vmem>> -> memref<64xi32, #tpu.memory_space<vmem>>
    %dma_start3A_326 = arith.constant 0 : i32
    %dma_start3A_327 = arith.constant 0 : i32
    %dma_start3A_328 = tpu.memref_slice %arg3[%dma_start3A_326, %dma_start3A_327] : memref<32768x256xi32, #tpu.memory_space<hbm>> -> memref<32768x256xi32, #tpu.memory_space<hbm>>
    tpu.enqueue_indirect_dma source(%dma_start3A_328 : memref<32768x256xi32, #tpu.memory_space<hbm>>) target(%arg11 : memref<64x256xi32, #tpu.memory_space<vmem>>) offsets(%dma_start3A_325 : memref<64xi32, #tpu.memory_space<vmem>>) semaphore(%arg15 : memref<!tpu.dma_semaphore, #tpu.memory_space<semaphore_mem>>)
    %dma_wait3A_329 = arith.constant 6 : i32
    %dma_wait3A_330 = arith.constant 0 : i32
    %dma_wait3A_331 = tpu.memref_slice %arg7[%dma_wait3A_329, %dma_wait3A_330] : memref<8x64xi32, #tpu.memory_space<vmem>> -> memref<1x64xi32, #tpu.memory_space<vmem>>
    %dma_wait3A_332 = tpu.memref_squeeze %dma_wait3A_331 : memref<1x64xi32, #tpu.memory_space<vmem>> -> memref<64xi32, #tpu.memory_space<vmem>>
    %dma_wait3A_333 = arith.constant 0 : i32
    %dma_wait3A_334 = arith.constant 0 : i32
    %dma_wait3A_335 = tpu.memref_slice %arg2[%dma_wait3A_333, %dma_wait3A_334] : memref<32768x256xi32, #tpu.memory_space<hbm>> -> memref<32768x256xi32, #tpu.memory_space<hbm>>
    tpu.wait_indirect_dma semaphore(%arg12 : memref<!tpu.dma_semaphore, #tpu.memory_space<semaphore_mem>>) src(%dma_wait3A_335 : memref<32768x256xi32, #tpu.memory_space<hbm>>) dst(%arg8 : memref<64x256xi32, #tpu.memory_space<vmem>>)
    %dma_wait3A_336 = arith.constant 6 : i32
    %dma_wait3A_337 = arith.constant 0 : i32
    %dma_wait3A_338 = tpu.memref_slice %arg7[%dma_wait3A_336, %dma_wait3A_337] : memref<8x64xi32, #tpu.memory_space<vmem>> -> memref<1x64xi32, #tpu.memory_space<vmem>>
    %dma_wait3A_339 = tpu.memref_squeeze %dma_wait3A_338 : memref<1x64xi32, #tpu.memory_space<vmem>> -> memref<64xi32, #tpu.memory_space<vmem>>
    %dma_wait3A_340 = arith.constant 0 : i32
    %dma_wait3A_341 = arith.constant 0 : i32
    %dma_wait3A_342 = tpu.memref_slice %arg3[%dma_wait3A_340, %dma_wait3A_341] : memref<32768x256xi32, #tpu.memory_space<hbm>> -> memref<32768x256xi32, #tpu.memory_space<hbm>>
    tpu.wait_indirect_dma semaphore(%arg14 : memref<!tpu.dma_semaphore, #tpu.memory_space<semaphore_mem>>) src(%dma_wait3A_342 : memref<32768x256xi32, #tpu.memory_space<hbm>>) dst(%arg10 : memref<64x256xi32, #tpu.memory_space<vmem>>)
    %mul3A_343 = arith.constant 8 : i32
    %mul3A_344 = arith.muli %add3A, %mul3A_343 : i32
    %add3A_345 = arith.constant 6 : i32
    %add3A_346 = arith.addi %mul3A_344, %add3A_345 : i32
    %mul3A_347 = arith.constant 64 : i32
    %mul3A_348 = arith.muli %add3A_346, %mul3A_347 : i32
    %dma_start3A_349 = arith.constant 0 : i32
    %dma_start3A_350 = tpu.memref_slice %arg5[%mul3A_348, %dma_start3A_349] : memref<16384x256xi32, #tpu.memory_space<hbm>> -> memref<64x256xi32, #tpu.memory_space<hbm>>
    %dma_start3A_351 = arith.constant 0 : i32
    %dma_start3A_352 = tpu.memref_slice %arg5[%mul3A_348, %dma_start3A_351] : memref<16384x256xi32, #tpu.memory_space<hbm>> -> memref<64x256xi32, #tpu.memory_space<hbm>>
    tpu.enqueue_dma source(%arg8 : memref<64x256xi32, #tpu.memory_space<vmem>>) target(%dma_start3A_352 : memref<64x256xi32, #tpu.memory_space<hbm>>) target_semaphore(%arg16 : memref<!tpu.dma_semaphore, #tpu.memory_space<semaphore_mem>>)
    %dma_start3A_353 = arith.constant 0 : i32
    %dma_start3A_354 = tpu.memref_slice %arg6[%mul3A_348, %dma_start3A_353] : memref<16384x256xi32, #tpu.memory_space<hbm>> -> memref<64x256xi32, #tpu.memory_space<hbm>>
    %dma_start3A_355 = arith.constant 0 : i32
    %dma_start3A_356 = tpu.memref_slice %arg6[%mul3A_348, %dma_start3A_355] : memref<16384x256xi32, #tpu.memory_space<hbm>> -> memref<64x256xi32, #tpu.memory_space<hbm>>
    tpu.enqueue_dma source(%arg10 : memref<64x256xi32, #tpu.memory_space<vmem>>) target(%dma_start3A_356 : memref<64x256xi32, #tpu.memory_space<hbm>>) target_semaphore(%arg18 : memref<!tpu.dma_semaphore, #tpu.memory_space<semaphore_mem>>)
    %dma_wait3A_357 = arith.constant 7 : i32
    %dma_wait3A_358 = arith.constant 0 : i32
    %dma_wait3A_359 = tpu.memref_slice %arg7[%dma_wait3A_357, %dma_wait3A_358] : memref<8x64xi32, #tpu.memory_space<vmem>> -> memref<1x64xi32, #tpu.memory_space<vmem>>
    %dma_wait3A_360 = tpu.memref_squeeze %dma_wait3A_359 : memref<1x64xi32, #tpu.memory_space<vmem>> -> memref<64xi32, #tpu.memory_space<vmem>>
    %dma_wait3A_361 = arith.constant 0 : i32
    %dma_wait3A_362 = arith.constant 0 : i32
    %dma_wait3A_363 = tpu.memref_slice %arg2[%dma_wait3A_361, %dma_wait3A_362] : memref<32768x256xi32, #tpu.memory_space<hbm>> -> memref<32768x256xi32, #tpu.memory_space<hbm>>
    tpu.wait_indirect_dma semaphore(%arg13 : memref<!tpu.dma_semaphore, #tpu.memory_space<semaphore_mem>>) src(%dma_wait3A_363 : memref<32768x256xi32, #tpu.memory_space<hbm>>) dst(%arg9 : memref<64x256xi32, #tpu.memory_space<vmem>>)
    %dma_wait3A_364 = arith.constant 7 : i32
    %dma_wait3A_365 = arith.constant 0 : i32
    %dma_wait3A_366 = tpu.memref_slice %arg7[%dma_wait3A_364, %dma_wait3A_365] : memref<8x64xi32, #tpu.memory_space<vmem>> -> memref<1x64xi32, #tpu.memory_space<vmem>>
    %dma_wait3A_367 = tpu.memref_squeeze %dma_wait3A_366 : memref<1x64xi32, #tpu.memory_space<vmem>> -> memref<64xi32, #tpu.memory_space<vmem>>
    %dma_wait3A_368 = arith.constant 0 : i32
    %dma_wait3A_369 = arith.constant 0 : i32
    %dma_wait3A_370 = tpu.memref_slice %arg3[%dma_wait3A_368, %dma_wait3A_369] : memref<32768x256xi32, #tpu.memory_space<hbm>> -> memref<32768x256xi32, #tpu.memory_space<hbm>>
    tpu.wait_indirect_dma semaphore(%arg15 : memref<!tpu.dma_semaphore, #tpu.memory_space<semaphore_mem>>) src(%dma_wait3A_370 : memref<32768x256xi32, #tpu.memory_space<hbm>>) dst(%arg11 : memref<64x256xi32, #tpu.memory_space<vmem>>)
    %mul3A_371 = arith.constant 8 : i32
    %mul3A_372 = arith.muli %add3A, %mul3A_371 : i32
    %add3A_373 = arith.constant 7 : i32
    %add3A_374 = arith.addi %mul3A_372, %add3A_373 : i32
    %mul3A_375 = arith.constant 64 : i32
    %mul3A_376 = arith.muli %add3A_374, %mul3A_375 : i32
    %dma_start3A_377 = arith.constant 0 : i32
    %dma_start3A_378 = tpu.memref_slice %arg5[%mul3A_376, %dma_start3A_377] : memref<16384x256xi32, #tpu.memory_space<hbm>> -> memref<64x256xi32, #tpu.memory_space<hbm>>
    %dma_start3A_379 = arith.constant 0 : i32
    %dma_start3A_380 = tpu.memref_slice %arg5[%mul3A_376, %dma_start3A_379] : memref<16384x256xi32, #tpu.memory_space<hbm>> -> memref<64x256xi32, #tpu.memory_space<hbm>>
    tpu.enqueue_dma source(%arg9 : memref<64x256xi32, #tpu.memory_space<vmem>>) target(%dma_start3A_380 : memref<64x256xi32, #tpu.memory_space<hbm>>) target_semaphore(%arg17 : memref<!tpu.dma_semaphore, #tpu.memory_space<semaphore_mem>>)
    %dma_start3A_381 = arith.constant 0 : i32
    %dma_start3A_382 = tpu.memref_slice %arg6[%mul3A_376, %dma_start3A_381] : memref<16384x256xi32, #tpu.memory_space<hbm>> -> memref<64x256xi32, #tpu.memory_space<hbm>>
    %dma_start3A_383 = arith.constant 0 : i32
    %dma_start3A_384 = tpu.memref_slice %arg6[%mul3A_376, %dma_start3A_383] : memref<16384x256xi32, #tpu.memory_space<hbm>> -> memref<64x256xi32, #tpu.memory_space<hbm>>
    tpu.enqueue_dma source(%arg11 : memref<64x256xi32, #tpu.memory_space<vmem>>) target(%dma_start3A_384 : memref<64x256xi32, #tpu.memory_space<hbm>>) target_semaphore(%arg19 : memref<!tpu.dma_semaphore, #tpu.memory_space<semaphore_mem>>)
    %dma_wait3A_385 = arith.constant 0 : i32
    %dma_wait3A_386 = tpu.memref_slice %arg5[%mul3A_348, %dma_wait3A_385] : memref<16384x256xi32, #tpu.memory_space<hbm>> -> memref<64x256xi32, #tpu.memory_space<hbm>>
    %dma_wait3A_387 = arith.constant 0 : i32
    %dma_wait3A_388 = tpu.memref_slice %arg5[%mul3A_348, %dma_wait3A_387] : memref<16384x256xi32, #tpu.memory_space<hbm>> -> memref<64x256xi32, #tpu.memory_space<hbm>>
    tpu.wait_dma2 semaphore(%arg16 : memref<!tpu.dma_semaphore, #tpu.memory_space<semaphore_mem>>) src(%arg8 : memref<64x256xi32, #tpu.memory_space<vmem>>) dst(%dma_wait3A_388 : memref<64x256xi32, #tpu.memory_space<hbm>>)
    %dma_wait3A_389 = arith.constant 0 : i32
    %dma_wait3A_390 = tpu.memref_slice %arg6[%mul3A_348, %dma_wait3A_389] : memref<16384x256xi32, #tpu.memory_space<hbm>> -> memref<64x256xi32, #tpu.memory_space<hbm>>
    %dma_wait3A_391 = arith.constant 0 : i32
    %dma_wait3A_392 = tpu.memref_slice %arg6[%mul3A_348, %dma_wait3A_391] : memref<16384x256xi32, #tpu.memory_space<hbm>> -> memref<64x256xi32, #tpu.memory_space<hbm>>
    tpu.wait_dma2 semaphore(%arg18 : memref<!tpu.dma_semaphore, #tpu.memory_space<semaphore_mem>>) src(%arg10 : memref<64x256xi32, #tpu.memory_space<vmem>>) dst(%dma_wait3A_392 : memref<64x256xi32, #tpu.memory_space<hbm>>)
    %dma_wait3A_393 = arith.constant 0 : i32
    %dma_wait3A_394 = tpu.memref_slice %arg5[%mul3A_376, %dma_wait3A_393] : memref<16384x256xi32, #tpu.memory_space<hbm>> -> memref<64x256xi32, #tpu.memory_space<hbm>>
    %dma_wait3A_395 = arith.constant 0 : i32
    %dma_wait3A_396 = tpu.memref_slice %arg5[%mul3A_376, %dma_wait3A_395] : memref<16384x256xi32, #tpu.memory_space<hbm>> -> memref<64x256xi32, #tpu.memory_space<hbm>>
    tpu.wait_dma2 semaphore(%arg17 : memref<!tpu.dma_semaphore, #tpu.memory_space<semaphore_mem>>) src(%arg9 : memref<64x256xi32, #tpu.memory_space<vmem>>) dst(%dma_wait3A_396 : memref<64x256xi32, #tpu.memory_space<hbm>>)
    %dma_wait3A_397 = arith.constant 0 : i32
    %dma_wait3A_398 = tpu.memref_slice %arg6[%mul3A_376, %dma_wait3A_397] : memref<16384x256xi32, #tpu.memory_space<hbm>> -> memref<64x256xi32, #tpu.memory_space<hbm>>
    %dma_wait3A_399 = arith.constant 0 : i32
    %dma_wait3A_400 = tpu.memref_slice %arg6[%mul3A_376, %dma_wait3A_399] : memref<16384x256xi32, #tpu.memory_space<hbm>> -> memref<64x256xi32, #tpu.memory_space<hbm>>
    tpu.wait_dma2 semaphore(%arg19 : memref<!tpu.dma_semaphore, #tpu.memory_space<semaphore_mem>>) src(%arg11 : memref<64x256xi32, #tpu.memory_space<vmem>>) dst(%dma_wait3A_400 : memref<64x256xi32, #tpu.memory_space<hbm>>)
    return
  }
}

module attributes {stable_mosaic.version = 14 : i64} {
  func.func @_router_body(%arg0: memref<2048x1024xf32, #tpu.memory_space<vmem>>, %arg1: memref<64x1024xf32, #tpu.memory_space<vmem>>, %arg2: memref<2048x64xf32, #tpu.memory_space<vmem>>, %arg3: memref<2048x8xi32, #tpu.memory_space<vmem>>, %arg4: memref<2048x8xf32, #tpu.memory_space<vmem>>, %arg5: memref<1x128xi32, #tpu.memory_space<vmem>>, %arg6: memref<2048x512xi32, #tpu.memory_space<vmem>>) attributes {dimension_semantics = [], scalar_prefetch = 0 : i64, scratch_operands = 0 : i64, tpu.core_type = #tpu.core_type<tc>} {
    %get3A = arith.constant 0 : index
    %get3A_0 = arith.constant 0 : index
    %get3A_1 = vector.load %arg0[%get3A, %get3A_0] : memref<2048x1024xf32, #tpu.memory_space<vmem>>, vector<2048x1024xf32>
    %slice3A = vector.extract_strided_slice %get3A_1 {offsets = [0, 0], sizes = [2048, 512], strides = [1, 1]} : vector<2048x1024xf32> to vector<2048x512xf32>
    %slice3A_2 = vector.extract_strided_slice %get3A_1 {offsets = [0, 512], sizes = [2048, 512], strides = [1, 1]} : vector<2048x1024xf32> to vector<2048x512xf32>
    %bitcast_convert_type3A = tpu.bitcast %slice3A : vector<2048x512xf32> -> vector<2048x512xi32>
    %bitcast_convert_type3A_3 = tpu.bitcast %slice3A_2 : vector<2048x512xf32> -> vector<2048x512xi32>
    %add3A = arith.constant 32767 : i32
    %add3A_4 = vector.broadcast %add3A : i32 to vector<2048x512xi32>
    %add3A_5 = arith.addi %bitcast_convert_type3A, %add3A_4 : vector<2048x512xi32>
    %shift_right_arithmetic3A = arith.constant 16 : i32
    %shift_right_arithmetic3A_6 = vector.broadcast %shift_right_arithmetic3A : i32 to vector<2048x512xi32>
    %shift_right_arithmetic3A_7 = arith.shrsi %bitcast_convert_type3A, %shift_right_arithmetic3A_6 : vector<2048x512xi32>
    %and3A = arith.constant 1 : i32
    %and3A_8 = vector.broadcast %and3A : i32 to vector<2048x512xi32>
    %and3A_9 = arith.andi %shift_right_arithmetic3A_7, %and3A_8 : vector<2048x512xi32>
    %add3A_10 = arith.addi %add3A_5, %and3A_9 : vector<2048x512xi32>
    %add3A_11 = arith.constant 32767 : i32
    %add3A_12 = vector.broadcast %add3A_11 : i32 to vector<2048x512xi32>
    %add3A_13 = arith.addi %bitcast_convert_type3A_3, %add3A_12 : vector<2048x512xi32>
    %shift_right_arithmetic3A_14 = arith.constant 16 : i32
    %shift_right_arithmetic3A_15 = vector.broadcast %shift_right_arithmetic3A_14 : i32 to vector<2048x512xi32>
    %shift_right_arithmetic3A_16 = arith.shrsi %bitcast_convert_type3A_3, %shift_right_arithmetic3A_15 : vector<2048x512xi32>
    %and3A_17 = arith.constant 1 : i32
    %and3A_18 = vector.broadcast %and3A_17 : i32 to vector<2048x512xi32>
    %and3A_19 = arith.andi %shift_right_arithmetic3A_16, %and3A_18 : vector<2048x512xi32>
    %add3A_20 = arith.addi %add3A_13, %and3A_19 : vector<2048x512xi32>
    %and3A_21 = arith.constant -65536 : i32
    %and3A_22 = vector.broadcast %and3A_21 : i32 to vector<2048x512xi32>
    %and3A_23 = arith.andi %add3A_10, %and3A_22 : vector<2048x512xi32>
    %shift_right_logical3A = arith.constant 16 : i32
    %shift_right_logical3A_24 = vector.broadcast %shift_right_logical3A : i32 to vector<2048x512xi32>
    %shift_right_logical3A_25 = arith.shrui %add3A_20, %shift_right_logical3A_24 : vector<2048x512xi32>
    %or3A = arith.ori %and3A_23, %shift_right_logical3A_25 : vector<2048x512xi32>
    %swap3A = arith.constant 0 : index
    %swap3A_26 = arith.constant 0 : index
    %swap3A_27 = vector.load %arg6[%swap3A, %swap3A_26] : memref<2048x512xi32, #tpu.memory_space<vmem>>, vector<2048x512xi32>
    tpu.vector_store %arg6[%swap3A, %swap3A_26], %or3A {strides = array<i32>} : memref<2048x512xi32, #tpu.memory_space<vmem>>, vector<2048x512xi32>,
    %get3A_28 = arith.constant 0 : index
    %get3A_29 = arith.constant 0 : index
    %get3A_30 = vector.load %arg1[%get3A_28, %get3A_29] : memref<64x1024xf32, #tpu.memory_space<vmem>>, vector<64x1024xf32>
    %dot_general3A = arith.constant dense<0.000000e+00> : vector<2048x64xf32>
    %dot_general3A_31 = tpu.matmul %get3A_1, %get3A_30, %dot_general3A {dimension_numbers = #tpu.dot_dimension_numbers<[1], [1], [0], [0], [0, 0, 1, 0], [], []>, transpose_lhs_hint = false} : vector<2048x1024xf32>, vector<64x1024xf32>, vector<2048x64xf32> -> vector<2048x64xf32>
    %swap3A_32 = arith.constant 0 : index
    %swap3A_33 = arith.constant 0 : index
    %swap3A_34 = vector.load %arg2[%swap3A_32, %swap3A_33] : memref<2048x64xf32, #tpu.memory_space<vmem>>, vector<2048x64xf32>
    tpu.vector_store %arg2[%swap3A_32, %swap3A_33], %dot_general3A_31 {strides = array<i32>} : memref<2048x64xf32, #tpu.memory_space<vmem>>, vector<2048x64xf32>,
    %reduce_max3A = arith.constant dense<0xFF800000> : vector<2048xf32>
    %reduce_max3A_35 = vector.multi_reduction <maximumf>, %dot_general3A_31, %reduce_max3A [1] : vector<2048x64xf32> to vector<2048xf32>
    %broadcast_in_dim3A = vector.shape_cast %reduce_max3A_35 : vector<2048xf32> to vector<2048x1xf32>
    %sub3A = vector.broadcast %broadcast_in_dim3A : vector<2048x1xf32> to vector<2048x64xf32>
    %sub3A_36 = arith.subf %dot_general3A_31, %sub3A : vector<2048x64xf32>
    %exp3A = math.exp %sub3A_36 : vector<2048x64xf32>
    %reduce_sum3A = arith.constant dense<0.000000e+00> : vector<2048xf32>
    %reduce_sum3A_37 = vector.multi_reduction <add>, %exp3A, %reduce_sum3A [1] : vector<2048x64xf32> to vector<2048xf32>
    %broadcast_in_dim3A_38 = vector.shape_cast %reduce_sum3A_37 : vector<2048xf32> to vector<2048x1xf32>
    %div3A = vector.broadcast %broadcast_in_dim3A_38 : vector<2048x1xf32> to vector<2048x64xf32>
    %div3A_39 = arith.divf %exp3A, %div3A : vector<2048x64xf32>
    %iota3A = tpu.iota {dimensions = array<i32: 1>} : vector<2048x64xi32>
    %reduce_max3A_40 = arith.constant dense<0xFF800000> : vector<2048xf32>
    %reduce_max3A_41 = vector.multi_reduction <maximumf>, %div3A_39, %reduce_max3A_40 [1] : vector<2048x64xf32> to vector<2048xf32>
    %broadcast_in_dim3A_42 = vector.shape_cast %reduce_max3A_41 : vector<2048xf32> to vector<2048x1xf32>
    %eq3A = vector.broadcast %broadcast_in_dim3A_42 : vector<2048x1xf32> to vector<2048x64xf32>
    %eq3A_43 = arith.cmpf oeq, %div3A_39, %eq3A : vector<2048x64xf32>
    %jit3A = arith.constant 64 : i32
    %broadcast_in_dim3A_44 = vector.broadcast %jit3A : i32 to vector<2048x64xi32>
    %select_n3A = arith.select %eq3A_43, %iota3A, %broadcast_in_dim3A_44 : vector<2048x64xi1>, vector<2048x64xi32>
    %reduce_min3A = arith.constant dense<2147483647> : vector<2048xi32>
    %reduce_min3A_45 = vector.multi_reduction <minsi>, %select_n3A, %reduce_min3A [1] : vector<2048x64xi32> to vector<2048xi32>
    %broadcast_in_dim3A_46 = vector.shape_cast %reduce_min3A_45 : vector<2048xi32> to vector<2048x1xi32>
    %eq3A_47 = vector.broadcast %broadcast_in_dim3A_46 : vector<2048x1xi32> to vector<2048x64xi32>
    %eq3A_48 = arith.cmpi eq, %iota3A, %eq3A_47 : vector<2048x64xi32>
    %jit3A_49 = arith.constant -1.000000e+00 : f32
    %broadcast_in_dim3A_50 = vector.broadcast %jit3A_49 : f32 to vector<2048x64xf32>
    %select_n3A_51 = arith.select %eq3A_48, %broadcast_in_dim3A_50, %div3A_39 : vector<2048x64xi1>, vector<2048x64xf32>
    %reduce_max3A_52 = arith.constant dense<0xFF800000> : vector<2048xf32>
    %reduce_max3A_53 = vector.multi_reduction <maximumf>, %select_n3A_51, %reduce_max3A_52 [1] : vector<2048x64xf32> to vector<2048xf32>
    %broadcast_in_dim3A_54 = vector.shape_cast %reduce_max3A_53 : vector<2048xf32> to vector<2048x1xf32>
    %eq3A_55 = vector.broadcast %broadcast_in_dim3A_54 : vector<2048x1xf32> to vector<2048x64xf32>
    %eq3A_56 = arith.cmpf oeq, %select_n3A_51, %eq3A_55 : vector<2048x64xf32>
    %jit3A_57 = arith.constant 64 : i32
    %broadcast_in_dim3A_58 = vector.broadcast %jit3A_57 : i32 to vector<2048x64xi32>
    %select_n3A_59 = arith.select %eq3A_56, %iota3A, %broadcast_in_dim3A_58 : vector<2048x64xi1>, vector<2048x64xi32>
    %reduce_min3A_60 = arith.constant dense<2147483647> : vector<2048xi32>
    %reduce_min3A_61 = vector.multi_reduction <minsi>, %select_n3A_59, %reduce_min3A_60 [1] : vector<2048x64xi32> to vector<2048xi32>
    %broadcast_in_dim3A_62 = vector.shape_cast %reduce_min3A_61 : vector<2048xi32> to vector<2048x1xi32>
    %eq3A_63 = vector.broadcast %broadcast_in_dim3A_62 : vector<2048x1xi32> to vector<2048x64xi32>
    %eq3A_64 = arith.cmpi eq, %iota3A, %eq3A_63 : vector<2048x64xi32>
    %jit3A_65 = arith.constant -1.000000e+00 : f32
    %broadcast_in_dim3A_66 = vector.broadcast %jit3A_65 : f32 to vector<2048x64xf32>
    %select_n3A_67 = arith.select %eq3A_64, %broadcast_in_dim3A_66, %select_n3A_51 : vector<2048x64xi1>, vector<2048x64xf32>
    %reduce_max3A_68 = arith.constant dense<0xFF800000> : vector<2048xf32>
    %reduce_max3A_69 = vector.multi_reduction <maximumf>, %select_n3A_67, %reduce_max3A_68 [1] : vector<2048x64xf32> to vector<2048xf32>
    %broadcast_in_dim3A_70 = vector.shape_cast %reduce_max3A_69 : vector<2048xf32> to vector<2048x1xf32>
    %eq3A_71 = vector.broadcast %broadcast_in_dim3A_70 : vector<2048x1xf32> to vector<2048x64xf32>
    %eq3A_72 = arith.cmpf oeq, %select_n3A_67, %eq3A_71 : vector<2048x64xf32>
    %jit3A_73 = arith.constant 64 : i32
    %broadcast_in_dim3A_74 = vector.broadcast %jit3A_73 : i32 to vector<2048x64xi32>
    %select_n3A_75 = arith.select %eq3A_72, %iota3A, %broadcast_in_dim3A_74 : vector<2048x64xi1>, vector<2048x64xi32>
    %reduce_min3A_76 = arith.constant dense<2147483647> : vector<2048xi32>
    %reduce_min3A_77 = vector.multi_reduction <minsi>, %select_n3A_75, %reduce_min3A_76 [1] : vector<2048x64xi32> to vector<2048xi32>
    %broadcast_in_dim3A_78 = vector.shape_cast %reduce_min3A_77 : vector<2048xi32> to vector<2048x1xi32>
    %eq3A_79 = vector.broadcast %broadcast_in_dim3A_78 : vector<2048x1xi32> to vector<2048x64xi32>
    %eq3A_80 = arith.cmpi eq, %iota3A, %eq3A_79 : vector<2048x64xi32>
    %jit3A_81 = arith.constant -1.000000e+00 : f32
    %broadcast_in_dim3A_82 = vector.broadcast %jit3A_81 : f32 to vector<2048x64xf32>
    %select_n3A_83 = arith.select %eq3A_80, %broadcast_in_dim3A_82, %select_n3A_67 : vector<2048x64xi1>, vector<2048x64xf32>
    %reduce_max3A_84 = arith.constant dense<0xFF800000> : vector<2048xf32>
    %reduce_max3A_85 = vector.multi_reduction <maximumf>, %select_n3A_83, %reduce_max3A_84 [1] : vector<2048x64xf32> to vector<2048xf32>
    %broadcast_in_dim3A_86 = vector.shape_cast %reduce_max3A_85 : vector<2048xf32> to vector<2048x1xf32>
    %eq3A_87 = vector.broadcast %broadcast_in_dim3A_86 : vector<2048x1xf32> to vector<2048x64xf32>
    %eq3A_88 = arith.cmpf oeq, %select_n3A_83, %eq3A_87 : vector<2048x64xf32>
    %jit3A_89 = arith.constant 64 : i32
    %broadcast_in_dim3A_90 = vector.broadcast %jit3A_89 : i32 to vector<2048x64xi32>
    %select_n3A_91 = arith.select %eq3A_88, %iota3A, %broadcast_in_dim3A_90 : vector<2048x64xi1>, vector<2048x64xi32>
    %reduce_min3A_92 = arith.constant dense<2147483647> : vector<2048xi32>
    %reduce_min3A_93 = vector.multi_reduction <minsi>, %select_n3A_91, %reduce_min3A_92 [1] : vector<2048x64xi32> to vector<2048xi32>
    %broadcast_in_dim3A_94 = vector.shape_cast %reduce_min3A_93 : vector<2048xi32> to vector<2048x1xi32>
    %eq3A_95 = vector.broadcast %broadcast_in_dim3A_94 : vector<2048x1xi32> to vector<2048x64xi32>
    %eq3A_96 = arith.cmpi eq, %iota3A, %eq3A_95 : vector<2048x64xi32>
    %jit3A_97 = arith.constant -1.000000e+00 : f32
    %broadcast_in_dim3A_98 = vector.broadcast %jit3A_97 : f32 to vector<2048x64xf32>
    %select_n3A_99 = arith.select %eq3A_96, %broadcast_in_dim3A_98, %select_n3A_83 : vector<2048x64xi1>, vector<2048x64xf32>
    %reduce_max3A_100 = arith.constant dense<0xFF800000> : vector<2048xf32>
    %reduce_max3A_101 = vector.multi_reduction <maximumf>, %select_n3A_99, %reduce_max3A_100 [1] : vector<2048x64xf32> to vector<2048xf32>
    %broadcast_in_dim3A_102 = vector.shape_cast %reduce_max3A_101 : vector<2048xf32> to vector<2048x1xf32>
    %eq3A_103 = vector.broadcast %broadcast_in_dim3A_102 : vector<2048x1xf32> to vector<2048x64xf32>
    %eq3A_104 = arith.cmpf oeq, %select_n3A_99, %eq3A_103 : vector<2048x64xf32>
    %jit3A_105 = arith.constant 64 : i32
    %broadcast_in_dim3A_106 = vector.broadcast %jit3A_105 : i32 to vector<2048x64xi32>
    %select_n3A_107 = arith.select %eq3A_104, %iota3A, %broadcast_in_dim3A_106 : vector<2048x64xi1>, vector<2048x64xi32>
    %reduce_min3A_108 = arith.constant dense<2147483647> : vector<2048xi32>
    %reduce_min3A_109 = vector.multi_reduction <minsi>, %select_n3A_107, %reduce_min3A_108 [1] : vector<2048x64xi32> to vector<2048xi32>
    %broadcast_in_dim3A_110 = vector.shape_cast %reduce_min3A_109 : vector<2048xi32> to vector<2048x1xi32>
    %eq3A_111 = vector.broadcast %broadcast_in_dim3A_110 : vector<2048x1xi32> to vector<2048x64xi32>
    %eq3A_112 = arith.cmpi eq, %iota3A, %eq3A_111 : vector<2048x64xi32>
    %jit3A_113 = arith.constant -1.000000e+00 : f32
    %broadcast_in_dim3A_114 = vector.broadcast %jit3A_113 : f32 to vector<2048x64xf32>
    %select_n3A_115 = arith.select %eq3A_112, %broadcast_in_dim3A_114, %select_n3A_99 : vector<2048x64xi1>, vector<2048x64xf32>
    %reduce_max3A_116 = arith.constant dense<0xFF800000> : vector<2048xf32>
    %reduce_max3A_117 = vector.multi_reduction <maximumf>, %select_n3A_115, %reduce_max3A_116 [1] : vector<2048x64xf32> to vector<2048xf32>
    %broadcast_in_dim3A_118 = vector.shape_cast %reduce_max3A_117 : vector<2048xf32> to vector<2048x1xf32>
    %eq3A_119 = vector.broadcast %broadcast_in_dim3A_118 : vector<2048x1xf32> to vector<2048x64xf32>
    %eq3A_120 = arith.cmpf oeq, %select_n3A_115, %eq3A_119 : vector<2048x64xf32>
    %jit3A_121 = arith.constant 64 : i32
    %broadcast_in_dim3A_122 = vector.broadcast %jit3A_121 : i32 to vector<2048x64xi32>
    %select_n3A_123 = arith.select %eq3A_120, %iota3A, %broadcast_in_dim3A_122 : vector<2048x64xi1>, vector<2048x64xi32>
    %reduce_min3A_124 = arith.constant dense<2147483647> : vector<2048xi32>
    %reduce_min3A_125 = vector.multi_reduction <minsi>, %select_n3A_123, %reduce_min3A_124 [1] : vector<2048x64xi32> to vector<2048xi32>
    %broadcast_in_dim3A_126 = vector.shape_cast %reduce_min3A_125 : vector<2048xi32> to vector<2048x1xi32>
    %eq3A_127 = vector.broadcast %broadcast_in_dim3A_126 : vector<2048x1xi32> to vector<2048x64xi32>
    %eq3A_128 = arith.cmpi eq, %iota3A, %eq3A_127 : vector<2048x64xi32>
    %jit3A_129 = arith.constant -1.000000e+00 : f32
    %broadcast_in_dim3A_130 = vector.broadcast %jit3A_129 : f32 to vector<2048x64xf32>
    %select_n3A_131 = arith.select %eq3A_128, %broadcast_in_dim3A_130, %select_n3A_115 : vector<2048x64xi1>, vector<2048x64xf32>
    %reduce_max3A_132 = arith.constant dense<0xFF800000> : vector<2048xf32>
    %reduce_max3A_133 = vector.multi_reduction <maximumf>, %select_n3A_131, %reduce_max3A_132 [1] : vector<2048x64xf32> to vector<2048xf32>
    %broadcast_in_dim3A_134 = vector.shape_cast %reduce_max3A_133 : vector<2048xf32> to vector<2048x1xf32>
    %eq3A_135 = vector.broadcast %broadcast_in_dim3A_134 : vector<2048x1xf32> to vector<2048x64xf32>
    %eq3A_136 = arith.cmpf oeq, %select_n3A_131, %eq3A_135 : vector<2048x64xf32>
    %jit3A_137 = arith.constant 64 : i32
    %broadcast_in_dim3A_138 = vector.broadcast %jit3A_137 : i32 to vector<2048x64xi32>
    %select_n3A_139 = arith.select %eq3A_136, %iota3A, %broadcast_in_dim3A_138 : vector<2048x64xi1>, vector<2048x64xi32>
    %reduce_min3A_140 = arith.constant dense<2147483647> : vector<2048xi32>
    %reduce_min3A_141 = vector.multi_reduction <minsi>, %select_n3A_139, %reduce_min3A_140 [1] : vector<2048x64xi32> to vector<2048xi32>
    %broadcast_in_dim3A_142 = vector.shape_cast %reduce_min3A_141 : vector<2048xi32> to vector<2048x1xi32>
    %eq3A_143 = vector.broadcast %broadcast_in_dim3A_142 : vector<2048x1xi32> to vector<2048x64xi32>
    %eq3A_144 = arith.cmpi eq, %iota3A, %eq3A_143 : vector<2048x64xi32>
    %jit3A_145 = arith.constant -1.000000e+00 : f32
    %broadcast_in_dim3A_146 = vector.broadcast %jit3A_145 : f32 to vector<2048x64xf32>
    %select_n3A_147 = arith.select %eq3A_144, %broadcast_in_dim3A_146, %select_n3A_131 : vector<2048x64xi1>, vector<2048x64xf32>
    %reduce_max3A_148 = arith.constant dense<0xFF800000> : vector<2048xf32>
    %reduce_max3A_149 = vector.multi_reduction <maximumf>, %select_n3A_147, %reduce_max3A_148 [1] : vector<2048x64xf32> to vector<2048xf32>
    %broadcast_in_dim3A_150 = vector.shape_cast %reduce_max3A_149 : vector<2048xf32> to vector<2048x1xf32>
    %eq3A_151 = vector.broadcast %broadcast_in_dim3A_150 : vector<2048x1xf32> to vector<2048x64xf32>
    %eq3A_152 = arith.cmpf oeq, %select_n3A_147, %eq3A_151 : vector<2048x64xf32>
    %jit3A_153 = arith.constant 64 : i32
    %broadcast_in_dim3A_154 = vector.broadcast %jit3A_153 : i32 to vector<2048x64xi32>
    %select_n3A_155 = arith.select %eq3A_152, %iota3A, %broadcast_in_dim3A_154 : vector<2048x64xi1>, vector<2048x64xi32>
    %reduce_min3A_156 = arith.constant dense<2147483647> : vector<2048xi32>
    %reduce_min3A_157 = vector.multi_reduction <minsi>, %select_n3A_155, %reduce_min3A_156 [1] : vector<2048x64xi32> to vector<2048xi32>
    %broadcast_in_dim3A_158 = vector.shape_cast %reduce_min3A_157 : vector<2048xi32> to vector<2048x1xi32>
    %eq3A_159 = vector.broadcast %broadcast_in_dim3A_158 : vector<2048x1xi32> to vector<2048x64xi32>
    %eq3A_160 = arith.cmpi eq, %iota3A, %eq3A_159 : vector<2048x64xi32>
    %jit3A_161 = arith.constant 1.000000e+00 : f32
    %jit3A_162 = arith.constant 0.000000e+00 : f32
    %broadcast_in_dim3A_163 = vector.broadcast %jit3A_161 : f32 to vector<2048x64xf32>
    %broadcast_in_dim3A_164 = vector.broadcast %jit3A_162 : f32 to vector<2048x64xf32>
    %select_n3A_165 = arith.select %eq3A_48, %broadcast_in_dim3A_163, %broadcast_in_dim3A_164 : vector<2048x64xi1>, vector<2048x64xf32>
    %add3A_166 = arith.constant 0.000000e+00 : f32
    %add3A_167 = vector.broadcast %add3A_166 : f32 to vector<2048x64xf32>
    %add3A_168 = arith.addf %add3A_167, %select_n3A_165 : vector<2048x64xf32>
    %jit3A_169 = arith.constant 1.000000e+00 : f32
    %jit3A_170 = arith.constant 0.000000e+00 : f32
    %broadcast_in_dim3A_171 = vector.broadcast %jit3A_169 : f32 to vector<2048x64xf32>
    %broadcast_in_dim3A_172 = vector.broadcast %jit3A_170 : f32 to vector<2048x64xf32>
    %select_n3A_173 = arith.select %eq3A_64, %broadcast_in_dim3A_171, %broadcast_in_dim3A_172 : vector<2048x64xi1>, vector<2048x64xf32>
    %add3A_174 = arith.addf %add3A_168, %select_n3A_173 : vector<2048x64xf32>
    %jit3A_175 = arith.constant 1.000000e+00 : f32
    %jit3A_176 = arith.constant 0.000000e+00 : f32
    %broadcast_in_dim3A_177 = vector.broadcast %jit3A_175 : f32 to vector<2048x64xf32>
    %broadcast_in_dim3A_178 = vector.broadcast %jit3A_176 : f32 to vector<2048x64xf32>
    %select_n3A_179 = arith.select %eq3A_80, %broadcast_in_dim3A_177, %broadcast_in_dim3A_178 : vector<2048x64xi1>, vector<2048x64xf32>
    %add3A_180 = arith.addf %add3A_174, %select_n3A_179 : vector<2048x64xf32>
    %jit3A_181 = arith.constant 1.000000e+00 : f32
    %jit3A_182 = arith.constant 0.000000e+00 : f32
    %broadcast_in_dim3A_183 = vector.broadcast %jit3A_181 : f32 to vector<2048x64xf32>
    %broadcast_in_dim3A_184 = vector.broadcast %jit3A_182 : f32 to vector<2048x64xf32>
    %select_n3A_185 = arith.select %eq3A_96, %broadcast_in_dim3A_183, %broadcast_in_dim3A_184 : vector<2048x64xi1>, vector<2048x64xf32>
    %add3A_186 = arith.addf %add3A_180, %select_n3A_185 : vector<2048x64xf32>
    %jit3A_187 = arith.constant 1.000000e+00 : f32
    %jit3A_188 = arith.constant 0.000000e+00 : f32
    %broadcast_in_dim3A_189 = vector.broadcast %jit3A_187 : f32 to vector<2048x64xf32>
    %broadcast_in_dim3A_190 = vector.broadcast %jit3A_188 : f32 to vector<2048x64xf32>
    %select_n3A_191 = arith.select %eq3A_112, %broadcast_in_dim3A_189, %broadcast_in_dim3A_190 : vector<2048x64xi1>, vector<2048x64xf32>
    %add3A_192 = arith.addf %add3A_186, %select_n3A_191 : vector<2048x64xf32>
    %jit3A_193 = arith.constant 1.000000e+00 : f32
    %jit3A_194 = arith.constant 0.000000e+00 : f32
    %broadcast_in_dim3A_195 = vector.broadcast %jit3A_193 : f32 to vector<2048x64xf32>
    %broadcast_in_dim3A_196 = vector.broadcast %jit3A_194 : f32 to vector<2048x64xf32>
    %select_n3A_197 = arith.select %eq3A_128, %broadcast_in_dim3A_195, %broadcast_in_dim3A_196 : vector<2048x64xi1>, vector<2048x64xf32>
    %add3A_198 = arith.addf %add3A_192, %select_n3A_197 : vector<2048x64xf32>
    %jit3A_199 = arith.constant 1.000000e+00 : f32
    %jit3A_200 = arith.constant 0.000000e+00 : f32
    %broadcast_in_dim3A_201 = vector.broadcast %jit3A_199 : f32 to vector<2048x64xf32>
    %broadcast_in_dim3A_202 = vector.broadcast %jit3A_200 : f32 to vector<2048x64xf32>
    %select_n3A_203 = arith.select %eq3A_144, %broadcast_in_dim3A_201, %broadcast_in_dim3A_202 : vector<2048x64xi1>, vector<2048x64xf32>
    %add3A_204 = arith.addf %add3A_198, %select_n3A_203 : vector<2048x64xf32>
    %jit3A_205 = arith.constant 1.000000e+00 : f32
    %jit3A_206 = arith.constant 0.000000e+00 : f32
    %broadcast_in_dim3A_207 = vector.broadcast %jit3A_205 : f32 to vector<2048x64xf32>
    %broadcast_in_dim3A_208 = vector.broadcast %jit3A_206 : f32 to vector<2048x64xf32>
    %select_n3A_209 = arith.select %eq3A_160, %broadcast_in_dim3A_207, %broadcast_in_dim3A_208 : vector<2048x64xi1>, vector<2048x64xf32>
    %add3A_210 = arith.addf %add3A_204, %select_n3A_209 : vector<2048x64xf32>
    %add3A_211 = arith.constant 0.000000e+00 : f32
    %add3A_212 = vector.broadcast %add3A_211 : f32 to vector<2048x1xf32>
    %add3A_213 = arith.addf %add3A_212, %broadcast_in_dim3A_42 : vector<2048x1xf32>
    %add3A_214 = arith.addf %add3A_213, %broadcast_in_dim3A_54 : vector<2048x1xf32>
    %add3A_215 = arith.addf %add3A_214, %broadcast_in_dim3A_70 : vector<2048x1xf32>
    %add3A_216 = arith.addf %add3A_215, %broadcast_in_dim3A_86 : vector<2048x1xf32>
    %add3A_217 = arith.addf %add3A_216, %broadcast_in_dim3A_102 : vector<2048x1xf32>
    %add3A_218 = arith.addf %add3A_217, %broadcast_in_dim3A_118 : vector<2048x1xf32>
    %add3A_219 = arith.addf %add3A_218, %broadcast_in_dim3A_134 : vector<2048x1xf32>
    %add3A_220 = arith.addf %add3A_219, %broadcast_in_dim3A_150 : vector<2048x1xf32>
    %iota3A_221 = tpu.iota {dimensions = array<i32: 0>} : vector<2048x2048xi32>
    %iota3A_222 = tpu.iota {dimensions = array<i32: 1>} : vector<2048x2048xi32>
    %gt3A = arith.cmpi sgt, %iota3A_221, %iota3A_222 : vector<2048x2048xi32>
    %jit3A_223 = arith.constant 1.000000e+00 : f32
    %jit3A_224 = arith.constant 0.000000e+00 : f32
    %broadcast_in_dim3A_225 = vector.broadcast %jit3A_223 : f32 to vector<2048x2048xf32>
    %broadcast_in_dim3A_226 = vector.broadcast %jit3A_224 : f32 to vector<2048x2048xf32>
    %select_n3A_227 = arith.select %gt3A, %broadcast_in_dim3A_225, %broadcast_in_dim3A_226 : vector<2048x2048xi1>, vector<2048x2048xf32>
    %dot_general3A_228 = arith.constant dense<0.000000e+00> : vector<2048x64xf32>
    %dot_general3A_229 = tpu.matmul %select_n3A_227, %add3A_210, %dot_general3A_228 {dimension_numbers = #tpu.dot_dimension_numbers<[1], [0], [0], [1], [0, 0, 1, 1], [], []>, transpose_lhs_hint = false} : vector<2048x2048xf32>, vector<2048x64xf32>, vector<2048x64xf32> -> vector<2048x64xf32>
    %broadcast_in_dim3A_230 = arith.constant 1.000000e+00 : f32
    %broadcast_in_dim3A_231 = vector.broadcast %broadcast_in_dim3A_230 : f32 to vector<1x2048xf32>
    %dot_general3A_232 = arith.constant dense<0.000000e+00> : vector<1x64xf32>
    %dot_general3A_233 = tpu.matmul %broadcast_in_dim3A_231, %add3A_210, %dot_general3A_232 {dimension_numbers = #tpu.dot_dimension_numbers<[1], [0], [0], [1], [0, 0, 1, 1], [], []>, transpose_lhs_hint = false} : vector<1x2048xf32>, vector<2048x64xf32>, vector<1x64xf32> -> vector<1x64xf32>
    %add3A_234 = arith.constant 2.550000e+02 : f32
    %add3A_235 = vector.broadcast %add3A_234 : f32 to vector<1x64xf32>
    %add3A_236 = arith.addf %dot_general3A_233, %add3A_235 : vector<1x64xf32>
    %mul3A = arith.constant 3.906250e-03 : f32
    %mul3A_237 = vector.broadcast %mul3A : f32 to vector<1x64xf32>
    %mul3A_238 = arith.mulf %add3A_236, %mul3A_237 : vector<1x64xf32>
    %floor3A = math.floor %mul3A_238 : vector<1x64xf32>
    %mul3A_239 = arith.constant 2.560000e+02 : f32
    %mul3A_240 = vector.broadcast %mul3A_239 : f32 to vector<1x64xf32>
    %mul3A_241 = arith.mulf %floor3A, %mul3A_240 : vector<1x64xf32>
    %iota3A_242 = tpu.iota {dimensions = array<i32: 0>} : vector<64x64xi32>
    %iota3A_243 = tpu.iota {dimensions = array<i32: 1>} : vector<64x64xi32>
    %lt3A = arith.cmpi slt, %iota3A_242, %iota3A_243 : vector<64x64xi32>
    %jit3A_244 = arith.constant 1.000000e+00 : f32
    %jit3A_245 = arith.constant 0.000000e+00 : f32
    %broadcast_in_dim3A_246 = vector.broadcast %jit3A_244 : f32 to vector<64x64xf32>
    %broadcast_in_dim3A_247 = vector.broadcast %jit3A_245 : f32 to vector<64x64xf32>
    %select_n3A_248 = arith.select %lt3A, %broadcast_in_dim3A_246, %broadcast_in_dim3A_247 : vector<64x64xi1>, vector<64x64xf32>
    %dot_general3A_249 = arith.constant dense<0.000000e+00> : vector<1x64xf32>
    %dot_general3A_250 = tpu.matmul %mul3A_241, %select_n3A_248, %dot_general3A_249 {dimension_numbers = #tpu.dot_dimension_numbers<[1], [0], [0], [1], [0, 0, 1, 1], [], []>, transpose_lhs_hint = false} : vector<1x64xf32>, vector<64x64xf32>, vector<1x64xf32> -> vector<1x64xf32>
    %add3A_251 = vector.broadcast %dot_general3A_250 : vector<1x64xf32> to vector<2048x64xf32>
    %add3A_252 = arith.addf %add3A_251, %dot_general3A_229 : vector<2048x64xf32>
    %jit3A_253 = arith.constant 0.000000e+00 : f32
    %broadcast_in_dim3A_254 = vector.broadcast %jit3A_253 : f32 to vector<2048x64xf32>
    %select_n3A_255 = arith.select %eq3A_48, %add3A_252, %broadcast_in_dim3A_254 : vector<2048x64xi1>, vector<2048x64xf32>
    %reduce_sum3A_256 = arith.constant dense<0.000000e+00> : vector<2048xf32>
    %reduce_sum3A_257 = vector.multi_reduction <add>, %select_n3A_255, %reduce_sum3A_256 [1] : vector<2048x64xf32> to vector<2048xf32>
    %broadcast_in_dim3A_258 = vector.shape_cast %reduce_sum3A_257 : vector<2048xf32> to vector<2048x1xf32>
    %div3A_259 = arith.divf %broadcast_in_dim3A_42, %add3A_220 : vector<2048x1xf32>
    %jit3A_260 = arith.constant 0.000000e+00 : f32
    %broadcast_in_dim3A_261 = vector.broadcast %jit3A_260 : f32 to vector<2048x64xf32>
    %select_n3A_262 = arith.select %eq3A_64, %add3A_252, %broadcast_in_dim3A_261 : vector<2048x64xi1>, vector<2048x64xf32>
    %reduce_sum3A_263 = arith.constant dense<0.000000e+00> : vector<2048xf32>
    %reduce_sum3A_264 = vector.multi_reduction <add>, %select_n3A_262, %reduce_sum3A_263 [1] : vector<2048x64xf32> to vector<2048xf32>
    %broadcast_in_dim3A_265 = vector.shape_cast %reduce_sum3A_264 : vector<2048xf32> to vector<2048x1xf32>
    %div3A_266 = arith.divf %broadcast_in_dim3A_54, %add3A_220 : vector<2048x1xf32>
    %jit3A_267 = arith.constant 0.000000e+00 : f32
    %broadcast_in_dim3A_268 = vector.broadcast %jit3A_267 : f32 to vector<2048x64xf32>
    %select_n3A_269 = arith.select %eq3A_80, %add3A_252, %broadcast_in_dim3A_268 : vector<2048x64xi1>, vector<2048x64xf32>
    %reduce_sum3A_270 = arith.constant dense<0.000000e+00> : vector<2048xf32>
    %reduce_sum3A_271 = vector.multi_reduction <add>, %select_n3A_269, %reduce_sum3A_270 [1] : vector<2048x64xf32> to vector<2048xf32>
    %broadcast_in_dim3A_272 = vector.shape_cast %reduce_sum3A_271 : vector<2048xf32> to vector<2048x1xf32>
    %div3A_273 = arith.divf %broadcast_in_dim3A_70, %add3A_220 : vector<2048x1xf32>
    %jit3A_274 = arith.constant 0.000000e+00 : f32
    %broadcast_in_dim3A_275 = vector.broadcast %jit3A_274 : f32 to vector<2048x64xf32>
    %select_n3A_276 = arith.select %eq3A_96, %add3A_252, %broadcast_in_dim3A_275 : vector<2048x64xi1>, vector<2048x64xf32>
    %reduce_sum3A_277 = arith.constant dense<0.000000e+00> : vector<2048xf32>
    %reduce_sum3A_278 = vector.multi_reduction <add>, %select_n3A_276, %reduce_sum3A_277 [1] : vector<2048x64xf32> to vector<2048xf32>
    %broadcast_in_dim3A_279 = vector.shape_cast %reduce_sum3A_278 : vector<2048xf32> to vector<2048x1xf32>
    %div3A_280 = arith.divf %broadcast_in_dim3A_86, %add3A_220 : vector<2048x1xf32>
    %jit3A_281 = arith.constant 0.000000e+00 : f32
    %broadcast_in_dim3A_282 = vector.broadcast %jit3A_281 : f32 to vector<2048x64xf32>
    %select_n3A_283 = arith.select %eq3A_112, %add3A_252, %broadcast_in_dim3A_282 : vector<2048x64xi1>, vector<2048x64xf32>
    %reduce_sum3A_284 = arith.constant dense<0.000000e+00> : vector<2048xf32>
    %reduce_sum3A_285 = vector.multi_reduction <add>, %select_n3A_283, %reduce_sum3A_284 [1] : vector<2048x64xf32> to vector<2048xf32>
    %broadcast_in_dim3A_286 = vector.shape_cast %reduce_sum3A_285 : vector<2048xf32> to vector<2048x1xf32>
    %div3A_287 = arith.divf %broadcast_in_dim3A_102, %add3A_220 : vector<2048x1xf32>
    %jit3A_288 = arith.constant 0.000000e+00 : f32
    %broadcast_in_dim3A_289 = vector.broadcast %jit3A_288 : f32 to vector<2048x64xf32>
    %select_n3A_290 = arith.select %eq3A_128, %add3A_252, %broadcast_in_dim3A_289 : vector<2048x64xi1>, vector<2048x64xf32>
    %reduce_sum3A_291 = arith.constant dense<0.000000e+00> : vector<2048xf32>
    %reduce_sum3A_292 = vector.multi_reduction <add>, %select_n3A_290, %reduce_sum3A_291 [1] : vector<2048x64xf32> to vector<2048xf32>
    %broadcast_in_dim3A_293 = vector.shape_cast %reduce_sum3A_292 : vector<2048xf32> to vector<2048x1xf32>
    %div3A_294 = arith.divf %broadcast_in_dim3A_118, %add3A_220 : vector<2048x1xf32>
    %jit3A_295 = arith.constant 0.000000e+00 : f32
    %broadcast_in_dim3A_296 = vector.broadcast %jit3A_295 : f32 to vector<2048x64xf32>
    %select_n3A_297 = arith.select %eq3A_144, %add3A_252, %broadcast_in_dim3A_296 : vector<2048x64xi1>, vector<2048x64xf32>
    %reduce_sum3A_298 = arith.constant dense<0.000000e+00> : vector<2048xf32>
    %reduce_sum3A_299 = vector.multi_reduction <add>, %select_n3A_297, %reduce_sum3A_298 [1] : vector<2048x64xf32> to vector<2048xf32>
    %broadcast_in_dim3A_300 = vector.shape_cast %reduce_sum3A_299 : vector<2048xf32> to vector<2048x1xf32>
    %div3A_301 = arith.divf %broadcast_in_dim3A_134, %add3A_220 : vector<2048x1xf32>
    %jit3A_302 = arith.constant 0.000000e+00 : f32
    %broadcast_in_dim3A_303 = vector.broadcast %jit3A_302 : f32 to vector<2048x64xf32>
    %select_n3A_304 = arith.select %eq3A_160, %add3A_252, %broadcast_in_dim3A_303 : vector<2048x64xi1>, vector<2048x64xf32>
    %reduce_sum3A_305 = arith.constant dense<0.000000e+00> : vector<2048xf32>
    %reduce_sum3A_306 = vector.multi_reduction <add>, %select_n3A_304, %reduce_sum3A_305 [1] : vector<2048x64xf32> to vector<2048xf32>
    %broadcast_in_dim3A_307 = vector.shape_cast %reduce_sum3A_306 : vector<2048xf32> to vector<2048x1xf32>
    %div3A_308 = arith.divf %broadcast_in_dim3A_150, %add3A_220 : vector<2048x1xf32>
    %concatenate3A = tpu.concatenate %broadcast_in_dim3A_258, %broadcast_in_dim3A_265, %broadcast_in_dim3A_272, %broadcast_in_dim3A_279, %broadcast_in_dim3A_286, %broadcast_in_dim3A_293, %broadcast_in_dim3A_300, %broadcast_in_dim3A_307 in 1 : vector<2048x1xf32>, vector<2048x1xf32>, vector<2048x1xf32>, vector<2048x1xf32>, vector<2048x1xf32>, vector<2048x1xf32>, vector<2048x1xf32>, vector<2048x1xf32> -> vector<2048x8xf32>
    %convert_element_type3A = arith.fptosi %concatenate3A : vector<2048x8xf32> to vector<2048x8xi32>
    %swap3A_309 = arith.constant 0 : index
    %swap3A_310 = arith.constant 0 : index
    %swap3A_311 = vector.load %arg3[%swap3A_309, %swap3A_310] : memref<2048x8xi32, #tpu.memory_space<vmem>>, vector<2048x8xi32>
    tpu.vector_store %arg3[%swap3A_309, %swap3A_310], %convert_element_type3A {strides = array<i32>} : memref<2048x8xi32, #tpu.memory_space<vmem>>, vector<2048x8xi32>,
    %concatenate3A_312 = tpu.concatenate %div3A_259, %div3A_266, %div3A_273, %div3A_280, %div3A_287, %div3A_294, %div3A_301, %div3A_308 in 1 : vector<2048x1xf32>, vector<2048x1xf32>, vector<2048x1xf32>, vector<2048x1xf32>, vector<2048x1xf32>, vector<2048x1xf32>, vector<2048x1xf32>, vector<2048x1xf32> -> vector<2048x8xf32>
    %swap3A_313 = arith.constant 0 : index
    %swap3A_314 = arith.constant 0 : index
    %swap3A_315 = vector.load %arg4[%swap3A_313, %swap3A_314] : memref<2048x8xf32, #tpu.memory_space<vmem>>, vector<2048x8xf32>
    tpu.vector_store %arg4[%swap3A_313, %swap3A_314], %concatenate3A_312 {strides = array<i32>} : memref<2048x8xf32, #tpu.memory_space<vmem>>, vector<2048x8xf32>,
    %broadcast_in_dim3A_316 = arith.constant 1.000000e+00 : f32
    %broadcast_in_dim3A_317 = vector.broadcast %broadcast_in_dim3A_316 : f32 to vector<2048x1xf32>
    %dot_general3A_318 = arith.constant dense<0.000000e+00> : vector<64x1xf32>
    %dot_general3A_319 = tpu.matmul %add3A_210, %broadcast_in_dim3A_317, %dot_general3A_318 {dimension_numbers = #tpu.dot_dimension_numbers<[0], [0], [1], [1], [0, 1, 1, 1], [], []>, transpose_lhs_hint = false} : vector<2048x64xf32>, vector<2048x1xf32>, vector<64x1xf32> -> vector<64x1xf32>
    %add3A_320 = arith.constant 2.550000e+02 : f32
    %add3A_321 = vector.broadcast %add3A_320 : f32 to vector<64x1xf32>
    %add3A_322 = arith.addf %dot_general3A_319, %add3A_321 : vector<64x1xf32>
    %mul3A_323 = arith.constant 3.906250e-03 : f32
    %mul3A_324 = vector.broadcast %mul3A_323 : f32 to vector<64x1xf32>
    %mul3A_325 = arith.mulf %add3A_322, %mul3A_324 : vector<64x1xf32>
    %floor3A_326 = math.floor %mul3A_325 : vector<64x1xf32>
    %mul3A_327 = arith.constant 2.560000e+02 : f32
    %mul3A_328 = vector.broadcast %mul3A_327 : f32 to vector<64x1xf32>
    %mul3A_329 = arith.mulf %floor3A_326, %mul3A_328 : vector<64x1xf32>
    %iota3A_330 = tpu.iota {dimensions = array<i32: 0>} : vector<64x64xi32>
    %iota3A_331 = tpu.iota {dimensions = array<i32: 1>} : vector<64x64xi32>
    %gt3A_332 = arith.cmpi sgt, %iota3A_330, %iota3A_331 : vector<64x64xi32>
    %jit3A_333 = arith.constant 1.000000e+00 : f32
    %jit3A_334 = arith.constant 0.000000e+00 : f32
    %broadcast_in_dim3A_335 = vector.broadcast %jit3A_333 : f32 to vector<64x64xf32>
    %broadcast_in_dim3A_336 = vector.broadcast %jit3A_334 : f32 to vector<64x64xf32>
    %select_n3A_337 = arith.select %gt3A_332, %broadcast_in_dim3A_335, %broadcast_in_dim3A_336 : vector<64x64xi1>, vector<64x64xf32>
    %dot_general3A_338 = arith.constant dense<0.000000e+00> : vector<64x1xf32>
    %dot_general3A_339 = tpu.matmul %select_n3A_337, %mul3A_329, %dot_general3A_338 {dimension_numbers = #tpu.dot_dimension_numbers<[1], [0], [0], [1], [0, 0, 1, 1], [], []>, transpose_lhs_hint = false} : vector<64x64xf32>, vector<64x1xf32>, vector<64x1xf32> -> vector<64x1xf32>
    %iota3A_340 = tpu.iota {dimensions = array<i32: 1>} : vector<64x128xi32>
    %convert_element_type3A_341 = arith.sitofp %iota3A_340 : vector<64x128xi32> to vector<64x128xf32>
    %mul3A_342 = arith.constant 2.560000e+02 : f32
    %mul3A_343 = vector.broadcast %mul3A_342 : f32 to vector<64x128xf32>
    %mul3A_344 = arith.mulf %convert_element_type3A_341, %mul3A_343 : vector<64x128xf32>
    %le3A = vector.broadcast %dot_general3A_339 : vector<64x1xf32> to vector<64x128xf32>
    %le3A_345 = arith.cmpf ole, %le3A, %mul3A_344 : vector<64x128xf32>
    %jit3A_346 = arith.constant 1.000000e+00 : f32
    %jit3A_347 = arith.constant 0.000000e+00 : f32
    %broadcast_in_dim3A_348 = vector.broadcast %jit3A_346 : f32 to vector<64x128xf32>
    %broadcast_in_dim3A_349 = vector.broadcast %jit3A_347 : f32 to vector<64x128xf32>
    %select_n3A_350 = arith.select %le3A_345, %broadcast_in_dim3A_348, %broadcast_in_dim3A_349 : vector<64x128xi1>, vector<64x128xf32>
    %broadcast_in_dim3A_351 = arith.constant 1.000000e+00 : f32
    %broadcast_in_dim3A_352 = vector.broadcast %broadcast_in_dim3A_351 : f32 to vector<1x64xf32>
    %dot_general3A_353 = arith.constant dense<0.000000e+00> : vector<1x128xf32>
    %dot_general3A_354 = tpu.matmul %broadcast_in_dim3A_352, %select_n3A_350, %dot_general3A_353 {dimension_numbers = #tpu.dot_dimension_numbers<[1], [0], [0], [1], [0, 0, 1, 1], [], []>, transpose_lhs_hint = false} : vector<1x64xf32>, vector<64x128xf32>, vector<1x128xf32> -> vector<1x128xf32>
    %sub3A_355 = arith.constant 1.000000e+00 : f32
    %sub3A_356 = vector.broadcast %sub3A_355 : f32 to vector<1x128xf32>
    %sub3A_357 = arith.subf %dot_general3A_354, %sub3A_356 : vector<1x128xf32>
    %convert_element_type3A_358 = arith.fptosi %sub3A_357 : vector<1x128xf32> to vector<1x128xi32>
    %swap3A_359 = arith.constant 0 : index
    %swap3A_360 = arith.constant 0 : index
    %swap3A_361 = vector.load %arg5[%swap3A_359, %swap3A_360] : memref<1x128xi32, #tpu.memory_space<vmem>>, vector<1x128xi32>
    tpu.vector_store %arg5[%swap3A_359, %swap3A_360], %convert_element_type3A_358 {strides = array<i32>} : memref<1x128xi32, #tpu.memory_space<vmem>>, vector<1x128xi32>,
    return
  }
}

module attributes {stable_mosaic.version = 14 : i64} {
  func.func @_ffn_body(%arg0: i32, %arg1: memref<128xi32, #tpu.memory_space<smem>>, %arg2: memref<256x512xi32, #tpu.memory_space<vmem>>, %arg3: memref<1x1024x512xbf16, #tpu.memory_space<vmem>>, %arg4: memref<1x1024x512xbf16, #tpu.memory_space<vmem>>, %arg5: memref<1x512x1024xbf16, #tpu.memory_space<vmem>>, %arg6: memref<256x256xi32, #tpu.memory_space<vmem>>, %arg7: memref<256x256xi32, #tpu.memory_space<vmem>>) attributes {dimension_semantics = [#tpu.dimension_semantics<arbitrary>], iteration_bounds = array<i64: 128>, scalar_prefetch = 1 : i64, scratch_operands = 0 : i64, tpu.core_type = #tpu.core_type<tc>, window_params = [{transform_indices = @transform_0, window_bounds = array<i64: 256, 512>}, {transform_indices = @transform_1, window_bounds = array<i64: 1, 1024, 512>}, {transform_indices = @transform_2, window_bounds = array<i64: 1, 1024, 512>}, {transform_indices = @transform_3, window_bounds = array<i64: 1, 512, 1024>}, {transform_indices = @transform_4, window_bounds = array<i64: 256, 256>}, {transform_indices = @transform_5, window_bounds = array<i64: 256, 256>}]} {
    %get3A = arith.constant 0 : index
    %get3A_0 = arith.constant 0 : index
    %get3A_1 = vector.load %arg2[%get3A, %get3A_0] : memref<256x512xi32, #tpu.memory_space<vmem>>, vector<256x512xi32>
    %and3A = arith.constant -65536 : i32
    %and3A_2 = vector.broadcast %and3A : i32 to vector<256x512xi32>
    %and3A_3 = arith.andi %get3A_1, %and3A_2 : vector<256x512xi32>
    %bitcast_convert_type3A = tpu.bitcast %and3A_3 : vector<256x512xi32> -> vector<256x512xf32>
    %shift_left3A = arith.constant 16 : i32
    %shift_left3A_4 = vector.broadcast %shift_left3A : i32 to vector<256x512xi32>
    %shift_left3A_5 = arith.shli %get3A_1, %shift_left3A_4 : vector<256x512xi32>
    %bitcast_convert_type3A_6 = tpu.bitcast %shift_left3A_5 : vector<256x512xi32> -> vector<256x512xf32>
    %concatenate3A = tpu.concatenate %bitcast_convert_type3A, %bitcast_convert_type3A_6 in 1 : vector<256x512xf32>, vector<256x512xf32> -> vector<256x1024xf32>
    %convert_element_type3A = arith.truncf %concatenate3A : vector<256x1024xf32> to vector<256x1024xbf16>
    %get3A_7 = arith.constant 0 : index
    %get3A_8 = arith.constant 0 : index
    %get3A_9 = arith.constant 0 : index
    %get3A_10 = vector.load %arg3[%get3A_7, %get3A_8, %get3A_9] : memref<1x1024x512xbf16, #tpu.memory_space<vmem>>, vector<1x1024x512xbf16>
    %get3A_11 = vector.shape_cast %get3A_10 : vector<1x1024x512xbf16> to vector<1024x512xbf16>
    %dot_general3A = arith.constant dense<0.000000e+00> : vector<256x512xf32>
    %dot_general3A_12 = tpu.matmul %convert_element_type3A, %get3A_11, %dot_general3A {dimension_numbers = #tpu.dot_dimension_numbers<[1], [0], [0], [1], [0, 0, 1, 1], [], []>, transpose_lhs_hint = false} : vector<256x1024xbf16>, vector<1024x512xbf16>, vector<256x512xf32> -> vector<256x512xf32>
    %get3A_13 = arith.constant 0 : index
    %get3A_14 = arith.constant 0 : index
    %get3A_15 = arith.constant 0 : index
    %get3A_16 = vector.load %arg4[%get3A_13, %get3A_14, %get3A_15] : memref<1x1024x512xbf16, #tpu.memory_space<vmem>>, vector<1x1024x512xbf16>
    %get3A_17 = vector.shape_cast %get3A_16 : vector<1x1024x512xbf16> to vector<1024x512xbf16>
    %dot_general3A_18 = arith.constant dense<0.000000e+00> : vector<256x512xf32>
    %dot_general3A_19 = tpu.matmul %convert_element_type3A, %get3A_17, %dot_general3A_18 {dimension_numbers = #tpu.dot_dimension_numbers<[1], [0], [0], [1], [0, 0, 1, 1], [], []>, transpose_lhs_hint = false} : vector<256x1024xbf16>, vector<1024x512xbf16>, vector<256x512xf32> -> vector<256x512xf32>
    %logistic3A = arith.negf %dot_general3A_12 : vector<256x512xf32>
    %logistic3A_20 = math.exp %logistic3A : vector<256x512xf32>
    %logistic3A_21 = arith.constant 1.000000e+00 : f32
    %logistic3A_22 = vector.broadcast %logistic3A_21 : f32 to vector<256x512xf32>
    %logistic3A_23 = arith.addf %logistic3A_22, %logistic3A_20 : vector<256x512xf32>
    %logistic3A_24 = arith.divf %logistic3A_22, %logistic3A_23 : vector<256x512xf32>
    %mul3A = arith.mulf %dot_general3A_12, %logistic3A_24 : vector<256x512xf32>
    %mul3A_25 = arith.mulf %mul3A, %dot_general3A_19 : vector<256x512xf32>
    %convert_element_type3A_26 = arith.truncf %mul3A_25 : vector<256x512xf32> to vector<256x512xbf16>
    %get3A_27 = arith.constant 0 : index
    %get3A_28 = arith.constant 0 : index
    %get3A_29 = arith.constant 0 : index
    %get3A_30 = vector.load %arg5[%get3A_27, %get3A_28, %get3A_29] : memref<1x512x1024xbf16, #tpu.memory_space<vmem>>, vector<1x512x1024xbf16>
    %get3A_31 = vector.shape_cast %get3A_30 : vector<1x512x1024xbf16> to vector<512x1024xbf16>
    %dot_general3A_32 = arith.constant dense<0.000000e+00> : vector<256x1024xf32>
    %dot_general3A_33 = tpu.matmul %convert_element_type3A_26, %get3A_31, %dot_general3A_32 {dimension_numbers = #tpu.dot_dimension_numbers<[1], [0], [0], [1], [0, 0, 1, 1], [], []>, transpose_lhs_hint = false} : vector<256x512xbf16>, vector<512x1024xbf16>, vector<256x1024xf32> -> vector<256x1024xf32>
    %slice3A = vector.extract_strided_slice %dot_general3A_33 {offsets = [0, 0], sizes = [256, 512], strides = [1, 1]} : vector<256x1024xf32> to vector<256x512xf32>
    %slice3A_34 = vector.extract_strided_slice %dot_general3A_33 {offsets = [0, 512], sizes = [256, 512], strides = [1, 1]} : vector<256x1024xf32> to vector<256x512xf32>
    %slice3A_35 = vector.extract_strided_slice %slice3A {offsets = [0, 0], sizes = [256, 256], strides = [1, 1]} : vector<256x512xf32> to vector<256x256xf32>
    %slice3A_36 = vector.extract_strided_slice %slice3A {offsets = [0, 256], sizes = [256, 256], strides = [1, 1]} : vector<256x512xf32> to vector<256x256xf32>
    %bitcast_convert_type3A_37 = tpu.bitcast %slice3A_35 : vector<256x256xf32> -> vector<256x256xi32>
    %bitcast_convert_type3A_38 = tpu.bitcast %slice3A_36 : vector<256x256xf32> -> vector<256x256xi32>
    %add3A = arith.constant 32767 : i32
    %add3A_39 = vector.broadcast %add3A : i32 to vector<256x256xi32>
    %add3A_40 = arith.addi %bitcast_convert_type3A_37, %add3A_39 : vector<256x256xi32>
    %shift_right_arithmetic3A = arith.constant 16 : i32
    %shift_right_arithmetic3A_41 = vector.broadcast %shift_right_arithmetic3A : i32 to vector<256x256xi32>
    %shift_right_arithmetic3A_42 = arith.shrsi %bitcast_convert_type3A_37, %shift_right_arithmetic3A_41 : vector<256x256xi32>
    %and3A_43 = arith.constant 1 : i32
    %and3A_44 = vector.broadcast %and3A_43 : i32 to vector<256x256xi32>
    %and3A_45 = arith.andi %shift_right_arithmetic3A_42, %and3A_44 : vector<256x256xi32>
    %add3A_46 = arith.addi %add3A_40, %and3A_45 : vector<256x256xi32>
    %add3A_47 = arith.constant 32767 : i32
    %add3A_48 = vector.broadcast %add3A_47 : i32 to vector<256x256xi32>
    %add3A_49 = arith.addi %bitcast_convert_type3A_38, %add3A_48 : vector<256x256xi32>
    %shift_right_arithmetic3A_50 = arith.constant 16 : i32
    %shift_right_arithmetic3A_51 = vector.broadcast %shift_right_arithmetic3A_50 : i32 to vector<256x256xi32>
    %shift_right_arithmetic3A_52 = arith.shrsi %bitcast_convert_type3A_38, %shift_right_arithmetic3A_51 : vector<256x256xi32>
    %and3A_53 = arith.constant 1 : i32
    %and3A_54 = vector.broadcast %and3A_53 : i32 to vector<256x256xi32>
    %and3A_55 = arith.andi %shift_right_arithmetic3A_52, %and3A_54 : vector<256x256xi32>
    %add3A_56 = arith.addi %add3A_49, %and3A_55 : vector<256x256xi32>
    %and3A_57 = arith.constant -65536 : i32
    %and3A_58 = vector.broadcast %and3A_57 : i32 to vector<256x256xi32>
    %and3A_59 = arith.andi %add3A_46, %and3A_58 : vector<256x256xi32>
    %shift_right_logical3A = arith.constant 16 : i32
    %shift_right_logical3A_60 = vector.broadcast %shift_right_logical3A : i32 to vector<256x256xi32>
    %shift_right_logical3A_61 = arith.shrui %add3A_56, %shift_right_logical3A_60 : vector<256x256xi32>
    %or3A = arith.ori %and3A_59, %shift_right_logical3A_61 : vector<256x256xi32>
    %swap3A = arith.constant 0 : index
    %swap3A_62 = arith.constant 0 : index
    %swap3A_63 = vector.load %arg6[%swap3A, %swap3A_62] : memref<256x256xi32, #tpu.memory_space<vmem>>, vector<256x256xi32>
    tpu.vector_store %arg6[%swap3A, %swap3A_62], %or3A {strides = array<i32>} : memref<256x256xi32, #tpu.memory_space<vmem>>, vector<256x256xi32>,
    %slice3A_64 = vector.extract_strided_slice %slice3A_34 {offsets = [0, 0], sizes = [256, 256], strides = [1, 1]} : vector<256x512xf32> to vector<256x256xf32>
    %slice3A_65 = vector.extract_strided_slice %slice3A_34 {offsets = [0, 256], sizes = [256, 256], strides = [1, 1]} : vector<256x512xf32> to vector<256x256xf32>
    %bitcast_convert_type3A_66 = tpu.bitcast %slice3A_64 : vector<256x256xf32> -> vector<256x256xi32>
    %bitcast_convert_type3A_67 = tpu.bitcast %slice3A_65 : vector<256x256xf32> -> vector<256x256xi32>
    %add3A_68 = arith.constant 32767 : i32
    %add3A_69 = vector.broadcast %add3A_68 : i32 to vector<256x256xi32>
    %add3A_70 = arith.addi %bitcast_convert_type3A_66, %add3A_69 : vector<256x256xi32>
    %shift_right_arithmetic3A_71 = arith.constant 16 : i32
    %shift_right_arithmetic3A_72 = vector.broadcast %shift_right_arithmetic3A_71 : i32 to vector<256x256xi32>
    %shift_right_arithmetic3A_73 = arith.shrsi %bitcast_convert_type3A_66, %shift_right_arithmetic3A_72 : vector<256x256xi32>
    %and3A_74 = arith.constant 1 : i32
    %and3A_75 = vector.broadcast %and3A_74 : i32 to vector<256x256xi32>
    %and3A_76 = arith.andi %shift_right_arithmetic3A_73, %and3A_75 : vector<256x256xi32>
    %add3A_77 = arith.addi %add3A_70, %and3A_76 : vector<256x256xi32>
    %add3A_78 = arith.constant 32767 : i32
    %add3A_79 = vector.broadcast %add3A_78 : i32 to vector<256x256xi32>
    %add3A_80 = arith.addi %bitcast_convert_type3A_67, %add3A_79 : vector<256x256xi32>
    %shift_right_arithmetic3A_81 = arith.constant 16 : i32
    %shift_right_arithmetic3A_82 = vector.broadcast %shift_right_arithmetic3A_81 : i32 to vector<256x256xi32>
    %shift_right_arithmetic3A_83 = arith.shrsi %bitcast_convert_type3A_67, %shift_right_arithmetic3A_82 : vector<256x256xi32>
    %and3A_84 = arith.constant 1 : i32
    %and3A_85 = vector.broadcast %and3A_84 : i32 to vector<256x256xi32>
    %and3A_86 = arith.andi %shift_right_arithmetic3A_83, %and3A_85 : vector<256x256xi32>
    %add3A_87 = arith.addi %add3A_80, %and3A_86 : vector<256x256xi32>
    %and3A_88 = arith.constant -65536 : i32
    %and3A_89 = vector.broadcast %and3A_88 : i32 to vector<256x256xi32>
    %and3A_90 = arith.andi %add3A_77, %and3A_89 : vector<256x256xi32>
    %shift_right_logical3A_91 = arith.constant 16 : i32
    %shift_right_logical3A_92 = vector.broadcast %shift_right_logical3A_91 : i32 to vector<256x256xi32>
    %shift_right_logical3A_93 = arith.shrui %add3A_87, %shift_right_logical3A_92 : vector<256x256xi32>
    %or3A_94 = arith.ori %and3A_90, %shift_right_logical3A_93 : vector<256x256xi32>
    %swap3A_95 = arith.constant 0 : index
    %swap3A_96 = arith.constant 0 : index
    %swap3A_97 = vector.load %arg7[%swap3A_95, %swap3A_96] : memref<256x256xi32, #tpu.memory_space<vmem>>, vector<256x256xi32>
    tpu.vector_store %arg7[%swap3A_95, %swap3A_96], %or3A_94 {strides = array<i32>} : memref<256x256xi32, #tpu.memory_space<vmem>>, vector<256x256xi32>,
    return
  }
  func.func @transform_0(%arg0: i32, %arg1: memref<128xi32, #tpu.memory_space<smem>>) -> (i32, i32) {
    %c0_i32 = arith.constant 0 : i32
    %c0_i32_0 = arith.constant 0 : i32
    return %arg0, %c0_i32 : i32, i32
  }
  func.func @transform_1(%arg0: i32, %arg1: memref<128xi32, #tpu.memory_space<smem>>) -> (i32, i32, i32) {
    %get3A = arith.index_cast %arg0 : i32 to index
    %get3A_0 = memref.load %arg1[%get3A] : memref<128xi32, #tpu.memory_space<smem>>
    %c0_i32 = arith.constant 0 : i32
    %c0_i32_1 = arith.constant 0 : i32
    %c0_i32_2 = arith.constant 0 : i32
    return %get3A_0, %c0_i32, %c0_i32_1 : i32, i32, i32
  }
  func.func @transform_2(%arg0: i32, %arg1: memref<128xi32, #tpu.memory_space<smem>>) -> (i32, i32, i32) {
    %get3A = arith.index_cast %arg0 : i32 to index
    %get3A_0 = memref.load %arg1[%get3A] : memref<128xi32, #tpu.memory_space<smem>>
    %c0_i32 = arith.constant 0 : i32
    %c0_i32_1 = arith.constant 0 : i32
    %c0_i32_2 = arith.constant 0 : i32
    return %get3A_0, %c0_i32, %c0_i32_1 : i32, i32, i32
  }
  func.func @transform_3(%arg0: i32, %arg1: memref<128xi32, #tpu.memory_space<smem>>) -> (i32, i32, i32) {
    %get3A = arith.index_cast %arg0 : i32 to index
    %get3A_0 = memref.load %arg1[%get3A] : memref<128xi32, #tpu.memory_space<smem>>
    %c0_i32 = arith.constant 0 : i32
    %c0_i32_1 = arith.constant 0 : i32
    %c0_i32_2 = arith.constant 0 : i32
    return %get3A_0, %c0_i32, %c0_i32_1 : i32, i32, i32
  }
  func.func @transform_4(%arg0: i32, %arg1: memref<128xi32, #tpu.memory_space<smem>>) -> (i32, i32) {
    %c0_i32 = arith.constant 0 : i32
    %c0_i32_0 = arith.constant 0 : i32
    return %arg0, %c0_i32 : i32, i32
  }
  func.func @transform_5(%arg0: i32, %arg1: memref<128xi32, #tpu.memory_space<smem>>) -> (i32, i32) {
    %c0_i32 = arith.constant 0 : i32
    %c0_i32_0 = arith.constant 0 : i32
    return %arg0, %c0_i32 : i32, i32
  }
}

module attributes {stable_mosaic.version = 14 : i64} {
  func.func @_shared_body(%arg0: i32, %arg1: i32, %arg2: memref<512x1024xf32, #tpu.memory_space<vmem>>, %arg3: memref<1024x2816xbf16, #tpu.memory_space<vmem>>, %arg4: memref<1024x2816xbf16, #tpu.memory_space<vmem>>, %arg5: memref<2816x1024xbf16, #tpu.memory_space<vmem>>, %arg6: memref<1024x1xf32, #tpu.memory_space<vmem>>, %arg7: memref<512x1024xf32, #tpu.memory_space<vmem>>) attributes {dimension_semantics = [#tpu.dimension_semantics<arbitrary>, #tpu.dimension_semantics<arbitrary>], iteration_bounds = array<i64: 4, 1>, scalar_prefetch = 0 : i64, scratch_operands = 0 : i64, tpu.core_type = #tpu.core_type<tc>, window_params = [{transform_indices = @transform_0, window_bounds = array<i64: 512, 1024>}, {transform_indices = @transform_1, window_bounds = array<i64: 1024, 2816>}, {transform_indices = @transform_2, window_bounds = array<i64: 1024, 2816>}, {transform_indices = @transform_3, window_bounds = array<i64: 2816, 1024>}, {pipeline_mode = #tpu.pipeline_mode<synchronous>, transform_indices = @transform_4, window_bounds = array<i64: 1024, 1>}, {transform_indices = @transform_5, window_bounds = array<i64: 512, 1024>}]} {
    %get3A = arith.constant 0 : index
    %get3A_0 = arith.constant 0 : index
    %get3A_1 = vector.load %arg2[%get3A, %get3A_0] : memref<512x1024xf32, #tpu.memory_space<vmem>>, vector<512x1024xf32>
    %convert_element_type3A = arith.truncf %get3A_1 : vector<512x1024xf32> to vector<512x1024xbf16>
    %get3A_2 = arith.constant 0 : index
    %get3A_3 = arith.constant 0 : index
    %get3A_4 = vector.load %arg3[%get3A_2, %get3A_3] : memref<1024x2816xbf16, #tpu.memory_space<vmem>>, vector<1024x2816xbf16>
    %dot_general3A = arith.constant dense<0.000000e+00> : vector<512x2816xf32>
    %dot_general3A_5 = tpu.matmul %convert_element_type3A, %get3A_4, %dot_general3A {dimension_numbers = #tpu.dot_dimension_numbers<[1], [0], [0], [1], [0, 0, 1, 1], [], []>, transpose_lhs_hint = false} : vector<512x1024xbf16>, vector<1024x2816xbf16>, vector<512x2816xf32> -> vector<512x2816xf32>
    %get3A_6 = arith.constant 0 : index
    %get3A_7 = arith.constant 0 : index
    %get3A_8 = vector.load %arg4[%get3A_6, %get3A_7] : memref<1024x2816xbf16, #tpu.memory_space<vmem>>, vector<1024x2816xbf16>
    %dot_general3A_9 = arith.constant dense<0.000000e+00> : vector<512x2816xf32>
    %dot_general3A_10 = tpu.matmul %convert_element_type3A, %get3A_8, %dot_general3A_9 {dimension_numbers = #tpu.dot_dimension_numbers<[1], [0], [0], [1], [0, 0, 1, 1], [], []>, transpose_lhs_hint = false} : vector<512x1024xbf16>, vector<1024x2816xbf16>, vector<512x2816xf32> -> vector<512x2816xf32>
    %logistic3A = arith.negf %dot_general3A_5 : vector<512x2816xf32>
    %logistic3A_11 = math.exp %logistic3A : vector<512x2816xf32>
    %logistic3A_12 = arith.constant 1.000000e+00 : f32
    %logistic3A_13 = vector.broadcast %logistic3A_12 : f32 to vector<512x2816xf32>
    %logistic3A_14 = arith.addf %logistic3A_13, %logistic3A_11 : vector<512x2816xf32>
    %logistic3A_15 = arith.divf %logistic3A_13, %logistic3A_14 : vector<512x2816xf32>
    %mul3A = arith.mulf %dot_general3A_5, %logistic3A_15 : vector<512x2816xf32>
    %mul3A_16 = arith.mulf %mul3A, %dot_general3A_10 : vector<512x2816xf32>
    %convert_element_type3A_17 = arith.truncf %mul3A_16 : vector<512x2816xf32> to vector<512x2816xbf16>
    %get3A_18 = arith.constant 0 : index
    %get3A_19 = arith.constant 0 : index
    %get3A_20 = vector.load %arg5[%get3A_18, %get3A_19] : memref<2816x1024xbf16, #tpu.memory_space<vmem>>, vector<2816x1024xbf16>
    %dot_general3A_21 = arith.constant dense<0.000000e+00> : vector<512x1024xf32>
    %dot_general3A_22 = tpu.matmul %convert_element_type3A_17, %get3A_20, %dot_general3A_21 {dimension_numbers = #tpu.dot_dimension_numbers<[1], [0], [0], [1], [0, 0, 1, 1], [], []>, transpose_lhs_hint = false} : vector<512x2816xbf16>, vector<2816x1024xbf16>, vector<512x1024xf32> -> vector<512x1024xf32>
    %eq3A = arith.constant 0 : i32
    %eq3A_23 = arith.cmpi eq, %arg1, %eq3A : i32
    %convert_element_type3A_24 = arith.extui %eq3A_23 : i1 to i32
    %cond3A = arith.constant 0 : i32
    %cond3A_25 = arith.cmpi ne, %convert_element_type3A_24, %cond3A : i32
    scf.if %cond3A_25 {
      %swap3A = arith.constant 0 : index
      %swap3A_35 = arith.constant 0 : index
      %swap3A_36 = vector.load %arg7[%swap3A, %swap3A_35] : memref<512x1024xf32, #tpu.memory_space<vmem>>, vector<512x1024xf32>
      tpu.vector_store %arg7[%swap3A, %swap3A_35], %dot_general3A_22 {strides = array<i32>} : memref<512x1024xf32, #tpu.memory_space<vmem>>, vector<512x1024xf32>,
    } else {
    }
    %ne3A = arith.constant 0 : i32
    %ne3A_26 = arith.cmpi ne, %arg1, %ne3A : i32
    %convert_element_type3A_27 = arith.extui %ne3A_26 : i1 to i32
    %cond3A_28 = arith.constant 0 : i32
    %cond3A_29 = arith.cmpi ne, %convert_element_type3A_27, %cond3A_28 : i32
    scf.if %cond3A_29 {
      %get3A_35 = arith.constant 0 : index
      %get3A_36 = arith.constant 0 : index
      %get3A_37 = vector.load %arg7[%get3A_35, %get3A_36] : memref<512x1024xf32, #tpu.memory_space<vmem>>, vector<512x1024xf32>
      %add3A = arith.addf %get3A_37, %dot_general3A_22 : vector<512x1024xf32>
      %swap3A = arith.constant 0 : index
      %swap3A_38 = arith.constant 0 : index
      %swap3A_39 = vector.load %arg7[%swap3A, %swap3A_38] : memref<512x1024xf32, #tpu.memory_space<vmem>>, vector<512x1024xf32>
      tpu.vector_store %arg7[%swap3A, %swap3A_38], %add3A {strides = array<i32>} : memref<512x1024xf32, #tpu.memory_space<vmem>>, vector<512x1024xf32>,
    } else {
    }
    %eq3A_30 = arith.constant 0 : i32
    %eq3A_31 = arith.cmpi eq, %arg1, %eq3A_30 : i32
    %convert_element_type3A_32 = arith.extui %eq3A_31 : i1 to i32
    %cond3A_33 = arith.constant 0 : i32
    %cond3A_34 = arith.cmpi ne, %convert_element_type3A_32, %cond3A_33 : i32
    scf.if %cond3A_34 {
      %get3A_35 = arith.constant 0 : index
      %get3A_36 = arith.constant 0 : index
      %get3A_37 = vector.load %arg6[%get3A_35, %get3A_36] : memref<1024x1xf32, #tpu.memory_space<vmem>>, vector<1024x1xf32>
      %dot_general3A_38 = arith.constant dense<0.000000e+00> : vector<512x1xf32>
      %dot_general3A_39 = tpu.matmul %get3A_1, %get3A_37, %dot_general3A_38 {dimension_numbers = #tpu.dot_dimension_numbers<[1], [0], [0], [1], [0, 0, 1, 1], [], []>, transpose_lhs_hint = false} : vector<512x1024xf32>, vector<1024x1xf32>, vector<512x1xf32> -> vector<512x1xf32>
      %logistic3A_40 = arith.negf %dot_general3A_39 : vector<512x1xf32>
      %logistic3A_41 = math.exp %logistic3A_40 : vector<512x1xf32>
      %logistic3A_42 = arith.constant 1.000000e+00 : f32
      %logistic3A_43 = vector.broadcast %logistic3A_42 : f32 to vector<512x1xf32>
      %logistic3A_44 = arith.addf %logistic3A_43, %logistic3A_41 : vector<512x1xf32>
      %logistic3A_45 = arith.divf %logistic3A_43, %logistic3A_44 : vector<512x1xf32>
      %get3A_46 = arith.constant 0 : index
      %get3A_47 = arith.constant 0 : index
      %get3A_48 = vector.load %arg7[%get3A_46, %get3A_47] : memref<512x1024xf32, #tpu.memory_space<vmem>>, vector<512x1024xf32>
      %mul3A_49 = vector.broadcast %logistic3A_45 : vector<512x1xf32> to vector<512x1024xf32>
      %mul3A_50 = arith.mulf %mul3A_49, %get3A_48 : vector<512x1024xf32>
      %swap3A = arith.constant 0 : index
      %swap3A_51 = arith.constant 0 : index
      %swap3A_52 = vector.load %arg7[%swap3A, %swap3A_51] : memref<512x1024xf32, #tpu.memory_space<vmem>>, vector<512x1024xf32>
      tpu.vector_store %arg7[%swap3A, %swap3A_51], %mul3A_50 {strides = array<i32>} : memref<512x1024xf32, #tpu.memory_space<vmem>>, vector<512x1024xf32>,
    } else {
    }
    return
  }
  func.func @transform_0(%arg0: i32, %arg1: i32) -> (i32, i32) {
    %c0_i32 = arith.constant 0 : i32
    %c0_i32_0 = arith.constant 0 : i32
    return %arg0, %c0_i32 : i32, i32
  }
  func.func @transform_1(%arg0: i32, %arg1: i32) -> (i32, i32) {
    %c0_i32 = arith.constant 0 : i32
    %c0_i32_0 = arith.constant 0 : i32
    return %c0_i32, %arg1 : i32, i32
  }
  func.func @transform_2(%arg0: i32, %arg1: i32) -> (i32, i32) {
    %c0_i32 = arith.constant 0 : i32
    %c0_i32_0 = arith.constant 0 : i32
    return %c0_i32, %arg1 : i32, i32
  }
  func.func @transform_3(%arg0: i32, %arg1: i32) -> (i32, i32) {
    %c0_i32 = arith.constant 0 : i32
    %c0_i32_0 = arith.constant 0 : i32
    return %arg1, %c0_i32 : i32, i32
  }
  func.func @transform_4(%arg0: i32, %arg1: i32) -> (i32, i32) {
    %c0_i32 = arith.constant 0 : i32
    %c0_i32_0 = arith.constant 0 : i32
    %c0_i32_1 = arith.constant 0 : i32
    return %c0_i32, %c0_i32_0 : i32, i32
  }
  func.func @transform_5(%arg0: i32, %arg1: i32) -> (i32, i32) {
    %c0_i32 = arith.constant 0 : i32
    %c0_i32_0 = arith.constant 0 : i32
    return %arg0, %c0_i32 : i32, i32
  }
}

module attributes {stable_mosaic.version = 14 : i64} {
  func.func @_combine_body(%arg0: i32, %arg1: memref<256x2048xi32, #tpu.memory_space<vmem>>, %arg2: memref<256x2048xi32, #tpu.memory_space<vmem>>, %arg3: memref<256x8xf32, #tpu.memory_space<vmem>>, %arg4: memref<256x1024xf32, #tpu.memory_space<vmem>>, %arg5: memref<256x1024xf32, #tpu.memory_space<vmem>>) attributes {dimension_semantics = [#tpu.dimension_semantics<arbitrary>], iteration_bounds = array<i64: 8>, scalar_prefetch = 0 : i64, scratch_operands = 0 : i64, tpu.core_type = #tpu.core_type<tc>, window_params = [{transform_indices = @transform_0, window_bounds = array<i64: 256, 2048>}, {transform_indices = @transform_1, window_bounds = array<i64: 256, 2048>}, {transform_indices = @transform_2, window_bounds = array<i64: 256, 8>}, {transform_indices = @transform_3, window_bounds = array<i64: 256, 1024>}, {transform_indices = @transform_4, window_bounds = array<i64: 256, 1024>}]} {
    %get3A = arith.constant 0 : index
    %get3A_0 = arith.constant 0 : index
    %get3A_1 = vector.load %arg3[%get3A, %get3A_0] : memref<256x8xf32, #tpu.memory_space<vmem>>, vector<256x8xf32>
    %get3A_2 = arith.constant 0 : index
    %get3A_3 = arith.constant 0 : index
    %get3A_4 = vector.load %arg4[%get3A_2, %get3A_3] : memref<256x1024xf32, #tpu.memory_space<vmem>>, vector<256x256xf32>
    %get3A_5 = arith.constant 0 : index
    %get3A_6 = arith.constant 256 : index
    %get3A_7 = vector.load %arg4[%get3A_5, %get3A_6] : memref<256x1024xf32, #tpu.memory_space<vmem>>, vector<256x256xf32>
    %get3A_8 = arith.constant 0 : index
    %get3A_9 = arith.constant 512 : index
    %get3A_10 = vector.load %arg4[%get3A_8, %get3A_9] : memref<256x1024xf32, #tpu.memory_space<vmem>>, vector<256x256xf32>
    %get3A_11 = arith.constant 0 : index
    %get3A_12 = arith.constant 768 : index
    %get3A_13 = vector.load %arg4[%get3A_11, %get3A_12] : memref<256x1024xf32, #tpu.memory_space<vmem>>, vector<256x256xf32>
    %slice3A = vector.extract_strided_slice %get3A_1 {offsets = [0, 0], sizes = [256, 1], strides = [1, 1]} : vector<256x8xf32> to vector<256x1xf32>
    %get3A_14 = arith.constant 0 : index
    %get3A_15 = arith.constant 0 : index
    %get3A_16 = vector.load %arg1[%get3A_14, %get3A_15] : memref<256x2048xi32, #tpu.memory_space<vmem>>, vector<256x256xi32>
    %and3A = arith.constant -65536 : i32
    %and3A_17 = vector.broadcast %and3A : i32 to vector<256x256xi32>
    %and3A_18 = arith.andi %get3A_16, %and3A_17 : vector<256x256xi32>
    %bitcast_convert_type3A = tpu.bitcast %and3A_18 : vector<256x256xi32> -> vector<256x256xf32>
    %shift_left3A = arith.constant 16 : i32
    %shift_left3A_19 = vector.broadcast %shift_left3A : i32 to vector<256x256xi32>
    %shift_left3A_20 = arith.shli %get3A_16, %shift_left3A_19 : vector<256x256xi32>
    %bitcast_convert_type3A_21 = tpu.bitcast %shift_left3A_20 : vector<256x256xi32> -> vector<256x256xf32>
    %get3A_22 = arith.constant 0 : index
    %get3A_23 = arith.constant 0 : index
    %get3A_24 = vector.load %arg2[%get3A_22, %get3A_23] : memref<256x2048xi32, #tpu.memory_space<vmem>>, vector<256x256xi32>
    %and3A_25 = arith.constant -65536 : i32
    %and3A_26 = vector.broadcast %and3A_25 : i32 to vector<256x256xi32>
    %and3A_27 = arith.andi %get3A_24, %and3A_26 : vector<256x256xi32>
    %bitcast_convert_type3A_28 = tpu.bitcast %and3A_27 : vector<256x256xi32> -> vector<256x256xf32>
    %shift_left3A_29 = arith.constant 16 : i32
    %shift_left3A_30 = vector.broadcast %shift_left3A_29 : i32 to vector<256x256xi32>
    %shift_left3A_31 = arith.shli %get3A_24, %shift_left3A_30 : vector<256x256xi32>
    %bitcast_convert_type3A_32 = tpu.bitcast %shift_left3A_31 : vector<256x256xi32> -> vector<256x256xf32>
    %mul3A = vector.broadcast %slice3A : vector<256x1xf32> to vector<256x256xf32>
    %mul3A_33 = arith.mulf %mul3A, %bitcast_convert_type3A : vector<256x256xf32>
    %add3A = arith.addf %get3A_4, %mul3A_33 : vector<256x256xf32>
    %mul3A_34 = vector.broadcast %slice3A : vector<256x1xf32> to vector<256x256xf32>
    %mul3A_35 = arith.mulf %mul3A_34, %bitcast_convert_type3A_21 : vector<256x256xf32>
    %add3A_36 = arith.addf %get3A_7, %mul3A_35 : vector<256x256xf32>
    %mul3A_37 = vector.broadcast %slice3A : vector<256x1xf32> to vector<256x256xf32>
    %mul3A_38 = arith.mulf %mul3A_37, %bitcast_convert_type3A_28 : vector<256x256xf32>
    %add3A_39 = arith.addf %get3A_10, %mul3A_38 : vector<256x256xf32>
    %mul3A_40 = vector.broadcast %slice3A : vector<256x1xf32> to vector<256x256xf32>
    %mul3A_41 = arith.mulf %mul3A_40, %bitcast_convert_type3A_32 : vector<256x256xf32>
    %add3A_42 = arith.addf %get3A_13, %mul3A_41 : vector<256x256xf32>
    %slice3A_43 = vector.extract_strided_slice %get3A_1 {offsets = [0, 1], sizes = [256, 1], strides = [1, 1]} : vector<256x8xf32> to vector<256x1xf32>
    %get3A_44 = arith.constant 0 : index
    %get3A_45 = arith.constant 256 : index
    %get3A_46 = vector.load %arg1[%get3A_44, %get3A_45] : memref<256x2048xi32, #tpu.memory_space<vmem>>, vector<256x256xi32>
    %and3A_47 = arith.constant -65536 : i32
    %and3A_48 = vector.broadcast %and3A_47 : i32 to vector<256x256xi32>
    %and3A_49 = arith.andi %get3A_46, %and3A_48 : vector<256x256xi32>
    %bitcast_convert_type3A_50 = tpu.bitcast %and3A_49 : vector<256x256xi32> -> vector<256x256xf32>
    %shift_left3A_51 = arith.constant 16 : i32
    %shift_left3A_52 = vector.broadcast %shift_left3A_51 : i32 to vector<256x256xi32>
    %shift_left3A_53 = arith.shli %get3A_46, %shift_left3A_52 : vector<256x256xi32>
    %bitcast_convert_type3A_54 = tpu.bitcast %shift_left3A_53 : vector<256x256xi32> -> vector<256x256xf32>
    %get3A_55 = arith.constant 0 : index
    %get3A_56 = arith.constant 256 : index
    %get3A_57 = vector.load %arg2[%get3A_55, %get3A_56] : memref<256x2048xi32, #tpu.memory_space<vmem>>, vector<256x256xi32>
    %and3A_58 = arith.constant -65536 : i32
    %and3A_59 = vector.broadcast %and3A_58 : i32 to vector<256x256xi32>
    %and3A_60 = arith.andi %get3A_57, %and3A_59 : vector<256x256xi32>
    %bitcast_convert_type3A_61 = tpu.bitcast %and3A_60 : vector<256x256xi32> -> vector<256x256xf32>
    %shift_left3A_62 = arith.constant 16 : i32
    %shift_left3A_63 = vector.broadcast %shift_left3A_62 : i32 to vector<256x256xi32>
    %shift_left3A_64 = arith.shli %get3A_57, %shift_left3A_63 : vector<256x256xi32>
    %bitcast_convert_type3A_65 = tpu.bitcast %shift_left3A_64 : vector<256x256xi32> -> vector<256x256xf32>
    %mul3A_66 = vector.broadcast %slice3A_43 : vector<256x1xf32> to vector<256x256xf32>
    %mul3A_67 = arith.mulf %mul3A_66, %bitcast_convert_type3A_50 : vector<256x256xf32>
    %add3A_68 = arith.addf %add3A, %mul3A_67 : vector<256x256xf32>
    %mul3A_69 = vector.broadcast %slice3A_43 : vector<256x1xf32> to vector<256x256xf32>
    %mul3A_70 = arith.mulf %mul3A_69, %bitcast_convert_type3A_54 : vector<256x256xf32>
    %add3A_71 = arith.addf %add3A_36, %mul3A_70 : vector<256x256xf32>
    %mul3A_72 = vector.broadcast %slice3A_43 : vector<256x1xf32> to vector<256x256xf32>
    %mul3A_73 = arith.mulf %mul3A_72, %bitcast_convert_type3A_61 : vector<256x256xf32>
    %add3A_74 = arith.addf %add3A_39, %mul3A_73 : vector<256x256xf32>
    %mul3A_75 = vector.broadcast %slice3A_43 : vector<256x1xf32> to vector<256x256xf32>
    %mul3A_76 = arith.mulf %mul3A_75, %bitcast_convert_type3A_65 : vector<256x256xf32>
    %add3A_77 = arith.addf %add3A_42, %mul3A_76 : vector<256x256xf32>
    %slice3A_78 = vector.extract_strided_slice %get3A_1 {offsets = [0, 2], sizes = [256, 1], strides = [1, 1]} : vector<256x8xf32> to vector<256x1xf32>
    %get3A_79 = arith.constant 0 : index
    %get3A_80 = arith.constant 512 : index
    %get3A_81 = vector.load %arg1[%get3A_79, %get3A_80] : memref<256x2048xi32, #tpu.memory_space<vmem>>, vector<256x256xi32>
    %and3A_82 = arith.constant -65536 : i32
    %and3A_83 = vector.broadcast %and3A_82 : i32 to vector<256x256xi32>
    %and3A_84 = arith.andi %get3A_81, %and3A_83 : vector<256x256xi32>
    %bitcast_convert_type3A_85 = tpu.bitcast %and3A_84 : vector<256x256xi32> -> vector<256x256xf32>
    %shift_left3A_86 = arith.constant 16 : i32
    %shift_left3A_87 = vector.broadcast %shift_left3A_86 : i32 to vector<256x256xi32>
    %shift_left3A_88 = arith.shli %get3A_81, %shift_left3A_87 : vector<256x256xi32>
    %bitcast_convert_type3A_89 = tpu.bitcast %shift_left3A_88 : vector<256x256xi32> -> vector<256x256xf32>
    %get3A_90 = arith.constant 0 : index
    %get3A_91 = arith.constant 512 : index
    %get3A_92 = vector.load %arg2[%get3A_90, %get3A_91] : memref<256x2048xi32, #tpu.memory_space<vmem>>, vector<256x256xi32>
    %and3A_93 = arith.constant -65536 : i32
    %and3A_94 = vector.broadcast %and3A_93 : i32 to vector<256x256xi32>
    %and3A_95 = arith.andi %get3A_92, %and3A_94 : vector<256x256xi32>
    %bitcast_convert_type3A_96 = tpu.bitcast %and3A_95 : vector<256x256xi32> -> vector<256x256xf32>
    %shift_left3A_97 = arith.constant 16 : i32
    %shift_left3A_98 = vector.broadcast %shift_left3A_97 : i32 to vector<256x256xi32>
    %shift_left3A_99 = arith.shli %get3A_92, %shift_left3A_98 : vector<256x256xi32>
    %bitcast_convert_type3A_100 = tpu.bitcast %shift_left3A_99 : vector<256x256xi32> -> vector<256x256xf32>
    %mul3A_101 = vector.broadcast %slice3A_78 : vector<256x1xf32> to vector<256x256xf32>
    %mul3A_102 = arith.mulf %mul3A_101, %bitcast_convert_type3A_85 : vector<256x256xf32>
    %add3A_103 = arith.addf %add3A_68, %mul3A_102 : vector<256x256xf32>
    %mul3A_104 = vector.broadcast %slice3A_78 : vector<256x1xf32> to vector<256x256xf32>
    %mul3A_105 = arith.mulf %mul3A_104, %bitcast_convert_type3A_89 : vector<256x256xf32>
    %add3A_106 = arith.addf %add3A_71, %mul3A_105 : vector<256x256xf32>
    %mul3A_107 = vector.broadcast %slice3A_78 : vector<256x1xf32> to vector<256x256xf32>
    %mul3A_108 = arith.mulf %mul3A_107, %bitcast_convert_type3A_96 : vector<256x256xf32>
    %add3A_109 = arith.addf %add3A_74, %mul3A_108 : vector<256x256xf32>
    %mul3A_110 = vector.broadcast %slice3A_78 : vector<256x1xf32> to vector<256x256xf32>
    %mul3A_111 = arith.mulf %mul3A_110, %bitcast_convert_type3A_100 : vector<256x256xf32>
    %add3A_112 = arith.addf %add3A_77, %mul3A_111 : vector<256x256xf32>
    %slice3A_113 = vector.extract_strided_slice %get3A_1 {offsets = [0, 3], sizes = [256, 1], strides = [1, 1]} : vector<256x8xf32> to vector<256x1xf32>
    %get3A_114 = arith.constant 0 : index
    %get3A_115 = arith.constant 768 : index
    %get3A_116 = vector.load %arg1[%get3A_114, %get3A_115] : memref<256x2048xi32, #tpu.memory_space<vmem>>, vector<256x256xi32>
    %and3A_117 = arith.constant -65536 : i32
    %and3A_118 = vector.broadcast %and3A_117 : i32 to vector<256x256xi32>
    %and3A_119 = arith.andi %get3A_116, %and3A_118 : vector<256x256xi32>
    %bitcast_convert_type3A_120 = tpu.bitcast %and3A_119 : vector<256x256xi32> -> vector<256x256xf32>
    %shift_left3A_121 = arith.constant 16 : i32
    %shift_left3A_122 = vector.broadcast %shift_left3A_121 : i32 to vector<256x256xi32>
    %shift_left3A_123 = arith.shli %get3A_116, %shift_left3A_122 : vector<256x256xi32>
    %bitcast_convert_type3A_124 = tpu.bitcast %shift_left3A_123 : vector<256x256xi32> -> vector<256x256xf32>
    %get3A_125 = arith.constant 0 : index
    %get3A_126 = arith.constant 768 : index
    %get3A_127 = vector.load %arg2[%get3A_125, %get3A_126] : memref<256x2048xi32, #tpu.memory_space<vmem>>, vector<256x256xi32>
    %and3A_128 = arith.constant -65536 : i32
    %and3A_129 = vector.broadcast %and3A_128 : i32 to vector<256x256xi32>
    %and3A_130 = arith.andi %get3A_127, %and3A_129 : vector<256x256xi32>
    %bitcast_convert_type3A_131 = tpu.bitcast %and3A_130 : vector<256x256xi32> -> vector<256x256xf32>
    %shift_left3A_132 = arith.constant 16 : i32
    %shift_left3A_133 = vector.broadcast %shift_left3A_132 : i32 to vector<256x256xi32>
    %shift_left3A_134 = arith.shli %get3A_127, %shift_left3A_133 : vector<256x256xi32>
    %bitcast_convert_type3A_135 = tpu.bitcast %shift_left3A_134 : vector<256x256xi32> -> vector<256x256xf32>
    %mul3A_136 = vector.broadcast %slice3A_113 : vector<256x1xf32> to vector<256x256xf32>
    %mul3A_137 = arith.mulf %mul3A_136, %bitcast_convert_type3A_120 : vector<256x256xf32>
    %add3A_138 = arith.addf %add3A_103, %mul3A_137 : vector<256x256xf32>
    %mul3A_139 = vector.broadcast %slice3A_113 : vector<256x1xf32> to vector<256x256xf32>
    %mul3A_140 = arith.mulf %mul3A_139, %bitcast_convert_type3A_124 : vector<256x256xf32>
    %add3A_141 = arith.addf %add3A_106, %mul3A_140 : vector<256x256xf32>
    %mul3A_142 = vector.broadcast %slice3A_113 : vector<256x1xf32> to vector<256x256xf32>
    %mul3A_143 = arith.mulf %mul3A_142, %bitcast_convert_type3A_131 : vector<256x256xf32>
    %add3A_144 = arith.addf %add3A_109, %mul3A_143 : vector<256x256xf32>
    %mul3A_145 = vector.broadcast %slice3A_113 : vector<256x1xf32> to vector<256x256xf32>
    %mul3A_146 = arith.mulf %mul3A_145, %bitcast_convert_type3A_135 : vector<256x256xf32>
    %add3A_147 = arith.addf %add3A_112, %mul3A_146 : vector<256x256xf32>
    %slice3A_148 = vector.extract_strided_slice %get3A_1 {offsets = [0, 4], sizes = [256, 1], strides = [1, 1]} : vector<256x8xf32> to vector<256x1xf32>
    %get3A_149 = arith.constant 0 : index
    %get3A_150 = arith.constant 1024 : index
    %get3A_151 = vector.load %arg1[%get3A_149, %get3A_150] : memref<256x2048xi32, #tpu.memory_space<vmem>>, vector<256x256xi32>
    %and3A_152 = arith.constant -65536 : i32
    %and3A_153 = vector.broadcast %and3A_152 : i32 to vector<256x256xi32>
    %and3A_154 = arith.andi %get3A_151, %and3A_153 : vector<256x256xi32>
    %bitcast_convert_type3A_155 = tpu.bitcast %and3A_154 : vector<256x256xi32> -> vector<256x256xf32>
    %shift_left3A_156 = arith.constant 16 : i32
    %shift_left3A_157 = vector.broadcast %shift_left3A_156 : i32 to vector<256x256xi32>
    %shift_left3A_158 = arith.shli %get3A_151, %shift_left3A_157 : vector<256x256xi32>
    %bitcast_convert_type3A_159 = tpu.bitcast %shift_left3A_158 : vector<256x256xi32> -> vector<256x256xf32>
    %get3A_160 = arith.constant 0 : index
    %get3A_161 = arith.constant 1024 : index
    %get3A_162 = vector.load %arg2[%get3A_160, %get3A_161] : memref<256x2048xi32, #tpu.memory_space<vmem>>, vector<256x256xi32>
    %and3A_163 = arith.constant -65536 : i32
    %and3A_164 = vector.broadcast %and3A_163 : i32 to vector<256x256xi32>
    %and3A_165 = arith.andi %get3A_162, %and3A_164 : vector<256x256xi32>
    %bitcast_convert_type3A_166 = tpu.bitcast %and3A_165 : vector<256x256xi32> -> vector<256x256xf32>
    %shift_left3A_167 = arith.constant 16 : i32
    %shift_left3A_168 = vector.broadcast %shift_left3A_167 : i32 to vector<256x256xi32>
    %shift_left3A_169 = arith.shli %get3A_162, %shift_left3A_168 : vector<256x256xi32>
    %bitcast_convert_type3A_170 = tpu.bitcast %shift_left3A_169 : vector<256x256xi32> -> vector<256x256xf32>
    %mul3A_171 = vector.broadcast %slice3A_148 : vector<256x1xf32> to vector<256x256xf32>
    %mul3A_172 = arith.mulf %mul3A_171, %bitcast_convert_type3A_155 : vector<256x256xf32>
    %add3A_173 = arith.addf %add3A_138, %mul3A_172 : vector<256x256xf32>
    %mul3A_174 = vector.broadcast %slice3A_148 : vector<256x1xf32> to vector<256x256xf32>
    %mul3A_175 = arith.mulf %mul3A_174, %bitcast_convert_type3A_159 : vector<256x256xf32>
    %add3A_176 = arith.addf %add3A_141, %mul3A_175 : vector<256x256xf32>
    %mul3A_177 = vector.broadcast %slice3A_148 : vector<256x1xf32> to vector<256x256xf32>
    %mul3A_178 = arith.mulf %mul3A_177, %bitcast_convert_type3A_166 : vector<256x256xf32>
    %add3A_179 = arith.addf %add3A_144, %mul3A_178 : vector<256x256xf32>
    %mul3A_180 = vector.broadcast %slice3A_148 : vector<256x1xf32> to vector<256x256xf32>
    %mul3A_181 = arith.mulf %mul3A_180, %bitcast_convert_type3A_170 : vector<256x256xf32>
    %add3A_182 = arith.addf %add3A_147, %mul3A_181 : vector<256x256xf32>
    %slice3A_183 = vector.extract_strided_slice %get3A_1 {offsets = [0, 5], sizes = [256, 1], strides = [1, 1]} : vector<256x8xf32> to vector<256x1xf32>
    %get3A_184 = arith.constant 0 : index
    %get3A_185 = arith.constant 1280 : index
    %get3A_186 = vector.load %arg1[%get3A_184, %get3A_185] : memref<256x2048xi32, #tpu.memory_space<vmem>>, vector<256x256xi32>
    %and3A_187 = arith.constant -65536 : i32
    %and3A_188 = vector.broadcast %and3A_187 : i32 to vector<256x256xi32>
    %and3A_189 = arith.andi %get3A_186, %and3A_188 : vector<256x256xi32>
    %bitcast_convert_type3A_190 = tpu.bitcast %and3A_189 : vector<256x256xi32> -> vector<256x256xf32>
    %shift_left3A_191 = arith.constant 16 : i32
    %shift_left3A_192 = vector.broadcast %shift_left3A_191 : i32 to vector<256x256xi32>
    %shift_left3A_193 = arith.shli %get3A_186, %shift_left3A_192 : vector<256x256xi32>
    %bitcast_convert_type3A_194 = tpu.bitcast %shift_left3A_193 : vector<256x256xi32> -> vector<256x256xf32>
    %get3A_195 = arith.constant 0 : index
    %get3A_196 = arith.constant 1280 : index
    %get3A_197 = vector.load %arg2[%get3A_195, %get3A_196] : memref<256x2048xi32, #tpu.memory_space<vmem>>, vector<256x256xi32>
    %and3A_198 = arith.constant -65536 : i32
    %and3A_199 = vector.broadcast %and3A_198 : i32 to vector<256x256xi32>
    %and3A_200 = arith.andi %get3A_197, %and3A_199 : vector<256x256xi32>
    %bitcast_convert_type3A_201 = tpu.bitcast %and3A_200 : vector<256x256xi32> -> vector<256x256xf32>
    %shift_left3A_202 = arith.constant 16 : i32
    %shift_left3A_203 = vector.broadcast %shift_left3A_202 : i32 to vector<256x256xi32>
    %shift_left3A_204 = arith.shli %get3A_197, %shift_left3A_203 : vector<256x256xi32>
    %bitcast_convert_type3A_205 = tpu.bitcast %shift_left3A_204 : vector<256x256xi32> -> vector<256x256xf32>
    %mul3A_206 = vector.broadcast %slice3A_183 : vector<256x1xf32> to vector<256x256xf32>
    %mul3A_207 = arith.mulf %mul3A_206, %bitcast_convert_type3A_190 : vector<256x256xf32>
    %add3A_208 = arith.addf %add3A_173, %mul3A_207 : vector<256x256xf32>
    %mul3A_209 = vector.broadcast %slice3A_183 : vector<256x1xf32> to vector<256x256xf32>
    %mul3A_210 = arith.mulf %mul3A_209, %bitcast_convert_type3A_194 : vector<256x256xf32>
    %add3A_211 = arith.addf %add3A_176, %mul3A_210 : vector<256x256xf32>
    %mul3A_212 = vector.broadcast %slice3A_183 : vector<256x1xf32> to vector<256x256xf32>
    %mul3A_213 = arith.mulf %mul3A_212, %bitcast_convert_type3A_201 : vector<256x256xf32>
    %add3A_214 = arith.addf %add3A_179, %mul3A_213 : vector<256x256xf32>
    %mul3A_215 = vector.broadcast %slice3A_183 : vector<256x1xf32> to vector<256x256xf32>
    %mul3A_216 = arith.mulf %mul3A_215, %bitcast_convert_type3A_205 : vector<256x256xf32>
    %add3A_217 = arith.addf %add3A_182, %mul3A_216 : vector<256x256xf32>
    %slice3A_218 = vector.extract_strided_slice %get3A_1 {offsets = [0, 6], sizes = [256, 1], strides = [1, 1]} : vector<256x8xf32> to vector<256x1xf32>
    %get3A_219 = arith.constant 0 : index
    %get3A_220 = arith.constant 1536 : index
    %get3A_221 = vector.load %arg1[%get3A_219, %get3A_220] : memref<256x2048xi32, #tpu.memory_space<vmem>>, vector<256x256xi32>
    %and3A_222 = arith.constant -65536 : i32
    %and3A_223 = vector.broadcast %and3A_222 : i32 to vector<256x256xi32>
    %and3A_224 = arith.andi %get3A_221, %and3A_223 : vector<256x256xi32>
    %bitcast_convert_type3A_225 = tpu.bitcast %and3A_224 : vector<256x256xi32> -> vector<256x256xf32>
    %shift_left3A_226 = arith.constant 16 : i32
    %shift_left3A_227 = vector.broadcast %shift_left3A_226 : i32 to vector<256x256xi32>
    %shift_left3A_228 = arith.shli %get3A_221, %shift_left3A_227 : vector<256x256xi32>
    %bitcast_convert_type3A_229 = tpu.bitcast %shift_left3A_228 : vector<256x256xi32> -> vector<256x256xf32>
    %get3A_230 = arith.constant 0 : index
    %get3A_231 = arith.constant 1536 : index
    %get3A_232 = vector.load %arg2[%get3A_230, %get3A_231] : memref<256x2048xi32, #tpu.memory_space<vmem>>, vector<256x256xi32>
    %and3A_233 = arith.constant -65536 : i32
    %and3A_234 = vector.broadcast %and3A_233 : i32 to vector<256x256xi32>
    %and3A_235 = arith.andi %get3A_232, %and3A_234 : vector<256x256xi32>
    %bitcast_convert_type3A_236 = tpu.bitcast %and3A_235 : vector<256x256xi32> -> vector<256x256xf32>
    %shift_left3A_237 = arith.constant 16 : i32
    %shift_left3A_238 = vector.broadcast %shift_left3A_237 : i32 to vector<256x256xi32>
    %shift_left3A_239 = arith.shli %get3A_232, %shift_left3A_238 : vector<256x256xi32>
    %bitcast_convert_type3A_240 = tpu.bitcast %shift_left3A_239 : vector<256x256xi32> -> vector<256x256xf32>
    %mul3A_241 = vector.broadcast %slice3A_218 : vector<256x1xf32> to vector<256x256xf32>
    %mul3A_242 = arith.mulf %mul3A_241, %bitcast_convert_type3A_225 : vector<256x256xf32>
    %add3A_243 = arith.addf %add3A_208, %mul3A_242 : vector<256x256xf32>
    %mul3A_244 = vector.broadcast %slice3A_218 : vector<256x1xf32> to vector<256x256xf32>
    %mul3A_245 = arith.mulf %mul3A_244, %bitcast_convert_type3A_229 : vector<256x256xf32>
    %add3A_246 = arith.addf %add3A_211, %mul3A_245 : vector<256x256xf32>
    %mul3A_247 = vector.broadcast %slice3A_218 : vector<256x1xf32> to vector<256x256xf32>
    %mul3A_248 = arith.mulf %mul3A_247, %bitcast_convert_type3A_236 : vector<256x256xf32>
    %add3A_249 = arith.addf %add3A_214, %mul3A_248 : vector<256x256xf32>
    %mul3A_250 = vector.broadcast %slice3A_218 : vector<256x1xf32> to vector<256x256xf32>
    %mul3A_251 = arith.mulf %mul3A_250, %bitcast_convert_type3A_240 : vector<256x256xf32>
    %add3A_252 = arith.addf %add3A_217, %mul3A_251 : vector<256x256xf32>
    %slice3A_253 = vector.extract_strided_slice %get3A_1 {offsets = [0, 7], sizes = [256, 1], strides = [1, 1]} : vector<256x8xf32> to vector<256x1xf32>
    %get3A_254 = arith.constant 0 : index
    %get3A_255 = arith.constant 1792 : index
    %get3A_256 = vector.load %arg1[%get3A_254, %get3A_255] : memref<256x2048xi32, #tpu.memory_space<vmem>>, vector<256x256xi32>
    %and3A_257 = arith.constant -65536 : i32
    %and3A_258 = vector.broadcast %and3A_257 : i32 to vector<256x256xi32>
    %and3A_259 = arith.andi %get3A_256, %and3A_258 : vector<256x256xi32>
    %bitcast_convert_type3A_260 = tpu.bitcast %and3A_259 : vector<256x256xi32> -> vector<256x256xf32>
    %shift_left3A_261 = arith.constant 16 : i32
    %shift_left3A_262 = vector.broadcast %shift_left3A_261 : i32 to vector<256x256xi32>
    %shift_left3A_263 = arith.shli %get3A_256, %shift_left3A_262 : vector<256x256xi32>
    %bitcast_convert_type3A_264 = tpu.bitcast %shift_left3A_263 : vector<256x256xi32> -> vector<256x256xf32>
    %get3A_265 = arith.constant 0 : index
    %get3A_266 = arith.constant 1792 : index
    %get3A_267 = vector.load %arg2[%get3A_265, %get3A_266] : memref<256x2048xi32, #tpu.memory_space<vmem>>, vector<256x256xi32>
    %and3A_268 = arith.constant -65536 : i32
    %and3A_269 = vector.broadcast %and3A_268 : i32 to vector<256x256xi32>
    %and3A_270 = arith.andi %get3A_267, %and3A_269 : vector<256x256xi32>
    %bitcast_convert_type3A_271 = tpu.bitcast %and3A_270 : vector<256x256xi32> -> vector<256x256xf32>
    %shift_left3A_272 = arith.constant 16 : i32
    %shift_left3A_273 = vector.broadcast %shift_left3A_272 : i32 to vector<256x256xi32>
    %shift_left3A_274 = arith.shli %get3A_267, %shift_left3A_273 : vector<256x256xi32>
    %bitcast_convert_type3A_275 = tpu.bitcast %shift_left3A_274 : vector<256x256xi32> -> vector<256x256xf32>
    %mul3A_276 = vector.broadcast %slice3A_253 : vector<256x1xf32> to vector<256x256xf32>
    %mul3A_277 = arith.mulf %mul3A_276, %bitcast_convert_type3A_260 : vector<256x256xf32>
    %add3A_278 = arith.addf %add3A_243, %mul3A_277 : vector<256x256xf32>
    %mul3A_279 = vector.broadcast %slice3A_253 : vector<256x1xf32> to vector<256x256xf32>
    %mul3A_280 = arith.mulf %mul3A_279, %bitcast_convert_type3A_264 : vector<256x256xf32>
    %add3A_281 = arith.addf %add3A_246, %mul3A_280 : vector<256x256xf32>
    %mul3A_282 = vector.broadcast %slice3A_253 : vector<256x1xf32> to vector<256x256xf32>
    %mul3A_283 = arith.mulf %mul3A_282, %bitcast_convert_type3A_271 : vector<256x256xf32>
    %add3A_284 = arith.addf %add3A_249, %mul3A_283 : vector<256x256xf32>
    %mul3A_285 = vector.broadcast %slice3A_253 : vector<256x1xf32> to vector<256x256xf32>
    %mul3A_286 = arith.mulf %mul3A_285, %bitcast_convert_type3A_275 : vector<256x256xf32>
    %add3A_287 = arith.addf %add3A_252, %mul3A_286 : vector<256x256xf32>
    %swap3A = arith.constant 0 : index
    %swap3A_288 = arith.constant 0 : index
    %swap3A_289 = vector.load %arg5[%swap3A, %swap3A_288] : memref<256x1024xf32, #tpu.memory_space<vmem>>, vector<256x256xf32>
    tpu.vector_store %arg5[%swap3A, %swap3A_288], %add3A_278 {strides = array<i32>} : memref<256x1024xf32, #tpu.memory_space<vmem>>, vector<256x256xf32>,
    %swap3A_290 = arith.constant 0 : index
    %swap3A_291 = arith.constant 256 : index
    %swap3A_292 = vector.load %arg5[%swap3A_290, %swap3A_291] : memref<256x1024xf32, #tpu.memory_space<vmem>>, vector<256x256xf32>
    tpu.vector_store %arg5[%swap3A_290, %swap3A_291], %add3A_281 {strides = array<i32>} : memref<256x1024xf32, #tpu.memory_space<vmem>>, vector<256x256xf32>,
    %swap3A_293 = arith.constant 0 : index
    %swap3A_294 = arith.constant 512 : index
    %swap3A_295 = vector.load %arg5[%swap3A_293, %swap3A_294] : memref<256x1024xf32, #tpu.memory_space<vmem>>, vector<256x256xf32>
    tpu.vector_store %arg5[%swap3A_293, %swap3A_294], %add3A_284 {strides = array<i32>} : memref<256x1024xf32, #tpu.memory_space<vmem>>, vector<256x256xf32>,
    %swap3A_296 = arith.constant 0 : index
    %swap3A_297 = arith.constant 768 : index
    %swap3A_298 = vector.load %arg5[%swap3A_296, %swap3A_297] : memref<256x1024xf32, #tpu.memory_space<vmem>>, vector<256x256xf32>
    tpu.vector_store %arg5[%swap3A_296, %swap3A_297], %add3A_287 {strides = array<i32>} : memref<256x1024xf32, #tpu.memory_space<vmem>>, vector<256x256xf32>,
    return
  }
  func.func @transform_0(%arg0: i32) -> (i32, i32) {
    %c0_i32 = arith.constant 0 : i32
    %c0_i32_0 = arith.constant 0 : i32
    return %arg0, %c0_i32 : i32, i32
  }
  func.func @transform_1(%arg0: i32) -> (i32, i32) {
    %c0_i32 = arith.constant 0 : i32
    %c0_i32_0 = arith.constant 0 : i32
    return %arg0, %c0_i32 : i32, i32
  }
  func.func @transform_2(%arg0: i32) -> (i32, i32) {
    %c0_i32 = arith.constant 0 : i32
    %c0_i32_0 = arith.constant 0 : i32
    return %arg0, %c0_i32 : i32, i32
  }
  func.func @transform_3(%arg0: i32) -> (i32, i32) {
    %c0_i32 = arith.constant 0 : i32
    %c0_i32_0 = arith.constant 0 : i32
    return %arg0, %c0_i32 : i32, i32
  }
  func.func @transform_4(%arg0: i32) -> (i32, i32) {
    %c0_i32 = arith.constant 0 : i32
    %c0_i32_0 = arith.constant 0 : i32
    return %arg0, %c0_i32 : i32, i32
  }
}

</mosaic_0001>

<sc_bundles>
// kernel: kernel.11.cloned.1.call-start
scs
__scs_entry_jumppad:
0x0: {  	(pc) =	sbr.rel $0x88, $3  }
0x1: {  	(tag) =	ssettag $0x0;
	lr =	simm.s32 $0x1  }
0x2: {  	[smem:$0x3F98] =	sst lr;
	_ =	strace $0xD0000000  }
0x3: {  	_ = 	snop  }
0x4: {  	_ = 	snop  }
0x5: {  	_ = 	snop  }
0x6: {  	_ = 	snop  }
0x7: {  	_ = 	snop  }
__scs_overlays_trampoline_lowered:
0x8: {  	[smem:$0x3FA7] =	sst s0  }
0x9: {  	[smem:$0x3FA8] =	sst s1  }
0xa: {  	[smem:$0x3FA9] =	sst s2  }
0xb: {  	[smem:$0x3FAA] =	sst s3  }
0xc: {  	[smem:$0x3FAB] =	sst s4  }
0xd: {  	[smem:$0x3FAC] =	sst s5  }
0xe: {  	[smem:$0x3FAD] =	sst s6  }
0xf: {  	[smem:$0x3FAE] =	sst s7  }
0x10: {  	[smem:$0x3FAF] =	sst s8  }
0x11: {  	[smem:$0x3FB0] =	sst s9;
	s0 =	simm.s32 @!p0 $0x0  }
0x12: {  	s1 =	sld [smem:$0x3F96];
	s0 =	simm.s32 @p0 $0x1  }
0x13: {  	[smem:$0x3FB1] =	sst s0;
	s0 =	simm.s32 @!p1 $0x0  }
0x14: {  	s2 =	sld [smem:$0x3F95];
	s0 =	simm.s32 @p1 $0x1  }
0x15: {  	[smem:$0x3FB2] =	sst s0;
	s0 =	simm.s32 @!p2 $0x0  }
0x16: {  	s3 =	sld [smem:$0x3FDB];
	s0 =	simm.s32 @p2 $0x1  }
0x17: {  	s4 =	simm.s32 $0x1BF5;
	[smem:$0x3FB4] =	sst s0  }
0x18: {  	s0 =	sld [smem:$0x3F97];
	_ =	swait.ge [sflag:s4], $0x0  }
0x19: {  	s7 =	sld [smem:$0x3F98]  }
0x1a: {  	s8 =	sadd.s32 $0xFFFFE003, lr  }
0x1b: {  	s9 =	sadd.s32 $0xFFFFFEF7, lr;
	s5 =	simm.s32 $0xFFFFFFFF;
	p2 =	slt.u32 s8, $0xFFFFF086  }
0x1c: {  	p1 =	slt.u32 s9, $0xF7A;
	s5 =	simm.s32 @!p2 $0x0  }
0x1d: {  	s5 =	simm.s32 @p1 $0x1;
	p0 =	seq.s32 s7, s2  }
0x1e: {  	s7 =	smul.u32 @!p0 $0xF7A, s2;
	p2 =	seq.s32 @!p0 s5, $0x0  }
0x1f: {  	s9 =	smul.u32 $0xF7A, s1;
	s8 =	simm.s32 @!p0 $0x1BF5;
	p2 =	por !p2, p0  }
0x20: {  	[sflag:s8] =	ssyncset.s32 @!p0 $0xFFFFF086;
	s6 =	sadd.s32 @!p0 s3, s7;
	s7 =	simm.s32 @!p0 $0x108  }
0x21: {  	s3 =	sadd.s32 s3, s9;
	s6 =	sadd.s32 @!p0 $0x88, s6;
	s7 =	simm.s32 @p2 $0x1082  }
0x22: {  	[simem:s7], [sflag:s8] =	dma.local @!p0 [hbm:s6], $0xF7A  }
0x23: {  	s9 =	sor.u32 $0xD0000000, s2;
	s6 =	simm.s32 $0x108;
	_ =	swait.ge @!p0 [sflag:s8], $0x0  }
0x24: {  	s3 =	sadd.s32 $0x88, s3;
	s6 =	simm.s32 @!p1 $0x1082;
	[sflag:s4] =	ssyncset.s32 $0xFFFFF086  }
0x25: {  	[simem:s6], [sflag:s4] =	dma.local [hbm:s3], $0xF7A  }
0x26: {  	[smem:$0x3F98] =	sst s1;
	(tag) =	ssettag s2;
	_ =	strace s9  }
0x27: {  	s1 =	sld [smem:$0x3FA8]  }
0x28: {  	s2 =	sld [smem:$0x3FA9]  }
0x29: {  	s4 =	sld [smem:$0x3FAB]  }
0x2a: {  	p0 =	seq.s32 s5, $0x0;
	s5 =	sld [smem:$0x3FAC]  }
0x2b: {  	s6 =	sld [smem:$0x3FAD]  }
0x2c: {  	s7 =	sld [smem:$0x3FAE]  }
0x2d: {  	s3 =	simm.s32 $0x108;
	s8 =	sld [smem:$0x3FAF]  }
0x2e: {  	s3 =	simm.s32 @!p0 $0x1082;
	s9 =	sld [smem:$0x3FB0]  }
0x2f: {  	lr =	sadd.s32 s0, s3;
	s0 =	sld [smem:$0x3FA7]  }
0x30: {  	s3 =	sld [smem:$0x3FAA]  }
0x31: {  	[smem:$0x3FB3] =	sst s10  }
0x32: {  	s10 =	sld [smem:$0x3FB1];
	_ =	sdelay $0x3  }
0x33: {  	p0 =	seq.s32 s10, $0x1;
	s10 =	sld [smem:$0x3FB3];
	_ =	sdelay $0x3  }
0x34: {  	[smem:$0x3FB3] =	sst s10  }
0x35: {  	s10 =	sld [smem:$0x3FB2];
	_ =	sdelay $0x3  }
0x36: {  	p1 =	seq.s32 s10, $0x1;
	s10 =	sld [smem:$0x3FB3];
	_ =	sdelay $0x3  }
0x37: {  	[smem:$0x3FB3] =	sst s10  }
0x38: {  	s10 =	sld [smem:$0x3FB4]  }
0x39: {  	_ = 	snop;
	(pc) =	sbr.ind lr, $3  }
0x3a: {  	_ = 	snop  }
0x3b: {  	_ = 	snop  }
0x3c: {  	p2 =	seq.s32 s10, $0x1;
	s10 =	sld [smem:$0x3FB3]  }
0x3d: {  	_ =	shalt  }
0x3e: {  	_ =	shalt  }
0x3f: {  	_ =	shalt  }
0x40: {  	_ =	shalt  }
0x41: {  	_ =	shalt  }
0x42: {  	_ =	shalt  }
0x43: {  	_ =	shalt  }
0x44: {  	_ =	shalt  }
0x45: {  	_ =	shalt  }
0x46: {  	_ =	shalt  }
0x47: {  	_ =	shalt  }
0x48: {  	_ =	shalt  }
0x49: {  	_ =	shalt  }
0x4a: {  	_ =	shalt  }
0x4b: {  	_ =	shalt  }
0x4c: {  	_ =	shalt  }
0x4d: {  	_ =	shalt  }
0x4e: {  	_ =	shalt  }
0x4f: {  	_ =	shalt  }
0x50: {  	_ =	shalt  }
0x51: {  	_ =	shalt  }
0x52: {  	_ =	shalt  }
0x53: {  	_ =	shalt  }
0x54: {  	_ =	shalt  }
0x55: {  	_ =	shalt  }
0x56: {  	_ =	shalt  }
0x57: {  	_ =	shalt  }
0x58: {  	_ =	shalt  }
0x59: {  	_ =	shalt  }
0x5a: {  	_ =	shalt  }
0x5b: {  	_ =	shalt  }
0x5c: {  	_ =	shalt  }
0x5d: {  	_ =	shalt  }
0x5e: {  	_ =	shalt  }
0x5f: {  	_ =	shalt  }
0x60: {  	_ =	shalt  }
0x61: {  	_ =	shalt  }
0x62: {  	_ =	shalt  }
0x63: {  	_ =	shalt  }
0x64: {  	_ =	shalt  }
0x65: {  	_ =	shalt  }
0x66: {  	_ =	shalt  }
0x67: {  	_ =	shalt  }
0x68: {  	_ =	shalt  }
0x69: {  	_ =	shalt  }
0x6a: {  	_ =	shalt  }
0x6b: {  	_ =	shalt  }
0x6c: {  	_ =	shalt  }
0x6d: {  	_ =	shalt  }
0x6e: {  	_ =	shalt  }
0x6f: {  	_ =	shalt  }
0x70: {  	_ =	shalt  }
0x71: {  	_ =	shalt  }
0x72: {  	_ =	shalt  }
0x73: {  	_ =	shalt  }
0x74: {  	_ =	shalt  }
0x75: {  	_ =	shalt  }
0x76: {  	_ =	shalt  }
0x77: {  	_ =	shalt  }
0x78: {  	_ =	shalt  }
0x79: {  	_ =	shalt  }
0x7a: {  	_ =	shalt  }
0x7b: {  	_ =	shalt  }
0x7c: {  	_ =	shalt  }
0x7d: {  	_ =	shalt  }
0x7e: {  	_ =	shalt  }
0x7f: {  	_ =	shalt  }
0x80: {  	_ =	shalt  }
0x81: {  	_ =	shalt  }
0x82: {  	_ =	shalt  }
0x83: {  	_ =	shalt  }
0x84: {  	_ =	shalt  }
0x85: {  	_ =	shalt  }
0x86: {  	_ =	shalt  }
0x87: {  	_ =	shalt  }
.Lfunc_end0:
.L_simem_size_0:
called_computation.1_lowered:
.L_overlay_start_0:
0x88: {  	s2 =	sld [smem:$0x3FD9]  }
0x89: {  	s3 =	sld [smem:$0x3FFE];
	_ =	sdelay $0x1  }
0x8a: {  	s1 =	srdreg.scid  }
0x8b: {  	s0 =	sand.u32 $0x1, s1  }
0x8c: {  	s16 =	sshll.u32 s0, $0xA;
	s2 =	sadd.s32 s3, s2  }
0x8d: {  	s2 =	sadd.s32 s2, s16  }
0x8e: {  	[smem:$0x3FBF] =	sst s2  }
0x8f: {  	_ = 	snop  }
0x90: {  	(tm) =	ssettm $0x1  }
0x91: {  	s17 =	sld [smem:$0x3FFB];
	_ =	sdelay $0x3  }
0x92: {  	_ =	strace s17  }
0x93: {  	s2 =	sld [smem:$0x3FFC];
	_ =	sdelay $0x3  }
0x94: {  	_ =	strace s2  }
0x95: {  	s2 =	sld [smem:$0x3FFD];
	_ =	sdelay $0x3  }
0x96: {  	_ =	strace s2  }
0x97: {  	_ =	strace $0x8FFFFFFF  }
0x98: {  	s18 =	sld [smem:$0x3FDB];
	_ =	sdelay $0x1  }
0x99: {  	s19 =	simm.s32 $_scs_section_size  }
0x9a: {  	s4 =	simm.s32 $_size__tile_overlayer_lowered;
	s5 =	simm.s32 $_tile_overlayer_lowered  }
0x9b: {  	s22 =	simm.s32 $0x1BFF;
	s21 =	sshll.u32 s5, $0x1;
	s2 =	sadd.s32 s19, s18  }
0x9c: {  	s6 =	simm.s32 $0x0;
	s20 =	sshll.u32 s4, $0x1;
	s4 =	sadd.s32 s21, s2  }
0x9d: {  	[timem:s6], [sflag:s22] =	dma.local [hbm:s4], s20  }
0x9e: {  	_ =	swait.ge [sflag:s22], s20  }
0x9f: {  	s3 =	ssub.s32 $0x0, s20;
	[sflag:s22] =	ssyncset.done $0x0  }
0xa0: {  	[sflag:s22] =	ssyncadd.s32 s3;
	_ =	sdelay $0x1  }
0xa1: {  	s23 =	simm.s32 $0x1B8B  }
0xa2: {  	_ =	swait.ge [sflag:s23], $0x1  }
0xa3: {  	[sflag:s23] =	ssyncset.done $0x0  }
0xa4: {  	s25 =	simm.s32 $0x1B8E;
	s24 =	sld [smem:$0x3FFE];
	[sflag:s23] =	ssyncadd.s32 $0xFFFFFFFF  }
0xa5: {  	s26 =	simm.s32 $execute0_lowered;
	[smem:$0x3FD2] =	sst s25  }
0xa6: {  	s4 =	sshll.u32 s26, $0x1;
	_ =	strace $0x80000049;
	[dreg:$0x1] =	wrdreg $0xFFFFFFFF  }
0xa7: {  	s28 =	simm.s32 $_size_execute0_lowered;
	s2 =	sadd.s32 s2, s4;
	[dreg:$0x0] =	wrdreg $0x0  }
0xa8: {  	s4 =	sshll.u32 s28, $0x1;
	[dreg:$0x2] =	wrdreg s2  }
0xa9: {  	[dreg:$0x3] =	wrdreg s4  }
0xaa: {  	[dreg:$0x4] =	wrdreg $0xC0  }
0xab: {  	_ =	task [dreg:s6], $0x5FFFF  }
0xac: {  	[dreg:$0x1] =	wrdreg $0xFFFFFFFF  }
0xad: {  	[dreg:$0x0] =	wrdreg $0x60  }
0xae: {  	[dreg:$0x2] =	wrdreg s24  }
0xaf: {  	[dreg:$0x3] =	wrdreg $0x9  }
0xb0: {  	_ =	task.clear_ibuf [dreg:s6], $0x4FFFF;
	_ =	strace $0x90000049  }
0xb1: {  	s29 =	simm.s32 $0x9;
	_ =	strace $0x8000004B  }
0xb2: {  	_ =	swait.ge [sflag:s29], $0x1  }
0xb3: {  	[sflag:s29] =	ssyncadd.s32 $0xFFFFFFFF  }
0xb4: {  	_ =	strace $0x9000004B  }
0xb5: {  	_ =	sfence  }
0xb6: {  	s30 =	sld [smem:$0x0];
	_ =	sdelay $0x2  }
0xb7: {  	s31 =	sshll.u32 s1, $0xD;
	s1 =	sshrl.u32 s1, $0x2  }
0xb8: {  	s3 =	sand.u32 $0x4000, s31;
	s1 =	sadd.s32 s1, s30  }
0xb9: {  	s0 =	sor.u32 s3, s0;
	s1 =	sshll.u32 s1, $0x11  }
0xba: {  	s0 =	sor.u32 s1, s0  }
0xbb: {  	s0 =	sadd.s32 $0x8F2B, s0  }
0xbc: {  	[sflag:s0] =	ssyncadd.remote.s32 $0x1  }
0xbd: {  	_ =	sfence.sel $0xFFFF  }
0xbe: {  	[dreg:$0x0] =	wrdreg $0xFFFFFFFF;
	(pc) =	sbr.abs _section_cstart, $3  }
0xbf: {  	[dreg:$0x1] =	wrdreg $0xFFFFFFFF  }
0xc0: {  	_ =	task.clear_ibuf [dreg:s6], $0x2FFFF;
	_ =	strace $0x9FFFFFFF  }
0xc1: {  	(tm) =	ssettm $0x7FFFFFFF  }
tec
execute0_lowered:
.L_overlay_start_1:
0x0: {  	(tag) =	ssettag $0x1  }
0x1: {  	s0 =	srdreg.scid  }
0x2: {  	s2 =	stileid.u32;
	s1 =	rddreg [dreg:$0x0];
	s10 =	simm.s32 $0x400  }
0x3: {  	s0 =	sand.u32 $0x1, s0;
	s3 =	sshll.u32 s2, $0x1;
	s2 =	simm.s32 $0x0  }
0x4: {  	s5 =	sadd.s32 $0x16400, s1;
	s7 =	sadd.s32 $0x96400, s1;
	s3 =	sor.u32 s0, s3  }
0x5: {  	[smem:$0x7FF] =	sst s2;
	s0 =	ssub.s32 $0x2, s0;
	s6 =	sshll.u32 s3, $0xE  }
0x6: {  	s4 =	sshll.u32 s3, $0x7;
	_ =	strace $0x8000004A;
	s3 =	sadd.s32 s5, s6  }
0x7: {  	s4 =	sadd.s32 s4, s1;
	s12 =	sadd.s32 s7, s6;
	[dreg:$0x3] =	wrdreg s3  }
0x8: {  	s13 =	sor.u32 $0x800, s6;
	s4 =	sadd.s32 $0x15400, s4;
	[dreg:$0x4] =	wrdreg s12  }
0x9: {  	s31 =	sshrl.u32 s0, $0x1;
	s14 =	sadd.s32 s5, s13;
	[dreg:$0x2] =	wrdreg s4  }
0xa: {  	s16 =	sor.u32 $0x1000, s6;
	s15 =	sadd.s32 s7, s13;
	[dreg:$0x5] =	wrdreg s14  }
0xb: {  	s19 =	sor.u32 $0x1800, s6;
	s17 =	sadd.s32 s5, s16;
	[dreg:$0x6] =	wrdreg s15  }
0xc: {  	s22 =	sor.u32 $0x2000, s6;
	s18 =	sadd.s32 s7, s16;
	[dreg:$0x7] =	wrdreg s17  }
0xd: {  	s25 =	sor.u32 $0x2800, s6;
	s20 =	sadd.s32 s5, s19;
	[dreg:$0x8] =	wrdreg s18  }
0xe: {  	s8 =	sor.u32 $0x3000, s6;
	s21 =	sadd.s32 s7, s19;
	[dreg:$0x9] =	wrdreg s20  }
0xf: {  	s6 =	sor.u32 $0x3800, s6;
	s23 =	sadd.s32 s5, s22;
	[dreg:$0xa] =	wrdreg s21  }
0x10: {  	s0 =	ssub.s32 s0, s31;
	s24 =	sadd.s32 s7, s22;
	[dreg:$0xb] =	wrdreg s23  }
0x11: {  	s26 =	sadd.s32 s5, s25;
	s3 =	sadd.s32 $0x816400, s1;
	[dreg:$0xc] =	wrdreg s24  }
0x12: {  	s28 =	sadd.s32 s5, s8;
	s29 =	sadd.s32 s7, s8;
	[dreg:$0xd] =	wrdreg s26  }
0x13: {  	s30 =	sadd.s32 s5, s6;
	s6 =	sadd.s32 s7, s6;
	[dreg:$0xf] =	wrdreg s28  }
0x14: {  	s5 =	smax.u32 s0, $0x1;
	s13 =	simm.s32 $0x1;
	[dreg:$0x10] =	wrdreg s29  }
0x15: {  	s16 =	simm.s32 $0x5;
	s19 =	simm.s32 $0x4;
	[dreg:$0x11] =	wrdreg s30  }
0x16: {  	s4 =	sadd.s32 s7, s25;
	[dreg:$0x12] =	wrdreg s6;
	s15 =	simm.s32 $0x8400  }
0x17: {  	v2 =	vlaneseq.u32;
	s23 =	simm.s32 $0x4400;
	s14 =	simm.s32 $0x3;
	s17 =	simm.s32 $0x7  }
0x18: {  	vm0 =	vmmov $0xffff;
	v1 =	vshrl.u32 v2, $0x3;
	s18 =	simm.s32 $0x2;
	s20 =	simm.s32 $0x6;
	s21 =	simm.s32 $0x8  }
0x19: {  	v0 =	vand.u32 $0x7, v2;
	v2 =	vor.u32 $0x8, v2;
	v1 =	vmul.u32 $0x8, v1;
	[dreg:$0xe] =	wrdreg s4;
	s4 =	sadd.s32 $0x916400, s1;
	s1 =	simm.s32 $0xC400  }
.LBB2_1:
0x1a: {  	s22 =	rddreg [dreg:$0x2];
	s28 =	simm.s32 $0x9  }
0x1b: {  	[tilespmem:s2], [sflag:$0x9] =	stream.linear.gather [hbm4b:s22+s2], $0x400, $0x38;
	[tilespmem:$0x10400] =	vst v63  }
0x1c: {  	_ =	swait.ge [sflag:s28], $0x400  }
0x1d: {  	[sflag:s28] =	ssyncset.done $0x0  }
0x1e: {  	[sflag:s28] =	ssyncadd.s32 $0xFFFFFC00  }
0x1f: {  	v3 =	vld [tilespmem:$0x0];
	_ =	sdelay $0x4  }
0x20: {  	v4 =	vshll.u32 v3, $0x1  }
0x21: {  	v3 =	vand.u32 $0x7, v3;
	v4 =	vand.u32 $0xFFFFFFF0, v4  }
0x22: {  	v3 =	vor.u32 v3, v4  }
0x23: {  	v4 =	vperm.xlane v3, v0;
	_ =	sdelay $0x1  }
0x24: {  	v3 =	vperm.xlane v3, v2;
	v4 =	vadd.s32 v1, v4;
	_ =	sdelay $0x1  }
0x25: {  	v3 =	vadd.s32 v1, v3;
	_ =	sdelay $0x2  }
0x26: {  	[tilespmem:s10], [sflag:$0x1] =	stream.indirect_vreg.gather [hbm4b:s3+s2], $0x80, v4, vm0, $0xb8;
	[tilespmem:$0x10400] =	vst v63  }
0x27: {  	s0 =	simm.s32 $0xC00  }
0x28: {  	[tilespmem:s0], [sflag:$0x1] =	stream.indirect_vreg.gather [hbm4b:s3+s2], $0x80, v3, vm0, $0xb8;
	[tilespmem:$0x10400] =	vst v63  }
0x29: {  	v3 =	vld [tilespmem:$0x10];
	_ =	sdelay $0x4  }
0x2a: {  	v57 =	vshll.u32 v3, $0x1  }
0x2b: {  	v3 =	vand.u32 $0x7, v3;
	v4 =	vand.u32 $0xFFFFFFF0, v57  }
0x2c: {  	v3 =	vor.u32 v3, v4  }
0x2d: {  	v4 =	vperm.xlane v3, v0;
	_ =	sdelay $0x1  }
0x2e: {  	v3 =	vperm.xlane v3, v2;
	v4 =	vadd.s32 v1, v4;
	_ =	sdelay $0x1  }
0x2f: {  	v3 =	vadd.s32 v1, v3;
	_ =	sdelay $0x1  }
0x30: {  	s29 =	simm.s32 $0x1400  }
0x31: {  	[tilespmem:s29], [sflag:$0x1] =	stream.indirect_vreg.gather [hbm4b:s3+s2], $0x80, v4, vm0, $0xb8;
	[tilespmem:$0x10400] =	vst v63  }
0x32: {  	s30 =	simm.s32 $0x1C00  }
0x33: {  	[tilespmem:s30], [sflag:$0x1] =	stream.indirect_vreg.gather [hbm4b:s3+s2], $0x80, v3, vm0, $0xb8;
	[tilespmem:$0x10400] =	vst v63  }
0x34: {  	v3 =	vld [tilespmem:$0x20];
	_ =	sdelay $0x4  }
0x35: {  	v58 =	vshll.u32 v3, $0x1  }
0x36: {  	v3 =	vand.u32 $0x7, v3;
	v4 =	vand.u32 $0xFFFFFFF0, v58  }
0x37: {  	v3 =	vor.u32 v3, v4  }
0x38: {  	v4 =	vperm.xlane v3, v0;
	_ =	sdelay $0x1  }
0x39: {  	v3 =	vperm.xlane v3, v2;
	v4 =	vadd.s32 v1, v4;
	_ =	sdelay $0x1  }
0x3a: {  	v3 =	vadd.s32 v1, v3;
	_ =	sdelay $0x1  }
0x3b: {  	s31 =	simm.s32 $0x2400  }
0x3c: {  	[tilespmem:s31], [sflag:$0x1] =	stream.indirect_vreg.gather [hbm4b:s3+s2], $0x80, v4, vm0, $0xb8;
	[tilespmem:$0x10400] =	vst v63  }
0x3d: {  	s6 =	simm.s32 $0x2C00  }
0x3e: {  	[tilespmem:s6], [sflag:$0x1] =	stream.indirect_vreg.gather [hbm4b:s3+s2], $0x80, v3, vm0, $0xb8;
	[tilespmem:$0x10400] =	vst v63  }
0x3f: {  	v3 =	vld [tilespmem:$0x30];
	_ =	sdelay $0x4  }
0x40: {  	v59 =	vshll.u32 v3, $0x1  }
0x41: {  	v3 =	vand.u32 $0x7, v3;
	v4 =	vand.u32 $0xFFFFFFF0, v59  }
0x42: {  	v3 =	vor.u32 v3, v4  }
0x43: {  	v4 =	vperm.xlane v3, v0;
	_ =	sdelay $0x1  }
0x44: {  	v3 =	vperm.xlane v3, v2;
	v4 =	vadd.s32 v1, v4;
	_ =	sdelay $0x1  }
0x45: {  	v3 =	vadd.s32 v1, v3;
	_ =	sdelay $0x1  }
0x46: {  	s8 =	simm.s32 $0x3400  }
0x47: {  	[tilespmem:s8], [sflag:$0x1] =	stream.indirect_vreg.gather [hbm4b:s3+s2], $0x80, v4, vm0, $0xb8;
	[tilespmem:$0x10400] =	vst v63  }
0x48: {  	s9 =	simm.s32 $0x3C00  }
0x49: {  	[tilespmem:s9], [sflag:$0x1] =	stream.indirect_vreg.gather [hbm4b:s3+s2], $0x80, v3, vm0, $0xb8;
	[tilespmem:$0x10400] =	vst v63  }
0x4a: {  	v3 =	vld [tilespmem:$0x0];
	_ =	sdelay $0x4  }
0x4b: {  	v60 =	vshll.u32 v3, $0x1  }
0x4c: {  	v3 =	vand.u32 $0x7, v3;
	v4 =	vand.u32 $0xFFFFFFF0, v60  }
0x4d: {  	v3 =	vor.u32 v3, v4  }
0x4e: {  	v4 =	vperm.xlane v3, v0;
	_ =	sdelay $0x1  }
0x4f: {  	v3 =	vperm.xlane v3, v2;
	v4 =	vadd.s32 v1, v4;
	_ =	sdelay $0x1  }
0x50: {  	v3 =	vadd.s32 v1, v3;
	_ =	sdelay $0x2  }
0x51: {  	[tilespmem:s15], [sflag:$0x3] =	stream.indirect_vreg.gather [hbm4b:s4+s2], $0x80, v4, vm0, $0xb8;
	[tilespmem:$0x10400] =	vst v63  }
0x52: {  	s11 =	simm.s32 $0x8C00  }
0x53: {  	[tilespmem:s11], [sflag:$0x3] =	stream.indirect_vreg.gather [hbm4b:s4+s2], $0x80, v3, vm0, $0xb8;
	[tilespmem:$0x10400] =	vst v63  }
0x54: {  	v3 =	vld [tilespmem:$0x10];
	_ =	sdelay $0x4  }
0x55: {  	v61 =	vshll.u32 v3, $0x1  }
0x56: {  	v3 =	vand.u32 $0x7, v3;
	v4 =	vand.u32 $0xFFFFFFF0, v61  }
0x57: {  	v3 =	vor.u32 v3, v4  }
0x58: {  	v4 =	vperm.xlane v3, v0;
	_ =	sdelay $0x1  }
0x59: {  	v3 =	vperm.xlane v3, v2;
	v4 =	vadd.s32 v1, v4;
	_ =	sdelay $0x1  }
0x5a: {  	v3 =	vadd.s32 v1, v3;
	_ =	sdelay $0x1  }
0x5b: {  	s12 =	simm.s32 $0x9400  }
0x5c: {  	[tilespmem:s12], [sflag:$0x3] =	stream.indirect_vreg.gather [hbm4b:s4+s2], $0x80, v4, vm0, $0xb8;
	[tilespmem:$0x10400] =	vst v63  }
0x5d: {  	s22 =	simm.s32 $0x9C00  }
0x5e: {  	[tilespmem:s22], [sflag:$0x3] =	stream.indirect_vreg.gather [hbm4b:s4+s2], $0x80, v3, vm0, $0xb8;
	[tilespmem:$0x10400] =	vst v63  }
0x5f: {  	v3 =	vld [tilespmem:$0x20];
	_ =	sdelay $0x4  }
0x60: {  	v62 =	vshll.u32 v3, $0x1  }
0x61: {  	v3 =	vand.u32 $0x7, v3;
	v4 =	vand.u32 $0xFFFFFFF0, v62  }
0x62: {  	v3 =	vor.u32 v3, v4  }
0x63: {  	v4 =	vperm.xlane v3, v0;
	_ =	sdelay $0x1  }
0x64: {  	v3 =	vperm.xlane v3, v2;
	v4 =	vadd.s32 v1, v4;
	_ =	sdelay $0x1  }
0x65: {  	v3 =	vadd.s32 v1, v3;
	_ =	sdelay $0x1  }
0x66: {  	s24 =	simm.s32 $0xA400  }
0x67: {  	[tilespmem:s24], [sflag:$0x3] =	stream.indirect_vreg.gather [hbm4b:s4+s2], $0x80, v4, vm0, $0xb8;
	[tilespmem:$0x10400] =	vst v63  }
0x68: {  	s25 =	simm.s32 $0xAC00  }
0x69: {  	[tilespmem:s25], [sflag:$0x3] =	stream.indirect_vreg.gather [hbm4b:s4+s2], $0x80, v3, vm0, $0xb8;
	[tilespmem:$0x10400] =	vst v63  }
0x6a: {  	v3 =	vld [tilespmem:$0x30];
	_ =	sdelay $0x4  }
0x6b: {  	v63 =	vshll.u32 v3, $0x1  }
0x6c: {  	v3 =	vand.u32 $0x7, v3;
	v4 =	vand.u32 $0xFFFFFFF0, v63  }
0x6d: {  	v3 =	vor.u32 v3, v4  }
0x6e: {  	v4 =	vperm.xlane v3, v0;
	_ =	sdelay $0x1  }
0x6f: {  	v3 =	vperm.xlane v3, v2;
	v4 =	vadd.s32 v1, v4;
	_ =	sdelay $0x1  }
0x70: {  	v3 =	vadd.s32 v1, v3;
	_ =	sdelay $0x1  }
0x71: {  	s26 =	simm.s32 $0xB400  }
0x72: {  	[tilespmem:s26], [sflag:$0x3] =	stream.indirect_vreg.gather [hbm4b:s4+s2], $0x80, v4, vm0, $0xb8;
	[tilespmem:$0x10400] =	vst v63  }
0x73: {  	s6 =	simm.s32 $0xBC00  }
0x74: {  	[tilespmem:s6], [sflag:$0x3] =	stream.indirect_vreg.gather [hbm4b:s4+s2], $0x80, v3, vm0, $0xb8;
	[tilespmem:$0x10400] =	vst v63  }
0x75: {  	v3 =	vld [tilespmem:$0x80];
	_ =	sdelay $0x4  }
0x76: {  	v8 =	vshll.u32 v3, $0x1  }
0x77: {  	v3 =	vand.u32 $0x7, v3;
	v4 =	vand.u32 $0xFFFFFFF0, v8  }
0x78: {  	v3 =	vor.u32 v3, v4  }
0x79: {  	v4 =	vperm.xlane v3, v0;
	_ =	sdelay $0x1  }
0x7a: {  	v3 =	vperm.xlane v3, v2;
	v4 =	vadd.s32 v1, v4;
	_ =	sdelay $0x1  }
0x7b: {  	v3 =	vadd.s32 v1, v3;
	_ =	sdelay $0x2  }
0x7c: {  	[tilespmem:s23], [sflag:$0x2] =	stream.indirect_vreg.gather [hbm4b:s3+s2], $0x80, v4, vm0, $0xb8;
	[tilespmem:$0x10400] =	vst v63  }
0x7d: {  	s8 =	simm.s32 $0x4C00  }
0x7e: {  	[tilespmem:s8], [sflag:$0x2] =	stream.indirect_vreg.gather [hbm4b:s3+s2], $0x80, v3, vm0, $0xb8;
	[tilespmem:$0x10400] =	vst v63  }
0x7f: {  	v3 =	vld [tilespmem:$0x90];
	_ =	sdelay $0x4  }
0x80: {  	v9 =	vshll.u32 v3, $0x1  }
0x81: {  	v3 =	vand.u32 $0x7, v3;
	v4 =	vand.u32 $0xFFFFFFF0, v9  }
0x82: {  	v3 =	vor.u32 v3, v4  }
0x83: {  	v4 =	vperm.xlane v3, v0;
	_ =	sdelay $0x1  }
0x84: {  	v3 =	vperm.xlane v3, v2;
	v4 =	vadd.s32 v1, v4;
	_ =	sdelay $0x1  }
0x85: {  	v3 =	vadd.s32 v1, v3;
	_ =	sdelay $0x1  }
0x86: {  	s11 =	simm.s32 $0x5400  }
0x87: {  	[tilespmem:s11], [sflag:$0x2] =	stream.indirect_vreg.gather [hbm4b:s3+s2], $0x80, v4, vm0, $0xb8;
	[tilespmem:$0x10400] =	vst v63  }
0x88: {  	s12 =	simm.s32 $0x5C00  }
0x89: {  	[tilespmem:s12], [sflag:$0x2] =	stream.indirect_vreg.gather [hbm4b:s3+s2], $0x80, v3, vm0, $0xb8;
	[tilespmem:$0x10400] =	vst v63  }
0x8a: {  	v3 =	vld [tilespmem:$0xA0];
	_ =	sdelay $0x4  }
0x8b: {  	v10 =	vshll.u32 v3, $0x1  }
0x8c: {  	v3 =	vand.u32 $0x7, v3;
	v4 =	vand.u32 $0xFFFFFFF0, v10  }
0x8d: {  	v3 =	vor.u32 v3, v4  }
0x8e: {  	v4 =	vperm.xlane v3, v0;
	_ =	sdelay $0x1  }
0x8f: {  	v3 =	vperm.xlane v3, v2;
	v4 =	vadd.s32 v1, v4;
	_ =	sdelay $0x1  }
0x90: {  	v3 =	vadd.s32 v1, v3;
	_ =	sdelay $0x1  }
0x91: {  	s24 =	simm.s32 $0x6400  }
0x92: {  	[tilespmem:s24], [sflag:$0x2] =	stream.indirect_vreg.gather [hbm4b:s3+s2], $0x80, v4, vm0, $0xb8;
	[tilespmem:$0x10400] =	vst v63  }
0x93: {  	s25 =	simm.s32 $0x6C00  }
0x94: {  	[tilespmem:s25], [sflag:$0x2] =	stream.indirect_vreg.gather [hbm4b:s3+s2], $0x80, v3, vm0, $0xb8;
	[tilespmem:$0x10400] =	vst v63  }
0x95: {  	v3 =	vld [tilespmem:$0xB0];
	_ =	sdelay $0x4  }
0x96: {  	v11 =	vshll.u32 v3, $0x1  }
0x97: {  	v3 =	vand.u32 $0x7, v3;
	v4 =	vand.u32 $0xFFFFFFF0, v11  }
0x98: {  	v3 =	vor.u32 v3, v4  }
0x99: {  	v4 =	vperm.xlane v3, v0;
	_ =	sdelay $0x1  }
0x9a: {  	v3 =	vperm.xlane v3, v2;
	v4 =	vadd.s32 v1, v4;
	_ =	sdelay $0x1  }
0x9b: {  	v3 =	vadd.s32 v1, v3;
	_ =	sdelay $0x1  }
0x9c: {  	s0 =	simm.s32 $0x7400  }
0x9d: {  	[tilespmem:s0], [sflag:$0x2] =	stream.indirect_vreg.gather [hbm4b:s3+s2], $0x80, v4, vm0, $0xb8;
	[tilespmem:$0x10400] =	vst v63  }
0x9e: {  	s6 =	simm.s32 $0x7C00  }
0x9f: {  	[tilespmem:s6], [sflag:$0x2] =	stream.indirect_vreg.gather [hbm4b:s3+s2], $0x80, v3, vm0, $0xb8;
	[tilespmem:$0x10400] =	vst v63  }
0xa0: {  	v3 =	vld [tilespmem:$0x80];
	_ =	sdelay $0x4  }
0xa1: {  	v12 =	vshll.u32 v3, $0x1  }
0xa2: {  	v3 =	vand.u32 $0x7, v3;
	v4 =	vand.u32 $0xFFFFFFF0, v12  }
0xa3: {  	v3 =	vor.u32 v3, v4  }
0xa4: {  	v4 =	vperm.xlane v3, v0;
	_ =	sdelay $0x1  }
0xa5: {  	v3 =	vperm.xlane v3, v2;
	v4 =	vadd.s32 v1, v4;
	_ =	sdelay $0x1  }
0xa6: {  	v3 =	vadd.s32 v1, v3;
	_ =	sdelay $0x2  }
0xa7: {  	[tilespmem:s1], [sflag:$0x4] =	stream.indirect_vreg.gather [hbm4b:s4+s2], $0x80, v4, vm0, $0xb8;
	[tilespmem:$0x10400] =	vst v63  }
0xa8: {  	s8 =	simm.s32 $0xCC00  }
0xa9: {  	[tilespmem:s8], [sflag:$0x4] =	stream.indirect_vreg.gather [hbm4b:s4+s2], $0x80, v3, vm0, $0xb8;
	[tilespmem:$0x10400] =	vst v63  }
0xaa: {  	v3 =	vld [tilespmem:$0x90];
	_ =	sdelay $0x4  }
0xab: {  	v13 =	vshll.u32 v3, $0x1  }
0xac: {  	v3 =	vand.u32 $0x7, v3;
	v4 =	vand.u32 $0xFFFFFFF0, v13  }
0xad: {  	v3 =	vor.u32 v3, v4  }
0xae: {  	v4 =	vperm.xlane v3, v0;
	_ =	sdelay $0x1  }
0xaf: {  	v3 =	vperm.xlane v3, v2;
	v4 =	vadd.s32 v1, v4;
	_ =	sdelay $0x1  }
0xb0: {  	v3 =	vadd.s32 v1, v3;
	_ =	sdelay $0x1  }
0xb1: {  	s11 =	simm.s32 $0xD400  }
0xb2: {  	[tilespmem:s11], [sflag:$0x4] =	stream.indirect_vreg.gather [hbm4b:s4+s2], $0x80, v4, vm0, $0xb8;
	[tilespmem:$0x10400] =	vst v63  }
0xb3: {  	s12 =	simm.s32 $0xDC00  }
0xb4: {  	[tilespmem:s12], [sflag:$0x4] =	stream.indirect_vreg.gather [hbm4b:s4+s2], $0x80, v3, vm0, $0xb8;
	[tilespmem:$0x10400] =	vst v63  }
0xb5: {  	v3 =	vld [tilespmem:$0xA0];
	_ =	sdelay $0x4  }
0xb6: {  	v14 =	vshll.u32 v3, $0x1  }
0xb7: {  	v3 =	vand.u32 $0x7, v3;
	v4 =	vand.u32 $0xFFFFFFF0, v14  }
0xb8: {  	v3 =	vor.u32 v3, v4  }
0xb9: {  	v4 =	vperm.xlane v3, v0;
	_ =	sdelay $0x1  }
0xba: {  	v3 =	vperm.xlane v3, v2;
	v4 =	vadd.s32 v1, v4;
	_ =	sdelay $0x1  }
0xbb: {  	v3 =	vadd.s32 v1, v3;
	_ =	sdelay $0x1  }
0xbc: {  	s24 =	simm.s32 $0xE400  }
0xbd: {  	[tilespmem:s24], [sflag:$0x4] =	stream.indirect_vreg.gather [hbm4b:s4+s2], $0x80, v4, vm0, $0xb8;
	[tilespmem:$0x10400] =	vst v63  }
0xbe: {  	s25 =	simm.s32 $0xEC00  }
0xbf: {  	[tilespmem:s25], [sflag:$0x4] =	stream.indirect_vreg.gather [hbm4b:s4+s2], $0x80, v3, vm0, $0xb8;
	[tilespmem:$0x10400] =	vst v63  }
0xc0: {  	v3 =	vld [tilespmem:$0xB0];
	_ =	sdelay $0x4  }
0xc1: {  	v15 =	vshll.u32 v3, $0x1  }
0xc2: {  	v3 =	vand.u32 $0x7, v3;
	v4 =	vand.u32 $0xFFFFFFF0, v15  }
0xc3: {  	v3 =	vor.u32 v3, v4  }
0xc4: {  	v4 =	vperm.xlane v3, v0;
	_ =	sdelay $0x1  }
0xc5: {  	v3 =	vperm.xlane v3, v2;
	v4 =	vadd.s32 v1, v4;
	_ =	sdelay $0x1  }
0xc6: {  	v3 =	vadd.s32 v1, v3;
	_ =	sdelay $0x1  }
0xc7: {  	s0 =	simm.s32 $0xF400  }
0xc8: {  	[tilespmem:s0], [sflag:$0x4] =	stream.indirect_vreg.gather [hbm4b:s4+s2], $0x80, v4, vm0, $0xb8;
	[tilespmem:$0x10400] =	vst v63  }
0xc9: {  	s6 =	simm.s32 $0xFC00  }
0xca: {  	[tilespmem:s6], [sflag:$0x4] =	stream.indirect_vreg.gather [hbm4b:s4+s2], $0x80, v3, vm0, $0xb8;
	[tilespmem:$0x10400] =	vst v63  }
0xcb: {  	_ =	swait.ge [sflag:s13], $0x4000  }
0xcc: {  	[sflag:s13] =	ssyncset.done $0x0  }
0xcd: {  	[sflag:s13] =	ssyncadd.s32 $0xFFFFC000  }
0xce: {  	_ =	swait.ge [sflag:s14], $0x4000  }
0xcf: {  	[sflag:s14] =	ssyncset.done $0x0  }
0xd0: {  	s8 =	rddreg [dreg:$0x3];
	[sflag:s14] =	ssyncadd.s32 $0xFFFFC000  }
0xd1: {  	[hbm4b:s8+s2] =	stream.linear.scatter [tilespmem:s10], [sflag:$0x5], $0x4000, $0x38;
	[tilespmem:$0x10400] =	vst v63  }
0xd2: {  	s24 =	rddreg [dreg:$0x4]  }
0xd3: {  	[hbm4b:s24+s2] =	stream.linear.scatter [tilespmem:s15], [sflag:$0x7], $0x4000, $0x38;
	[tilespmem:$0x10400] =	vst v63  }
0xd4: {  	_ =	swait.ge [sflag:s16], $0x4000  }
0xd5: {  	[sflag:s16] =	ssyncset.done $0x0  }
0xd6: {  	[sflag:s16] =	ssyncadd.s32 $0xFFFFC000  }
0xd7: {  	_ =	swait.ge [sflag:s17], $0x4000  }
0xd8: {  	[sflag:s17] =	ssyncset.done $0x0  }
0xd9: {  	[sflag:s17] =	ssyncadd.s32 $0xFFFFC000  }
0xda: {  	v3 =	vld [tilespmem:$0x100];
	_ =	sdelay $0x4  }
0xdb: {  	v16 =	vshll.u32 v3, $0x1  }
0xdc: {  	v3 =	vand.u32 $0x7, v3;
	v4 =	vand.u32 $0xFFFFFFF0, v16  }
0xdd: {  	v3 =	vor.u32 v3, v4  }
0xde: {  	v4 =	vperm.xlane v3, v0;
	_ =	sdelay $0x1  }
0xdf: {  	v3 =	vperm.xlane v3, v2;
	v4 =	vadd.s32 v1, v4;
	_ =	sdelay $0x1  }
0xe0: {  	v3 =	vadd.s32 v1, v3;
	_ =	sdelay $0x2  }
0xe1: {  	[tilespmem:s10], [sflag:$0x1] =	stream.indirect_vreg.gather [hbm4b:s3+s2], $0x80, v4, vm0, $0xb8;
	[tilespmem:$0x10400] =	vst v63  }
0xe2: {  	s7 =	simm.s32 $0xC00  }
0xe3: {  	[tilespmem:s7], [sflag:$0x1] =	stream.indirect_vreg.gather [hbm4b:s3+s2], $0x80, v3, vm0, $0xb8;
	[tilespmem:$0x10400] =	vst v63  }
0xe4: {  	v3 =	vld [tilespmem:$0x110];
	_ =	sdelay $0x4  }
0xe5: {  	v17 =	vshll.u32 v3, $0x1  }
0xe6: {  	v3 =	vand.u32 $0x7, v3;
	v4 =	vand.u32 $0xFFFFFFF0, v17  }
0xe7: {  	v3 =	vor.u32 v3, v4  }
0xe8: {  	v4 =	vperm.xlane v3, v0;
	_ =	sdelay $0x1  }
0xe9: {  	v3 =	vperm.xlane v3, v2;
	v4 =	vadd.s32 v1, v4;
	_ =	sdelay $0x1  }
0xea: {  	v3 =	vadd.s32 v1, v3;
	_ =	sdelay $0x1  }
0xeb: {  	s0 =	simm.s32 $0x1400  }
0xec: {  	[tilespmem:s0], [sflag:$0x1] =	stream.indirect_vreg.gather [hbm4b:s3+s2], $0x80, v4, vm0, $0xb8;
	[tilespmem:$0x10400] =	vst v63  }
0xed: {  	s28 =	simm.s32 $0x1C00  }
0xee: {  	[tilespmem:s28], [sflag:$0x1] =	stream.indirect_vreg.gather [hbm4b:s3+s2], $0x80, v3, vm0, $0xb8;
	[tilespmem:$0x10400] =	vst v63  }
0xef: {  	v3 =	vld [tilespmem:$0x120];
	_ =	sdelay $0x4  }
0xf0: {  	v18 =	vshll.u32 v3, $0x1  }
0xf1: {  	v3 =	vand.u32 $0x7, v3;
	v4 =	vand.u32 $0xFFFFFFF0, v18  }
0xf2: {  	v3 =	vor.u32 v3, v4  }
0xf3: {  	v4 =	vperm.xlane v3, v0;
	_ =	sdelay $0x1  }
0xf4: {  	v3 =	vperm.xlane v3, v2;
	v4 =	vadd.s32 v1, v4;
	_ =	sdelay $0x1  }
0xf5: {  	v3 =	vadd.s32 v1, v3;
	_ =	sdelay $0x1  }
0xf6: {  	s7 =	simm.s32 $0x2400  }
0xf7: {  	[tilespmem:s7], [sflag:$0x1] =	stream.indirect_vreg.gather [hbm4b:s3+s2], $0x80, v4, vm0, $0xb8;
	[tilespmem:$0x10400] =	vst v63  }
0xf8: {  	s29 =	simm.s32 $0x2C00  }
0xf9: {  	[tilespmem:s29], [sflag:$0x1] =	stream.indirect_vreg.gather [hbm4b:s3+s2], $0x80, v3, vm0, $0xb8;
	[tilespmem:$0x10400] =	vst v63  }
0xfa: {  	v3 =	vld [tilespmem:$0x130];
	_ =	sdelay $0x4  }
0xfb: {  	v19 =	vshll.u32 v3, $0x1  }
0xfc: {  	v3 =	vand.u32 $0x7, v3;
	v4 =	vand.u32 $0xFFFFFFF0, v19  }
0xfd: {  	v3 =	vor.u32 v3, v4  }
0xfe: {  	v4 =	vperm.xlane v3, v0;
	_ =	sdelay $0x1  }
0xff: {  	v3 =	vperm.xlane v3, v2;
	v4 =	vadd.s32 v1, v4;
	_ =	sdelay $0x1  }
0x100: {  	v3 =	vadd.s32 v1, v3;
	_ =	sdelay $0x1  }
0x101: {  	s28 =	simm.s32 $0x3400  }
0x102: {  	[tilespmem:s28], [sflag:$0x1] =	stream.indirect_vreg.gather [hbm4b:s3+s2], $0x80, v4, vm0, $0xb8;
	[tilespmem:$0x10400] =	vst v63  }
0x103: {  	s30 =	simm.s32 $0x3C00  }
0x104: {  	[tilespmem:s30], [sflag:$0x1] =	stream.indirect_vreg.gather [hbm4b:s3+s2], $0x80, v3, vm0, $0xb8;
	[tilespmem:$0x10400] =	vst v63  }
0x105: {  	v3 =	vld [tilespmem:$0x100];
	_ =	sdelay $0x4  }
0x106: {  	v20 =	vshll.u32 v3, $0x1  }
0x107: {  	v3 =	vand.u32 $0x7, v3;
	v4 =	vand.u32 $0xFFFFFFF0, v20  }
0x108: {  	v3 =	vor.u32 v3, v4  }
0x109: {  	v4 =	vperm.xlane v3, v0;
	_ =	sdelay $0x1  }
0x10a: {  	v3 =	vperm.xlane v3, v2;
	v4 =	vadd.s32 v1, v4;
	_ =	sdelay $0x1  }
0x10b: {  	v3 =	vadd.s32 v1, v3;
	_ =	sdelay $0x2  }
0x10c: {  	[tilespmem:s15], [sflag:$0x3] =	stream.indirect_vreg.gather [hbm4b:s4+s2], $0x80, v4, vm0, $0xb8;
	[tilespmem:$0x10400] =	vst v63  }
0x10d: {  	s31 =	simm.s32 $0x8C00  }
0x10e: {  	[tilespmem:s31], [sflag:$0x3] =	stream.indirect_vreg.gather [hbm4b:s4+s2], $0x80, v3, vm0, $0xb8;
	[tilespmem:$0x10400] =	vst v63  }
0x10f: {  	v3 =	vld [tilespmem:$0x110];
	_ =	sdelay $0x4  }
0x110: {  	v21 =	vshll.u32 v3, $0x1  }
0x111: {  	v3 =	vand.u32 $0x7, v3;
	v4 =	vand.u32 $0xFFFFFFF0, v21  }
0x112: {  	v3 =	vor.u32 v3, v4  }
0x113: {  	v4 =	vperm.xlane v3, v0;
	_ =	sdelay $0x1  }
0x114: {  	v3 =	vperm.xlane v3, v2;
	v4 =	vadd.s32 v1, v4;
	_ =	sdelay $0x1  }
0x115: {  	v3 =	vadd.s32 v1, v3;
	_ =	sdelay $0x1  }
0x116: {  	s29 =	simm.s32 $0x9400  }
0x117: {  	[tilespmem:s29], [sflag:$0x3] =	stream.indirect_vreg.gather [hbm4b:s4+s2], $0x80, v4, vm0, $0xb8;
	[tilespmem:$0x10400] =	vst v63  }
0x118: {  	s6 =	simm.s32 $0x9C00  }
0x119: {  	[tilespmem:s6], [sflag:$0x3] =	stream.indirect_vreg.gather [hbm4b:s4+s2], $0x80, v3, vm0, $0xb8;
	[tilespmem:$0x10400] =	vst v63  }
0x11a: {  	v3 =	vld [tilespmem:$0x120];
	_ =	sdelay $0x4  }
0x11b: {  	v22 =	vshll.u32 v3, $0x1  }
0x11c: {  	v3 =	vand.u32 $0x7, v3;
	v4 =	vand.u32 $0xFFFFFFF0, v22  }
0x11d: {  	v3 =	vor.u32 v3, v4  }
0x11e: {  	v4 =	vperm.xlane v3, v0;
	_ =	sdelay $0x1  }
0x11f: {  	v3 =	vperm.xlane v3, v2;
	v4 =	vadd.s32 v1, v4;
	_ =	sdelay $0x1  }
0x120: {  	v3 =	vadd.s32 v1, v3;
	_ =	sdelay $0x1  }
0x121: {  	s30 =	simm.s32 $0xA400  }
0x122: {  	[tilespmem:s30], [sflag:$0x3] =	stream.indirect_vreg.gather [hbm4b:s4+s2], $0x80, v4, vm0, $0xb8;
	[tilespmem:$0x10400] =	vst v63  }
0x123: {  	s8 =	simm.s32 $0xAC00  }
0x124: {  	[tilespmem:s8], [sflag:$0x3] =	stream.indirect_vreg.gather [hbm4b:s4+s2], $0x80, v3, vm0, $0xb8;
	[tilespmem:$0x10400] =	vst v63  }
0x125: {  	v3 =	vld [tilespmem:$0x130];
	_ =	sdelay $0x4  }
0x126: {  	v23 =	vshll.u32 v3, $0x1  }
0x127: {  	v3 =	vand.u32 $0x7, v3;
	v4 =	vand.u32 $0xFFFFFFF0, v23  }
0x128: {  	v3 =	vor.u32 v3, v4  }
0x129: {  	v4 =	vperm.xlane v3, v0;
	_ =	sdelay $0x1  }
0x12a: {  	v3 =	vperm.xlane v3, v2;
	v4 =	vadd.s32 v1, v4;
	_ =	sdelay $0x1  }
0x12b: {  	v3 =	vadd.s32 v1, v3;
	_ =	sdelay $0x1  }
0x12c: {  	s31 =	simm.s32 $0xB400  }
0x12d: {  	[tilespmem:s31], [sflag:$0x3] =	stream.indirect_vreg.gather [hbm4b:s4+s2], $0x80, v4, vm0, $0xb8;
	[tilespmem:$0x10400] =	vst v63  }
0x12e: {  	s9 =	simm.s32 $0xBC00  }
0x12f: {  	[tilespmem:s9], [sflag:$0x3] =	stream.indirect_vreg.gather [hbm4b:s4+s2], $0x80, v3, vm0, $0xb8;
	[tilespmem:$0x10400] =	vst v63  }
0x130: {  	_ =	swait.ge [sflag:s18], $0x4000  }
0x131: {  	[sflag:s18] =	ssyncset.done $0x0  }
0x132: {  	[sflag:s18] =	ssyncadd.s32 $0xFFFFC000  }
0x133: {  	_ =	swait.ge [sflag:s19], $0x4000  }
0x134: {  	[sflag:s19] =	ssyncset.done $0x0  }
0x135: {  	s24 =	rddreg [dreg:$0x5];
	[sflag:s19] =	ssyncadd.s32 $0xFFFFC000  }
0x136: {  	[hbm4b:s24+s2] =	stream.linear.scatter [tilespmem:s23], [sflag:$0x6], $0x4000, $0x38;
	[tilespmem:$0x10400] =	vst v63  }
0x137: {  	s9 =	rddreg [dreg:$0x6]  }
0x138: {  	[hbm4b:s9+s2] =	stream.linear.scatter [tilespmem:s1], [sflag:$0x8], $0x4000, $0x38;
	[tilespmem:$0x10400] =	vst v63  }
0x139: {  	_ =	swait.ge [sflag:s20], $0x4000  }
0x13a: {  	[sflag:s20] =	ssyncset.done $0x0  }
0x13b: {  	[sflag:s20] =	ssyncadd.s32 $0xFFFFC000  }
0x13c: {  	_ =	swait.ge [sflag:s21], $0x4000  }
0x13d: {  	[sflag:s21] =	ssyncset.done $0x0  }
0x13e: {  	[sflag:s21] =	ssyncadd.s32 $0xFFFFC000  }
0x13f: {  	v3 =	vld [tilespmem:$0x180];
	_ =	sdelay $0x4  }
0x140: {  	v24 =	vshll.u32 v3, $0x1  }
0x141: {  	v3 =	vand.u32 $0x7, v3;
	v4 =	vand.u32 $0xFFFFFFF0, v24  }
0x142: {  	v3 =	vor.u32 v3, v4  }
0x143: {  	v4 =	vperm.xlane v3, v0;
	_ =	sdelay $0x1  }
0x144: {  	v3 =	vperm.xlane v3, v2;
	v4 =	vadd.s32 v1, v4;
	_ =	sdelay $0x1  }
0x145: {  	v3 =	vadd.s32 v1, v3;
	_ =	sdelay $0x2  }
0x146: {  	[tilespmem:s23], [sflag:$0x2] =	stream.indirect_vreg.gather [hbm4b:s3+s2], $0x80, v4, vm0, $0xb8;
	[tilespmem:$0x10400] =	vst v63  }
0x147: {  	s26 =	simm.s32 $0x4C00  }
0x148: {  	[tilespmem:s26], [sflag:$0x2] =	stream.indirect_vreg.gather [hbm4b:s3+s2], $0x80, v3, vm0, $0xb8;
	[tilespmem:$0x10400] =	vst v63  }
0x149: {  	v3 =	vld [tilespmem:$0x190];
	_ =	sdelay $0x4  }
0x14a: {  	v25 =	vshll.u32 v3, $0x1  }
0x14b: {  	v3 =	vand.u32 $0x7, v3;
	v4 =	vand.u32 $0xFFFFFFF0, v25  }
0x14c: {  	v3 =	vor.u32 v3, v4  }
0x14d: {  	v4 =	vperm.xlane v3, v0;
	_ =	sdelay $0x1  }
0x14e: {  	v3 =	vperm.xlane v3, v2;
	v4 =	vadd.s32 v1, v4;
	_ =	sdelay $0x1  }
0x14f: {  	v3 =	vadd.s32 v1, v3;
	_ =	sdelay $0x1  }
0x150: {  	s22 =	simm.s32 $0x5400  }
0x151: {  	[tilespmem:s22], [sflag:$0x2] =	stream.indirect_vreg.gather [hbm4b:s3+s2], $0x80, v4, vm0, $0xb8;
	[tilespmem:$0x10400] =	vst v63  }
0x152: {  	s24 =	simm.s32 $0x5C00  }
0x153: {  	[tilespmem:s24], [sflag:$0x2] =	stream.indirect_vreg.gather [hbm4b:s3+s2], $0x80, v3, vm0, $0xb8;
	[tilespmem:$0x10400] =	vst v63  }
0x154: {  	v3 =	vld [tilespmem:$0x1A0];
	_ =	sdelay $0x4  }
0x155: {  	v26 =	vshll.u32 v3, $0x1  }
0x156: {  	v3 =	vand.u32 $0x7, v3;
	v4 =	vand.u32 $0xFFFFFFF0, v26  }
0x157: {  	v3 =	vor.u32 v3, v4  }
0x158: {  	v4 =	vperm.xlane v3, v0;
	_ =	sdelay $0x1  }
0x159: {  	v3 =	vperm.xlane v3, v2;
	v4 =	vadd.s32 v1, v4;
	_ =	sdelay $0x1  }
0x15a: {  	v3 =	vadd.s32 v1, v3;
	_ =	sdelay $0x1  }
0x15b: {  	s26 =	simm.s32 $0x6400  }
0x15c: {  	[tilespmem:s26], [sflag:$0x2] =	stream.indirect_vreg.gather [hbm4b:s3+s2], $0x80, v4, vm0, $0xb8;
	[tilespmem:$0x10400] =	vst v63  }
0x15d: {  	s24 =	simm.s32 $0x6C00  }
0x15e: {  	[tilespmem:s24], [sflag:$0x2] =	stream.indirect_vreg.gather [hbm4b:s3+s2], $0x80, v3, vm0, $0xb8;
	[tilespmem:$0x10400] =	vst v63  }
0x15f: {  	v3 =	vld [tilespmem:$0x1B0];
	_ =	sdelay $0x4  }
0x160: {  	v27 =	vshll.u32 v3, $0x1  }
0x161: {  	v3 =	vand.u32 $0x7, v3;
	v4 =	vand.u32 $0xFFFFFFF0, v27  }
0x162: {  	v3 =	vor.u32 v3, v4  }
0x163: {  	v4 =	vperm.xlane v3, v0;
	_ =	sdelay $0x1  }
0x164: {  	v3 =	vperm.xlane v3, v2;
	v4 =	vadd.s32 v1, v4;
	_ =	sdelay $0x1  }
0x165: {  	v3 =	vadd.s32 v1, v3;
	_ =	sdelay $0x1  }
0x166: {  	s24 =	simm.s32 $0x7400  }
0x167: {  	[tilespmem:s24], [sflag:$0x2] =	stream.indirect_vreg.gather [hbm4b:s3+s2], $0x80, v4, vm0, $0xb8;
	[tilespmem:$0x10400] =	vst v63  }
0x168: {  	s24 =	simm.s32 $0x7C00  }
0x169: {  	[tilespmem:s24], [sflag:$0x2] =	stream.indirect_vreg.gather [hbm4b:s3+s2], $0x80, v3, vm0, $0xb8;
	[tilespmem:$0x10400] =	vst v63  }
0x16a: {  	v3 =	vld [tilespmem:$0x180];
	_ =	sdelay $0x4  }
0x16b: {  	v28 =	vshll.u32 v3, $0x1  }
0x16c: {  	v3 =	vand.u32 $0x7, v3;
	v4 =	vand.u32 $0xFFFFFFF0, v28  }
0x16d: {  	v3 =	vor.u32 v3, v4  }
0x16e: {  	v4 =	vperm.xlane v3, v0;
	_ =	sdelay $0x1  }
0x16f: {  	v3 =	vperm.xlane v3, v2;
	v4 =	vadd.s32 v1, v4;
	_ =	sdelay $0x1  }
0x170: {  	v3 =	vadd.s32 v1, v3;
	_ =	sdelay $0x2  }
0x171: {  	[tilespmem:s1], [sflag:$0x4] =	stream.indirect_vreg.gather [hbm4b:s4+s2], $0x80, v4, vm0, $0xb8;
	[tilespmem:$0x10400] =	vst v63  }
0x172: {  	s24 =	simm.s32 $0xCC00  }
0x173: {  	[tilespmem:s24], [sflag:$0x4] =	stream.indirect_vreg.gather [hbm4b:s4+s2], $0x80, v3, vm0, $0xb8;
	[tilespmem:$0x10400] =	vst v63  }
0x174: {  	v3 =	vld [tilespmem:$0x190];
	_ =	sdelay $0x4  }
0x175: {  	v29 =	vshll.u32 v3, $0x1  }
0x176: {  	v3 =	vand.u32 $0x7, v3;
	v4 =	vand.u32 $0xFFFFFFF0, v29  }
0x177: {  	v3 =	vor.u32 v3, v4  }
0x178: {  	v4 =	vperm.xlane v3, v0;
	_ =	sdelay $0x1  }
0x179: {  	v3 =	vperm.xlane v3, v2;
	v4 =	vadd.s32 v1, v4;
	_ =	sdelay $0x1  }
0x17a: {  	v3 =	vadd.s32 v1, v3;
	_ =	sdelay $0x1  }
0x17b: {  	s24 =	simm.s32 $0xD400  }
0x17c: {  	[tilespmem:s24], [sflag:$0x4] =	stream.indirect_vreg.gather [hbm4b:s4+s2], $0x80, v4, vm0, $0xb8;
	[tilespmem:$0x10400] =	vst v63  }
0x17d: {  	s11 =	simm.s32 $0xDC00  }
0x17e: {  	[tilespmem:s11], [sflag:$0x4] =	stream.indirect_vreg.gather [hbm4b:s4+s2], $0x80, v3, vm0, $0xb8;
	[tilespmem:$0x10400] =	vst v63  }
0x17f: {  	v3 =	vld [tilespmem:$0x1A0];
	_ =	sdelay $0x4  }
0x180: {  	v30 =	vshll.u32 v3, $0x1  }
0x181: {  	v3 =	vand.u32 $0x7, v3;
	v4 =	vand.u32 $0xFFFFFFF0, v30  }
0x182: {  	v3 =	vor.u32 v3, v4  }
0x183: {  	v4 =	vperm.xlane v3, v0;
	_ =	sdelay $0x1  }
0x184: {  	v3 =	vperm.xlane v3, v2;
	v4 =	vadd.s32 v1, v4;
	_ =	sdelay $0x1  }
0x185: {  	v3 =	vadd.s32 v1, v3;
	_ =	sdelay $0x1  }
0x186: {  	s22 =	simm.s32 $0xE400  }
0x187: {  	[tilespmem:s22], [sflag:$0x4] =	stream.indirect_vreg.gather [hbm4b:s4+s2], $0x80, v4, vm0, $0xb8;
	[tilespmem:$0x10400] =	vst v63  }
0x188: {  	s12 =	simm.s32 $0xEC00  }
0x189: {  	[tilespmem:s12], [sflag:$0x4] =	stream.indirect_vreg.gather [hbm4b:s4+s2], $0x80, v3, vm0, $0xb8;
	[tilespmem:$0x10400] =	vst v63  }
0x18a: {  	v3 =	vld [tilespmem:$0x1B0];
	_ =	sdelay $0x4  }
0x18b: {  	v31 =	vshll.u32 v3, $0x1  }
0x18c: {  	v3 =	vand.u32 $0x7, v3;
	v4 =	vand.u32 $0xFFFFFFF0, v31  }
0x18d: {  	v3 =	vor.u32 v3, v4  }
0x18e: {  	v4 =	vperm.xlane v3, v0;
	_ =	sdelay $0x1  }
0x18f: {  	v3 =	vperm.xlane v3, v2;
	v4 =	vadd.s32 v1, v4;
	_ =	sdelay $0x1  }
0x190: {  	v3 =	vadd.s32 v1, v3;
	_ =	sdelay $0x1  }
0x191: {  	s24 =	simm.s32 $0xF400  }
0x192: {  	[tilespmem:s24], [sflag:$0x4] =	stream.indirect_vreg.gather [hbm4b:s4+s2], $0x80, v4, vm0, $0xb8;
	[tilespmem:$0x10400] =	vst v63  }
0x193: {  	s25 =	simm.s32 $0xFC00  }
0x194: {  	[tilespmem:s25], [sflag:$0x4] =	stream.indirect_vreg.gather [hbm4b:s4+s2], $0x80, v3, vm0, $0xb8;
	[tilespmem:$0x10400] =	vst v63  }
0x195: {  	_ =	swait.ge [sflag:s13], $0x4000  }
0x196: {  	[sflag:s13] =	ssyncset.done $0x0  }
0x197: {  	[sflag:s13] =	ssyncadd.s32 $0xFFFFC000  }
0x198: {  	_ =	swait.ge [sflag:s14], $0x4000  }
0x199: {  	[sflag:s14] =	ssyncset.done $0x0  }
0x19a: {  	s11 =	rddreg [dreg:$0x7];
	[sflag:s14] =	ssyncadd.s32 $0xFFFFC000  }
0x19b: {  	[hbm4b:s11+s2] =	stream.linear.scatter [tilespmem:s10], [sflag:$0x5], $0x4000, $0x38;
	[tilespmem:$0x10400] =	vst v63  }
0x19c: {  	s12 =	rddreg [dreg:$0x8]  }
0x19d: {  	[hbm4b:s12+s2] =	stream.linear.scatter [tilespmem:s15], [sflag:$0x7], $0x4000, $0x38;
	[tilespmem:$0x10400] =	vst v63  }
0x19e: {  	_ =	swait.ge [sflag:s16], $0x4000  }
0x19f: {  	[sflag:s16] =	ssyncset.done $0x0  }
0x1a0: {  	[sflag:s16] =	ssyncadd.s32 $0xFFFFC000  }
0x1a1: {  	_ =	swait.ge [sflag:s17], $0x4000  }
0x1a2: {  	[sflag:s17] =	ssyncset.done $0x0  }
0x1a3: {  	[sflag:s17] =	ssyncadd.s32 $0xFFFFC000  }
0x1a4: {  	v3 =	vld [tilespmem:$0x200];
	_ =	sdelay $0x4  }
0x1a5: {  	v32 =	vshll.u32 v3, $0x1  }
0x1a6: {  	v3 =	vand.u32 $0x7, v3;
	v4 =	vand.u32 $0xFFFFFFF0, v32  }
0x1a7: {  	v3 =	vor.u32 v3, v4  }
0x1a8: {  	v4 =	vperm.xlane v3, v0;
	_ =	sdelay $0x1  }
0x1a9: {  	v3 =	vperm.xlane v3, v2;
	v4 =	vadd.s32 v1, v4;
	_ =	sdelay $0x1  }
0x1aa: {  	v3 =	vadd.s32 v1, v3;
	_ =	sdelay $0x2  }
0x1ab: {  	[tilespmem:s10], [sflag:$0x1] =	stream.indirect_vreg.gather [hbm4b:s3+s2], $0x80, v4, vm0, $0xb8;
	[tilespmem:$0x10400] =	vst v63  }
0x1ac: {  	s25 =	simm.s32 $0xC00  }
0x1ad: {  	[tilespmem:s25], [sflag:$0x1] =	stream.indirect_vreg.gather [hbm4b:s3+s2], $0x80, v3, vm0, $0xb8;
	[tilespmem:$0x10400] =	vst v63  }
0x1ae: {  	v3 =	vld [tilespmem:$0x210];
	_ =	sdelay $0x4  }
0x1af: {  	v33 =	vshll.u32 v3, $0x1  }
0x1b0: {  	v3 =	vand.u32 $0x7, v3;
	v4 =	vand.u32 $0xFFFFFFF0, v33  }
0x1b1: {  	v3 =	vor.u32 v3, v4  }
0x1b2: {  	v4 =	vperm.xlane v3, v0;
	_ =	sdelay $0x1  }
0x1b3: {  	v3 =	vperm.xlane v3, v2;
	v4 =	vadd.s32 v1, v4;
	_ =	sdelay $0x1  }
0x1b4: {  	v3 =	vadd.s32 v1, v3;
	_ =	sdelay $0x2  }
0x1b5: {  	[tilespmem:s0], [sflag:$0x1] =	stream.indirect_vreg.gather [hbm4b:s3+s2], $0x80, v4, vm0, $0xb8;
	[tilespmem:$0x10400] =	vst v63  }
0x1b6: {  	s12 =	simm.s32 $0x1C00  }
0x1b7: {  	[tilespmem:s12], [sflag:$0x1] =	stream.indirect_vreg.gather [hbm4b:s3+s2], $0x80, v3, vm0, $0xb8;
	[tilespmem:$0x10400] =	vst v63  }
0x1b8: {  	v3 =	vld [tilespmem:$0x220];
	_ =	sdelay $0x4  }
0x1b9: {  	v34 =	vshll.u32 v3, $0x1  }
0x1ba: {  	v3 =	vand.u32 $0x7, v3;
	v4 =	vand.u32 $0xFFFFFFF0, v34  }
0x1bb: {  	v3 =	vor.u32 v3, v4  }
0x1bc: {  	v4 =	vperm.xlane v3, v0;
	_ =	sdelay $0x1  }
0x1bd: {  	v3 =	vperm.xlane v3, v2;
	v4 =	vadd.s32 v1, v4;
	_ =	sdelay $0x1  }
0x1be: {  	v3 =	vadd.s32 v1, v3;
	_ =	sdelay $0x2  }
0x1bf: {  	[tilespmem:s7], [sflag:$0x1] =	stream.indirect_vreg.gather [hbm4b:s3+s2], $0x80, v4, vm0, $0xb8;
	[tilespmem:$0x10400] =	vst v63  }
0x1c0: {  	s22 =	simm.s32 $0x2C00  }
0x1c1: {  	[tilespmem:s22], [sflag:$0x1] =	stream.indirect_vreg.gather [hbm4b:s3+s2], $0x80, v3, vm0, $0xb8;
	[tilespmem:$0x10400] =	vst v63  }
0x1c2: {  	v3 =	vld [tilespmem:$0x230];
	_ =	sdelay $0x4  }
0x1c3: {  	v35 =	vshll.u32 v3, $0x1  }
0x1c4: {  	v3 =	vand.u32 $0x7, v3;
	v4 =	vand.u32 $0xFFFFFFF0, v35  }
0x1c5: {  	v3 =	vor.u32 v3, v4  }
0x1c6: {  	v4 =	vperm.xlane v3, v0;
	_ =	sdelay $0x1  }
0x1c7: {  	v3 =	vperm.xlane v3, v2;
	v4 =	vadd.s32 v1, v4;
	_ =	sdelay $0x1  }
0x1c8: {  	v3 =	vadd.s32 v1, v3;
	_ =	sdelay $0x2  }
0x1c9: {  	[tilespmem:s28], [sflag:$0x1] =	stream.indirect_vreg.gather [hbm4b:s3+s2], $0x80, v4, vm0, $0xb8;
	[tilespmem:$0x10400] =	vst v63  }
0x1ca: {  	s24 =	simm.s32 $0x3C00  }
0x1cb: {  	[tilespmem:s24], [sflag:$0x1] =	stream.indirect_vreg.gather [hbm4b:s3+s2], $0x80, v3, vm0, $0xb8;
	[tilespmem:$0x10400] =	vst v63  }
0x1cc: {  	v3 =	vld [tilespmem:$0x200];
	_ =	sdelay $0x4  }
0x1cd: {  	v36 =	vshll.u32 v3, $0x1  }
0x1ce: {  	v3 =	vand.u32 $0x7, v3;
	v4 =	vand.u32 $0xFFFFFFF0, v36  }
0x1cf: {  	v3 =	vor.u32 v3, v4  }
0x1d0: {  	v4 =	vperm.xlane v3, v0;
	_ =	sdelay $0x1  }
0x1d1: {  	v3 =	vperm.xlane v3, v2;
	v4 =	vadd.s32 v1, v4;
	_ =	sdelay $0x1  }
0x1d2: {  	v3 =	vadd.s32 v1, v3;
	_ =	sdelay $0x2  }
0x1d3: {  	[tilespmem:s15], [sflag:$0x3] =	stream.indirect_vreg.gather [hbm4b:s4+s2], $0x80, v4, vm0, $0xb8;
	[tilespmem:$0x10400] =	vst v63  }
0x1d4: {  	s28 =	simm.s32 $0x8C00  }
0x1d5: {  	[tilespmem:s28], [sflag:$0x3] =	stream.indirect_vreg.gather [hbm4b:s4+s2], $0x80, v3, vm0, $0xb8;
	[tilespmem:$0x10400] =	vst v63  }
0x1d6: {  	v3 =	vld [tilespmem:$0x210];
	_ =	sdelay $0x4  }
0x1d7: {  	v37 =	vshll.u32 v3, $0x1  }
0x1d8: {  	v3 =	vand.u32 $0x7, v3;
	v4 =	vand.u32 $0xFFFFFFF0, v37  }
0x1d9: {  	v3 =	vor.u32 v3, v4  }
0x1da: {  	v4 =	vperm.xlane v3, v0;
	_ =	sdelay $0x1  }
0x1db: {  	v3 =	vperm.xlane v3, v2;
	v4 =	vadd.s32 v1, v4;
	_ =	sdelay $0x1  }
0x1dc: {  	v3 =	vadd.s32 v1, v3;
	_ =	sdelay $0x2  }
0x1dd: {  	[tilespmem:s29], [sflag:$0x3] =	stream.indirect_vreg.gather [hbm4b:s4+s2], $0x80, v4, vm0, $0xb8;
	[tilespmem:$0x10400] =	vst v63  }
0x1de: {  	_ = 	snop  }
0x1df: {  	[tilespmem:s6], [sflag:$0x3] =	stream.indirect_vreg.gather [hbm4b:s4+s2], $0x80, v3, vm0, $0xb8;
	[tilespmem:$0x10400] =	vst v63  }
0x1e0: {  	v3 =	vld [tilespmem:$0x220];
	_ =	sdelay $0x4  }
0x1e1: {  	v38 =	vshll.u32 v3, $0x1  }
0x1e2: {  	v3 =	vand.u32 $0x7, v3;
	v4 =	vand.u32 $0xFFFFFFF0, v38  }
0x1e3: {  	v3 =	vor.u32 v3, v4  }
0x1e4: {  	v4 =	vperm.xlane v3, v0;
	_ =	sdelay $0x1  }
0x1e5: {  	v3 =	vperm.xlane v3, v2;
	v4 =	vadd.s32 v1, v4;
	_ =	sdelay $0x1  }
0x1e6: {  	v3 =	vadd.s32 v1, v3;
	_ =	sdelay $0x2  }
0x1e7: {  	[tilespmem:s30], [sflag:$0x3] =	stream.indirect_vreg.gather [hbm4b:s4+s2], $0x80, v4, vm0, $0xb8;
	[tilespmem:$0x10400] =	vst v63  }
0x1e8: {  	_ = 	snop  }
0x1e9: {  	[tilespmem:s8], [sflag:$0x3] =	stream.indirect_vreg.gather [hbm4b:s4+s2], $0x80, v3, vm0, $0xb8;
	[tilespmem:$0x10400] =	vst v63  }
0x1ea: {  	v3 =	vld [tilespmem:$0x230];
	_ =	sdelay $0x4  }
0x1eb: {  	v39 =	vshll.u32 v3, $0x1  }
0x1ec: {  	v3 =	vand.u32 $0x7, v3;
	v4 =	vand.u32 $0xFFFFFFF0, v39  }
0x1ed: {  	v3 =	vor.u32 v3, v4  }
0x1ee: {  	v4 =	vperm.xlane v3, v0;
	_ =	sdelay $0x1  }
0x1ef: {  	v3 =	vperm.xlane v3, v2;
	v4 =	vadd.s32 v1, v4;
	_ =	sdelay $0x1  }
0x1f0: {  	v3 =	vadd.s32 v1, v3;
	_ =	sdelay $0x2  }
0x1f1: {  	[tilespmem:s31], [sflag:$0x3] =	stream.indirect_vreg.gather [hbm4b:s4+s2], $0x80, v4, vm0, $0xb8;
	[tilespmem:$0x10400] =	vst v63  }
0x1f2: {  	s31 =	simm.s32 $0xBC00  }
0x1f3: {  	[tilespmem:s31], [sflag:$0x3] =	stream.indirect_vreg.gather [hbm4b:s4+s2], $0x80, v3, vm0, $0xb8;
	[tilespmem:$0x10400] =	vst v63  }
0x1f4: {  	_ =	swait.ge [sflag:s18], $0x4000  }
0x1f5: {  	[sflag:s18] =	ssyncset.done $0x0  }
0x1f6: {  	[sflag:s18] =	ssyncadd.s32 $0xFFFFC000  }
0x1f7: {  	_ =	swait.ge [sflag:s19], $0x4000  }
0x1f8: {  	[sflag:s19] =	ssyncset.done $0x0  }
0x1f9: {  	s11 =	rddreg [dreg:$0x9];
	[sflag:s19] =	ssyncadd.s32 $0xFFFFC000  }
0x1fa: {  	[hbm4b:s11+s2] =	stream.linear.scatter [tilespmem:s23], [sflag:$0x6], $0x4000, $0x38;
	[tilespmem:$0x10400] =	vst v63  }
0x1fb: {  	s12 =	rddreg [dreg:$0xa]  }
0x1fc: {  	[hbm4b:s12+s2] =	stream.linear.scatter [tilespmem:s1], [sflag:$0x8], $0x4000, $0x38;
	[tilespmem:$0x10400] =	vst v63  }
0x1fd: {  	_ =	swait.ge [sflag:s20], $0x4000  }
0x1fe: {  	[sflag:s20] =	ssyncset.done $0x0  }
0x1ff: {  	[sflag:s20] =	ssyncadd.s32 $0xFFFFC000  }
0x200: {  	_ =	swait.ge [sflag:s21], $0x4000  }
0x201: {  	[sflag:s21] =	ssyncset.done $0x0  }
0x202: {  	[sflag:s21] =	ssyncadd.s32 $0xFFFFC000  }
0x203: {  	v3 =	vld [tilespmem:$0x280];
	_ =	sdelay $0x4  }
0x204: {  	v40 =	vshll.u32 v3, $0x1  }
0x205: {  	v3 =	vand.u32 $0x7, v3;
	v4 =	vand.u32 $0xFFFFFFF0, v40  }
0x206: {  	v3 =	vor.u32 v3, v4  }
0x207: {  	v4 =	vperm.xlane v3, v0;
	_ =	sdelay $0x1  }
0x208: {  	v3 =	vperm.xlane v3, v2;
	v4 =	vadd.s32 v1, v4;
	_ =	sdelay $0x1  }
0x209: {  	v3 =	vadd.s32 v1, v3;
	_ =	sdelay $0x2  }
0x20a: {  	[tilespmem:s23], [sflag:$0x2] =	stream.indirect_vreg.gather [hbm4b:s3+s2], $0x80, v4, vm0, $0xb8;
	[tilespmem:$0x10400] =	vst v63  }
0x20b: {  	s22 =	simm.s32 $0x4C00  }
0x20c: {  	[tilespmem:s22], [sflag:$0x2] =	stream.indirect_vreg.gather [hbm4b:s3+s2], $0x80, v3, vm0, $0xb8;
	[tilespmem:$0x10400] =	vst v63  }
0x20d: {  	v3 =	vld [tilespmem:$0x290];
	_ =	sdelay $0x4  }
0x20e: {  	v41 =	vshll.u32 v3, $0x1  }
0x20f: {  	v3 =	vand.u32 $0x7, v3;
	v4 =	vand.u32 $0xFFFFFFF0, v41  }
0x210: {  	v3 =	vor.u32 v3, v4  }
0x211: {  	v4 =	vperm.xlane v3, v0;
	_ =	sdelay $0x1  }
0x212: {  	v3 =	vperm.xlane v3, v2;
	v4 =	vadd.s32 v1, v4;
	_ =	sdelay $0x1  }
0x213: {  	v3 =	vadd.s32 v1, v3;
	_ =	sdelay $0x1  }
0x214: {  	s9 =	simm.s32 $0x5400  }
0x215: {  	[tilespmem:s9], [sflag:$0x2] =	stream.indirect_vreg.gather [hbm4b:s3+s2], $0x80, v4, vm0, $0xb8;
	[tilespmem:$0x10400] =	vst v63  }
0x216: {  	s24 =	simm.s32 $0x5C00  }
0x217: {  	[tilespmem:s24], [sflag:$0x2] =	stream.indirect_vreg.gather [hbm4b:s3+s2], $0x80, v3, vm0, $0xb8;
	[tilespmem:$0x10400] =	vst v63  }
0x218: {  	v3 =	vld [tilespmem:$0x2A0];
	_ =	sdelay $0x4  }
0x219: {  	v42 =	vshll.u32 v3, $0x1  }
0x21a: {  	v3 =	vand.u32 $0x7, v3;
	v4 =	vand.u32 $0xFFFFFFF0, v42  }
0x21b: {  	v3 =	vor.u32 v3, v4  }
0x21c: {  	v4 =	vperm.xlane v3, v0;
	_ =	sdelay $0x1  }
0x21d: {  	v3 =	vperm.xlane v3, v2;
	v4 =	vadd.s32 v1, v4;
	_ =	sdelay $0x1  }
0x21e: {  	v3 =	vadd.s32 v1, v3;
	_ =	sdelay $0x1  }
0x21f: {  	s26 =	simm.s32 $0x6400  }
0x220: {  	[tilespmem:s26], [sflag:$0x2] =	stream.indirect_vreg.gather [hbm4b:s3+s2], $0x80, v4, vm0, $0xb8;
	[tilespmem:$0x10400] =	vst v63  }
0x221: {  	s26 =	simm.s32 $0x6C00  }
0x222: {  	[tilespmem:s26], [sflag:$0x2] =	stream.indirect_vreg.gather [hbm4b:s3+s2], $0x80, v3, vm0, $0xb8;
	[tilespmem:$0x10400] =	vst v63  }
0x223: {  	v3 =	vld [tilespmem:$0x2B0];
	_ =	sdelay $0x4  }
0x224: {  	v43 =	vshll.u32 v3, $0x1  }
0x225: {  	v3 =	vand.u32 $0x7, v3;
	v4 =	vand.u32 $0xFFFFFFF0, v43  }
0x226: {  	v3 =	vor.u32 v3, v4  }
0x227: {  	v4 =	vperm.xlane v3, v0;
	_ =	sdelay $0x1  }
0x228: {  	v3 =	vperm.xlane v3, v2;
	v4 =	vadd.s32 v1, v4;
	_ =	sdelay $0x1  }
0x229: {  	v3 =	vadd.s32 v1, v3;
	_ =	sdelay $0x1  }
0x22a: {  	s12 =	simm.s32 $0x7400  }
0x22b: {  	[tilespmem:s12], [sflag:$0x2] =	stream.indirect_vreg.gather [hbm4b:s3+s2], $0x80, v4, vm0, $0xb8;
	[tilespmem:$0x10400] =	vst v63  }
0x22c: {  	s24 =	simm.s32 $0x7C00  }
0x22d: {  	[tilespmem:s24], [sflag:$0x2] =	stream.indirect_vreg.gather [hbm4b:s3+s2], $0x80, v3, vm0, $0xb8;
	[tilespmem:$0x10400] =	vst v63  }
0x22e: {  	v3 =	vld [tilespmem:$0x280];
	_ =	sdelay $0x4  }
0x22f: {  	v44 =	vshll.u32 v3, $0x1  }
0x230: {  	v3 =	vand.u32 $0x7, v3;
	v4 =	vand.u32 $0xFFFFFFF0, v44  }
0x231: {  	v3 =	vor.u32 v3, v4  }
0x232: {  	v4 =	vperm.xlane v3, v0;
	_ =	sdelay $0x1  }
0x233: {  	v3 =	vperm.xlane v3, v2;
	v4 =	vadd.s32 v1, v4;
	_ =	sdelay $0x1  }
0x234: {  	v3 =	vadd.s32 v1, v3;
	_ =	sdelay $0x2  }
0x235: {  	[tilespmem:s1], [sflag:$0x4] =	stream.indirect_vreg.gather [hbm4b:s4+s2], $0x80, v4, vm0, $0xb8;
	[tilespmem:$0x10400] =	vst v63  }
0x236: {  	s12 =	simm.s32 $0xCC00  }
0x237: {  	[tilespmem:s12], [sflag:$0x4] =	stream.indirect_vreg.gather [hbm4b:s4+s2], $0x80, v3, vm0, $0xb8;
	[tilespmem:$0x10400] =	vst v63  }
0x238: {  	v3 =	vld [tilespmem:$0x290];
	_ =	sdelay $0x4  }
0x239: {  	v45 =	vshll.u32 v3, $0x1  }
0x23a: {  	v3 =	vand.u32 $0x7, v3;
	v4 =	vand.u32 $0xFFFFFFF0, v45  }
0x23b: {  	v3 =	vor.u32 v3, v4  }
0x23c: {  	v4 =	vperm.xlane v3, v0;
	_ =	sdelay $0x1  }
0x23d: {  	v3 =	vperm.xlane v3, v2;
	v4 =	vadd.s32 v1, v4;
	_ =	sdelay $0x1  }
0x23e: {  	v3 =	vadd.s32 v1, v3;
	_ =	sdelay $0x1  }
0x23f: {  	s22 =	simm.s32 $0xD400  }
0x240: {  	[tilespmem:s22], [sflag:$0x4] =	stream.indirect_vreg.gather [hbm4b:s4+s2], $0x80, v4, vm0, $0xb8;
	[tilespmem:$0x10400] =	vst v63  }
0x241: {  	s24 =	simm.s32 $0xDC00  }
0x242: {  	[tilespmem:s24], [sflag:$0x4] =	stream.indirect_vreg.gather [hbm4b:s4+s2], $0x80, v3, vm0, $0xb8;
	[tilespmem:$0x10400] =	vst v63  }
0x243: {  	v3 =	vld [tilespmem:$0x2A0];
	_ =	sdelay $0x4  }
0x244: {  	v46 =	vshll.u32 v3, $0x1  }
0x245: {  	v3 =	vand.u32 $0x7, v3;
	v4 =	vand.u32 $0xFFFFFFF0, v46  }
0x246: {  	v3 =	vor.u32 v3, v4  }
0x247: {  	v4 =	vperm.xlane v3, v0;
	_ =	sdelay $0x1  }
0x248: {  	v3 =	vperm.xlane v3, v2;
	v4 =	vadd.s32 v1, v4;
	_ =	sdelay $0x1  }
0x249: {  	v3 =	vadd.s32 v1, v3;
	_ =	sdelay $0x1  }
0x24a: {  	s22 =	simm.s32 $0xE400  }
0x24b: {  	[tilespmem:s22], [sflag:$0x4] =	stream.indirect_vreg.gather [hbm4b:s4+s2], $0x80, v4, vm0, $0xb8;
	[tilespmem:$0x10400] =	vst v63  }
0x24c: {  	s24 =	simm.s32 $0xEC00  }
0x24d: {  	[tilespmem:s24], [sflag:$0x4] =	stream.indirect_vreg.gather [hbm4b:s4+s2], $0x80, v3, vm0, $0xb8;
	[tilespmem:$0x10400] =	vst v63  }
0x24e: {  	v3 =	vld [tilespmem:$0x2B0];
	_ =	sdelay $0x4  }
0x24f: {  	v47 =	vshll.u32 v3, $0x1  }
0x250: {  	v3 =	vand.u32 $0x7, v3;
	v4 =	vand.u32 $0xFFFFFFF0, v47  }
0x251: {  	v3 =	vor.u32 v3, v4  }
0x252: {  	v4 =	vperm.xlane v3, v0;
	_ =	sdelay $0x1  }
0x253: {  	v3 =	vperm.xlane v3, v2;
	v4 =	vadd.s32 v1, v4;
	_ =	sdelay $0x1  }
0x254: {  	v3 =	vadd.s32 v1, v3;
	_ =	sdelay $0x1  }
0x255: {  	s24 =	simm.s32 $0xF400  }
0x256: {  	[tilespmem:s24], [sflag:$0x4] =	stream.indirect_vreg.gather [hbm4b:s4+s2], $0x80, v4, vm0, $0xb8;
	[tilespmem:$0x10400] =	vst v63  }
0x257: {  	s24 =	simm.s32 $0xFC00  }
0x258: {  	[tilespmem:s24], [sflag:$0x4] =	stream.indirect_vreg.gather [hbm4b:s4+s2], $0x80, v3, vm0, $0xb8;
	[tilespmem:$0x10400] =	vst v63  }
0x259: {  	_ =	swait.ge [sflag:s13], $0x4000  }
0x25a: {  	[sflag:s13] =	ssyncset.done $0x0  }
0x25b: {  	[sflag:s13] =	ssyncadd.s32 $0xFFFFC000  }
0x25c: {  	_ =	swait.ge [sflag:s14], $0x4000  }
0x25d: {  	[sflag:s14] =	ssyncset.done $0x0  }
0x25e: {  	s22 =	rddreg [dreg:$0xb];
	[sflag:s14] =	ssyncadd.s32 $0xFFFFC000  }
0x25f: {  	[hbm4b:s22+s2] =	stream.linear.scatter [tilespmem:s10], [sflag:$0x5], $0x4000, $0x38;
	[tilespmem:$0x10400] =	vst v63  }
0x260: {  	s24 =	rddreg [dreg:$0xc]  }
0x261: {  	[hbm4b:s24+s2] =	stream.linear.scatter [tilespmem:s15], [sflag:$0x7], $0x4000, $0x38;
	[tilespmem:$0x10400] =	vst v63  }
0x262: {  	_ =	swait.ge [sflag:s16], $0x4000  }
0x263: {  	[sflag:s16] =	ssyncset.done $0x0  }
0x264: {  	[sflag:s16] =	ssyncadd.s32 $0xFFFFC000  }
0x265: {  	_ =	swait.ge [sflag:s17], $0x4000  }
0x266: {  	[sflag:s17] =	ssyncset.done $0x0  }
0x267: {  	[sflag:s17] =	ssyncadd.s32 $0xFFFFC000  }
0x268: {  	v3 =	vld [tilespmem:$0x300];
	_ =	sdelay $0x4  }
0x269: {  	v48 =	vshll.u32 v3, $0x1  }
0x26a: {  	v3 =	vand.u32 $0x7, v3;
	v4 =	vand.u32 $0xFFFFFFF0, v48  }
0x26b: {  	v3 =	vor.u32 v3, v4  }
0x26c: {  	v4 =	vperm.xlane v3, v0;
	_ =	sdelay $0x1  }
0x26d: {  	v3 =	vperm.xlane v3, v2;
	v4 =	vadd.s32 v1, v4;
	_ =	sdelay $0x1  }
0x26e: {  	v3 =	vadd.s32 v1, v3;
	_ =	sdelay $0x2  }
0x26f: {  	[tilespmem:s10], [sflag:$0x1] =	stream.indirect_vreg.gather [hbm4b:s3+s2], $0x80, v4, vm0, $0xb8;
	[tilespmem:$0x10400] =	vst v63  }
0x270: {  	s24 =	simm.s32 $0xC00  }
0x271: {  	[tilespmem:s24], [sflag:$0x1] =	stream.indirect_vreg.gather [hbm4b:s3+s2], $0x80, v3, vm0, $0xb8;
	[tilespmem:$0x10400] =	vst v63  }
0x272: {  	v3 =	vld [tilespmem:$0x310];
	_ =	sdelay $0x4  }
0x273: {  	v49 =	vshll.u32 v3, $0x1  }
0x274: {  	v3 =	vand.u32 $0x7, v3;
	v4 =	vand.u32 $0xFFFFFFF0, v49  }
0x275: {  	v3 =	vor.u32 v3, v4  }
0x276: {  	v4 =	vperm.xlane v3, v0;
	_ =	sdelay $0x1  }
0x277: {  	v3 =	vperm.xlane v3, v2;
	v4 =	vadd.s32 v1, v4;
	_ =	sdelay $0x1  }
0x278: {  	v3 =	vadd.s32 v1, v3;
	_ =	sdelay $0x1  }
0x279: {  	s0 =	simm.s32 $0x1400  }
0x27a: {  	[tilespmem:s0], [sflag:$0x1] =	stream.indirect_vreg.gather [hbm4b:s3+s2], $0x80, v4, vm0, $0xb8;
	[tilespmem:$0x10400] =	vst v63  }
0x27b: {  	s24 =	simm.s32 $0x1C00  }
0x27c: {  	[tilespmem:s24], [sflag:$0x1] =	stream.indirect_vreg.gather [hbm4b:s3+s2], $0x80, v3, vm0, $0xb8;
	[tilespmem:$0x10400] =	vst v63  }
0x27d: {  	v3 =	vld [tilespmem:$0x320];
	_ =	sdelay $0x4  }
0x27e: {  	v50 =	vshll.u32 v3, $0x1  }
0x27f: {  	v3 =	vand.u32 $0x7, v3;
	v4 =	vand.u32 $0xFFFFFFF0, v50  }
0x280: {  	v3 =	vor.u32 v3, v4  }
0x281: {  	v4 =	vperm.xlane v3, v0;
	_ =	sdelay $0x1  }
0x282: {  	v3 =	vperm.xlane v3, v2;
	v4 =	vadd.s32 v1, v4;
	_ =	sdelay $0x1  }
0x283: {  	v3 =	vadd.s32 v1, v3;
	_ =	sdelay $0x1  }
0x284: {  	s7 =	simm.s32 $0x2400  }
0x285: {  	[tilespmem:s7], [sflag:$0x1] =	stream.indirect_vreg.gather [hbm4b:s3+s2], $0x80, v4, vm0, $0xb8;
	[tilespmem:$0x10400] =	vst v63  }
0x286: {  	s7 =	simm.s32 $0x2C00  }
0x287: {  	[tilespmem:s7], [sflag:$0x1] =	stream.indirect_vreg.gather [hbm4b:s3+s2], $0x80, v3, vm0, $0xb8;
	[tilespmem:$0x10400] =	vst v63  }
0x288: {  	v3 =	vld [tilespmem:$0x330];
	_ =	sdelay $0x4  }
0x289: {  	v51 =	vshll.u32 v3, $0x1  }
0x28a: {  	v3 =	vand.u32 $0x7, v3;
	v4 =	vand.u32 $0xFFFFFFF0, v51  }
0x28b: {  	v3 =	vor.u32 v3, v4  }
0x28c: {  	v4 =	vperm.xlane v3, v0;
	_ =	sdelay $0x1  }
0x28d: {  	v3 =	vperm.xlane v3, v2;
	v4 =	vadd.s32 v1, v4;
	_ =	sdelay $0x1  }
0x28e: {  	v3 =	vadd.s32 v1, v3;
	_ =	sdelay $0x1  }
0x28f: {  	s25 =	simm.s32 $0x3400  }
0x290: {  	[tilespmem:s25], [sflag:$0x1] =	stream.indirect_vreg.gather [hbm4b:s3+s2], $0x80, v4, vm0, $0xb8;
	[tilespmem:$0x10400] =	vst v63  }
0x291: {  	s22 =	simm.s32 $0x3C00  }
0x292: {  	[tilespmem:s22], [sflag:$0x1] =	stream.indirect_vreg.gather [hbm4b:s3+s2], $0x80, v3, vm0, $0xb8;
	[tilespmem:$0x10400] =	vst v63  }
0x293: {  	v3 =	vld [tilespmem:$0x300];
	_ =	sdelay $0x4  }
0x294: {  	v52 =	vshll.u32 v3, $0x1  }
0x295: {  	v3 =	vand.u32 $0x7, v3;
	v4 =	vand.u32 $0xFFFFFFF0, v52  }
0x296: {  	v3 =	vor.u32 v3, v4  }
0x297: {  	v4 =	vperm.xlane v3, v0;
	_ =	sdelay $0x1  }
0x298: {  	v3 =	vperm.xlane v3, v2;
	v4 =	vadd.s32 v1, v4;
	_ =	sdelay $0x1  }
0x299: {  	v3 =	vadd.s32 v1, v3;
	_ =	sdelay $0x2  }
0x29a: {  	[tilespmem:s15], [sflag:$0x3] =	stream.indirect_vreg.gather [hbm4b:s4+s2], $0x80, v4, vm0, $0xb8;
	[tilespmem:$0x10400] =	vst v63  }
0x29b: {  	s24 =	simm.s32 $0x8C00  }
0x29c: {  	[tilespmem:s24], [sflag:$0x3] =	stream.indirect_vreg.gather [hbm4b:s4+s2], $0x80, v3, vm0, $0xb8;
	[tilespmem:$0x10400] =	vst v63  }
0x29d: {  	v3 =	vld [tilespmem:$0x310];
	_ =	sdelay $0x4  }
0x29e: {  	v53 =	vshll.u32 v3, $0x1  }
0x29f: {  	v3 =	vand.u32 $0x7, v3;
	v4 =	vand.u32 $0xFFFFFFF0, v53  }
0x2a0: {  	v3 =	vor.u32 v3, v4  }
0x2a1: {  	v4 =	vperm.xlane v3, v0;
	_ =	sdelay $0x1  }
0x2a2: {  	v3 =	vperm.xlane v3, v2;
	v4 =	vadd.s32 v1, v4;
	_ =	sdelay $0x1  }
0x2a3: {  	v3 =	vadd.s32 v1, v3;
	_ =	sdelay $0x1  }
0x2a4: {  	s28 =	simm.s32 $0x9400  }
0x2a5: {  	[tilespmem:s28], [sflag:$0x3] =	stream.indirect_vreg.gather [hbm4b:s4+s2], $0x80, v4, vm0, $0xb8;
	[tilespmem:$0x10400] =	vst v63  }
0x2a6: {  	s6 =	simm.s32 $0x9C00  }
0x2a7: {  	[tilespmem:s6], [sflag:$0x3] =	stream.indirect_vreg.gather [hbm4b:s4+s2], $0x80, v3, vm0, $0xb8;
	[tilespmem:$0x10400] =	vst v63  }
0x2a8: {  	v3 =	vld [tilespmem:$0x320];
	_ =	sdelay $0x4  }
0x2a9: {  	v54 =	vshll.u32 v3, $0x1  }
0x2aa: {  	v3 =	vand.u32 $0x7, v3;
	v4 =	vand.u32 $0xFFFFFFF0, v54  }
0x2ab: {  	v3 =	vor.u32 v3, v4  }
0x2ac: {  	v4 =	vperm.xlane v3, v0;
	_ =	sdelay $0x1  }
0x2ad: {  	v3 =	vperm.xlane v3, v2;
	v4 =	vadd.s32 v1, v4;
	_ =	sdelay $0x1  }
0x2ae: {  	v3 =	vadd.s32 v1, v3;
	_ =	sdelay $0x1  }
0x2af: {  	s29 =	simm.s32 $0xA400  }
0x2b0: {  	[tilespmem:s29], [sflag:$0x3] =	stream.indirect_vreg.gather [hbm4b:s4+s2], $0x80, v4, vm0, $0xb8;
	[tilespmem:$0x10400] =	vst v63  }
0x2b1: {  	s8 =	simm.s32 $0xAC00  }
0x2b2: {  	[tilespmem:s8], [sflag:$0x3] =	stream.indirect_vreg.gather [hbm4b:s4+s2], $0x80, v3, vm0, $0xb8;
	[tilespmem:$0x10400] =	vst v63  }
0x2b3: {  	v3 =	vld [tilespmem:$0x330];
	_ =	sdelay $0x4  }
0x2b4: {  	v55 =	vshll.u32 v3, $0x1  }
0x2b5: {  	v3 =	vand.u32 $0x7, v3;
	v4 =	vand.u32 $0xFFFFFFF0, v55  }
0x2b6: {  	v3 =	vor.u32 v3, v4  }
0x2b7: {  	v4 =	vperm.xlane v3, v0;
	_ =	sdelay $0x1  }
0x2b8: {  	v3 =	vperm.xlane v3, v2;
	v4 =	vadd.s32 v1, v4;
	_ =	sdelay $0x1  }
0x2b9: {  	v3 =	vadd.s32 v1, v3;
	_ =	sdelay $0x1  }
0x2ba: {  	s30 =	simm.s32 $0xB400  }
0x2bb: {  	[tilespmem:s30], [sflag:$0x3] =	stream.indirect_vreg.gather [hbm4b:s4+s2], $0x80, v4, vm0, $0xb8;
	[tilespmem:$0x10400] =	vst v63  }
0x2bc: {  	s25 =	simm.s32 $0xBC00  }
0x2bd: {  	[tilespmem:s25], [sflag:$0x3] =	stream.indirect_vreg.gather [hbm4b:s4+s2], $0x80, v3, vm0, $0xb8;
	[tilespmem:$0x10400] =	vst v63  }
0x2be: {  	_ =	swait.ge [sflag:s18], $0x4000  }
0x2bf: {  	[sflag:s18] =	ssyncset.done $0x0  }
0x2c0: {  	[sflag:s18] =	ssyncadd.s32 $0xFFFFC000  }
0x2c1: {  	_ =	swait.ge [sflag:s19], $0x4000  }
0x2c2: {  	[sflag:s19] =	ssyncset.done $0x0  }
0x2c3: {  	s28 =	rddreg [dreg:$0xd];
	[sflag:s19] =	ssyncadd.s32 $0xFFFFC000  }
0x2c4: {  	[hbm4b:s28+s2] =	stream.linear.scatter [tilespmem:s23], [sflag:$0x6], $0x4000, $0x38;
	[tilespmem:$0x10400] =	vst v63  }
0x2c5: {  	s29 =	rddreg [dreg:$0xe]  }
0x2c6: {  	[hbm4b:s29+s2] =	stream.linear.scatter [tilespmem:s1], [sflag:$0x8], $0x4000, $0x38;
	[tilespmem:$0x10400] =	vst v63  }
0x2c7: {  	_ =	swait.ge [sflag:s20], $0x4000  }
0x2c8: {  	[sflag:s20] =	ssyncset.done $0x0  }
0x2c9: {  	[sflag:s20] =	ssyncadd.s32 $0xFFFFC000  }
0x2ca: {  	_ =	swait.ge [sflag:s21], $0x4000  }
0x2cb: {  	[sflag:s21] =	ssyncset.done $0x0  }
0x2cc: {  	[sflag:s21] =	ssyncadd.s32 $0xFFFFC000  }
0x2cd: {  	v3 =	vld [tilespmem:$0x380];
	_ =	sdelay $0x4  }
0x2ce: {  	v56 =	vshll.u32 v3, $0x1  }
0x2cf: {  	v3 =	vand.u32 $0x7, v3;
	v4 =	vand.u32 $0xFFFFFFF0, v56  }
0x2d0: {  	v3 =	vor.u32 v3, v4  }
0x2d1: {  	v4 =	vperm.xlane v3, v0;
	_ =	sdelay $0x1  }
0x2d2: {  	v3 =	vperm.xlane v3, v2;
	v4 =	vadd.s32 v1, v4;
	_ =	sdelay $0x1  }
0x2d3: {  	v3 =	vadd.s32 v1, v3;
	_ =	sdelay $0x2  }
0x2d4: {  	[tilespmem:s23], [sflag:$0x2] =	stream.indirect_vreg.gather [hbm4b:s3+s2], $0x80, v4, vm0, $0xb8;
	[tilespmem:$0x10400] =	vst v63  }
0x2d5: {  	s30 =	simm.s32 $0x4C00  }
0x2d6: {  	[tilespmem:s30], [sflag:$0x2] =	stream.indirect_vreg.gather [hbm4b:s3+s2], $0x80, v3, vm0, $0xb8;
	[tilespmem:$0x10400] =	vst v63  }
0x2d7: {  	v3 =	vld [tilespmem:$0x390];
	_ =	sdelay $0x4  }
0x2d8: {  	v57 =	vshll.u32 v3, $0x1  }
0x2d9: {  	v3 =	vand.u32 $0x7, v3;
	v4 =	vand.u32 $0xFFFFFFF0, v57  }
0x2da: {  	v3 =	vor.u32 v3, v4  }
0x2db: {  	v4 =	vperm.xlane v3, v0;
	_ =	sdelay $0x1  }
0x2dc: {  	v3 =	vperm.xlane v3, v2;
	v4 =	vadd.s32 v1, v4;
	_ =	sdelay $0x1  }
0x2dd: {  	v3 =	vadd.s32 v1, v3;
	_ =	sdelay $0x1  }
0x2de: {  	s31 =	simm.s32 $0x5400  }
0x2df: {  	[tilespmem:s31], [sflag:$0x2] =	stream.indirect_vreg.gather [hbm4b:s3+s2], $0x80, v4, vm0, $0xb8;
	[tilespmem:$0x10400] =	vst v63  }
0x2e0: {  	s6 =	simm.s32 $0x5C00  }
0x2e1: {  	[tilespmem:s6], [sflag:$0x2] =	stream.indirect_vreg.gather [hbm4b:s3+s2], $0x80, v3, vm0, $0xb8;
	[tilespmem:$0x10400] =	vst v63  }
0x2e2: {  	v3 =	vld [tilespmem:$0x3A0];
	_ =	sdelay $0x4  }
0x2e3: {  	v58 =	vshll.u32 v3, $0x1  }
0x2e4: {  	v3 =	vand.u32 $0x7, v3;
	v4 =	vand.u32 $0xFFFFFFF0, v58  }
0x2e5: {  	v3 =	vor.u32 v3, v4  }
0x2e6: {  	v4 =	vperm.xlane v3, v0;
	_ =	sdelay $0x1  }
0x2e7: {  	v3 =	vperm.xlane v3, v2;
	v4 =	vadd.s32 v1, v4;
	_ =	sdelay $0x1  }
0x2e8: {  	v3 =	vadd.s32 v1, v3;
	_ =	sdelay $0x1  }
0x2e9: {  	s9 =	simm.s32 $0x6400  }
0x2ea: {  	[tilespmem:s9], [sflag:$0x2] =	stream.indirect_vreg.gather [hbm4b:s3+s2], $0x80, v4, vm0, $0xb8;
	[tilespmem:$0x10400] =	vst v63  }
0x2eb: {  	s7 =	simm.s32 $0x6C00  }
0x2ec: {  	[tilespmem:s7], [sflag:$0x2] =	stream.indirect_vreg.gather [hbm4b:s3+s2], $0x80, v3, vm0, $0xb8;
	[tilespmem:$0x10400] =	vst v63  }
0x2ed: {  	v3 =	vld [tilespmem:$0x3B0];
	_ =	sdelay $0x4  }
0x2ee: {  	v59 =	vshll.u32 v3, $0x1  }
0x2ef: {  	v3 =	vand.u32 $0x7, v3;
	v4 =	vand.u32 $0xFFFFFFF0, v59  }
0x2f0: {  	v3 =	vor.u32 v3, v4  }
0x2f1: {  	v4 =	vperm.xlane v3, v0;
	_ =	sdelay $0x1  }
0x2f2: {  	v3 =	vperm.xlane v3, v2;
	v4 =	vadd.s32 v1, v4;
	_ =	sdelay $0x1  }
0x2f3: {  	v3 =	vadd.s32 v1, v3;
	_ =	sdelay $0x1  }
0x2f4: {  	s26 =	simm.s32 $0x7400  }
0x2f5: {  	[tilespmem:s26], [sflag:$0x2] =	stream.indirect_vreg.gather [hbm4b:s3+s2], $0x80, v4, vm0, $0xb8;
	[tilespmem:$0x10400] =	vst v63  }
0x2f6: {  	s8 =	simm.s32 $0x7C00  }
0x2f7: {  	[tilespmem:s8], [sflag:$0x2] =	stream.indirect_vreg.gather [hbm4b:s3+s2], $0x80, v3, vm0, $0xb8;
	[tilespmem:$0x10400] =	vst v63  }
0x2f8: {  	v3 =	vld [tilespmem:$0x380];
	_ =	sdelay $0x4  }
0x2f9: {  	v60 =	vshll.u32 v3, $0x1  }
0x2fa: {  	v3 =	vand.u32 $0x7, v3;
	v4 =	vand.u32 $0xFFFFFFF0, v60  }
0x2fb: {  	v3 =	vor.u32 v3, v4  }
0x2fc: {  	v4 =	vperm.xlane v3, v0;
	_ =	sdelay $0x1  }
0x2fd: {  	v3 =	vperm.xlane v3, v2;
	v4 =	vadd.s32 v1, v4;
	_ =	sdelay $0x1  }
0x2fe: {  	v3 =	vadd.s32 v1, v3;
	_ =	sdelay $0x2  }
0x2ff: {  	[tilespmem:s1], [sflag:$0x4] =	stream.indirect_vreg.gather [hbm4b:s4+s2], $0x80, v4, vm0, $0xb8;
	[tilespmem:$0x10400] =	vst v63  }
0x300: {  	s9 =	simm.s32 $0xCC00  }
0x301: {  	[tilespmem:s9], [sflag:$0x4] =	stream.indirect_vreg.gather [hbm4b:s4+s2], $0x80, v3, vm0, $0xb8;
	[tilespmem:$0x10400] =	vst v63  }
0x302: {  	v3 =	vld [tilespmem:$0x390];
	_ =	sdelay $0x4  }
0x303: {  	v61 =	vshll.u32 v3, $0x1  }
0x304: {  	v3 =	vand.u32 $0x7, v3;
	v4 =	vand.u32 $0xFFFFFFF0, v61  }
0x305: {  	v3 =	vor.u32 v3, v4  }
0x306: {  	v4 =	vperm.xlane v3, v0;
	_ =	sdelay $0x1  }
0x307: {  	v3 =	vperm.xlane v3, v2;
	v4 =	vadd.s32 v1, v4;
	_ =	sdelay $0x1  }
0x308: {  	v3 =	vadd.s32 v1, v3;
	_ =	sdelay $0x1  }
0x309: {  	s11 =	simm.s32 $0xD400  }
0x30a: {  	[tilespmem:s11], [sflag:$0x4] =	stream.indirect_vreg.gather [hbm4b:s4+s2], $0x80, v4, vm0, $0xb8;
	[tilespmem:$0x10400] =	vst v63  }
0x30b: {  	s22 =	simm.s32 $0xDC00  }
0x30c: {  	[tilespmem:s22], [sflag:$0x4] =	stream.indirect_vreg.gather [hbm4b:s4+s2], $0x80, v3, vm0, $0xb8;
	[tilespmem:$0x10400] =	vst v63  }
0x30d: {  	v3 =	vld [tilespmem:$0x3A0];
	_ =	sdelay $0x4  }
0x30e: {  	v62 =	vshll.u32 v3, $0x1  }
0x30f: {  	v3 =	vand.u32 $0x7, v3;
	v4 =	vand.u32 $0xFFFFFFF0, v62  }
0x310: {  	v3 =	vor.u32 v3, v4  }
0x311: {  	v4 =	vperm.xlane v3, v0;
	_ =	sdelay $0x1  }
0x312: {  	v3 =	vperm.xlane v3, v2;
	v4 =	vadd.s32 v1, v4;
	_ =	sdelay $0x1  }
0x313: {  	v3 =	vadd.s32 v1, v3;
	_ =	sdelay $0x1  }
0x314: {  	s12 =	simm.s32 $0xE400  }
0x315: {  	[tilespmem:s12], [sflag:$0x4] =	stream.indirect_vreg.gather [hbm4b:s4+s2], $0x80, v4, vm0, $0xb8;
	[tilespmem:$0x10400] =	vst v63  }
0x316: {  	s24 =	simm.s32 $0xEC00  }
0x317: {  	[tilespmem:s24], [sflag:$0x4] =	stream.indirect_vreg.gather [hbm4b:s4+s2], $0x80, v3, vm0, $0xb8;
	[tilespmem:$0x10400] =	vst v63  }
0x318: {  	v3 =	vld [tilespmem:$0x3B0];
	_ =	sdelay $0x4  }
0x319: {  	v63 =	vshll.u32 v3, $0x1  }
0x31a: {  	v3 =	vand.u32 $0x7, v3;
	v4 =	vand.u32 $0xFFFFFFF0, v63  }
0x31b: {  	v3 =	vor.u32 v3, v4  }
0x31c: {  	v4 =	vperm.xlane v3, v0;
	_ =	sdelay $0x1  }
0x31d: {  	v3 =	vperm.xlane v3, v2;
	v4 =	vadd.s32 v1, v4;
	_ =	sdelay $0x1  }
0x31e: {  	v3 =	vadd.s32 v1, v3;
	_ =	sdelay $0x1  }
0x31f: {  	s25 =	simm.s32 $0xF400  }
0x320: {  	[tilespmem:s25], [sflag:$0x4] =	stream.indirect_vreg.gather [hbm4b:s4+s2], $0x80, v4, vm0, $0xb8;
	[tilespmem:$0x10400] =	vst v63  }
0x321: {  	s26 =	simm.s32 $0xFC00  }
0x322: {  	[tilespmem:s26], [sflag:$0x4] =	stream.indirect_vreg.gather [hbm4b:s4+s2], $0x80, v3, vm0, $0xb8;
	[tilespmem:$0x10400] =	vst v63  }
0x323: {  	_ =	swait.ge [sflag:s13], $0x4000  }
0x324: {  	[sflag:s13] =	ssyncset.done $0x0  }
0x325: {  	[sflag:s13] =	ssyncadd.s32 $0xFFFFC000  }
0x326: {  	_ =	swait.ge [sflag:s14], $0x4000  }
0x327: {  	[sflag:s14] =	ssyncset.done $0x0  }
0x328: {  	s28 =	rddreg [dreg:$0xf];
	[sflag:s14] =	ssyncadd.s32 $0xFFFFC000  }
0x329: {  	[hbm4b:s28+s2] =	stream.linear.scatter [tilespmem:s10], [sflag:$0x5], $0x4000, $0x38;
	[tilespmem:$0x10400] =	vst v63  }
0x32a: {  	s29 =	rddreg [dreg:$0x10]  }
0x32b: {  	[hbm4b:s29+s2] =	stream.linear.scatter [tilespmem:s15], [sflag:$0x7], $0x4000, $0x38;
	[tilespmem:$0x10400] =	vst v63  }
0x32c: {  	_ =	swait.ge [sflag:s18], $0x4000  }
0x32d: {  	[sflag:s18] =	ssyncset.done $0x0  }
0x32e: {  	[sflag:s18] =	ssyncadd.s32 $0xFFFFC000  }
0x32f: {  	_ =	swait.ge [sflag:s19], $0x4000  }
0x330: {  	[sflag:s19] =	ssyncset.done $0x0  }
0x331: {  	s30 =	rddreg [dreg:$0x11];
	[sflag:s19] =	ssyncadd.s32 $0xFFFFC000  }
0x332: {  	[hbm4b:s30+s2] =	stream.linear.scatter [tilespmem:s23], [sflag:$0x6], $0x4000, $0x38;
	[tilespmem:$0x10400] =	vst v63  }
0x333: {  	s31 =	rddreg [dreg:$0x12]  }
0x334: {  	[hbm4b:s31+s2] =	stream.linear.scatter [tilespmem:s1], [sflag:$0x8], $0x4000, $0x38;
	[tilespmem:$0x10400] =	vst v63  }
0x335: {  	_ =	swait.ge [sflag:s16], $0x4000  }
0x336: {  	[sflag:s16] =	ssyncset.done $0x0  }
0x337: {  	[sflag:s16] =	ssyncadd.s32 $0xFFFFC000  }
0x338: {  	_ =	swait.ge [sflag:s17], $0x4000  }
0x339: {  	[sflag:s17] =	ssyncset.done $0x0  }
0x33a: {  	[sflag:s17] =	ssyncadd.s32 $0xFFFFC000  }
0x33b: {  	p0 =	sne.s32 s5, $0x1;
	_ =	swait.ge [sflag:s20], $0x4000  }
.Ltmp0:
0x33c: {  	[sflag:s20] =	ssyncset.done $0x0;
	(pc) =	sbr.rel @p0 .LBB2_1-.Ltmp0, $4  }
0x33d: {  	[sflag:s20] =	ssyncadd.s32 $0xFFFFC000  }
0x33e: {  	_ =	swait.ge [sflag:s21], $0x4000  }
0x33f: {  	[sflag:s21] =	ssyncset.done $0x0  }
0x340: {  	s5 =	sadd.s32 $0xFFFFFFFF, s5;
	[sflag:s21] =	ssyncadd.s32 $0xFFFFC000  }
0x341: {  	_ =	sfence.sel $0x180000  }
0x342: {  	[bflag:$0x0] =	sbarrier.arrive $0xFFFF  }
0x343: {  	_ =	strace $0x9000004A  }
0x344: {  	s0 =	stileid.u32;
	[bflag:$0x2] =	sbarrier.arrive $0xFFFF  }
0x345: {  	p0 =	sne.s32 s0, $0x0;
	s0 =	rddreg [dreg:$0x1]  }
0x346: {  	s0 =	sadd.s32 @!p0 $0x100000, s0  }
0x347: {  	[sflag:s0] =	ssyncadd.tile.s32 @!p0 $0x1;
	_ =	shalt  }
.Lfunc_end2:
_tile_overlayer_lowered:
.L_overlay_start_2:
0x348: {  	(tag) =	ssettag $0x2  }
0x349: {  	s0 =	rddreg [dreg:$0x0];
	s2 =	stileid.u32  }
0x34a: {  	s1 =	rddreg [dreg:$0x1];
	p0 =	sne.s32 s2, $0x0  }
0x34b: {  	s3 =	rddreg [dreg:$0x2];
	[bflag:$0x3] =	sbarrier.arrive $0xFFFF;
	s2 =	simm.s32 @!p0 $0x1C09  }
0x34c: {  	[timem:s3], [sflag:s2] =	dma.local @!p0 [hbm:s0], s1  }
0x34d: {  	s0 =	simm.s32 @!p0 $0x9  }
0x34e: {  	_ =	swait.ge @!p0 [sflag:s0], s1  }
0x34f: {  	s1 =	ssub.s32 @!p0 $0x0, s1;
	[sflag:s0] =	ssyncset.done @!p0 $0x0  }
0x350: {  	[sflag:s0] =	ssyncadd.s32 @!p0 s1  }
0x351: {  	[bflag:$0x3] =	sbarrier.arrive $0xFFFF  }
0x352: {  	_ =	shalt  }

// kernel: kernel.8.cloned.1.call-start
scs
__scs_entry_jumppad:
0x0: {  	(pc) =	sbr.rel $0x88, $3  }
0x1: {  	(tag) =	ssettag $0x0;
	lr =	simm.s32 $0x1  }
0x2: {  	[smem:$0x3F98] =	sst lr;
	_ =	strace $0xD0000000  }
0x3: {  	_ = 	snop  }
0x4: {  	_ = 	snop  }
0x5: {  	_ = 	snop  }
0x6: {  	_ = 	snop  }
0x7: {  	_ = 	snop  }
__scs_overlays_trampoline_lowered:
0x8: {  	[smem:$0x3FA7] =	sst s0  }
0x9: {  	[smem:$0x3FA8] =	sst s1  }
0xa: {  	[smem:$0x3FA9] =	sst s2  }
0xb: {  	[smem:$0x3FAA] =	sst s3  }
0xc: {  	[smem:$0x3FAB] =	sst s4  }
0xd: {  	[smem:$0x3FAC] =	sst s5  }
0xe: {  	[smem:$0x3FAD] =	sst s6  }
0xf: {  	[smem:$0x3FAE] =	sst s7  }
0x10: {  	[smem:$0x3FAF] =	sst s8  }
0x11: {  	[smem:$0x3FB0] =	sst s9;
	s0 =	simm.s32 @!p0 $0x0  }
0x12: {  	s1 =	sld [smem:$0x3F96];
	s0 =	simm.s32 @p0 $0x1  }
0x13: {  	[smem:$0x3FB1] =	sst s0;
	s0 =	simm.s32 @!p1 $0x0  }
0x14: {  	s2 =	sld [smem:$0x3F95];
	s0 =	simm.s32 @p1 $0x1  }
0x15: {  	[smem:$0x3FB2] =	sst s0;
	s0 =	simm.s32 @!p2 $0x0  }
0x16: {  	s3 =	sld [smem:$0x3FDB];
	s0 =	simm.s32 @p2 $0x1  }
0x17: {  	s4 =	simm.s32 $0x1BF5;
	[smem:$0x3FB4] =	sst s0  }
0x18: {  	s0 =	sld [smem:$0x3F97];
	_ =	swait.ge [sflag:s4], $0x0  }
0x19: {  	s7 =	sld [smem:$0x3F98]  }
0x1a: {  	s8 =	sadd.s32 $0xFFFFE003, lr  }
0x1b: {  	s9 =	sadd.s32 $0xFFFFFEF7, lr;
	s5 =	simm.s32 $0xFFFFFFFF;
	p2 =	slt.u32 s8, $0xFFFFF086  }
0x1c: {  	p1 =	slt.u32 s9, $0xF7A;
	s5 =	simm.s32 @!p2 $0x0  }
0x1d: {  	s5 =	simm.s32 @p1 $0x1;
	p0 =	seq.s32 s7, s2  }
0x1e: {  	s7 =	smul.u32 @!p0 $0xF7A, s2;
	p2 =	seq.s32 @!p0 s5, $0x0  }
0x1f: {  	s9 =	smul.u32 $0xF7A, s1;
	s8 =	simm.s32 @!p0 $0x1BF5;
	p2 =	por !p2, p0  }
0x20: {  	[sflag:s8] =	ssyncset.s32 @!p0 $0xFFFFF086;
	s6 =	sadd.s32 @!p0 s3, s7;
	s7 =	simm.s32 @!p0 $0x108  }
0x21: {  	s3 =	sadd.s32 s3, s9;
	s6 =	sadd.s32 @!p0 $0x88, s6;
	s7 =	simm.s32 @p2 $0x1082  }
0x22: {  	[simem:s7], [sflag:s8] =	dma.local @!p0 [hbm:s6], $0xF7A  }
0x23: {  	s9 =	sor.u32 $0xD0000000, s2;
	s6 =	simm.s32 $0x108;
	_ =	swait.ge @!p0 [sflag:s8], $0x0  }
0x24: {  	s3 =	sadd.s32 $0x88, s3;
	s6 =	simm.s32 @!p1 $0x1082;
	[sflag:s4] =	ssyncset.s32 $0xFFFFF086  }
0x25: {  	[simem:s6], [sflag:s4] =	dma.local [hbm:s3], $0xF7A  }
0x26: {  	[smem:$0x3F98] =	sst s1;
	(tag) =	ssettag s2;
	_ =	strace s9  }
0x27: {  	s1 =	sld [smem:$0x3FA8]  }
0x28: {  	s2 =	sld [smem:$0x3FA9]  }
0x29: {  	s4 =	sld [smem:$0x3FAB]  }
0x2a: {  	p0 =	seq.s32 s5, $0x0;
	s5 =	sld [smem:$0x3FAC]  }
0x2b: {  	s6 =	sld [smem:$0x3FAD]  }
0x2c: {  	s7 =	sld [smem:$0x3FAE]  }
0x2d: {  	s3 =	simm.s32 $0x108;
	s8 =	sld [smem:$0x3FAF]  }
0x2e: {  	s3 =	simm.s32 @!p0 $0x1082;
	s9 =	sld [smem:$0x3FB0]  }
0x2f: {  	lr =	sadd.s32 s0, s3;
	s0 =	sld [smem:$0x3FA7]  }
0x30: {  	s3 =	sld [smem:$0x3FAA]  }
0x31: {  	[smem:$0x3FB3] =	sst s10  }
0x32: {  	s10 =	sld [smem:$0x3FB1];
	_ =	sdelay $0x3  }
0x33: {  	p0 =	seq.s32 s10, $0x1;
	s10 =	sld [smem:$0x3FB3];
	_ =	sdelay $0x3  }
0x34: {  	[smem:$0x3FB3] =	sst s10  }
0x35: {  	s10 =	sld [smem:$0x3FB2];
	_ =	sdelay $0x3  }
0x36: {  	p1 =	seq.s32 s10, $0x1;
	s10 =	sld [smem:$0x3FB3];
	_ =	sdelay $0x3  }
0x37: {  	[smem:$0x3FB3] =	sst s10  }
0x38: {  	s10 =	sld [smem:$0x3FB4]  }
0x39: {  	_ = 	snop;
	(pc) =	sbr.ind lr, $3  }
0x3a: {  	_ = 	snop  }
0x3b: {  	_ = 	snop  }
0x3c: {  	p2 =	seq.s32 s10, $0x1;
	s10 =	sld [smem:$0x3FB3]  }
0x3d: {  	_ =	shalt  }
0x3e: {  	_ =	shalt  }
0x3f: {  	_ =	shalt  }
0x40: {  	_ =	shalt  }
0x41: {  	_ =	shalt  }
0x42: {  	_ =	shalt  }
0x43: {  	_ =	shalt  }
0x44: {  	_ =	shalt  }
0x45: {  	_ =	shalt  }
0x46: {  	_ =	shalt  }
0x47: {  	_ =	shalt  }
0x48: {  	_ =	shalt  }
0x49: {  	_ =	shalt  }
0x4a: {  	_ =	shalt  }
0x4b: {  	_ =	shalt  }
0x4c: {  	_ =	shalt  }
0x4d: {  	_ =	shalt  }
0x4e: {  	_ =	shalt  }
0x4f: {  	_ =	shalt  }
0x50: {  	_ =	shalt  }
0x51: {  	_ =	shalt  }
0x52: {  	_ =	shalt  }
0x53: {  	_ =	shalt  }
0x54: {  	_ =	shalt  }
0x55: {  	_ =	shalt  }
0x56: {  	_ =	shalt  }
0x57: {  	_ =	shalt  }
0x58: {  	_ =	shalt  }
0x59: {  	_ =	shalt  }
0x5a: {  	_ =	shalt  }
0x5b: {  	_ =	shalt  }
0x5c: {  	_ =	shalt  }
0x5d: {  	_ =	shalt  }
0x5e: {  	_ =	shalt  }
0x5f: {  	_ =	shalt  }
0x60: {  	_ =	shalt  }
0x61: {  	_ =	shalt  }
0x62: {  	_ =	shalt  }
0x63: {  	_ =	shalt  }
0x64: {  	_ =	shalt  }
0x65: {  	_ =	shalt  }
0x66: {  	_ =	shalt  }
0x67: {  	_ =	shalt  }
0x68: {  	_ =	shalt  }
0x69: {  	_ =	shalt  }
0x6a: {  	_ =	shalt  }
0x6b: {  	_ =	shalt  }
0x6c: {  	_ =	shalt  }
0x6d: {  	_ =	shalt  }
0x6e: {  	_ =	shalt  }
0x6f: {  	_ =	shalt  }
0x70: {  	_ =	shalt  }
0x71: {  	_ =	shalt  }
0x72: {  	_ =	shalt  }
0x73: {  	_ =	shalt  }
0x74: {  	_ =	shalt  }
0x75: {  	_ =	shalt  }
0x76: {  	_ =	shalt  }
0x77: {  	_ =	shalt  }
0x78: {  	_ =	shalt  }
0x79: {  	_ =	shalt  }
0x7a: {  	_ =	shalt  }
0x7b: {  	_ =	shalt  }
0x7c: {  	_ =	shalt  }
0x7d: {  	_ =	shalt  }
0x7e: {  	_ =	shalt  }
0x7f: {  	_ =	shalt  }
0x80: {  	_ =	shalt  }
0x81: {  	_ =	shalt  }
0x82: {  	_ =	shalt  }
0x83: {  	_ =	shalt  }
0x84: {  	_ =	shalt  }
0x85: {  	_ =	shalt  }
0x86: {  	_ =	shalt  }
0x87: {  	_ =	shalt  }
.Lfunc_end0:
.L_simem_size_0:
called_computation_lowered:
.L_overlay_start_0:
0x88: {  	s2 =	sld [smem:$0x3FD9]  }
0x89: {  	s3 =	sld [smem:$0x3FFE];
	_ =	sdelay $0x1  }
0x8a: {  	s1 =	srdreg.scid  }
0x8b: {  	s0 =	sand.u32 $0x1, s1  }
0x8c: {  	s14 =	sshll.u32 s0, $0xA;
	s2 =	sadd.s32 s3, s2  }
0x8d: {  	s2 =	sadd.s32 s2, s14  }
0x8e: {  	[smem:$0x3FBF] =	sst s2  }
0x8f: {  	_ = 	snop  }
0x90: {  	s2 =	sld [smem:$0x3FD0];
	_ =	sdelay $0x2  }
0x91: {  	s15 =	simm.s32 $0xA;
	s4 =	simm.s32 $0x10  }
0x92: {  	[smem:s4], [sflag:s15] =	dma.local [hbm:s2], $0x1  }
0x93: {  	_ =	swait.eq [sflag:s15], $0x1  }
0x94: {  	[sflag:s15] =	ssyncset.done $0x0  }
0x95: {  	s16 =	sld [smem:$0x10];
	[sflag:s15] =	ssyncadd.s32 $0xFFFFFFFF  }
0x96: {  	s17 =	sld [smem:$0x11];
	(tm) =	ssettm $0x1  }
0x97: {  	s18 =	sld [smem:$0x3FFB];
	_ =	sdelay $0x3  }
0x98: {  	_ =	strace s18  }
0x99: {  	s4 =	sld [smem:$0x3FFC];
	_ =	sdelay $0x3  }
0x9a: {  	_ =	strace s4  }
0x9b: {  	s4 =	sld [smem:$0x3FFD];
	_ =	sdelay $0x3  }
0x9c: {  	_ =	strace s4  }
0x9d: {  	_ =	strace $0x8FFFFFFF  }
0x9e: {  	s19 =	sld [smem:$0x3FDB];
	_ =	sdelay $0x1  }
0x9f: {  	s5 =	simm.s32 $_scs_section_size  }
0xa0: {  	s6 =	simm.s32 $_size__tile_overlayer_lowered;
	s7 =	simm.s32 $_tile_overlayer_lowered  }
0xa1: {  	s22 =	simm.s32 $0x1BFF;
	s21 =	sshll.u32 s7, $0x1;
	s4 =	sadd.s32 s5, s19  }
0xa2: {  	s8 =	simm.s32 $0x0;
	s20 =	sshll.u32 s6, $0x1;
	s6 =	sadd.s32 s21, s4  }
0xa3: {  	[timem:s8], [sflag:s22] =	dma.local [hbm:s6], s20  }
0xa4: {  	_ =	swait.ge [sflag:s22], s20  }
0xa5: {  	s5 =	ssub.s32 $0x0, s20;
	[sflag:s22] =	ssyncset.done $0x0  }
0xa6: {  	[sflag:s22] =	ssyncadd.s32 s5;
	_ =	sdelay $0x1  }
0xa7: {  	s23 =	simm.s32 $0x1B8B  }
0xa8: {  	_ =	swait.ge [sflag:s23], $0x1  }
0xa9: {  	[sflag:s23] =	ssyncset.done $0x0  }
0xaa: {  	s25 =	simm.s32 $0x1B8E;
	s24 =	sld [smem:$0x3FFE];
	[sflag:s23] =	ssyncadd.s32 $0xFFFFFFFF  }
0xab: {  	s26 =	simm.s32 $execute0_lowered;
	[smem:$0x3FD2] =	sst s25  }
0xac: {  	s6 =	sshll.u32 s26, $0x1;
	_ =	strace $0x80000046;
	[dreg:$0x1] =	wrdreg $0xFFFFFFFF  }
0xad: {  	s28 =	simm.s32 $_size_execute0_lowered;
	s4 =	sadd.s32 s4, s6;
	[dreg:$0x0] =	wrdreg $0x0  }
0xae: {  	s6 =	sshll.u32 s28, $0x1;
	[dreg:$0x2] =	wrdreg s4  }
0xaf: {  	[dreg:$0x3] =	wrdreg s6  }
0xb0: {  	[dreg:$0x4] =	wrdreg $0xC0  }
0xb1: {  	_ =	task [dreg:s8], $0x5FFFF  }
0xb2: {  	[dreg:$0x1] =	wrdreg $0xFFFFFFFF  }
0xb3: {  	[dreg:$0x0] =	wrdreg $0x60  }
0xb4: {  	[dreg:$0x2] =	wrdreg s16  }
0xb5: {  	[dreg:$0x3] =	wrdreg s24  }
0xb6: {  	[dreg:$0x4] =	wrdreg s17  }
0xb7: {  	[dreg:$0x5] =	wrdreg $0x9  }
0xb8: {  	_ =	task.clear_ibuf [dreg:s8], $0x6FFFF;
	_ =	strace $0x90000046  }
0xb9: {  	s29 =	simm.s32 $0x9;
	_ =	strace $0x80000048  }
0xba: {  	_ =	swait.ge [sflag:s29], $0x1  }
0xbb: {  	[sflag:s29] =	ssyncadd.s32 $0xFFFFFFFF  }
0xbc: {  	_ =	strace $0x90000048  }
0xbd: {  	_ =	sfence  }
0xbe: {  	s30 =	sld [smem:$0x0];
	_ =	sdelay $0x2  }
0xbf: {  	s31 =	sshll.u32 s1, $0xD;
	s1 =	sshrl.u32 s1, $0x2  }
0xc0: {  	s3 =	sand.u32 $0x4000, s31;
	s1 =	sadd.s32 s1, s30  }
0xc1: {  	s0 =	sor.u32 s3, s0;
	s1 =	sshll.u32 s1, $0x11  }
0xc2: {  	s0 =	sor.u32 s1, s0  }
0xc3: {  	s0 =	sadd.s32 $0x8F2B, s0  }
0xc4: {  	[sflag:s0] =	ssyncadd.remote.s32 $0x1  }
0xc5: {  	_ =	sfence.sel $0xFFFF  }
0xc6: {  	[dreg:$0x0] =	wrdreg $0xFFFFFFFF;
	(pc) =	sbr.abs _section_cstart, $3  }
0xc7: {  	[dreg:$0x1] =	wrdreg $0xFFFFFFFF  }
0xc8: {  	_ =	task.clear_ibuf [dreg:s8], $0x2FFFF;
	_ =	strace $0x9FFFFFFF  }
0xc9: {  	(tm) =	ssettm $0x7FFFFFFF  }
tec
execute0_lowered:
.L_overlay_start_1:
0x0: {  	(tag) =	ssettag $0x1  }
0x1: {  	s1 =	rddreg [dreg:$0x0];
	s0 =	srdreg.scid  }
0x2: {  	s2 =	rddreg [dreg:$0x1];
	s3 =	stileid.u32  }
0x3: {  	s4 =	rddreg [dreg:$0x2];
	s31 =	simm.s32 $0x400;
	s19 =	simm.s32 $0x2  }
0x4: {  	s0 =	sand.u32 $0x1, s0;
	s5 =	sshll.u32 s3, $0x8;
	s3 =	simm.s32 $0x0  }
0x5: {  	s17 =	simm.s32 $0x4;
	s6 =	sshll.u32 s0, $0x7;
	[smem:$0x7FF] =	sst s3  }
0x6: {  	s0 =	ssub.s32 $0x2, s0;
	s5 =	sor.u32 s6, s5;
	_ =	strace $0x80000047  }
0x7: {  	s7 =	sshrl.u32 s0, $0x1;
	[dreg:$0x6] =	wrdreg s31;
	s6 =	sadd.s32 s5, s2  }
0x8: {  	v2 =	vlaneseq.u32;
	s5 =	sadd.s32 s4, s5;
	s4 =	sadd.s32 $0x16400, s2;
	s0 =	ssub.s32 s0, s7  }
0x9: {  	vm0 =	vmmov $0xffff;
	v1 =	vshrl.u32 v2, $0x3;
	s6 =	sadd.s32 $0x15400, s6;
	[dreg:$0x5] =	wrdreg s5;
	s5 =	sadd.s32 $0x100, s1  }
0xa: {  	v0 =	vand.u32 $0x7, v2;
	v2 =	vor.u32 $0x8, v2;
	v1 =	vmul.u32 $0x8, v1;
	s0 =	smax.u32 s0, $0x1;
	[dreg:$0x4] =	wrdreg s6;
	s6 =	sadd.s32 $0x16500, s2  }
.LBB2_1:
0xb: {  	[dreg:$0x7] =	wrdreg s0  }
0xc: {  	s20 =	rddreg [dreg:$0x4];
	s22 =	simm.s32 $0x5  }
0xd: {  	[tilespmem:s3], [sflag:$0x5] =	stream.linear.gather [hbm4b:s20+s3], $0x400, $0x38;
	[tilespmem:$0x10800] =	vst v63  }
0xe: {  	_ =	swait.ge [sflag:s22], $0x400  }
0xf: {  	s16 =	rddreg [dreg:$0x5];
	[sflag:s22] =	ssyncset.done $0x0  }
0x10: {  	s21 =	rddreg [dreg:$0x6];
	[sflag:s22] =	ssyncadd.s32 $0xFFFFFC00  }
0x11: {  	[tilespmem:s21], [sflag:$0x5] =	stream.linear.gather [hbm4b:s16+s3], $0x400, $0x38;
	[tilespmem:$0x10800] =	vst v63  }
0x12: {  	_ =	swait.ge [sflag:s22], $0x400  }
0x13: {  	[sflag:s22] =	ssyncset.done $0x0  }
0x14: {  	[sflag:s22] =	ssyncadd.s32 $0xFFFFFC00  }
0x15: {  	v3 =	vld [tilespmem:$0x400];
	_ =	sdelay $0x4  }
0x16: {  	v4 =	vshll.u32 v3, $0x2  }
0x17: {  	v3 =	vand.u32 $0x7, v3;
	v4 =	vand.u32 $0xFFFFFFE0, v4  }
0x18: {  	v3 =	vor.u32 v3, v4  }
0x19: {  	v4 =	vperm.xlane v3, v0;
	_ =	sdelay $0x1  }
0x1a: {  	v4 =	vadd.s32 v1, v4;
	_ =	sdelay $0x1  }
0x1b: {  	v3 =	vperm.xlane v3, v2;
	_ =	sdelay $0x1  }
0x1c: {  	s18 =	simm.s32 $0x800;
	v3 =	vadd.s32 v1, v3  }
0x1d: {  	[tilespmem:s18], [sflag:$0x1] =	stream.indirect_vreg.gather [hbm4b:s1+s3], $0x80, v4, vm0, $0xb8;
	[tilespmem:$0x10800] =	vst v63  }
0x1e: {  	s21 =	simm.s32 $0x1000  }
0x1f: {  	[tilespmem:s21], [sflag:$0x1] =	stream.indirect_vreg.gather [hbm4b:s5+s3], $0x80, v4, vm0, $0xb8;
	[tilespmem:$0x10800] =	vst v63  }
0x20: {  	s22 =	simm.s32 $0x1800  }
0x21: {  	[tilespmem:s22], [sflag:$0x1] =	stream.indirect_vreg.gather [hbm4b:s1+s3], $0x80, v3, vm0, $0xb8;
	[tilespmem:$0x10800] =	vst v63  }
0x22: {  	s20 =	simm.s32 $0x2000  }
0x23: {  	[tilespmem:s20], [sflag:$0x1] =	stream.indirect_vreg.gather [hbm4b:s5+s3], $0x80, v3, vm0, $0xb8;
	[tilespmem:$0x10800] =	vst v63  }
0x24: {  	v3 =	vld [tilespmem:$0x410];
	_ =	sdelay $0x4  }
0x25: {  	v57 =	vshll.u32 v3, $0x2  }
0x26: {  	v3 =	vand.u32 $0x7, v3;
	v4 =	vand.u32 $0xFFFFFFE0, v57  }
0x27: {  	v3 =	vor.u32 v3, v4  }
0x28: {  	v4 =	vperm.xlane v3, v0;
	_ =	sdelay $0x1  }
0x29: {  	v4 =	vadd.s32 v1, v4;
	_ =	sdelay $0x1  }
0x2a: {  	v3 =	vperm.xlane v3, v2;
	_ =	sdelay $0x1  }
0x2b: {  	s23 =	simm.s32 $0x2800;
	v3 =	vadd.s32 v1, v3  }
0x2c: {  	[tilespmem:s23], [sflag:$0x1] =	stream.indirect_vreg.gather [hbm4b:s1+s3], $0x80, v4, vm0, $0xb8;
	[tilespmem:$0x10800] =	vst v63  }
0x2d: {  	s24 =	simm.s32 $0x3000  }
0x2e: {  	[tilespmem:s24], [sflag:$0x1] =	stream.indirect_vreg.gather [hbm4b:s5+s3], $0x80, v4, vm0, $0xb8;
	[tilespmem:$0x10800] =	vst v63  }
0x2f: {  	s25 =	simm.s32 $0x3800  }
0x30: {  	[tilespmem:s25], [sflag:$0x1] =	stream.indirect_vreg.gather [hbm4b:s1+s3], $0x80, v3, vm0, $0xb8;
	[tilespmem:$0x10800] =	vst v63  }
0x31: {  	s26 =	simm.s32 $0x4000  }
0x32: {  	[tilespmem:s26], [sflag:$0x1] =	stream.indirect_vreg.gather [hbm4b:s5+s3], $0x80, v3, vm0, $0xb8;
	[tilespmem:$0x10800] =	vst v63  }
0x33: {  	v3 =	vld [tilespmem:$0x420];
	_ =	sdelay $0x4  }
0x34: {  	v58 =	vshll.u32 v3, $0x2  }
0x35: {  	v3 =	vand.u32 $0x7, v3;
	v4 =	vand.u32 $0xFFFFFFE0, v58  }
0x36: {  	v3 =	vor.u32 v3, v4  }
0x37: {  	v4 =	vperm.xlane v3, v0;
	_ =	sdelay $0x1  }
0x38: {  	v4 =	vadd.s32 v1, v4;
	_ =	sdelay $0x1  }
0x39: {  	v3 =	vperm.xlane v3, v2;
	_ =	sdelay $0x1  }
0x3a: {  	s28 =	simm.s32 $0x4800;
	v3 =	vadd.s32 v1, v3  }
0x3b: {  	[tilespmem:s28], [sflag:$0x1] =	stream.indirect_vreg.gather [hbm4b:s1+s3], $0x80, v4, vm0, $0xb8;
	[tilespmem:$0x10800] =	vst v63  }
0x3c: {  	s29 =	simm.s32 $0x5000  }
0x3d: {  	[tilespmem:s29], [sflag:$0x1] =	stream.indirect_vreg.gather [hbm4b:s5+s3], $0x80, v4, vm0, $0xb8;
	[tilespmem:$0x10800] =	vst v63  }
0x3e: {  	s30 =	simm.s32 $0x5800  }
0x3f: {  	[tilespmem:s30], [sflag:$0x1] =	stream.indirect_vreg.gather [hbm4b:s1+s3], $0x80, v3, vm0, $0xb8;
	[tilespmem:$0x10800] =	vst v63  }
0x40: {  	s31 =	simm.s32 $0x6000  }
0x41: {  	[tilespmem:s31], [sflag:$0x1] =	stream.indirect_vreg.gather [hbm4b:s5+s3], $0x80, v3, vm0, $0xb8;
	[tilespmem:$0x10800] =	vst v63  }
0x42: {  	v3 =	vld [tilespmem:$0x430];
	_ =	sdelay $0x4  }
0x43: {  	v59 =	vshll.u32 v3, $0x2  }
0x44: {  	v3 =	vand.u32 $0x7, v3;
	v4 =	vand.u32 $0xFFFFFFE0, v59  }
0x45: {  	v3 =	vor.u32 v3, v4  }
0x46: {  	v4 =	vperm.xlane v3, v0;
	_ =	sdelay $0x1  }
0x47: {  	v4 =	vadd.s32 v1, v4;
	_ =	sdelay $0x1  }
0x48: {  	v3 =	vperm.xlane v3, v2;
	_ =	sdelay $0x1  }
0x49: {  	s2 =	simm.s32 $0x6800;
	v3 =	vadd.s32 v1, v3  }
0x4a: {  	[tilespmem:s2], [sflag:$0x1] =	stream.indirect_vreg.gather [hbm4b:s1+s3], $0x80, v4, vm0, $0xb8;
	[tilespmem:$0x10800] =	vst v63  }
0x4b: {  	s7 =	simm.s32 $0x7000  }
0x4c: {  	[tilespmem:s7], [sflag:$0x1] =	stream.indirect_vreg.gather [hbm4b:s5+s3], $0x80, v4, vm0, $0xb8;
	[tilespmem:$0x10800] =	vst v63  }
0x4d: {  	s8 =	simm.s32 $0x7800  }
0x4e: {  	[tilespmem:s8], [sflag:$0x1] =	stream.indirect_vreg.gather [hbm4b:s1+s3], $0x80, v3, vm0, $0xb8;
	[tilespmem:$0x10800] =	vst v63  }
0x4f: {  	s9 =	simm.s32 $0x8000  }
0x50: {  	[tilespmem:s9], [sflag:$0x1] =	stream.indirect_vreg.gather [hbm4b:s5+s3], $0x80, v3, vm0, $0xb8;
	[tilespmem:$0x10800] =	vst v63  }
0x51: {  	v3 =	vld [tilespmem:$0x480];
	_ =	sdelay $0x4  }
0x52: {  	v60 =	vshll.u32 v3, $0x2  }
0x53: {  	v3 =	vand.u32 $0x7, v3;
	v4 =	vand.u32 $0xFFFFFFE0, v60  }
0x54: {  	v3 =	vor.u32 v3, v4  }
0x55: {  	v4 =	vperm.xlane v3, v0;
	_ =	sdelay $0x1  }
0x56: {  	v4 =	vadd.s32 v1, v4;
	_ =	sdelay $0x1  }
0x57: {  	v3 =	vperm.xlane v3, v2;
	_ =	sdelay $0x1  }
0x58: {  	s11 =	simm.s32 $0x8800;
	v3 =	vadd.s32 v1, v3  }
0x59: {  	[tilespmem:s11], [sflag:$0x2] =	stream.indirect_vreg.gather [hbm4b:s1+s3], $0x80, v4, vm0, $0xb8;
	[tilespmem:$0x10800] =	vst v63  }
0x5a: {  	s10 =	simm.s32 $0x9000  }
0x5b: {  	[tilespmem:s10], [sflag:$0x2] =	stream.indirect_vreg.gather [hbm4b:s5+s3], $0x80, v4, vm0, $0xb8;
	[tilespmem:$0x10800] =	vst v63  }
0x5c: {  	s11 =	simm.s32 $0x9800  }
0x5d: {  	[tilespmem:s11], [sflag:$0x2] =	stream.indirect_vreg.gather [hbm4b:s1+s3], $0x80, v3, vm0, $0xb8;
	[tilespmem:$0x10800] =	vst v63  }
0x5e: {  	s12 =	simm.s32 $0xA000  }
0x5f: {  	[tilespmem:s12], [sflag:$0x2] =	stream.indirect_vreg.gather [hbm4b:s5+s3], $0x80, v3, vm0, $0xb8;
	[tilespmem:$0x10800] =	vst v63  }
0x60: {  	v3 =	vld [tilespmem:$0x490];
	_ =	sdelay $0x4  }
0x61: {  	v61 =	vshll.u32 v3, $0x2  }
0x62: {  	v3 =	vand.u32 $0x7, v3;
	v4 =	vand.u32 $0xFFFFFFE0, v61  }
0x63: {  	v3 =	vor.u32 v3, v4  }
0x64: {  	v4 =	vperm.xlane v3, v0;
	_ =	sdelay $0x1  }
0x65: {  	v4 =	vadd.s32 v1, v4;
	_ =	sdelay $0x1  }
0x66: {  	v3 =	vperm.xlane v3, v2;
	_ =	sdelay $0x1  }
0x67: {  	s13 =	simm.s32 $0xA800;
	v3 =	vadd.s32 v1, v3  }
0x68: {  	[tilespmem:s13], [sflag:$0x2] =	stream.indirect_vreg.gather [hbm4b:s1+s3], $0x80, v4, vm0, $0xb8;
	[tilespmem:$0x10800] =	vst v63  }
0x69: {  	s14 =	simm.s32 $0xB000  }
0x6a: {  	[tilespmem:s14], [sflag:$0x2] =	stream.indirect_vreg.gather [hbm4b:s5+s3], $0x80, v4, vm0, $0xb8;
	[tilespmem:$0x10800] =	vst v63  }
0x6b: {  	s15 =	simm.s32 $0xB800  }
0x6c: {  	[tilespmem:s15], [sflag:$0x2] =	stream.indirect_vreg.gather [hbm4b:s1+s3], $0x80, v3, vm0, $0xb8;
	[tilespmem:$0x10800] =	vst v63  }
0x6d: {  	s16 =	simm.s32 $0xC000  }
0x6e: {  	[tilespmem:s16], [sflag:$0x2] =	stream.indirect_vreg.gather [hbm4b:s5+s3], $0x80, v3, vm0, $0xb8;
	[tilespmem:$0x10800] =	vst v63  }
0x6f: {  	v3 =	vld [tilespmem:$0x4A0];
	_ =	sdelay $0x4  }
0x70: {  	v62 =	vshll.u32 v3, $0x2  }
0x71: {  	v3 =	vand.u32 $0x7, v3;
	v4 =	vand.u32 $0xFFFFFFE0, v62  }
0x72: {  	v3 =	vor.u32 v3, v4  }
0x73: {  	v4 =	vperm.xlane v3, v0;
	_ =	sdelay $0x1  }
0x74: {  	v4 =	vadd.s32 v1, v4;
	_ =	sdelay $0x1  }
0x75: {  	v3 =	vperm.xlane v3, v2;
	_ =	sdelay $0x1  }
0x76: {  	s18 =	simm.s32 $0xC800;
	v3 =	vadd.s32 v1, v3  }
0x77: {  	[tilespmem:s18], [sflag:$0x2] =	stream.indirect_vreg.gather [hbm4b:s1+s3], $0x80, v4, vm0, $0xb8;
	[tilespmem:$0x10800] =	vst v63  }
0x78: {  	s20 =	simm.s32 $0xD000  }
0x79: {  	[tilespmem:s20], [sflag:$0x2] =	stream.indirect_vreg.gather [hbm4b:s5+s3], $0x80, v4, vm0, $0xb8;
	[tilespmem:$0x10800] =	vst v63  }
0x7a: {  	s23 =	simm.s32 $0xD800  }
0x7b: {  	[tilespmem:s23], [sflag:$0x2] =	stream.indirect_vreg.gather [hbm4b:s1+s3], $0x80, v3, vm0, $0xb8;
	[tilespmem:$0x10800] =	vst v63  }
0x7c: {  	s24 =	simm.s32 $0xE000  }
0x7d: {  	[tilespmem:s24], [sflag:$0x2] =	stream.indirect_vreg.gather [hbm4b:s5+s3], $0x80, v3, vm0, $0xb8;
	[tilespmem:$0x10800] =	vst v63  }
0x7e: {  	v3 =	vld [tilespmem:$0x4B0];
	_ =	sdelay $0x4  }
0x7f: {  	v63 =	vshll.u32 v3, $0x2  }
0x80: {  	v3 =	vand.u32 $0x7, v3;
	v4 =	vand.u32 $0xFFFFFFE0, v63  }
0x81: {  	v3 =	vor.u32 v3, v4  }
0x82: {  	v4 =	vperm.xlane v3, v0;
	_ =	sdelay $0x1  }
0x83: {  	v4 =	vadd.s32 v1, v4;
	_ =	sdelay $0x1  }
0x84: {  	v3 =	vperm.xlane v3, v2;
	_ =	sdelay $0x1  }
0x85: {  	s25 =	simm.s32 $0xE800;
	v3 =	vadd.s32 v1, v3  }
0x86: {  	[tilespmem:s25], [sflag:$0x2] =	stream.indirect_vreg.gather [hbm4b:s1+s3], $0x80, v4, vm0, $0xb8;
	[tilespmem:$0x10800] =	vst v63  }
0x87: {  	s26 =	simm.s32 $0xF000  }
0x88: {  	[tilespmem:s26], [sflag:$0x2] =	stream.indirect_vreg.gather [hbm4b:s5+s3], $0x80, v4, vm0, $0xb8;
	[tilespmem:$0x10800] =	vst v63  }
0x89: {  	s28 =	simm.s32 $0xF800  }
0x8a: {  	[tilespmem:s28], [sflag:$0x2] =	stream.indirect_vreg.gather [hbm4b:s1+s3], $0x80, v3, vm0, $0xb8;
	[tilespmem:$0x10800] =	vst v63  }
0x8b: {  	s29 =	simm.s32 $0x10000;
	s18 =	simm.s32 $0x1  }
0x8c: {  	[tilespmem:s29], [sflag:$0x2] =	stream.indirect_vreg.gather [hbm4b:s5+s3], $0x80, v3, vm0, $0xb8;
	[tilespmem:$0x10800] =	vst v63  }
0x8d: {  	_ =	swait.ge [sflag:s18], $0x8000  }
0x8e: {  	[sflag:s18] =	ssyncset.done $0x0  }
0x8f: {  	[sflag:s18] =	ssyncadd.s32 $0xFFFF8000  }
0x90: {  	v3 =	vld [tilespmem:$0x0];
	_ =	sdelay $0x4  }
0x91: {  	v8 =	vshll.u32 v3, $0x2  }
0x92: {  	v3 =	vand.u32 $0x7, v3;
	v4 =	vand.u32 $0xFFFFFFE0, v8  }
0x93: {  	v3 =	vor.u32 v3, v4  }
0x94: {  	v4 =	vperm.xlane v3, v0;
	_ =	sdelay $0x1  }
0x95: {  	v4 =	vadd.s32 v1, v4;
	_ =	sdelay $0x1  }
0x96: {  	v3 =	vperm.xlane v3, v2;
	_ =	sdelay $0x1  }
0x97: {  	s7 =	simm.s32 $0x800;
	v3 =	vadd.s32 v1, v3  }
0x98: {  	[hbm4b:s4+s3] =	stream.indirect_vreg.scatter [tilespmem:s7], [sflag:$0x3], $0x80, v4, vm0, $0xb8;
	[tilespmem:$0x10800] =	vst v63  }
0x99: {  	_ = 	snop  }
0x9a: {  	[hbm4b:s6+s3] =	stream.indirect_vreg.scatter [tilespmem:s21], [sflag:$0x3], $0x80, v4, vm0, $0xb8;
	[tilespmem:$0x10800] =	vst v63  }
0x9b: {  	_ = 	snop  }
0x9c: {  	[hbm4b:s4+s3] =	stream.indirect_vreg.scatter [tilespmem:s22], [sflag:$0x3], $0x80, v3, vm0, $0xb8;
	[tilespmem:$0x10800] =	vst v63  }
0x9d: {  	s13 =	simm.s32 $0x2000  }
0x9e: {  	[hbm4b:s6+s3] =	stream.indirect_vreg.scatter [tilespmem:s13], [sflag:$0x3], $0x80, v3, vm0, $0xb8;
	[tilespmem:$0x10800] =	vst v63  }
0x9f: {  	v3 =	vld [tilespmem:$0x10];
	_ =	sdelay $0x4  }
0xa0: {  	v9 =	vshll.u32 v3, $0x2  }
0xa1: {  	v3 =	vand.u32 $0x7, v3;
	v4 =	vand.u32 $0xFFFFFFE0, v9  }
0xa2: {  	v3 =	vor.u32 v3, v4  }
0xa3: {  	v4 =	vperm.xlane v3, v0;
	_ =	sdelay $0x1  }
0xa4: {  	v4 =	vadd.s32 v1, v4;
	_ =	sdelay $0x1  }
0xa5: {  	v3 =	vperm.xlane v3, v2;
	_ =	sdelay $0x1  }
0xa6: {  	s30 =	simm.s32 $0x2800;
	v3 =	vadd.s32 v1, v3  }
0xa7: {  	[hbm4b:s4+s3] =	stream.indirect_vreg.scatter [tilespmem:s30], [sflag:$0x3], $0x80, v4, vm0, $0xb8;
	[tilespmem:$0x10800] =	vst v63  }
0xa8: {  	s2 =	simm.s32 $0x3000  }
0xa9: {  	[hbm4b:s6+s3] =	stream.indirect_vreg.scatter [tilespmem:s2], [sflag:$0x3], $0x80, v4, vm0, $0xb8;
	[tilespmem:$0x10800] =	vst v63  }
0xaa: {  	s8 =	simm.s32 $0x3800  }
0xab: {  	[hbm4b:s4+s3] =	stream.indirect_vreg.scatter [tilespmem:s8], [sflag:$0x3], $0x80, v3, vm0, $0xb8;
	[tilespmem:$0x10800] =	vst v63  }
0xac: {  	s14 =	simm.s32 $0x4000  }
0xad: {  	[hbm4b:s6+s3] =	stream.indirect_vreg.scatter [tilespmem:s14], [sflag:$0x3], $0x80, v3, vm0, $0xb8;
	[tilespmem:$0x10800] =	vst v63  }
0xae: {  	v3 =	vld [tilespmem:$0x20];
	_ =	sdelay $0x4  }
0xaf: {  	v10 =	vshll.u32 v3, $0x2  }
0xb0: {  	v3 =	vand.u32 $0x7, v3;
	v4 =	vand.u32 $0xFFFFFFE0, v10  }
0xb1: {  	v3 =	vor.u32 v3, v4  }
0xb2: {  	v4 =	vperm.xlane v3, v0;
	_ =	sdelay $0x1  }
0xb3: {  	v4 =	vadd.s32 v1, v4;
	_ =	sdelay $0x1  }
0xb4: {  	v3 =	vperm.xlane v3, v2;
	_ =	sdelay $0x1  }
0xb5: {  	s9 =	simm.s32 $0x4800;
	v3 =	vadd.s32 v1, v3  }
0xb6: {  	[hbm4b:s4+s3] =	stream.indirect_vreg.scatter [tilespmem:s9], [sflag:$0x3], $0x80, v4, vm0, $0xb8;
	[tilespmem:$0x10800] =	vst v63  }
0xb7: {  	s23 =	simm.s32 $0x5000  }
0xb8: {  	[hbm4b:s6+s3] =	stream.indirect_vreg.scatter [tilespmem:s23], [sflag:$0x3], $0x80, v4, vm0, $0xb8;
	[tilespmem:$0x10800] =	vst v63  }
0xb9: {  	s24 =	simm.s32 $0x5800  }
0xba: {  	[hbm4b:s4+s3] =	stream.indirect_vreg.scatter [tilespmem:s24], [sflag:$0x3], $0x80, v3, vm0, $0xb8;
	[tilespmem:$0x10800] =	vst v63  }
0xbb: {  	s15 =	simm.s32 $0x6000  }
0xbc: {  	[hbm4b:s6+s3] =	stream.indirect_vreg.scatter [tilespmem:s15], [sflag:$0x3], $0x80, v3, vm0, $0xb8;
	[tilespmem:$0x10800] =	vst v63  }
0xbd: {  	v3 =	vld [tilespmem:$0x30];
	_ =	sdelay $0x4  }
0xbe: {  	v11 =	vshll.u32 v3, $0x2  }
0xbf: {  	v3 =	vand.u32 $0x7, v3;
	v4 =	vand.u32 $0xFFFFFFE0, v11  }
0xc0: {  	v3 =	vor.u32 v3, v4  }
0xc1: {  	v4 =	vperm.xlane v3, v0;
	_ =	sdelay $0x1  }
0xc2: {  	v4 =	vadd.s32 v1, v4;
	_ =	sdelay $0x1  }
0xc3: {  	v3 =	vperm.xlane v3, v2;
	_ =	sdelay $0x1  }
0xc4: {  	s10 =	simm.s32 $0x6800;
	v3 =	vadd.s32 v1, v3  }
0xc5: {  	[hbm4b:s4+s3] =	stream.indirect_vreg.scatter [tilespmem:s10], [sflag:$0x3], $0x80, v4, vm0, $0xb8;
	[tilespmem:$0x10800] =	vst v63  }
0xc6: {  	s31 =	simm.s32 $0x7000  }
0xc7: {  	[hbm4b:s6+s3] =	stream.indirect_vreg.scatter [tilespmem:s31], [sflag:$0x3], $0x80, v4, vm0, $0xb8;
	[tilespmem:$0x10800] =	vst v63  }
0xc8: {  	s12 =	simm.s32 $0x7800  }
0xc9: {  	[hbm4b:s4+s3] =	stream.indirect_vreg.scatter [tilespmem:s12], [sflag:$0x3], $0x80, v3, vm0, $0xb8;
	[tilespmem:$0x10800] =	vst v63  }
0xca: {  	s16 =	simm.s32 $0x8000;
	s20 =	simm.s32 $0x3  }
0xcb: {  	[hbm4b:s6+s3] =	stream.indirect_vreg.scatter [tilespmem:s16], [sflag:$0x3], $0x80, v3, vm0, $0xb8;
	[tilespmem:$0x10800] =	vst v63  }
0xcc: {  	_ =	swait.ge [sflag:s20], $0x8000  }
0xcd: {  	[sflag:s20] =	ssyncset.done $0x0  }
0xce: {  	[sflag:s20] =	ssyncadd.s32 $0xFFFF8000  }
0xcf: {  	v3 =	vld [tilespmem:$0x500];
	_ =	sdelay $0x4  }
0xd0: {  	v12 =	vshll.u32 v3, $0x2  }
0xd1: {  	v3 =	vand.u32 $0x7, v3;
	v4 =	vand.u32 $0xFFFFFFE0, v12  }
0xd2: {  	v3 =	vor.u32 v3, v4  }
0xd3: {  	v4 =	vperm.xlane v3, v0;
	_ =	sdelay $0x1  }
0xd4: {  	v4 =	vadd.s32 v1, v4;
	_ =	sdelay $0x1  }
0xd5: {  	v3 =	vperm.xlane v3, v2;
	_ =	sdelay $0x1  }
0xd6: {  	v3 =	vadd.s32 v1, v3  }
0xd7: {  	[tilespmem:s7], [sflag:$0x1] =	stream.indirect_vreg.gather [hbm4b:s1+s3], $0x80, v4, vm0, $0xb8;
	[tilespmem:$0x10800] =	vst v63  }
0xd8: {  	_ = 	snop  }
0xd9: {  	[tilespmem:s21], [sflag:$0x1] =	stream.indirect_vreg.gather [hbm4b:s5+s3], $0x80, v4, vm0, $0xb8;
	[tilespmem:$0x10800] =	vst v63  }
0xda: {  	_ = 	snop  }
0xdb: {  	[tilespmem:s22], [sflag:$0x1] =	stream.indirect_vreg.gather [hbm4b:s1+s3], $0x80, v3, vm0, $0xb8;
	[tilespmem:$0x10800] =	vst v63  }
0xdc: {  	_ = 	snop  }
0xdd: {  	[tilespmem:s13], [sflag:$0x1] =	stream.indirect_vreg.gather [hbm4b:s5+s3], $0x80, v3, vm0, $0xb8;
	[tilespmem:$0x10800] =	vst v63  }
0xde: {  	v3 =	vld [tilespmem:$0x510];
	_ =	sdelay $0x4  }
0xdf: {  	v13 =	vshll.u32 v3, $0x2  }
0xe0: {  	v3 =	vand.u32 $0x7, v3;
	v4 =	vand.u32 $0xFFFFFFE0, v13  }
0xe1: {  	v3 =	vor.u32 v3, v4  }
0xe2: {  	v4 =	vperm.xlane v3, v0;
	_ =	sdelay $0x1  }
0xe3: {  	v4 =	vadd.s32 v1, v4;
	_ =	sdelay $0x1  }
0xe4: {  	v3 =	vperm.xlane v3, v2;
	_ =	sdelay $0x1  }
0xe5: {  	v3 =	vadd.s32 v1, v3  }
0xe6: {  	[tilespmem:s30], [sflag:$0x1] =	stream.indirect_vreg.gather [hbm4b:s1+s3], $0x80, v4, vm0, $0xb8;
	[tilespmem:$0x10800] =	vst v63  }
0xe7: {  	_ = 	snop  }
0xe8: {  	[tilespmem:s2], [sflag:$0x1] =	stream.indirect_vreg.gather [hbm4b:s5+s3], $0x80, v4, vm0, $0xb8;
	[tilespmem:$0x10800] =	vst v63  }
0xe9: {  	_ = 	snop  }
0xea: {  	[tilespmem:s8], [sflag:$0x1] =	stream.indirect_vreg.gather [hbm4b:s1+s3], $0x80, v3, vm0, $0xb8;
	[tilespmem:$0x10800] =	vst v63  }
0xeb: {  	_ = 	snop  }
0xec: {  	[tilespmem:s14], [sflag:$0x1] =	stream.indirect_vreg.gather [hbm4b:s5+s3], $0x80, v3, vm0, $0xb8;
	[tilespmem:$0x10800] =	vst v63  }
0xed: {  	v3 =	vld [tilespmem:$0x520];
	_ =	sdelay $0x4  }
0xee: {  	v14 =	vshll.u32 v3, $0x2  }
0xef: {  	v3 =	vand.u32 $0x7, v3;
	v4 =	vand.u32 $0xFFFFFFE0, v14  }
0xf0: {  	v3 =	vor.u32 v3, v4  }
0xf1: {  	v4 =	vperm.xlane v3, v0;
	_ =	sdelay $0x1  }
0xf2: {  	v4 =	vadd.s32 v1, v4;
	_ =	sdelay $0x1  }
0xf3: {  	v3 =	vperm.xlane v3, v2;
	_ =	sdelay $0x1  }
0xf4: {  	v3 =	vadd.s32 v1, v3  }
0xf5: {  	[tilespmem:s9], [sflag:$0x1] =	stream.indirect_vreg.gather [hbm4b:s1+s3], $0x80, v4, vm0, $0xb8;
	[tilespmem:$0x10800] =	vst v63  }
0xf6: {  	_ = 	snop  }
0xf7: {  	[tilespmem:s23], [sflag:$0x1] =	stream.indirect_vreg.gather [hbm4b:s5+s3], $0x80, v4, vm0, $0xb8;
	[tilespmem:$0x10800] =	vst v63  }
0xf8: {  	_ = 	snop  }
0xf9: {  	[tilespmem:s24], [sflag:$0x1] =	stream.indirect_vreg.gather [hbm4b:s1+s3], $0x80, v3, vm0, $0xb8;
	[tilespmem:$0x10800] =	vst v63  }
0xfa: {  	_ = 	snop  }
0xfb: {  	[tilespmem:s15], [sflag:$0x1] =	stream.indirect_vreg.gather [hbm4b:s5+s3], $0x80, v3, vm0, $0xb8;
	[tilespmem:$0x10800] =	vst v63  }
0xfc: {  	v3 =	vld [tilespmem:$0x530];
	_ =	sdelay $0x4  }
0xfd: {  	v15 =	vshll.u32 v3, $0x2  }
0xfe: {  	v3 =	vand.u32 $0x7, v3;
	v4 =	vand.u32 $0xFFFFFFE0, v15  }
0xff: {  	v3 =	vor.u32 v3, v4  }
0x100: {  	v4 =	vperm.xlane v3, v0;
	_ =	sdelay $0x1  }
0x101: {  	v4 =	vadd.s32 v1, v4;
	_ =	sdelay $0x1  }
0x102: {  	v3 =	vperm.xlane v3, v2;
	_ =	sdelay $0x1  }
0x103: {  	v3 =	vadd.s32 v1, v3  }
0x104: {  	[tilespmem:s10], [sflag:$0x1] =	stream.indirect_vreg.gather [hbm4b:s1+s3], $0x80, v4, vm0, $0xb8;
	[tilespmem:$0x10800] =	vst v63  }
0x105: {  	_ = 	snop  }
0x106: {  	[tilespmem:s31], [sflag:$0x1] =	stream.indirect_vreg.gather [hbm4b:s5+s3], $0x80, v4, vm0, $0xb8;
	[tilespmem:$0x10800] =	vst v63  }
0x107: {  	_ = 	snop  }
0x108: {  	[tilespmem:s12], [sflag:$0x1] =	stream.indirect_vreg.gather [hbm4b:s1+s3], $0x80, v3, vm0, $0xb8;
	[tilespmem:$0x10800] =	vst v63  }
0x109: {  	_ = 	snop  }
0x10a: {  	[tilespmem:s16], [sflag:$0x1] =	stream.indirect_vreg.gather [hbm4b:s5+s3], $0x80, v3, vm0, $0xb8;
	[tilespmem:$0x10800] =	vst v63  }
0x10b: {  	_ =	swait.ge [sflag:s19], $0x8000  }
0x10c: {  	[sflag:s19] =	ssyncset.done $0x0  }
0x10d: {  	[sflag:s19] =	ssyncadd.s32 $0xFFFF8000  }
0x10e: {  	v3 =	vld [tilespmem:$0x80];
	_ =	sdelay $0x4  }
0x10f: {  	v16 =	vshll.u32 v3, $0x2  }
0x110: {  	v3 =	vand.u32 $0x7, v3;
	v4 =	vand.u32 $0xFFFFFFE0, v16  }
0x111: {  	v3 =	vor.u32 v3, v4  }
0x112: {  	v4 =	vperm.xlane v3, v0;
	_ =	sdelay $0x1  }
0x113: {  	v4 =	vadd.s32 v1, v4;
	_ =	sdelay $0x1  }
0x114: {  	v3 =	vperm.xlane v3, v2;
	_ =	sdelay $0x1  }
0x115: {  	s12 =	simm.s32 $0x8800;
	v3 =	vadd.s32 v1, v3  }
0x116: {  	[hbm4b:s4+s3] =	stream.indirect_vreg.scatter [tilespmem:s12], [sflag:$0x4], $0x80, v4, vm0, $0xb8;
	[tilespmem:$0x10800] =	vst v63  }
0x117: {  	s13 =	simm.s32 $0x9000  }
0x118: {  	[hbm4b:s6+s3] =	stream.indirect_vreg.scatter [tilespmem:s13], [sflag:$0x4], $0x80, v4, vm0, $0xb8;
	[tilespmem:$0x10800] =	vst v63  }
0x119: {  	s14 =	simm.s32 $0x9800  }
0x11a: {  	[hbm4b:s4+s3] =	stream.indirect_vreg.scatter [tilespmem:s14], [sflag:$0x4], $0x80, v3, vm0, $0xb8;
	[tilespmem:$0x10800] =	vst v63  }
0x11b: {  	s28 =	simm.s32 $0xA000  }
0x11c: {  	[hbm4b:s6+s3] =	stream.indirect_vreg.scatter [tilespmem:s28], [sflag:$0x4], $0x80, v3, vm0, $0xb8;
	[tilespmem:$0x10800] =	vst v63  }
0x11d: {  	v3 =	vld [tilespmem:$0x90];
	_ =	sdelay $0x4  }
0x11e: {  	v17 =	vshll.u32 v3, $0x2  }
0x11f: {  	v3 =	vand.u32 $0x7, v3;
	v4 =	vand.u32 $0xFFFFFFE0, v17  }
0x120: {  	v3 =	vor.u32 v3, v4  }
0x121: {  	v4 =	vperm.xlane v3, v0;
	_ =	sdelay $0x1  }
0x122: {  	v4 =	vadd.s32 v1, v4;
	_ =	sdelay $0x1  }
0x123: {  	v3 =	vperm.xlane v3, v2;
	_ =	sdelay $0x1  }
0x124: {  	s15 =	simm.s32 $0xA800;
	v3 =	vadd.s32 v1, v3  }
0x125: {  	[hbm4b:s4+s3] =	stream.indirect_vreg.scatter [tilespmem:s15], [sflag:$0x4], $0x80, v4, vm0, $0xb8;
	[tilespmem:$0x10800] =	vst v63  }
0x126: {  	s16 =	simm.s32 $0xB000  }
0x127: {  	[hbm4b:s6+s3] =	stream.indirect_vreg.scatter [tilespmem:s16], [sflag:$0x4], $0x80, v4, vm0, $0xb8;
	[tilespmem:$0x10800] =	vst v63  }
0x128: {  	s24 =	simm.s32 $0xB800  }
0x129: {  	[hbm4b:s4+s3] =	stream.indirect_vreg.scatter [tilespmem:s24], [sflag:$0x4], $0x80, v3, vm0, $0xb8;
	[tilespmem:$0x10800] =	vst v63  }
0x12a: {  	s7 =	simm.s32 $0xC000  }
0x12b: {  	[hbm4b:s6+s3] =	stream.indirect_vreg.scatter [tilespmem:s7], [sflag:$0x4], $0x80, v3, vm0, $0xb8;
	[tilespmem:$0x10800] =	vst v63  }
0x12c: {  	v3 =	vld [tilespmem:$0xA0];
	_ =	sdelay $0x4  }
0x12d: {  	v18 =	vshll.u32 v3, $0x2  }
0x12e: {  	v3 =	vand.u32 $0x7, v3;
	v4 =	vand.u32 $0xFFFFFFE0, v18  }
0x12f: {  	v3 =	vor.u32 v3, v4  }
0x130: {  	v4 =	vperm.xlane v3, v0;
	_ =	sdelay $0x1  }
0x131: {  	v4 =	vadd.s32 v1, v4;
	_ =	sdelay $0x1  }
0x132: {  	v3 =	vperm.xlane v3, v2;
	_ =	sdelay $0x1  }
0x133: {  	s8 =	simm.s32 $0xC800;
	v3 =	vadd.s32 v1, v3  }
0x134: {  	[hbm4b:s4+s3] =	stream.indirect_vreg.scatter [tilespmem:s8], [sflag:$0x4], $0x80, v4, vm0, $0xb8;
	[tilespmem:$0x10800] =	vst v63  }
0x135: {  	s9 =	simm.s32 $0xD000  }
0x136: {  	[hbm4b:s6+s3] =	stream.indirect_vreg.scatter [tilespmem:s9], [sflag:$0x4], $0x80, v4, vm0, $0xb8;
	[tilespmem:$0x10800] =	vst v63  }
0x137: {  	s10 =	simm.s32 $0xD800  }
0x138: {  	[hbm4b:s4+s3] =	stream.indirect_vreg.scatter [tilespmem:s10], [sflag:$0x4], $0x80, v3, vm0, $0xb8;
	[tilespmem:$0x10800] =	vst v63  }
0x139: {  	s25 =	simm.s32 $0xE000  }
0x13a: {  	[hbm4b:s6+s3] =	stream.indirect_vreg.scatter [tilespmem:s25], [sflag:$0x4], $0x80, v3, vm0, $0xb8;
	[tilespmem:$0x10800] =	vst v63  }
0x13b: {  	v3 =	vld [tilespmem:$0xB0];
	_ =	sdelay $0x4  }
0x13c: {  	v19 =	vshll.u32 v3, $0x2  }
0x13d: {  	v3 =	vand.u32 $0x7, v3;
	v4 =	vand.u32 $0xFFFFFFE0, v19  }
0x13e: {  	v3 =	vor.u32 v3, v4  }
0x13f: {  	v4 =	vperm.xlane v3, v0;
	_ =	sdelay $0x1  }
0x140: {  	v4 =	vadd.s32 v1, v4;
	_ =	sdelay $0x1  }
0x141: {  	v3 =	vperm.xlane v3, v2;
	_ =	sdelay $0x1  }
0x142: {  	s29 =	simm.s32 $0xE800;
	v3 =	vadd.s32 v1, v3  }
0x143: {  	[hbm4b:s4+s3] =	stream.indirect_vreg.scatter [tilespmem:s29], [sflag:$0x4], $0x80, v4, vm0, $0xb8;
	[tilespmem:$0x10800] =	vst v63  }
0x144: {  	s30 =	simm.s32 $0xF000  }
0x145: {  	[hbm4b:s6+s3] =	stream.indirect_vreg.scatter [tilespmem:s30], [sflag:$0x4], $0x80, v4, vm0, $0xb8;
	[tilespmem:$0x10800] =	vst v63  }
0x146: {  	s31 =	simm.s32 $0xF800  }
0x147: {  	[hbm4b:s4+s3] =	stream.indirect_vreg.scatter [tilespmem:s31], [sflag:$0x4], $0x80, v3, vm0, $0xb8;
	[tilespmem:$0x10800] =	vst v63  }
0x148: {  	s26 =	simm.s32 $0x10000  }
0x149: {  	[hbm4b:s6+s3] =	stream.indirect_vreg.scatter [tilespmem:s26], [sflag:$0x4], $0x80, v3, vm0, $0xb8;
	[tilespmem:$0x10800] =	vst v63  }
0x14a: {  	_ =	swait.ge [sflag:s17], $0x8000  }
0x14b: {  	[sflag:s17] =	ssyncset.done $0x0  }
0x14c: {  	[sflag:s17] =	ssyncadd.s32 $0xFFFF8000  }
0x14d: {  	v3 =	vld [tilespmem:$0x580];
	_ =	sdelay $0x4  }
0x14e: {  	v20 =	vshll.u32 v3, $0x2  }
0x14f: {  	v3 =	vand.u32 $0x7, v3;
	v4 =	vand.u32 $0xFFFFFFE0, v20  }
0x150: {  	v3 =	vor.u32 v3, v4  }
0x151: {  	v4 =	vperm.xlane v3, v0;
	_ =	sdelay $0x1  }
0x152: {  	v4 =	vadd.s32 v1, v4;
	_ =	sdelay $0x1  }
0x153: {  	v3 =	vperm.xlane v3, v2;
	_ =	sdelay $0x1  }
0x154: {  	v3 =	vadd.s32 v1, v3  }
0x155: {  	[tilespmem:s12], [sflag:$0x2] =	stream.indirect_vreg.gather [hbm4b:s1+s3], $0x80, v4, vm0, $0xb8;
	[tilespmem:$0x10800] =	vst v63  }
0x156: {  	_ = 	snop  }
0x157: {  	[tilespmem:s13], [sflag:$0x2] =	stream.indirect_vreg.gather [hbm4b:s5+s3], $0x80, v4, vm0, $0xb8;
	[tilespmem:$0x10800] =	vst v63  }
0x158: {  	_ = 	snop  }
0x159: {  	[tilespmem:s14], [sflag:$0x2] =	stream.indirect_vreg.gather [hbm4b:s1+s3], $0x80, v3, vm0, $0xb8;
	[tilespmem:$0x10800] =	vst v63  }
0x15a: {  	_ = 	snop  }
0x15b: {  	[tilespmem:s28], [sflag:$0x2] =	stream.indirect_vreg.gather [hbm4b:s5+s3], $0x80, v3, vm0, $0xb8;
	[tilespmem:$0x10800] =	vst v63  }
0x15c: {  	v3 =	vld [tilespmem:$0x590];
	_ =	sdelay $0x4  }
0x15d: {  	v21 =	vshll.u32 v3, $0x2  }
0x15e: {  	v3 =	vand.u32 $0x7, v3;
	v4 =	vand.u32 $0xFFFFFFE0, v21  }
0x15f: {  	v3 =	vor.u32 v3, v4  }
0x160: {  	v4 =	vperm.xlane v3, v0;
	_ =	sdelay $0x1  }
0x161: {  	v4 =	vadd.s32 v1, v4;
	_ =	sdelay $0x1  }
0x162: {  	v3 =	vperm.xlane v3, v2;
	_ =	sdelay $0x1  }
0x163: {  	v3 =	vadd.s32 v1, v3  }
0x164: {  	[tilespmem:s15], [sflag:$0x2] =	stream.indirect_vreg.gather [hbm4b:s1+s3], $0x80, v4, vm0, $0xb8;
	[tilespmem:$0x10800] =	vst v63  }
0x165: {  	_ = 	snop  }
0x166: {  	[tilespmem:s16], [sflag:$0x2] =	stream.indirect_vreg.gather [hbm4b:s5+s3], $0x80, v4, vm0, $0xb8;
	[tilespmem:$0x10800] =	vst v63  }
0x167: {  	_ = 	snop  }
0x168: {  	[tilespmem:s24], [sflag:$0x2] =	stream.indirect_vreg.gather [hbm4b:s1+s3], $0x80, v3, vm0, $0xb8;
	[tilespmem:$0x10800] =	vst v63  }
0x169: {  	_ = 	snop  }
0x16a: {  	[tilespmem:s7], [sflag:$0x2] =	stream.indirect_vreg.gather [hbm4b:s5+s3], $0x80, v3, vm0, $0xb8;
	[tilespmem:$0x10800] =	vst v63  }
0x16b: {  	v3 =	vld [tilespmem:$0x5A0];
	_ =	sdelay $0x4  }
0x16c: {  	v22 =	vshll.u32 v3, $0x2  }
0x16d: {  	v3 =	vand.u32 $0x7, v3;
	v4 =	vand.u32 $0xFFFFFFE0, v22  }
0x16e: {  	v3 =	vor.u32 v3, v4  }
0x16f: {  	v4 =	vperm.xlane v3, v0;
	_ =	sdelay $0x1  }
0x170: {  	v4 =	vadd.s32 v1, v4;
	_ =	sdelay $0x1  }
0x171: {  	v3 =	vperm.xlane v3, v2;
	_ =	sdelay $0x1  }
0x172: {  	v3 =	vadd.s32 v1, v3  }
0x173: {  	[tilespmem:s8], [sflag:$0x2] =	stream.indirect_vreg.gather [hbm4b:s1+s3], $0x80, v4, vm0, $0xb8;
	[tilespmem:$0x10800] =	vst v63  }
0x174: {  	_ = 	snop  }
0x175: {  	[tilespmem:s9], [sflag:$0x2] =	stream.indirect_vreg.gather [hbm4b:s5+s3], $0x80, v4, vm0, $0xb8;
	[tilespmem:$0x10800] =	vst v63  }
0x176: {  	_ = 	snop  }
0x177: {  	[tilespmem:s10], [sflag:$0x2] =	stream.indirect_vreg.gather [hbm4b:s1+s3], $0x80, v3, vm0, $0xb8;
	[tilespmem:$0x10800] =	vst v63  }
0x178: {  	_ = 	snop  }
0x179: {  	[tilespmem:s25], [sflag:$0x2] =	stream.indirect_vreg.gather [hbm4b:s5+s3], $0x80, v3, vm0, $0xb8;
	[tilespmem:$0x10800] =	vst v63  }
0x17a: {  	v3 =	vld [tilespmem:$0x5B0];
	_ =	sdelay $0x4  }
0x17b: {  	v23 =	vshll.u32 v3, $0x2  }
0x17c: {  	v3 =	vand.u32 $0x7, v3;
	v4 =	vand.u32 $0xFFFFFFE0, v23  }
0x17d: {  	v3 =	vor.u32 v3, v4  }
0x17e: {  	v4 =	vperm.xlane v3, v0;
	_ =	sdelay $0x1  }
0x17f: {  	v4 =	vadd.s32 v1, v4;
	_ =	sdelay $0x1  }
0x180: {  	v3 =	vperm.xlane v3, v2;
	_ =	sdelay $0x1  }
0x181: {  	v3 =	vadd.s32 v1, v3  }
0x182: {  	[tilespmem:s29], [sflag:$0x2] =	stream.indirect_vreg.gather [hbm4b:s1+s3], $0x80, v4, vm0, $0xb8;
	[tilespmem:$0x10800] =	vst v63  }
0x183: {  	_ = 	snop  }
0x184: {  	[tilespmem:s30], [sflag:$0x2] =	stream.indirect_vreg.gather [hbm4b:s5+s3], $0x80, v4, vm0, $0xb8;
	[tilespmem:$0x10800] =	vst v63  }
0x185: {  	_ = 	snop  }
0x186: {  	[tilespmem:s31], [sflag:$0x2] =	stream.indirect_vreg.gather [hbm4b:s1+s3], $0x80, v3, vm0, $0xb8;
	[tilespmem:$0x10800] =	vst v63  }
0x187: {  	_ = 	snop  }
0x188: {  	[tilespmem:s26], [sflag:$0x2] =	stream.indirect_vreg.gather [hbm4b:s5+s3], $0x80, v3, vm0, $0xb8;
	[tilespmem:$0x10800] =	vst v63  }
0x189: {  	_ =	swait.ge [sflag:s18], $0x8000  }
0x18a: {  	[sflag:s18] =	ssyncset.done $0x0  }
0x18b: {  	[sflag:s18] =	ssyncadd.s32 $0xFFFF8000  }
0x18c: {  	v3 =	vld [tilespmem:$0x100];
	_ =	sdelay $0x4  }
0x18d: {  	v24 =	vshll.u32 v3, $0x2  }
0x18e: {  	v3 =	vand.u32 $0x7, v3;
	v4 =	vand.u32 $0xFFFFFFE0, v24  }
0x18f: {  	v3 =	vor.u32 v3, v4  }
0x190: {  	v4 =	vperm.xlane v3, v0;
	_ =	sdelay $0x1  }
0x191: {  	v4 =	vadd.s32 v1, v4;
	_ =	sdelay $0x1  }
0x192: {  	v3 =	vperm.xlane v3, v2;
	_ =	sdelay $0x1  }
0x193: {  	s2 =	simm.s32 $0x800;
	v3 =	vadd.s32 v1, v3  }
0x194: {  	[hbm4b:s4+s3] =	stream.indirect_vreg.scatter [tilespmem:s2], [sflag:$0x3], $0x80, v4, vm0, $0xb8;
	[tilespmem:$0x10800] =	vst v63  }
0x195: {  	_ = 	snop  }
0x196: {  	[hbm4b:s6+s3] =	stream.indirect_vreg.scatter [tilespmem:s21], [sflag:$0x3], $0x80, v4, vm0, $0xb8;
	[tilespmem:$0x10800] =	vst v63  }
0x197: {  	_ = 	snop  }
0x198: {  	[hbm4b:s4+s3] =	stream.indirect_vreg.scatter [tilespmem:s22], [sflag:$0x3], $0x80, v3, vm0, $0xb8;
	[tilespmem:$0x10800] =	vst v63  }
0x199: {  	s30 =	simm.s32 $0x2000  }
0x19a: {  	[hbm4b:s6+s3] =	stream.indirect_vreg.scatter [tilespmem:s30], [sflag:$0x3], $0x80, v3, vm0, $0xb8;
	[tilespmem:$0x10800] =	vst v63  }
0x19b: {  	v3 =	vld [tilespmem:$0x110];
	_ =	sdelay $0x4  }
0x19c: {  	v25 =	vshll.u32 v3, $0x2  }
0x19d: {  	v3 =	vand.u32 $0x7, v3;
	v4 =	vand.u32 $0xFFFFFFE0, v25  }
0x19e: {  	v3 =	vor.u32 v3, v4  }
0x19f: {  	v4 =	vperm.xlane v3, v0;
	_ =	sdelay $0x1  }
0x1a0: {  	v4 =	vadd.s32 v1, v4;
	_ =	sdelay $0x1  }
0x1a1: {  	v3 =	vperm.xlane v3, v2;
	_ =	sdelay $0x1  }
0x1a2: {  	s7 =	simm.s32 $0x2800;
	v3 =	vadd.s32 v1, v3  }
0x1a3: {  	[hbm4b:s4+s3] =	stream.indirect_vreg.scatter [tilespmem:s7], [sflag:$0x3], $0x80, v4, vm0, $0xb8;
	[tilespmem:$0x10800] =	vst v63  }
0x1a4: {  	s8 =	simm.s32 $0x3000  }
0x1a5: {  	[hbm4b:s6+s3] =	stream.indirect_vreg.scatter [tilespmem:s8], [sflag:$0x3], $0x80, v4, vm0, $0xb8;
	[tilespmem:$0x10800] =	vst v63  }
0x1a6: {  	s9 =	simm.s32 $0x3800  }
0x1a7: {  	[hbm4b:s4+s3] =	stream.indirect_vreg.scatter [tilespmem:s9], [sflag:$0x3], $0x80, v3, vm0, $0xb8;
	[tilespmem:$0x10800] =	vst v63  }
0x1a8: {  	s31 =	simm.s32 $0x4000  }
0x1a9: {  	[hbm4b:s6+s3] =	stream.indirect_vreg.scatter [tilespmem:s31], [sflag:$0x3], $0x80, v3, vm0, $0xb8;
	[tilespmem:$0x10800] =	vst v63  }
0x1aa: {  	v3 =	vld [tilespmem:$0x120];
	_ =	sdelay $0x4  }
0x1ab: {  	v26 =	vshll.u32 v3, $0x2  }
0x1ac: {  	v3 =	vand.u32 $0x7, v3;
	v4 =	vand.u32 $0xFFFFFFE0, v26  }
0x1ad: {  	v3 =	vor.u32 v3, v4  }
0x1ae: {  	v4 =	vperm.xlane v3, v0;
	_ =	sdelay $0x1  }
0x1af: {  	v4 =	vadd.s32 v1, v4;
	_ =	sdelay $0x1  }
0x1b0: {  	v3 =	vperm.xlane v3, v2;
	_ =	sdelay $0x1  }
0x1b1: {  	s11 =	simm.s32 $0x4800;
	v3 =	vadd.s32 v1, v3  }
0x1b2: {  	[hbm4b:s4+s3] =	stream.indirect_vreg.scatter [tilespmem:s11], [sflag:$0x3], $0x80, v4, vm0, $0xb8;
	[tilespmem:$0x10800] =	vst v63  }
0x1b3: {  	s13 =	simm.s32 $0x5000  }
0x1b4: {  	[hbm4b:s6+s3] =	stream.indirect_vreg.scatter [tilespmem:s13], [sflag:$0x3], $0x80, v4, vm0, $0xb8;
	[tilespmem:$0x10800] =	vst v63  }
0x1b5: {  	s14 =	simm.s32 $0x5800  }
0x1b6: {  	[hbm4b:s4+s3] =	stream.indirect_vreg.scatter [tilespmem:s14], [sflag:$0x3], $0x80, v3, vm0, $0xb8;
	[tilespmem:$0x10800] =	vst v63  }
0x1b7: {  	s15 =	simm.s32 $0x6000  }
0x1b8: {  	[hbm4b:s6+s3] =	stream.indirect_vreg.scatter [tilespmem:s15], [sflag:$0x3], $0x80, v3, vm0, $0xb8;
	[tilespmem:$0x10800] =	vst v63  }
0x1b9: {  	v3 =	vld [tilespmem:$0x130];
	_ =	sdelay $0x4  }
0x1ba: {  	v27 =	vshll.u32 v3, $0x2  }
0x1bb: {  	v3 =	vand.u32 $0x7, v3;
	v4 =	vand.u32 $0xFFFFFFE0, v27  }
0x1bc: {  	v3 =	vor.u32 v3, v4  }
0x1bd: {  	v4 =	vperm.xlane v3, v0;
	_ =	sdelay $0x1  }
0x1be: {  	v4 =	vadd.s32 v1, v4;
	_ =	sdelay $0x1  }
0x1bf: {  	v3 =	vperm.xlane v3, v2;
	_ =	sdelay $0x1  }
0x1c0: {  	s16 =	simm.s32 $0x6800;
	v3 =	vadd.s32 v1, v3  }
0x1c1: {  	[hbm4b:s4+s3] =	stream.indirect_vreg.scatter [tilespmem:s16], [sflag:$0x3], $0x80, v4, vm0, $0xb8;
	[tilespmem:$0x10800] =	vst v63  }
0x1c2: {  	s23 =	simm.s32 $0x7000  }
0x1c3: {  	[hbm4b:s6+s3] =	stream.indirect_vreg.scatter [tilespmem:s23], [sflag:$0x3], $0x80, v4, vm0, $0xb8;
	[tilespmem:$0x10800] =	vst v63  }
0x1c4: {  	s29 =	simm.s32 $0x7800  }
0x1c5: {  	[hbm4b:s4+s3] =	stream.indirect_vreg.scatter [tilespmem:s29], [sflag:$0x3], $0x80, v3, vm0, $0xb8;
	[tilespmem:$0x10800] =	vst v63  }
0x1c6: {  	s24 =	simm.s32 $0x8000  }
0x1c7: {  	[hbm4b:s6+s3] =	stream.indirect_vreg.scatter [tilespmem:s24], [sflag:$0x3], $0x80, v3, vm0, $0xb8;
	[tilespmem:$0x10800] =	vst v63  }
0x1c8: {  	_ =	swait.ge [sflag:s20], $0x8000  }
0x1c9: {  	[sflag:s20] =	ssyncset.done $0x0  }
0x1ca: {  	[sflag:s20] =	ssyncadd.s32 $0xFFFF8000  }
0x1cb: {  	v3 =	vld [tilespmem:$0x600];
	_ =	sdelay $0x4  }
0x1cc: {  	v28 =	vshll.u32 v3, $0x2  }
0x1cd: {  	v3 =	vand.u32 $0x7, v3;
	v4 =	vand.u32 $0xFFFFFFE0, v28  }
0x1ce: {  	v3 =	vor.u32 v3, v4  }
0x1cf: {  	v4 =	vperm.xlane v3, v0;
	_ =	sdelay $0x1  }
0x1d0: {  	v4 =	vadd.s32 v1, v4;
	_ =	sdelay $0x1  }
0x1d1: {  	v3 =	vperm.xlane v3, v2;
	_ =	sdelay $0x1  }
0x1d2: {  	v3 =	vadd.s32 v1, v3  }
0x1d3: {  	[tilespmem:s2], [sflag:$0x1] =	stream.indirect_vreg.gather [hbm4b:s1+s3], $0x80, v4, vm0, $0xb8;
	[tilespmem:$0x10800] =	vst v63  }
0x1d4: {  	_ = 	snop  }
0x1d5: {  	[tilespmem:s21], [sflag:$0x1] =	stream.indirect_vreg.gather [hbm4b:s5+s3], $0x80, v4, vm0, $0xb8;
	[tilespmem:$0x10800] =	vst v63  }
0x1d6: {  	_ = 	snop  }
0x1d7: {  	[tilespmem:s22], [sflag:$0x1] =	stream.indirect_vreg.gather [hbm4b:s1+s3], $0x80, v3, vm0, $0xb8;
	[tilespmem:$0x10800] =	vst v63  }
0x1d8: {  	_ = 	snop  }
0x1d9: {  	[tilespmem:s30], [sflag:$0x1] =	stream.indirect_vreg.gather [hbm4b:s5+s3], $0x80, v3, vm0, $0xb8;
	[tilespmem:$0x10800] =	vst v63  }
0x1da: {  	v3 =	vld [tilespmem:$0x610];
	_ =	sdelay $0x4  }
0x1db: {  	v29 =	vshll.u32 v3, $0x2  }
0x1dc: {  	v3 =	vand.u32 $0x7, v3;
	v4 =	vand.u32 $0xFFFFFFE0, v29  }
0x1dd: {  	v3 =	vor.u32 v3, v4  }
0x1de: {  	v4 =	vperm.xlane v3, v0;
	_ =	sdelay $0x1  }
0x1df: {  	v4 =	vadd.s32 v1, v4;
	_ =	sdelay $0x1  }
0x1e0: {  	v3 =	vperm.xlane v3, v2;
	_ =	sdelay $0x1  }
0x1e1: {  	v3 =	vadd.s32 v1, v3  }
0x1e2: {  	[tilespmem:s7], [sflag:$0x1] =	stream.indirect_vreg.gather [hbm4b:s1+s3], $0x80, v4, vm0, $0xb8;
	[tilespmem:$0x10800] =	vst v63  }
0x1e3: {  	_ = 	snop  }
0x1e4: {  	[tilespmem:s8], [sflag:$0x1] =	stream.indirect_vreg.gather [hbm4b:s5+s3], $0x80, v4, vm0, $0xb8;
	[tilespmem:$0x10800] =	vst v63  }
0x1e5: {  	_ = 	snop  }
0x1e6: {  	[tilespmem:s9], [sflag:$0x1] =	stream.indirect_vreg.gather [hbm4b:s1+s3], $0x80, v3, vm0, $0xb8;
	[tilespmem:$0x10800] =	vst v63  }
0x1e7: {  	_ = 	snop  }
0x1e8: {  	[tilespmem:s31], [sflag:$0x1] =	stream.indirect_vreg.gather [hbm4b:s5+s3], $0x80, v3, vm0, $0xb8;
	[tilespmem:$0x10800] =	vst v63  }
0x1e9: {  	v3 =	vld [tilespmem:$0x620];
	_ =	sdelay $0x4  }
0x1ea: {  	v30 =	vshll.u32 v3, $0x2  }
0x1eb: {  	v3 =	vand.u32 $0x7, v3;
	v4 =	vand.u32 $0xFFFFFFE0, v30  }
0x1ec: {  	v3 =	vor.u32 v3, v4  }
0x1ed: {  	v4 =	vperm.xlane v3, v0;
	_ =	sdelay $0x1  }
0x1ee: {  	v4 =	vadd.s32 v1, v4;
	_ =	sdelay $0x1  }
0x1ef: {  	v3 =	vperm.xlane v3, v2;
	_ =	sdelay $0x1  }
0x1f0: {  	v3 =	vadd.s32 v1, v3  }
0x1f1: {  	[tilespmem:s11], [sflag:$0x1] =	stream.indirect_vreg.gather [hbm4b:s1+s3], $0x80, v4, vm0, $0xb8;
	[tilespmem:$0x10800] =	vst v63  }
0x1f2: {  	_ = 	snop  }
0x1f3: {  	[tilespmem:s13], [sflag:$0x1] =	stream.indirect_vreg.gather [hbm4b:s5+s3], $0x80, v4, vm0, $0xb8;
	[tilespmem:$0x10800] =	vst v63  }
0x1f4: {  	_ = 	snop  }
0x1f5: {  	[tilespmem:s14], [sflag:$0x1] =	stream.indirect_vreg.gather [hbm4b:s1+s3], $0x80, v3, vm0, $0xb8;
	[tilespmem:$0x10800] =	vst v63  }
0x1f6: {  	_ = 	snop  }
0x1f7: {  	[tilespmem:s15], [sflag:$0x1] =	stream.indirect_vreg.gather [hbm4b:s5+s3], $0x80, v3, vm0, $0xb8;
	[tilespmem:$0x10800] =	vst v63  }
0x1f8: {  	v3 =	vld [tilespmem:$0x630];
	_ =	sdelay $0x4  }
0x1f9: {  	v31 =	vshll.u32 v3, $0x2  }
0x1fa: {  	v3 =	vand.u32 $0x7, v3;
	v4 =	vand.u32 $0xFFFFFFE0, v31  }
0x1fb: {  	v3 =	vor.u32 v3, v4  }
0x1fc: {  	v4 =	vperm.xlane v3, v0;
	_ =	sdelay $0x1  }
0x1fd: {  	v4 =	vadd.s32 v1, v4;
	_ =	sdelay $0x1  }
0x1fe: {  	v3 =	vperm.xlane v3, v2;
	_ =	sdelay $0x1  }
0x1ff: {  	v3 =	vadd.s32 v1, v3  }
0x200: {  	[tilespmem:s16], [sflag:$0x1] =	stream.indirect_vreg.gather [hbm4b:s1+s3], $0x80, v4, vm0, $0xb8;
	[tilespmem:$0x10800] =	vst v63  }
0x201: {  	_ = 	snop  }
0x202: {  	[tilespmem:s23], [sflag:$0x1] =	stream.indirect_vreg.gather [hbm4b:s5+s3], $0x80, v4, vm0, $0xb8;
	[tilespmem:$0x10800] =	vst v63  }
0x203: {  	_ = 	snop  }
0x204: {  	[tilespmem:s29], [sflag:$0x1] =	stream.indirect_vreg.gather [hbm4b:s1+s3], $0x80, v3, vm0, $0xb8;
	[tilespmem:$0x10800] =	vst v63  }
0x205: {  	_ = 	snop  }
0x206: {  	[tilespmem:s24], [sflag:$0x1] =	stream.indirect_vreg.gather [hbm4b:s5+s3], $0x80, v3, vm0, $0xb8;
	[tilespmem:$0x10800] =	vst v63  }
0x207: {  	_ =	swait.ge [sflag:s19], $0x8000  }
0x208: {  	[sflag:s19] =	ssyncset.done $0x0  }
0x209: {  	[sflag:s19] =	ssyncadd.s32 $0xFFFF8000  }
0x20a: {  	v3 =	vld [tilespmem:$0x180];
	_ =	sdelay $0x4  }
0x20b: {  	v32 =	vshll.u32 v3, $0x2  }
0x20c: {  	v3 =	vand.u32 $0x7, v3;
	v4 =	vand.u32 $0xFFFFFFE0, v32  }
0x20d: {  	v3 =	vor.u32 v3, v4  }
0x20e: {  	v4 =	vperm.xlane v3, v0;
	_ =	sdelay $0x1  }
0x20f: {  	v4 =	vadd.s32 v1, v4;
	_ =	sdelay $0x1  }
0x210: {  	v3 =	vperm.xlane v3, v2;
	_ =	sdelay $0x1  }
0x211: {  	s9 =	simm.s32 $0x8800;
	v3 =	vadd.s32 v1, v3  }
0x212: {  	[hbm4b:s4+s3] =	stream.indirect_vreg.scatter [tilespmem:s9], [sflag:$0x4], $0x80, v4, vm0, $0xb8;
	[tilespmem:$0x10800] =	vst v63  }
0x213: {  	s10 =	simm.s32 $0x9000  }
0x214: {  	[hbm4b:s6+s3] =	stream.indirect_vreg.scatter [tilespmem:s10], [sflag:$0x4], $0x80, v4, vm0, $0xb8;
	[tilespmem:$0x10800] =	vst v63  }
0x215: {  	s12 =	simm.s32 $0x9800  }
0x216: {  	[hbm4b:s4+s3] =	stream.indirect_vreg.scatter [tilespmem:s12], [sflag:$0x4], $0x80, v3, vm0, $0xb8;
	[tilespmem:$0x10800] =	vst v63  }
0x217: {  	s14 =	simm.s32 $0xA000  }
0x218: {  	[hbm4b:s6+s3] =	stream.indirect_vreg.scatter [tilespmem:s14], [sflag:$0x4], $0x80, v3, vm0, $0xb8;
	[tilespmem:$0x10800] =	vst v63  }
0x219: {  	v3 =	vld [tilespmem:$0x190];
	_ =	sdelay $0x4  }
0x21a: {  	v33 =	vshll.u32 v3, $0x2  }
0x21b: {  	v3 =	vand.u32 $0x7, v3;
	v4 =	vand.u32 $0xFFFFFFE0, v33  }
0x21c: {  	v3 =	vor.u32 v3, v4  }
0x21d: {  	v4 =	vperm.xlane v3, v0;
	_ =	sdelay $0x1  }
0x21e: {  	v4 =	vadd.s32 v1, v4;
	_ =	sdelay $0x1  }
0x21f: {  	v3 =	vperm.xlane v3, v2;
	_ =	sdelay $0x1  }
0x220: {  	s24 =	simm.s32 $0xA800;
	v3 =	vadd.s32 v1, v3  }
0x221: {  	[hbm4b:s4+s3] =	stream.indirect_vreg.scatter [tilespmem:s24], [sflag:$0x4], $0x80, v4, vm0, $0xb8;
	[tilespmem:$0x10800] =	vst v63  }
0x222: {  	s25 =	simm.s32 $0xB000  }
0x223: {  	[hbm4b:s6+s3] =	stream.indirect_vreg.scatter [tilespmem:s25], [sflag:$0x4], $0x80, v4, vm0, $0xb8;
	[tilespmem:$0x10800] =	vst v63  }
0x224: {  	s2 =	simm.s32 $0xB800  }
0x225: {  	[hbm4b:s4+s3] =	stream.indirect_vreg.scatter [tilespmem:s2], [sflag:$0x4], $0x80, v3, vm0, $0xb8;
	[tilespmem:$0x10800] =	vst v63  }
0x226: {  	s7 =	simm.s32 $0xC000  }
0x227: {  	[hbm4b:s6+s3] =	stream.indirect_vreg.scatter [tilespmem:s7], [sflag:$0x4], $0x80, v3, vm0, $0xb8;
	[tilespmem:$0x10800] =	vst v63  }
0x228: {  	v3 =	vld [tilespmem:$0x1A0];
	_ =	sdelay $0x4  }
0x229: {  	v34 =	vshll.u32 v3, $0x2  }
0x22a: {  	v3 =	vand.u32 $0x7, v3;
	v4 =	vand.u32 $0xFFFFFFE0, v34  }
0x22b: {  	v3 =	vor.u32 v3, v4  }
0x22c: {  	v4 =	vperm.xlane v3, v0;
	_ =	sdelay $0x1  }
0x22d: {  	v4 =	vadd.s32 v1, v4;
	_ =	sdelay $0x1  }
0x22e: {  	v3 =	vperm.xlane v3, v2;
	_ =	sdelay $0x1  }
0x22f: {  	s13 =	simm.s32 $0xC800;
	v3 =	vadd.s32 v1, v3  }
0x230: {  	[hbm4b:s4+s3] =	stream.indirect_vreg.scatter [tilespmem:s13], [sflag:$0x4], $0x80, v4, vm0, $0xb8;
	[tilespmem:$0x10800] =	vst v63  }
0x231: {  	s15 =	simm.s32 $0xD000  }
0x232: {  	[hbm4b:s6+s3] =	stream.indirect_vreg.scatter [tilespmem:s15], [sflag:$0x4], $0x80, v4, vm0, $0xb8;
	[tilespmem:$0x10800] =	vst v63  }
0x233: {  	s16 =	simm.s32 $0xD800  }
0x234: {  	[hbm4b:s4+s3] =	stream.indirect_vreg.scatter [tilespmem:s16], [sflag:$0x4], $0x80, v3, vm0, $0xb8;
	[tilespmem:$0x10800] =	vst v63  }
0x235: {  	s23 =	simm.s32 $0xE000  }
0x236: {  	[hbm4b:s6+s3] =	stream.indirect_vreg.scatter [tilespmem:s23], [sflag:$0x4], $0x80, v3, vm0, $0xb8;
	[tilespmem:$0x10800] =	vst v63  }
0x237: {  	v3 =	vld [tilespmem:$0x1B0];
	_ =	sdelay $0x4  }
0x238: {  	v35 =	vshll.u32 v3, $0x2  }
0x239: {  	v3 =	vand.u32 $0x7, v3;
	v4 =	vand.u32 $0xFFFFFFE0, v35  }
0x23a: {  	v3 =	vor.u32 v3, v4  }
0x23b: {  	v4 =	vperm.xlane v3, v0;
	_ =	sdelay $0x1  }
0x23c: {  	v4 =	vadd.s32 v1, v4;
	_ =	sdelay $0x1  }
0x23d: {  	v3 =	vperm.xlane v3, v2;
	_ =	sdelay $0x1  }
0x23e: {  	s28 =	simm.s32 $0xE800;
	v3 =	vadd.s32 v1, v3  }
0x23f: {  	[hbm4b:s4+s3] =	stream.indirect_vreg.scatter [tilespmem:s28], [sflag:$0x4], $0x80, v4, vm0, $0xb8;
	[tilespmem:$0x10800] =	vst v63  }
0x240: {  	s30 =	simm.s32 $0xF000  }
0x241: {  	[hbm4b:s6+s3] =	stream.indirect_vreg.scatter [tilespmem:s30], [sflag:$0x4], $0x80, v4, vm0, $0xb8;
	[tilespmem:$0x10800] =	vst v63  }
0x242: {  	s31 =	simm.s32 $0xF800  }
0x243: {  	[hbm4b:s4+s3] =	stream.indirect_vreg.scatter [tilespmem:s31], [sflag:$0x4], $0x80, v3, vm0, $0xb8;
	[tilespmem:$0x10800] =	vst v63  }
0x244: {  	s0 =	simm.s32 $0x10000  }
0x245: {  	[hbm4b:s6+s3] =	stream.indirect_vreg.scatter [tilespmem:s0], [sflag:$0x4], $0x80, v3, vm0, $0xb8;
	[tilespmem:$0x10800] =	vst v63  }
0x246: {  	_ =	swait.ge [sflag:s17], $0x8000  }
0x247: {  	[sflag:s17] =	ssyncset.done $0x0  }
0x248: {  	[sflag:s17] =	ssyncadd.s32 $0xFFFF8000  }
0x249: {  	v3 =	vld [tilespmem:$0x680];
	_ =	sdelay $0x4  }
0x24a: {  	v36 =	vshll.u32 v3, $0x2  }
0x24b: {  	v3 =	vand.u32 $0x7, v3;
	v4 =	vand.u32 $0xFFFFFFE0, v36  }
0x24c: {  	v3 =	vor.u32 v3, v4  }
0x24d: {  	v4 =	vperm.xlane v3, v0;
	_ =	sdelay $0x1  }
0x24e: {  	v4 =	vadd.s32 v1, v4;
	_ =	sdelay $0x1  }
0x24f: {  	v3 =	vperm.xlane v3, v2;
	_ =	sdelay $0x1  }
0x250: {  	v3 =	vadd.s32 v1, v3  }
0x251: {  	[tilespmem:s9], [sflag:$0x2] =	stream.indirect_vreg.gather [hbm4b:s1+s3], $0x80, v4, vm0, $0xb8;
	[tilespmem:$0x10800] =	vst v63  }
0x252: {  	_ = 	snop  }
0x253: {  	[tilespmem:s10], [sflag:$0x2] =	stream.indirect_vreg.gather [hbm4b:s5+s3], $0x80, v4, vm0, $0xb8;
	[tilespmem:$0x10800] =	vst v63  }
0x254: {  	_ = 	snop  }
0x255: {  	[tilespmem:s12], [sflag:$0x2] =	stream.indirect_vreg.gather [hbm4b:s1+s3], $0x80, v3, vm0, $0xb8;
	[tilespmem:$0x10800] =	vst v63  }
0x256: {  	_ = 	snop  }
0x257: {  	[tilespmem:s14], [sflag:$0x2] =	stream.indirect_vreg.gather [hbm4b:s5+s3], $0x80, v3, vm0, $0xb8;
	[tilespmem:$0x10800] =	vst v63  }
0x258: {  	v3 =	vld [tilespmem:$0x690];
	_ =	sdelay $0x4  }
0x259: {  	v37 =	vshll.u32 v3, $0x2  }
0x25a: {  	v3 =	vand.u32 $0x7, v3;
	v4 =	vand.u32 $0xFFFFFFE0, v37  }
0x25b: {  	v3 =	vor.u32 v3, v4  }
0x25c: {  	v4 =	vperm.xlane v3, v0;
	_ =	sdelay $0x1  }
0x25d: {  	v4 =	vadd.s32 v1, v4;
	_ =	sdelay $0x1  }
0x25e: {  	v3 =	vperm.xlane v3, v2;
	_ =	sdelay $0x1  }
0x25f: {  	v3 =	vadd.s32 v1, v3  }
0x260: {  	[tilespmem:s24], [sflag:$0x2] =	stream.indirect_vreg.gather [hbm4b:s1+s3], $0x80, v4, vm0, $0xb8;
	[tilespmem:$0x10800] =	vst v63  }
0x261: {  	_ = 	snop  }
0x262: {  	[tilespmem:s25], [sflag:$0x2] =	stream.indirect_vreg.gather [hbm4b:s5+s3], $0x80, v4, vm0, $0xb8;
	[tilespmem:$0x10800] =	vst v63  }
0x263: {  	_ = 	snop  }
0x264: {  	[tilespmem:s2], [sflag:$0x2] =	stream.indirect_vreg.gather [hbm4b:s1+s3], $0x80, v3, vm0, $0xb8;
	[tilespmem:$0x10800] =	vst v63  }
0x265: {  	_ = 	snop  }
0x266: {  	[tilespmem:s7], [sflag:$0x2] =	stream.indirect_vreg.gather [hbm4b:s5+s3], $0x80, v3, vm0, $0xb8;
	[tilespmem:$0x10800] =	vst v63  }
0x267: {  	v3 =	vld [tilespmem:$0x6A0];
	_ =	sdelay $0x4  }
0x268: {  	v38 =	vshll.u32 v3, $0x2  }
0x269: {  	v3 =	vand.u32 $0x7, v3;
	v4 =	vand.u32 $0xFFFFFFE0, v38  }
0x26a: {  	v3 =	vor.u32 v3, v4  }
0x26b: {  	v4 =	vperm.xlane v3, v0;
	_ =	sdelay $0x1  }
0x26c: {  	v4 =	vadd.s32 v1, v4;
	_ =	sdelay $0x1  }
0x26d: {  	v3 =	vperm.xlane v3, v2;
	_ =	sdelay $0x1  }
0x26e: {  	v3 =	vadd.s32 v1, v3  }
0x26f: {  	[tilespmem:s13], [sflag:$0x2] =	stream.indirect_vreg.gather [hbm4b:s1+s3], $0x80, v4, vm0, $0xb8;
	[tilespmem:$0x10800] =	vst v63  }
0x270: {  	_ = 	snop  }
0x271: {  	[tilespmem:s15], [sflag:$0x2] =	stream.indirect_vreg.gather [hbm4b:s5+s3], $0x80, v4, vm0, $0xb8;
	[tilespmem:$0x10800] =	vst v63  }
0x272: {  	_ = 	snop  }
0x273: {  	[tilespmem:s16], [sflag:$0x2] =	stream.indirect_vreg.gather [hbm4b:s1+s3], $0x80, v3, vm0, $0xb8;
	[tilespmem:$0x10800] =	vst v63  }
0x274: {  	_ = 	snop  }
0x275: {  	[tilespmem:s23], [sflag:$0x2] =	stream.indirect_vreg.gather [hbm4b:s5+s3], $0x80, v3, vm0, $0xb8;
	[tilespmem:$0x10800] =	vst v63  }
0x276: {  	v3 =	vld [tilespmem:$0x6B0];
	_ =	sdelay $0x4  }
0x277: {  	v39 =	vshll.u32 v3, $0x2  }
0x278: {  	v3 =	vand.u32 $0x7, v3;
	v4 =	vand.u32 $0xFFFFFFE0, v39  }
0x279: {  	v3 =	vor.u32 v3, v4  }
0x27a: {  	v4 =	vperm.xlane v3, v0;
	_ =	sdelay $0x1  }
0x27b: {  	v4 =	vadd.s32 v1, v4;
	_ =	sdelay $0x1  }
0x27c: {  	v3 =	vperm.xlane v3, v2;
	_ =	sdelay $0x1  }
0x27d: {  	v3 =	vadd.s32 v1, v3  }
0x27e: {  	[tilespmem:s28], [sflag:$0x2] =	stream.indirect_vreg.gather [hbm4b:s1+s3], $0x80, v4, vm0, $0xb8;
	[tilespmem:$0x10800] =	vst v63  }
0x27f: {  	_ = 	snop  }
0x280: {  	[tilespmem:s30], [sflag:$0x2] =	stream.indirect_vreg.gather [hbm4b:s5+s3], $0x80, v4, vm0, $0xb8;
	[tilespmem:$0x10800] =	vst v63  }
0x281: {  	_ = 	snop  }
0x282: {  	[tilespmem:s31], [sflag:$0x2] =	stream.indirect_vreg.gather [hbm4b:s1+s3], $0x80, v3, vm0, $0xb8;
	[tilespmem:$0x10800] =	vst v63  }
0x283: {  	_ = 	snop  }
0x284: {  	[tilespmem:s0], [sflag:$0x2] =	stream.indirect_vreg.gather [hbm4b:s5+s3], $0x80, v3, vm0, $0xb8;
	[tilespmem:$0x10800] =	vst v63  }
0x285: {  	_ =	swait.ge [sflag:s18], $0x8000  }
0x286: {  	[sflag:s18] =	ssyncset.done $0x0  }
0x287: {  	[sflag:s18] =	ssyncadd.s32 $0xFFFF8000  }
0x288: {  	v3 =	vld [tilespmem:$0x200];
	_ =	sdelay $0x4  }
0x289: {  	v40 =	vshll.u32 v3, $0x2  }
0x28a: {  	v3 =	vand.u32 $0x7, v3;
	v4 =	vand.u32 $0xFFFFFFE0, v40  }
0x28b: {  	v3 =	vor.u32 v3, v4  }
0x28c: {  	v4 =	vperm.xlane v3, v0;
	_ =	sdelay $0x1  }
0x28d: {  	v4 =	vadd.s32 v1, v4;
	_ =	sdelay $0x1  }
0x28e: {  	v3 =	vperm.xlane v3, v2;
	_ =	sdelay $0x1  }
0x28f: {  	s15 =	simm.s32 $0x800;
	v3 =	vadd.s32 v1, v3  }
0x290: {  	[hbm4b:s4+s3] =	stream.indirect_vreg.scatter [tilespmem:s15], [sflag:$0x3], $0x80, v4, vm0, $0xb8;
	[tilespmem:$0x10800] =	vst v63  }
0x291: {  	_ = 	snop  }
0x292: {  	[hbm4b:s6+s3] =	stream.indirect_vreg.scatter [tilespmem:s21], [sflag:$0x3], $0x80, v4, vm0, $0xb8;
	[tilespmem:$0x10800] =	vst v63  }
0x293: {  	_ = 	snop  }
0x294: {  	[hbm4b:s4+s3] =	stream.indirect_vreg.scatter [tilespmem:s22], [sflag:$0x3], $0x80, v3, vm0, $0xb8;
	[tilespmem:$0x10800] =	vst v63  }
0x295: {  	s9 =	simm.s32 $0x2000  }
0x296: {  	[hbm4b:s6+s3] =	stream.indirect_vreg.scatter [tilespmem:s9], [sflag:$0x3], $0x80, v3, vm0, $0xb8;
	[tilespmem:$0x10800] =	vst v63  }
0x297: {  	v3 =	vld [tilespmem:$0x210];
	_ =	sdelay $0x4  }
0x298: {  	v41 =	vshll.u32 v3, $0x2  }
0x299: {  	v3 =	vand.u32 $0x7, v3;
	v4 =	vand.u32 $0xFFFFFFE0, v41  }
0x29a: {  	v3 =	vor.u32 v3, v4  }
0x29b: {  	v4 =	vperm.xlane v3, v0;
	_ =	sdelay $0x1  }
0x29c: {  	v4 =	vadd.s32 v1, v4;
	_ =	sdelay $0x1  }
0x29d: {  	v3 =	vperm.xlane v3, v2;
	_ =	sdelay $0x1  }
0x29e: {  	s0 =	simm.s32 $0x2800;
	v3 =	vadd.s32 v1, v3  }
0x29f: {  	[hbm4b:s4+s3] =	stream.indirect_vreg.scatter [tilespmem:s0], [sflag:$0x3], $0x80, v4, vm0, $0xb8;
	[tilespmem:$0x10800] =	vst v63  }
0x2a0: {  	s28 =	simm.s32 $0x3000  }
0x2a1: {  	[hbm4b:s6+s3] =	stream.indirect_vreg.scatter [tilespmem:s28], [sflag:$0x3], $0x80, v4, vm0, $0xb8;
	[tilespmem:$0x10800] =	vst v63  }
0x2a2: {  	s30 =	simm.s32 $0x3800  }
0x2a3: {  	[hbm4b:s4+s3] =	stream.indirect_vreg.scatter [tilespmem:s30], [sflag:$0x3], $0x80, v3, vm0, $0xb8;
	[tilespmem:$0x10800] =	vst v63  }
0x2a4: {  	s10 =	simm.s32 $0x4000  }
0x2a5: {  	[hbm4b:s6+s3] =	stream.indirect_vreg.scatter [tilespmem:s10], [sflag:$0x3], $0x80, v3, vm0, $0xb8;
	[tilespmem:$0x10800] =	vst v63  }
0x2a6: {  	v3 =	vld [tilespmem:$0x220];
	_ =	sdelay $0x4  }
0x2a7: {  	v42 =	vshll.u32 v3, $0x2  }
0x2a8: {  	v3 =	vand.u32 $0x7, v3;
	v4 =	vand.u32 $0xFFFFFFE0, v42  }
0x2a9: {  	v3 =	vor.u32 v3, v4  }
0x2aa: {  	v4 =	vperm.xlane v3, v0;
	_ =	sdelay $0x1  }
0x2ab: {  	v4 =	vadd.s32 v1, v4;
	_ =	sdelay $0x1  }
0x2ac: {  	v3 =	vperm.xlane v3, v2;
	_ =	sdelay $0x1  }
0x2ad: {  	s31 =	simm.s32 $0x4800;
	v3 =	vadd.s32 v1, v3  }
0x2ae: {  	[hbm4b:s4+s3] =	stream.indirect_vreg.scatter [tilespmem:s31], [sflag:$0x3], $0x80, v4, vm0, $0xb8;
	[tilespmem:$0x10800] =	vst v63  }
0x2af: {  	s13 =	simm.s32 $0x5000  }
0x2b0: {  	[hbm4b:s6+s3] =	stream.indirect_vreg.scatter [tilespmem:s13], [sflag:$0x3], $0x80, v4, vm0, $0xb8;
	[tilespmem:$0x10800] =	vst v63  }
0x2b1: {  	s14 =	simm.s32 $0x5800  }
0x2b2: {  	[hbm4b:s4+s3] =	stream.indirect_vreg.scatter [tilespmem:s14], [sflag:$0x3], $0x80, v3, vm0, $0xb8;
	[tilespmem:$0x10800] =	vst v63  }
0x2b3: {  	s11 =	simm.s32 $0x6000  }
0x2b4: {  	[hbm4b:s6+s3] =	stream.indirect_vreg.scatter [tilespmem:s11], [sflag:$0x3], $0x80, v3, vm0, $0xb8;
	[tilespmem:$0x10800] =	vst v63  }
0x2b5: {  	v3 =	vld [tilespmem:$0x230];
	_ =	sdelay $0x4  }
0x2b6: {  	v43 =	vshll.u32 v3, $0x2  }
0x2b7: {  	v3 =	vand.u32 $0x7, v3;
	v4 =	vand.u32 $0xFFFFFFE0, v43  }
0x2b8: {  	v3 =	vor.u32 v3, v4  }
0x2b9: {  	v4 =	vperm.xlane v3, v0;
	_ =	sdelay $0x1  }
0x2ba: {  	v4 =	vadd.s32 v1, v4;
	_ =	sdelay $0x1  }
0x2bb: {  	v3 =	vperm.xlane v3, v2;
	_ =	sdelay $0x1  }
0x2bc: {  	s2 =	simm.s32 $0x6800;
	v3 =	vadd.s32 v1, v3  }
0x2bd: {  	[hbm4b:s4+s3] =	stream.indirect_vreg.scatter [tilespmem:s2], [sflag:$0x3], $0x80, v4, vm0, $0xb8;
	[tilespmem:$0x10800] =	vst v63  }
0x2be: {  	s7 =	simm.s32 $0x7000  }
0x2bf: {  	[hbm4b:s6+s3] =	stream.indirect_vreg.scatter [tilespmem:s7], [sflag:$0x3], $0x80, v4, vm0, $0xb8;
	[tilespmem:$0x10800] =	vst v63  }
0x2c0: {  	s8 =	simm.s32 $0x7800  }
0x2c1: {  	[hbm4b:s4+s3] =	stream.indirect_vreg.scatter [tilespmem:s8], [sflag:$0x3], $0x80, v3, vm0, $0xb8;
	[tilespmem:$0x10800] =	vst v63  }
0x2c2: {  	s12 =	simm.s32 $0x8000  }
0x2c3: {  	[hbm4b:s6+s3] =	stream.indirect_vreg.scatter [tilespmem:s12], [sflag:$0x3], $0x80, v3, vm0, $0xb8;
	[tilespmem:$0x10800] =	vst v63  }
0x2c4: {  	_ =	swait.ge [sflag:s20], $0x8000  }
0x2c5: {  	[sflag:s20] =	ssyncset.done $0x0  }
0x2c6: {  	[sflag:s20] =	ssyncadd.s32 $0xFFFF8000  }
0x2c7: {  	v3 =	vld [tilespmem:$0x700];
	_ =	sdelay $0x4  }
0x2c8: {  	v44 =	vshll.u32 v3, $0x2  }
0x2c9: {  	v3 =	vand.u32 $0x7, v3;
	v4 =	vand.u32 $0xFFFFFFE0, v44  }
0x2ca: {  	v3 =	vor.u32 v3, v4  }
0x2cb: {  	v4 =	vperm.xlane v3, v0;
	_ =	sdelay $0x1  }
0x2cc: {  	v4 =	vadd.s32 v1, v4;
	_ =	sdelay $0x1  }
0x2cd: {  	v3 =	vperm.xlane v3, v2;
	_ =	sdelay $0x1  }
0x2ce: {  	v3 =	vadd.s32 v1, v3  }
0x2cf: {  	[tilespmem:s15], [sflag:$0x1] =	stream.indirect_vreg.gather [hbm4b:s1+s3], $0x80, v4, vm0, $0xb8;
	[tilespmem:$0x10800] =	vst v63  }
0x2d0: {  	_ = 	snop  }
0x2d1: {  	[tilespmem:s21], [sflag:$0x1] =	stream.indirect_vreg.gather [hbm4b:s5+s3], $0x80, v4, vm0, $0xb8;
	[tilespmem:$0x10800] =	vst v63  }
0x2d2: {  	_ = 	snop  }
0x2d3: {  	[tilespmem:s22], [sflag:$0x1] =	stream.indirect_vreg.gather [hbm4b:s1+s3], $0x80, v3, vm0, $0xb8;
	[tilespmem:$0x10800] =	vst v63  }
0x2d4: {  	_ = 	snop  }
0x2d5: {  	[tilespmem:s9], [sflag:$0x1] =	stream.indirect_vreg.gather [hbm4b:s5+s3], $0x80, v3, vm0, $0xb8;
	[tilespmem:$0x10800] =	vst v63  }
0x2d6: {  	v3 =	vld [tilespmem:$0x710];
	_ =	sdelay $0x4  }
0x2d7: {  	v45 =	vshll.u32 v3, $0x2  }
0x2d8: {  	v3 =	vand.u32 $0x7, v3;
	v4 =	vand.u32 $0xFFFFFFE0, v45  }
0x2d9: {  	v3 =	vor.u32 v3, v4  }
0x2da: {  	v4 =	vperm.xlane v3, v0;
	_ =	sdelay $0x1  }
0x2db: {  	v4 =	vadd.s32 v1, v4;
	_ =	sdelay $0x1  }
0x2dc: {  	v3 =	vperm.xlane v3, v2;
	_ =	sdelay $0x1  }
0x2dd: {  	v3 =	vadd.s32 v1, v3  }
0x2de: {  	[tilespmem:s0], [sflag:$0x1] =	stream.indirect_vreg.gather [hbm4b:s1+s3], $0x80, v4, vm0, $0xb8;
	[tilespmem:$0x10800] =	vst v63  }
0x2df: {  	_ = 	snop  }
0x2e0: {  	[tilespmem:s28], [sflag:$0x1] =	stream.indirect_vreg.gather [hbm4b:s5+s3], $0x80, v4, vm0, $0xb8;
	[tilespmem:$0x10800] =	vst v63  }
0x2e1: {  	_ = 	snop  }
0x2e2: {  	[tilespmem:s30], [sflag:$0x1] =	stream.indirect_vreg.gather [hbm4b:s1+s3], $0x80, v3, vm0, $0xb8;
	[tilespmem:$0x10800] =	vst v63  }
0x2e3: {  	_ = 	snop  }
0x2e4: {  	[tilespmem:s10], [sflag:$0x1] =	stream.indirect_vreg.gather [hbm4b:s5+s3], $0x80, v3, vm0, $0xb8;
	[tilespmem:$0x10800] =	vst v63  }
0x2e5: {  	v3 =	vld [tilespmem:$0x720];
	_ =	sdelay $0x4  }
0x2e6: {  	v46 =	vshll.u32 v3, $0x2  }
0x2e7: {  	v3 =	vand.u32 $0x7, v3;
	v4 =	vand.u32 $0xFFFFFFE0, v46  }
0x2e8: {  	v3 =	vor.u32 v3, v4  }
0x2e9: {  	v4 =	vperm.xlane v3, v0;
	_ =	sdelay $0x1  }
0x2ea: {  	v4 =	vadd.s32 v1, v4;
	_ =	sdelay $0x1  }
0x2eb: {  	v3 =	vperm.xlane v3, v2;
	_ =	sdelay $0x1  }
0x2ec: {  	v3 =	vadd.s32 v1, v3  }
0x2ed: {  	[tilespmem:s31], [sflag:$0x1] =	stream.indirect_vreg.gather [hbm4b:s1+s3], $0x80, v4, vm0, $0xb8;
	[tilespmem:$0x10800] =	vst v63  }
0x2ee: {  	_ = 	snop  }
0x2ef: {  	[tilespmem:s13], [sflag:$0x1] =	stream.indirect_vreg.gather [hbm4b:s5+s3], $0x80, v4, vm0, $0xb8;
	[tilespmem:$0x10800] =	vst v63  }
0x2f0: {  	_ = 	snop  }
0x2f1: {  	[tilespmem:s14], [sflag:$0x1] =	stream.indirect_vreg.gather [hbm4b:s1+s3], $0x80, v3, vm0, $0xb8;
	[tilespmem:$0x10800] =	vst v63  }
0x2f2: {  	_ = 	snop  }
0x2f3: {  	[tilespmem:s11], [sflag:$0x1] =	stream.indirect_vreg.gather [hbm4b:s5+s3], $0x80, v3, vm0, $0xb8;
	[tilespmem:$0x10800] =	vst v63  }
0x2f4: {  	v3 =	vld [tilespmem:$0x730];
	_ =	sdelay $0x4  }
0x2f5: {  	v47 =	vshll.u32 v3, $0x2  }
0x2f6: {  	v3 =	vand.u32 $0x7, v3;
	v4 =	vand.u32 $0xFFFFFFE0, v47  }
0x2f7: {  	v3 =	vor.u32 v3, v4  }
0x2f8: {  	v4 =	vperm.xlane v3, v0;
	_ =	sdelay $0x1  }
0x2f9: {  	v4 =	vadd.s32 v1, v4;
	_ =	sdelay $0x1  }
0x2fa: {  	v3 =	vperm.xlane v3, v2;
	_ =	sdelay $0x1  }
0x2fb: {  	v3 =	vadd.s32 v1, v3  }
0x2fc: {  	[tilespmem:s2], [sflag:$0x1] =	stream.indirect_vreg.gather [hbm4b:s1+s3], $0x80, v4, vm0, $0xb8;
	[tilespmem:$0x10800] =	vst v63  }
0x2fd: {  	_ = 	snop  }
0x2fe: {  	[tilespmem:s7], [sflag:$0x1] =	stream.indirect_vreg.gather [hbm4b:s5+s3], $0x80, v4, vm0, $0xb8;
	[tilespmem:$0x10800] =	vst v63  }
0x2ff: {  	_ = 	snop  }
0x300: {  	[tilespmem:s8], [sflag:$0x1] =	stream.indirect_vreg.gather [hbm4b:s1+s3], $0x80, v3, vm0, $0xb8;
	[tilespmem:$0x10800] =	vst v63  }
0x301: {  	_ = 	snop  }
0x302: {  	[tilespmem:s12], [sflag:$0x1] =	stream.indirect_vreg.gather [hbm4b:s5+s3], $0x80, v3, vm0, $0xb8;
	[tilespmem:$0x10800] =	vst v63  }
0x303: {  	_ =	swait.ge [sflag:s19], $0x8000  }
0x304: {  	[sflag:s19] =	ssyncset.done $0x0  }
0x305: {  	[sflag:s19] =	ssyncadd.s32 $0xFFFF8000  }
0x306: {  	v3 =	vld [tilespmem:$0x280];
	_ =	sdelay $0x4  }
0x307: {  	v48 =	vshll.u32 v3, $0x2  }
0x308: {  	v3 =	vand.u32 $0x7, v3;
	v4 =	vand.u32 $0xFFFFFFE0, v48  }
0x309: {  	v3 =	vor.u32 v3, v4  }
0x30a: {  	v4 =	vperm.xlane v3, v0;
	_ =	sdelay $0x1  }
0x30b: {  	v4 =	vadd.s32 v1, v4;
	_ =	sdelay $0x1  }
0x30c: {  	v3 =	vperm.xlane v3, v2;
	_ =	sdelay $0x1  }
0x30d: {  	s12 =	simm.s32 $0x8800;
	v3 =	vadd.s32 v1, v3  }
0x30e: {  	[hbm4b:s4+s3] =	stream.indirect_vreg.scatter [tilespmem:s12], [sflag:$0x4], $0x80, v4, vm0, $0xb8;
	[tilespmem:$0x10800] =	vst v63  }
0x30f: {  	s7 =	simm.s32 $0x9000  }
0x310: {  	[hbm4b:s6+s3] =	stream.indirect_vreg.scatter [tilespmem:s7], [sflag:$0x4], $0x80, v4, vm0, $0xb8;
	[tilespmem:$0x10800] =	vst v63  }
0x311: {  	s8 =	simm.s32 $0x9800  }
0x312: {  	[hbm4b:s4+s3] =	stream.indirect_vreg.scatter [tilespmem:s8], [sflag:$0x4], $0x80, v3, vm0, $0xb8;
	[tilespmem:$0x10800] =	vst v63  }
0x313: {  	s26 =	simm.s32 $0xA000  }
0x314: {  	[hbm4b:s6+s3] =	stream.indirect_vreg.scatter [tilespmem:s26], [sflag:$0x4], $0x80, v3, vm0, $0xb8;
	[tilespmem:$0x10800] =	vst v63  }
0x315: {  	v3 =	vld [tilespmem:$0x290];
	_ =	sdelay $0x4  }
0x316: {  	v49 =	vshll.u32 v3, $0x2  }
0x317: {  	v3 =	vand.u32 $0x7, v3;
	v4 =	vand.u32 $0xFFFFFFE0, v49  }
0x318: {  	v3 =	vor.u32 v3, v4  }
0x319: {  	v4 =	vperm.xlane v3, v0;
	_ =	sdelay $0x1  }
0x31a: {  	v4 =	vadd.s32 v1, v4;
	_ =	sdelay $0x1  }
0x31b: {  	v3 =	vperm.xlane v3, v2;
	_ =	sdelay $0x1  }
0x31c: {  	s10 =	simm.s32 $0xA800;
	v3 =	vadd.s32 v1, v3  }
0x31d: {  	[hbm4b:s4+s3] =	stream.indirect_vreg.scatter [tilespmem:s10], [sflag:$0x4], $0x80, v4, vm0, $0xb8;
	[tilespmem:$0x10800] =	vst v63  }
0x31e: {  	s11 =	simm.s32 $0xB000  }
0x31f: {  	[hbm4b:s6+s3] =	stream.indirect_vreg.scatter [tilespmem:s11], [sflag:$0x4], $0x80, v4, vm0, $0xb8;
	[tilespmem:$0x10800] =	vst v63  }
0x320: {  	s14 =	simm.s32 $0xB800  }
0x321: {  	[hbm4b:s4+s3] =	stream.indirect_vreg.scatter [tilespmem:s14], [sflag:$0x4], $0x80, v3, vm0, $0xb8;
	[tilespmem:$0x10800] =	vst v63  }
0x322: {  	s24 =	simm.s32 $0xC000  }
0x323: {  	[hbm4b:s6+s3] =	stream.indirect_vreg.scatter [tilespmem:s24], [sflag:$0x4], $0x80, v3, vm0, $0xb8;
	[tilespmem:$0x10800] =	vst v63  }
0x324: {  	v3 =	vld [tilespmem:$0x2A0];
	_ =	sdelay $0x4  }
0x325: {  	v50 =	vshll.u32 v3, $0x2  }
0x326: {  	v3 =	vand.u32 $0x7, v3;
	v4 =	vand.u32 $0xFFFFFFE0, v50  }
0x327: {  	v3 =	vor.u32 v3, v4  }
0x328: {  	v4 =	vperm.xlane v3, v0;
	_ =	sdelay $0x1  }
0x329: {  	v4 =	vadd.s32 v1, v4;
	_ =	sdelay $0x1  }
0x32a: {  	v3 =	vperm.xlane v3, v2;
	_ =	sdelay $0x1  }
0x32b: {  	s15 =	simm.s32 $0xC800;
	v3 =	vadd.s32 v1, v3  }
0x32c: {  	[hbm4b:s4+s3] =	stream.indirect_vreg.scatter [tilespmem:s15], [sflag:$0x4], $0x80, v4, vm0, $0xb8;
	[tilespmem:$0x10800] =	vst v63  }
0x32d: {  	s29 =	simm.s32 $0xD000  }
0x32e: {  	[hbm4b:s6+s3] =	stream.indirect_vreg.scatter [tilespmem:s29], [sflag:$0x4], $0x80, v4, vm0, $0xb8;
	[tilespmem:$0x10800] =	vst v63  }
0x32f: {  	s13 =	simm.s32 $0xD800  }
0x330: {  	[hbm4b:s4+s3] =	stream.indirect_vreg.scatter [tilespmem:s13], [sflag:$0x4], $0x80, v3, vm0, $0xb8;
	[tilespmem:$0x10800] =	vst v63  }
0x331: {  	s25 =	simm.s32 $0xE000  }
0x332: {  	[hbm4b:s6+s3] =	stream.indirect_vreg.scatter [tilespmem:s25], [sflag:$0x4], $0x80, v3, vm0, $0xb8;
	[tilespmem:$0x10800] =	vst v63  }
0x333: {  	v3 =	vld [tilespmem:$0x2B0];
	_ =	sdelay $0x4  }
0x334: {  	v51 =	vshll.u32 v3, $0x2  }
0x335: {  	v3 =	vand.u32 $0x7, v3;
	v4 =	vand.u32 $0xFFFFFFE0, v51  }
0x336: {  	v3 =	vor.u32 v3, v4  }
0x337: {  	v4 =	vperm.xlane v3, v0;
	_ =	sdelay $0x1  }
0x338: {  	v4 =	vadd.s32 v1, v4;
	_ =	sdelay $0x1  }
0x339: {  	v3 =	vperm.xlane v3, v2;
	_ =	sdelay $0x1  }
0x33a: {  	s23 =	simm.s32 $0xE800;
	v3 =	vadd.s32 v1, v3  }
0x33b: {  	[hbm4b:s4+s3] =	stream.indirect_vreg.scatter [tilespmem:s23], [sflag:$0x4], $0x80, v4, vm0, $0xb8;
	[tilespmem:$0x10800] =	vst v63  }
0x33c: {  	s16 =	simm.s32 $0xF000  }
0x33d: {  	[hbm4b:s6+s3] =	stream.indirect_vreg.scatter [tilespmem:s16], [sflag:$0x4], $0x80, v4, vm0, $0xb8;
	[tilespmem:$0x10800] =	vst v63  }
0x33e: {  	s2 =	simm.s32 $0xF800  }
0x33f: {  	[hbm4b:s4+s3] =	stream.indirect_vreg.scatter [tilespmem:s2], [sflag:$0x4], $0x80, v3, vm0, $0xb8;
	[tilespmem:$0x10800] =	vst v63  }
0x340: {  	s9 =	simm.s32 $0x10000  }
0x341: {  	[hbm4b:s6+s3] =	stream.indirect_vreg.scatter [tilespmem:s9], [sflag:$0x4], $0x80, v3, vm0, $0xb8;
	[tilespmem:$0x10800] =	vst v63  }
0x342: {  	_ =	swait.ge [sflag:s17], $0x8000  }
0x343: {  	[sflag:s17] =	ssyncset.done $0x0  }
0x344: {  	[sflag:s17] =	ssyncadd.s32 $0xFFFF8000  }
0x345: {  	v3 =	vld [tilespmem:$0x780];
	_ =	sdelay $0x4  }
0x346: {  	v52 =	vshll.u32 v3, $0x2  }
0x347: {  	v3 =	vand.u32 $0x7, v3;
	v4 =	vand.u32 $0xFFFFFFE0, v52  }
0x348: {  	v3 =	vor.u32 v3, v4  }
0x349: {  	v4 =	vperm.xlane v3, v0;
	_ =	sdelay $0x1  }
0x34a: {  	v4 =	vadd.s32 v1, v4;
	_ =	sdelay $0x1  }
0x34b: {  	v3 =	vperm.xlane v3, v2;
	_ =	sdelay $0x1  }
0x34c: {  	v3 =	vadd.s32 v1, v3  }
0x34d: {  	[tilespmem:s12], [sflag:$0x2] =	stream.indirect_vreg.gather [hbm4b:s1+s3], $0x80, v4, vm0, $0xb8;
	[tilespmem:$0x10800] =	vst v63  }
0x34e: {  	_ = 	snop  }
0x34f: {  	[tilespmem:s7], [sflag:$0x2] =	stream.indirect_vreg.gather [hbm4b:s5+s3], $0x80, v4, vm0, $0xb8;
	[tilespmem:$0x10800] =	vst v63  }
0x350: {  	_ = 	snop  }
0x351: {  	[tilespmem:s8], [sflag:$0x2] =	stream.indirect_vreg.gather [hbm4b:s1+s3], $0x80, v3, vm0, $0xb8;
	[tilespmem:$0x10800] =	vst v63  }
0x352: {  	_ = 	snop  }
0x353: {  	[tilespmem:s26], [sflag:$0x2] =	stream.indirect_vreg.gather [hbm4b:s5+s3], $0x80, v3, vm0, $0xb8;
	[tilespmem:$0x10800] =	vst v63  }
0x354: {  	v3 =	vld [tilespmem:$0x790];
	_ =	sdelay $0x4  }
0x355: {  	v53 =	vshll.u32 v3, $0x2  }
0x356: {  	v3 =	vand.u32 $0x7, v3;
	v4 =	vand.u32 $0xFFFFFFE0, v53  }
0x357: {  	v3 =	vor.u32 v3, v4  }
0x358: {  	v4 =	vperm.xlane v3, v0;
	_ =	sdelay $0x1  }
0x359: {  	v4 =	vadd.s32 v1, v4;
	_ =	sdelay $0x1  }
0x35a: {  	v3 =	vperm.xlane v3, v2;
	_ =	sdelay $0x1  }
0x35b: {  	v3 =	vadd.s32 v1, v3  }
0x35c: {  	[tilespmem:s10], [sflag:$0x2] =	stream.indirect_vreg.gather [hbm4b:s1+s3], $0x80, v4, vm0, $0xb8;
	[tilespmem:$0x10800] =	vst v63  }
0x35d: {  	_ = 	snop  }
0x35e: {  	[tilespmem:s11], [sflag:$0x2] =	stream.indirect_vreg.gather [hbm4b:s5+s3], $0x80, v4, vm0, $0xb8;
	[tilespmem:$0x10800] =	vst v63  }
0x35f: {  	_ = 	snop  }
0x360: {  	[tilespmem:s14], [sflag:$0x2] =	stream.indirect_vreg.gather [hbm4b:s1+s3], $0x80, v3, vm0, $0xb8;
	[tilespmem:$0x10800] =	vst v63  }
0x361: {  	_ = 	snop  }
0x362: {  	[tilespmem:s24], [sflag:$0x2] =	stream.indirect_vreg.gather [hbm4b:s5+s3], $0x80, v3, vm0, $0xb8;
	[tilespmem:$0x10800] =	vst v63  }
0x363: {  	v3 =	vld [tilespmem:$0x7A0];
	_ =	sdelay $0x4  }
0x364: {  	v54 =	vshll.u32 v3, $0x2  }
0x365: {  	v3 =	vand.u32 $0x7, v3;
	v4 =	vand.u32 $0xFFFFFFE0, v54  }
0x366: {  	v3 =	vor.u32 v3, v4  }
0x367: {  	v4 =	vperm.xlane v3, v0;
	_ =	sdelay $0x1  }
0x368: {  	v4 =	vadd.s32 v1, v4;
	_ =	sdelay $0x1  }
0x369: {  	v3 =	vperm.xlane v3, v2;
	_ =	sdelay $0x1  }
0x36a: {  	v3 =	vadd.s32 v1, v3  }
0x36b: {  	[tilespmem:s15], [sflag:$0x2] =	stream.indirect_vreg.gather [hbm4b:s1+s3], $0x80, v4, vm0, $0xb8;
	[tilespmem:$0x10800] =	vst v63  }
0x36c: {  	_ = 	snop  }
0x36d: {  	[tilespmem:s29], [sflag:$0x2] =	stream.indirect_vreg.gather [hbm4b:s5+s3], $0x80, v4, vm0, $0xb8;
	[tilespmem:$0x10800] =	vst v63  }
0x36e: {  	_ = 	snop  }
0x36f: {  	[tilespmem:s13], [sflag:$0x2] =	stream.indirect_vreg.gather [hbm4b:s1+s3], $0x80, v3, vm0, $0xb8;
	[tilespmem:$0x10800] =	vst v63  }
0x370: {  	_ = 	snop  }
0x371: {  	[tilespmem:s25], [sflag:$0x2] =	stream.indirect_vreg.gather [hbm4b:s5+s3], $0x80, v3, vm0, $0xb8;
	[tilespmem:$0x10800] =	vst v63  }
0x372: {  	v3 =	vld [tilespmem:$0x7B0];
	_ =	sdelay $0x4  }
0x373: {  	v55 =	vshll.u32 v3, $0x2  }
0x374: {  	v3 =	vand.u32 $0x7, v3;
	v4 =	vand.u32 $0xFFFFFFE0, v55  }
0x375: {  	v3 =	vor.u32 v3, v4  }
0x376: {  	v4 =	vperm.xlane v3, v0;
	_ =	sdelay $0x1  }
0x377: {  	v4 =	vadd.s32 v1, v4;
	_ =	sdelay $0x1  }
0x378: {  	v3 =	vperm.xlane v3, v2;
	_ =	sdelay $0x1  }
0x379: {  	v3 =	vadd.s32 v1, v3  }
0x37a: {  	[tilespmem:s23], [sflag:$0x2] =	stream.indirect_vreg.gather [hbm4b:s1+s3], $0x80, v4, vm0, $0xb8;
	[tilespmem:$0x10800] =	vst v63  }
0x37b: {  	_ = 	snop  }
0x37c: {  	[tilespmem:s16], [sflag:$0x2] =	stream.indirect_vreg.gather [hbm4b:s5+s3], $0x80, v4, vm0, $0xb8;
	[tilespmem:$0x10800] =	vst v63  }
0x37d: {  	_ = 	snop  }
0x37e: {  	[tilespmem:s2], [sflag:$0x2] =	stream.indirect_vreg.gather [hbm4b:s1+s3], $0x80, v3, vm0, $0xb8;
	[tilespmem:$0x10800] =	vst v63  }
0x37f: {  	_ = 	snop  }
0x380: {  	[tilespmem:s9], [sflag:$0x2] =	stream.indirect_vreg.gather [hbm4b:s5+s3], $0x80, v3, vm0, $0xb8;
	[tilespmem:$0x10800] =	vst v63  }
0x381: {  	_ =	swait.ge [sflag:s18], $0x8000  }
0x382: {  	[sflag:s18] =	ssyncset.done $0x0  }
0x383: {  	[sflag:s18] =	ssyncadd.s32 $0xFFFF8000  }
0x384: {  	v3 =	vld [tilespmem:$0x300];
	_ =	sdelay $0x4  }
0x385: {  	v56 =	vshll.u32 v3, $0x2  }
0x386: {  	v3 =	vand.u32 $0x7, v3;
	v4 =	vand.u32 $0xFFFFFFE0, v56  }
0x387: {  	v3 =	vor.u32 v3, v4  }
0x388: {  	v4 =	vperm.xlane v3, v0;
	_ =	sdelay $0x1  }
0x389: {  	v4 =	vadd.s32 v1, v4;
	_ =	sdelay $0x1  }
0x38a: {  	v3 =	vperm.xlane v3, v2;
	_ =	sdelay $0x1  }
0x38b: {  	s18 =	simm.s32 $0x800;
	v3 =	vadd.s32 v1, v3  }
0x38c: {  	[hbm4b:s4+s3] =	stream.indirect_vreg.scatter [tilespmem:s18], [sflag:$0x3], $0x80, v4, vm0, $0xb8;
	[tilespmem:$0x10800] =	vst v63  }
0x38d: {  	_ = 	snop  }
0x38e: {  	[hbm4b:s6+s3] =	stream.indirect_vreg.scatter [tilespmem:s21], [sflag:$0x3], $0x80, v4, vm0, $0xb8;
	[tilespmem:$0x10800] =	vst v63  }
0x38f: {  	_ = 	snop  }
0x390: {  	[hbm4b:s4+s3] =	stream.indirect_vreg.scatter [tilespmem:s22], [sflag:$0x3], $0x80, v3, vm0, $0xb8;
	[tilespmem:$0x10800] =	vst v63  }
0x391: {  	s22 =	simm.s32 $0x2000  }
0x392: {  	[hbm4b:s6+s3] =	stream.indirect_vreg.scatter [tilespmem:s22], [sflag:$0x3], $0x80, v3, vm0, $0xb8;
	[tilespmem:$0x10800] =	vst v63  }
0x393: {  	v3 =	vld [tilespmem:$0x310];
	_ =	sdelay $0x4  }
0x394: {  	v57 =	vshll.u32 v3, $0x2  }
0x395: {  	v3 =	vand.u32 $0x7, v3;
	v4 =	vand.u32 $0xFFFFFFE0, v57  }
0x396: {  	v3 =	vor.u32 v3, v4  }
0x397: {  	v4 =	vperm.xlane v3, v0;
	_ =	sdelay $0x1  }
0x398: {  	v4 =	vadd.s32 v1, v4;
	_ =	sdelay $0x1  }
0x399: {  	v3 =	vperm.xlane v3, v2;
	_ =	sdelay $0x1  }
0x39a: {  	s0 =	simm.s32 $0x2800;
	v3 =	vadd.s32 v1, v3  }
0x39b: {  	[hbm4b:s4+s3] =	stream.indirect_vreg.scatter [tilespmem:s0], [sflag:$0x3], $0x80, v4, vm0, $0xb8;
	[tilespmem:$0x10800] =	vst v63  }
0x39c: {  	s28 =	simm.s32 $0x3000  }
0x39d: {  	[hbm4b:s6+s3] =	stream.indirect_vreg.scatter [tilespmem:s28], [sflag:$0x3], $0x80, v4, vm0, $0xb8;
	[tilespmem:$0x10800] =	vst v63  }
0x39e: {  	s30 =	simm.s32 $0x3800  }
0x39f: {  	[hbm4b:s4+s3] =	stream.indirect_vreg.scatter [tilespmem:s30], [sflag:$0x3], $0x80, v3, vm0, $0xb8;
	[tilespmem:$0x10800] =	vst v63  }
0x3a0: {  	s28 =	simm.s32 $0x4000  }
0x3a1: {  	[hbm4b:s6+s3] =	stream.indirect_vreg.scatter [tilespmem:s28], [sflag:$0x3], $0x80, v3, vm0, $0xb8;
	[tilespmem:$0x10800] =	vst v63  }
0x3a2: {  	v3 =	vld [tilespmem:$0x320];
	_ =	sdelay $0x4  }
0x3a3: {  	v58 =	vshll.u32 v3, $0x2  }
0x3a4: {  	v3 =	vand.u32 $0x7, v3;
	v4 =	vand.u32 $0xFFFFFFE0, v58  }
0x3a5: {  	v3 =	vor.u32 v3, v4  }
0x3a6: {  	v4 =	vperm.xlane v3, v0;
	_ =	sdelay $0x1  }
0x3a7: {  	v4 =	vadd.s32 v1, v4;
	_ =	sdelay $0x1  }
0x3a8: {  	v3 =	vperm.xlane v3, v2;
	_ =	sdelay $0x1  }
0x3a9: {  	s31 =	simm.s32 $0x4800;
	v3 =	vadd.s32 v1, v3  }
0x3aa: {  	[hbm4b:s4+s3] =	stream.indirect_vreg.scatter [tilespmem:s31], [sflag:$0x3], $0x80, v4, vm0, $0xb8;
	[tilespmem:$0x10800] =	vst v63  }
0x3ab: {  	s30 =	simm.s32 $0x5000  }
0x3ac: {  	[hbm4b:s6+s3] =	stream.indirect_vreg.scatter [tilespmem:s30], [sflag:$0x3], $0x80, v4, vm0, $0xb8;
	[tilespmem:$0x10800] =	vst v63  }
0x3ad: {  	s31 =	simm.s32 $0x5800  }
0x3ae: {  	[hbm4b:s4+s3] =	stream.indirect_vreg.scatter [tilespmem:s31], [sflag:$0x3], $0x80, v3, vm0, $0xb8;
	[tilespmem:$0x10800] =	vst v63  }
0x3af: {  	s18 =	simm.s32 $0x6000  }
0x3b0: {  	[hbm4b:s6+s3] =	stream.indirect_vreg.scatter [tilespmem:s18], [sflag:$0x3], $0x80, v3, vm0, $0xb8;
	[tilespmem:$0x10800] =	vst v63  }
0x3b1: {  	v3 =	vld [tilespmem:$0x330];
	_ =	sdelay $0x4  }
0x3b2: {  	v59 =	vshll.u32 v3, $0x2  }
0x3b3: {  	v3 =	vand.u32 $0x7, v3;
	v4 =	vand.u32 $0xFFFFFFE0, v59  }
0x3b4: {  	v3 =	vor.u32 v3, v4  }
0x3b5: {  	v4 =	vperm.xlane v3, v0;
	_ =	sdelay $0x1  }
0x3b6: {  	v4 =	vadd.s32 v1, v4;
	_ =	sdelay $0x1  }
0x3b7: {  	v3 =	vperm.xlane v3, v2;
	_ =	sdelay $0x1  }
0x3b8: {  	s21 =	simm.s32 $0x6800;
	v3 =	vadd.s32 v1, v3  }
0x3b9: {  	[hbm4b:s4+s3] =	stream.indirect_vreg.scatter [tilespmem:s21], [sflag:$0x3], $0x80, v4, vm0, $0xb8;
	[tilespmem:$0x10800] =	vst v63  }
0x3ba: {  	s22 =	simm.s32 $0x7000  }
0x3bb: {  	[hbm4b:s6+s3] =	stream.indirect_vreg.scatter [tilespmem:s22], [sflag:$0x3], $0x80, v4, vm0, $0xb8;
	[tilespmem:$0x10800] =	vst v63  }
0x3bc: {  	s30 =	simm.s32 $0x7800  }
0x3bd: {  	[hbm4b:s4+s3] =	stream.indirect_vreg.scatter [tilespmem:s30], [sflag:$0x3], $0x80, v3, vm0, $0xb8;
	[tilespmem:$0x10800] =	vst v63  }
0x3be: {  	s31 =	simm.s32 $0x8000  }
0x3bf: {  	[hbm4b:s6+s3] =	stream.indirect_vreg.scatter [tilespmem:s31], [sflag:$0x3], $0x80, v3, vm0, $0xb8;
	[tilespmem:$0x10800] =	vst v63  }
0x3c0: {  	s28 =	rddreg [dreg:$0x7];
	_ =	swait.ge [sflag:s19], $0x8000  }
0x3c1: {  	[sflag:s19] =	ssyncset.done $0x0  }
0x3c2: {  	[sflag:s19] =	ssyncadd.s32 $0xFFFF8000  }
0x3c3: {  	v3 =	vld [tilespmem:$0x380];
	_ =	sdelay $0x4  }
0x3c4: {  	v60 =	vshll.u32 v3, $0x2  }
0x3c5: {  	v3 =	vand.u32 $0x7, v3;
	v4 =	vand.u32 $0xFFFFFFE0, v60  }
0x3c6: {  	v3 =	vor.u32 v3, v4  }
0x3c7: {  	v4 =	vperm.xlane v3, v0;
	_ =	sdelay $0x1  }
0x3c8: {  	v4 =	vadd.s32 v1, v4;
	_ =	sdelay $0x1  }
0x3c9: {  	v3 =	vperm.xlane v3, v2;
	_ =	sdelay $0x1  }
0x3ca: {  	s12 =	simm.s32 $0x8800;
	v3 =	vadd.s32 v1, v3  }
0x3cb: {  	[hbm4b:s4+s3] =	stream.indirect_vreg.scatter [tilespmem:s12], [sflag:$0x4], $0x80, v4, vm0, $0xb8;
	[tilespmem:$0x10800] =	vst v63  }
0x3cc: {  	s7 =	simm.s32 $0x9000  }
0x3cd: {  	[hbm4b:s6+s3] =	stream.indirect_vreg.scatter [tilespmem:s7], [sflag:$0x4], $0x80, v4, vm0, $0xb8;
	[tilespmem:$0x10800] =	vst v63  }
0x3ce: {  	s8 =	simm.s32 $0x9800  }
0x3cf: {  	[hbm4b:s4+s3] =	stream.indirect_vreg.scatter [tilespmem:s8], [sflag:$0x4], $0x80, v3, vm0, $0xb8;
	[tilespmem:$0x10800] =	vst v63  }
0x3d0: {  	_ = 	snop  }
0x3d1: {  	[hbm4b:s6+s3] =	stream.indirect_vreg.scatter [tilespmem:s26], [sflag:$0x4], $0x80, v3, vm0, $0xb8;
	[tilespmem:$0x10800] =	vst v63  }
0x3d2: {  	v3 =	vld [tilespmem:$0x390];
	_ =	sdelay $0x4  }
0x3d3: {  	v61 =	vshll.u32 v3, $0x2  }
0x3d4: {  	v3 =	vand.u32 $0x7, v3;
	v4 =	vand.u32 $0xFFFFFFE0, v61  }
0x3d5: {  	v3 =	vor.u32 v3, v4  }
0x3d6: {  	v4 =	vperm.xlane v3, v0;
	_ =	sdelay $0x1  }
0x3d7: {  	v4 =	vadd.s32 v1, v4;
	_ =	sdelay $0x1  }
0x3d8: {  	v3 =	vperm.xlane v3, v2;
	_ =	sdelay $0x1  }
0x3d9: {  	s10 =	simm.s32 $0xA800;
	v3 =	vadd.s32 v1, v3  }
0x3da: {  	[hbm4b:s4+s3] =	stream.indirect_vreg.scatter [tilespmem:s10], [sflag:$0x4], $0x80, v4, vm0, $0xb8;
	[tilespmem:$0x10800] =	vst v63  }
0x3db: {  	s11 =	simm.s32 $0xB000  }
0x3dc: {  	[hbm4b:s6+s3] =	stream.indirect_vreg.scatter [tilespmem:s11], [sflag:$0x4], $0x80, v4, vm0, $0xb8;
	[tilespmem:$0x10800] =	vst v63  }
0x3dd: {  	s14 =	simm.s32 $0xB800  }
0x3de: {  	[hbm4b:s4+s3] =	stream.indirect_vreg.scatter [tilespmem:s14], [sflag:$0x4], $0x80, v3, vm0, $0xb8;
	[tilespmem:$0x10800] =	vst v63  }
0x3df: {  	_ = 	snop  }
0x3e0: {  	[hbm4b:s6+s3] =	stream.indirect_vreg.scatter [tilespmem:s24], [sflag:$0x4], $0x80, v3, vm0, $0xb8;
	[tilespmem:$0x10800] =	vst v63  }
0x3e1: {  	v3 =	vld [tilespmem:$0x3A0];
	_ =	sdelay $0x4  }
0x3e2: {  	v62 =	vshll.u32 v3, $0x2  }
0x3e3: {  	v3 =	vand.u32 $0x7, v3;
	v4 =	vand.u32 $0xFFFFFFE0, v62  }
0x3e4: {  	v3 =	vor.u32 v3, v4  }
0x3e5: {  	v4 =	vperm.xlane v3, v0;
	_ =	sdelay $0x1  }
0x3e6: {  	v4 =	vadd.s32 v1, v4;
	_ =	sdelay $0x1  }
0x3e7: {  	v3 =	vperm.xlane v3, v2;
	_ =	sdelay $0x1  }
0x3e8: {  	s15 =	simm.s32 $0xC800;
	v3 =	vadd.s32 v1, v3  }
0x3e9: {  	[hbm4b:s4+s3] =	stream.indirect_vreg.scatter [tilespmem:s15], [sflag:$0x4], $0x80, v4, vm0, $0xb8;
	[tilespmem:$0x10800] =	vst v63  }
0x3ea: {  	_ = 	snop  }
0x3eb: {  	[hbm4b:s6+s3] =	stream.indirect_vreg.scatter [tilespmem:s29], [sflag:$0x4], $0x80, v4, vm0, $0xb8;
	[tilespmem:$0x10800] =	vst v63  }
0x3ec: {  	s13 =	simm.s32 $0xD800  }
0x3ed: {  	[hbm4b:s4+s3] =	stream.indirect_vreg.scatter [tilespmem:s13], [sflag:$0x4], $0x80, v3, vm0, $0xb8;
	[tilespmem:$0x10800] =	vst v63  }
0x3ee: {  	_ = 	snop  }
0x3ef: {  	[hbm4b:s6+s3] =	stream.indirect_vreg.scatter [tilespmem:s25], [sflag:$0x4], $0x80, v3, vm0, $0xb8;
	[tilespmem:$0x10800] =	vst v63  }
0x3f0: {  	v3 =	vld [tilespmem:$0x3B0];
	_ =	sdelay $0x4  }
0x3f1: {  	v63 =	vshll.u32 v3, $0x2  }
0x3f2: {  	v3 =	vand.u32 $0x7, v3;
	v4 =	vand.u32 $0xFFFFFFE0, v63  }
0x3f3: {  	v3 =	vor.u32 v3, v4  }
0x3f4: {  	v4 =	vperm.xlane v3, v0;
	_ =	sdelay $0x1  }
0x3f5: {  	v4 =	vadd.s32 v1, v4;
	_ =	sdelay $0x1  }
0x3f6: {  	v3 =	vperm.xlane v3, v2;
	_ =	sdelay $0x1  }
0x3f7: {  	v3 =	vadd.s32 v1, v3  }
0x3f8: {  	[hbm4b:s4+s3] =	stream.indirect_vreg.scatter [tilespmem:s23], [sflag:$0x4], $0x80, v4, vm0, $0xb8;
	[tilespmem:$0x10800] =	vst v63  }
0x3f9: {  	_ = 	snop  }
0x3fa: {  	[hbm4b:s6+s3] =	stream.indirect_vreg.scatter [tilespmem:s16], [sflag:$0x4], $0x80, v4, vm0, $0xb8;
	[tilespmem:$0x10800] =	vst v63  }
0x3fb: {  	s2 =	simm.s32 $0xF800  }
0x3fc: {  	[hbm4b:s4+s3] =	stream.indirect_vreg.scatter [tilespmem:s2], [sflag:$0x4], $0x80, v3, vm0, $0xb8;
	[tilespmem:$0x10800] =	vst v63  }
0x3fd: {  	s9 =	simm.s32 $0x10000  }
0x3fe: {  	[hbm4b:s6+s3] =	stream.indirect_vreg.scatter [tilespmem:s9], [sflag:$0x4], $0x80, v3, vm0, $0xb8;
	[tilespmem:$0x10800] =	vst v63  }
0x3ff: {  	p0 =	sne.s32 s28, $0x1;
	_ =	swait.ge [sflag:s20], $0x8000  }
.Ltmp0:
0x400: {  	[sflag:s20] =	ssyncset.done $0x0;
	(pc) =	sbr.rel @p0 .LBB2_1-.Ltmp0, $4  }
0x401: {  	[sflag:s20] =	ssyncadd.s32 $0xFFFF8000  }
0x402: {  	_ =	swait.ge [sflag:s17], $0x8000  }
0x403: {  	[sflag:s17] =	ssyncset.done $0x0  }
0x404: {  	s0 =	sadd.s32 $0xFFFFFFFF, s28;
	[sflag:s17] =	ssyncadd.s32 $0xFFFF8000  }
0x405: {  	_ =	sfence.sel $0x180000  }
0x406: {  	[bflag:$0x0] =	sbarrier.arrive $0xFFFF  }
0x407: {  	_ =	strace $0x90000047  }
0x408: {  	s0 =	stileid.u32;
	[bflag:$0x2] =	sbarrier.arrive $0xFFFF  }
0x409: {  	p0 =	sne.s32 s0, $0x0;
	s0 =	rddreg [dreg:$0x3]  }
0x40a: {  	s0 =	sadd.s32 @!p0 $0x100000, s0  }
0x40b: {  	[sflag:s0] =	ssyncadd.tile.s32 @!p0 $0x1;
	_ =	shalt  }
.Lfunc_end2:
_tile_overlayer_lowered:
.L_overlay_start_2:
0x40c: {  	(tag) =	ssettag $0x2  }
0x40d: {  	s0 =	rddreg [dreg:$0x0];
	s2 =	stileid.u32  }
0x40e: {  	s1 =	rddreg [dreg:$0x1];
	p0 =	sne.s32 s2, $0x0  }
0x40f: {  	s3 =	rddreg [dreg:$0x2];
	[bflag:$0x3] =	sbarrier.arrive $0xFFFF;
	s2 =	simm.s32 @!p0 $0x1C05  }
0x410: {  	[timem:s3], [sflag:s2] =	dma.local @!p0 [hbm:s0], s1  }
0x411: {  	s0 =	simm.s32 @!p0 $0x5  }
0x412: {  	_ =	swait.ge @!p0 [sflag:s0], s1  }
0x413: {  	s1 =	ssub.s32 @!p0 $0x0, s1;
	[sflag:s0] =	ssyncset.done @!p0 $0x0  }
0x414: {  	[sflag:s0] =	ssyncadd.s32 @!p0 s1  }
0x415: {  	[bflag:$0x3] =	sbarrier.arrive $0xFFFF  }
0x416: {  	_ =	shalt  }

</sc_bundles>
